<compile_context>
chip_gen: v7x
topology: tpu7x:2x2x1
jax: 0.10.2.dev20260603
libtpu: 0.0.44.dev20260713+nightly
codegen_flags: <defaults>
</compile_context>

<pallas_src>
import functools

import jax
import jax.numpy as jnp
from jax import lax
from jax.experimental import pallas as pl
from jax.experimental.pallas import tpu as pltpu
from jax.experimental.pallas import tpu_sc as plsc

B = 4096
L = 50
HIDDEN = 64
OUT = 128

NC = 2
NS = 16
NW = NC * NS
BPW = B // NW
ROWS_PER_CHUNK = 2
IDX_PER_CHUNK = ROWS_PER_CHUNK * L
NCHUNK = BPW // ROWS_PER_CHUNK
VPR = HIDDEN // 16


def _accumulate(rows_ref, pooled_ref, out_row):
    for r in range(ROWS_PER_CHUNK):
        base = r * L
        accs = [rows_ref[base, pl.ds(16 * v, 16)] for v in range(VPR)]
        for l in range(1, L):
            for v in range(VPR):
                accs[v] = accs[v] + rows_ref[base + l, pl.ds(16 * v, 16)]
        for v in range(VPR):
            pooled_ref[out_row + r, pl.ds(16 * v, 16)] = accs[v]


def _pool_body(x2_hbm, table_hbm, out_hbm, idx_v, rows0, rows1, pooled_v,
               sem0, sem1):
    wid = lax.axis_index("s") * NC + lax.axis_index("c")
    base_irow = wid * NCHUNK

    pltpu.sync_copy(x2_hbm.at[pl.ds(base_irow, NCHUNK)], idx_v)

    pltpu.async_copy(table_hbm.at[idx_v.at[0]], rows0, sem0)
    pltpu.async_copy(table_hbm.at[idx_v.at[1]], rows1, sem1)

    def body(i, carry):
        pltpu.make_async_copy(table_hbm.at[idx_v.at[2 * i]], rows0, sem0).wait()
        _accumulate(rows0, pooled_v, 4 * i)

        @pl.when(i < NCHUNK // 2 - 1)
        def _():
            pltpu.async_copy(table_hbm.at[idx_v.at[2 * i + 2]], rows0, sem0)

        pltpu.make_async_copy(table_hbm.at[idx_v.at[2 * i + 1]], rows1,
                              sem1).wait()
        _accumulate(rows1, pooled_v, 4 * i + 2)

        @pl.when(i < NCHUNK // 2 - 1)
        def _():
            pltpu.async_copy(table_hbm.at[idx_v.at[2 * i + 3]], rows1, sem1)

        return carry

    lax.fori_loop(0, NCHUNK // 2, body, 0)

    pltpu.sync_copy(pooled_v, out_hbm.at[pl.ds(wid * BPW, BPW)])


_pool = functools.partial(
    pl.kernel,
    out_type=jax.ShapeDtypeStruct((B, HIDDEN), jnp.float32),
    mesh=plsc.VectorSubcoreMesh(core_axis_name="c", subcore_axis_name="s"),
    scratch_types=[
        pltpu.VMEM((NCHUNK, IDX_PER_CHUNK), jnp.int32),
        pltpu.VMEM((IDX_PER_CHUNK, HIDDEN), jnp.float32),
        pltpu.VMEM((IDX_PER_CHUNK, HIDDEN), jnp.float32),
        pltpu.VMEM((BPW, HIDDEN), jnp.float32),
        pltpu.SemaphoreType.DMA,
        pltpu.SemaphoreType.DMA,
    ],
    compiler_params=pltpu.CompilerParams(use_tc_tiling_on_sc=False),
)(_pool_body)


def _mm_body(h_ref, w_ref, b_ref, o_ref):
    o_ref[...] = lax.dot_general(
        h_ref[...], w_ref[...],
        dimension_numbers=(((1,), (1,)), ((), ())),
        preferred_element_type=jnp.float32,
    ) + b_ref[...]


def _linear(h, w, bias):
    blk = 512
    return pl.pallas_call(
        _mm_body,
        grid=(B // blk,),
        in_specs=[
            pl.BlockSpec((blk, HIDDEN), lambda i: (i, 0)),
            pl.BlockSpec((OUT, HIDDEN), lambda i: (0, 0)),
            pl.BlockSpec((1, OUT), lambda i: (0, 0)),
        ],
        out_specs=pl.BlockSpec((blk, OUT), lambda i: (i, 0)),
        out_shape=jax.ShapeDtypeStruct((B, OUT), jnp.float32),
    )(h, w, bias)


def kernel(x, emb_table, W, b):
    x2 = x.astype(jnp.int32).reshape(B // ROWS_PER_CHUNK, IDX_PER_CHUNK)
    pooled = _pool(x2, emb_table)
    return _linear(pooled, W, b.reshape(1, OUT))

# --- scband reference (transcript-rebuilt; emitter-appended) ---
"""Pipeline reference for scband-derivation-tree-model-9268539425033 (READ-ONLY COPY).

The authoritative reference and input builder live on the scoring server;
editing this copy changes nothing except your own understanding.
"""

import jax, jax.numpy as jnp
import numpy as np

VOCAB = 1000000
HIDDEN = 64
OUT = 128
B = 4096
L = 50

def setup_inputs(seed: int = 0) -> dict:
    key = jax.random.key(seed)
    k_idx, k_emb, k_w, k_b = jax.random.split(key, 4)
    x = jax.random.randint(k_idx, (B, L), 0, VOCAB, dtype=jnp.int64) if jax.config.jax_enable_x64 else jax.random.randint(k_idx, (B, L), 0, VOCAB, dtype=jnp.int32)
    emb_table = jax.random.normal(k_emb, (VOCAB, HIDDEN), dtype=jnp.float32) * 0.02
    # nn.Linear: weight [out, in], bias [out]
    bound = 1.0 / np.sqrt(HIDDEN)
    W = jax.random.uniform(k_w, (OUT, HIDDEN), dtype=jnp.float32, minval=-bound, maxval=bound)
    b = jax.random.uniform(k_b, (OUT,), dtype=jnp.float32, minval=-bound, maxval=bound)
    return {"x": x, "emb_table": emb_table, "W": W, "b": b}

def reference(x, emb_table, W, b):
    # x = self.embedding(x)  -> gather rows from table
    h = jnp.take(emb_table, x, axis=0)          # [B, L, HIDDEN]
    # x = torch.sum(x, dim=1)
    h = jnp.sum(h, axis=1)                       # [B, HIDDEN]
    # x = self.fc(x)
    out = h @ W.T + b                            # [B, OUT]
    return out

if __name__ == "__main__":
    import jax
    _d = setup_inputs()
    print(jax.jit(kernel)(*tuple(_d.values())))

</pallas_src>

<mosaic_0001>
#map = affine_map<(d0, d1) -> (0, 0)>
module attributes {stable_mosaic.version = 14 : i64} {
  func.func @_pool_body(%arg0: i32, %arg1: i32, %arg2: memref<2048x100xi32, #tpu.memory_space<hbm>>, %arg3: memref<1000000x64xf32, #tpu.memory_space<hbm>>, %arg4: memref<4096x64xf32, #tpu.memory_space<hbm>>, %arg5: memref<64x100xi32, #tpu.memory_space<vmem>>, %arg6: memref<100x64xf32, #tpu.memory_space<vmem>>, %arg7: memref<100x64xf32, #tpu.memory_space<vmem>>, %arg8: memref<128x64xf32, #tpu.memory_space<vmem>>, %arg9: memref<!tpu.dma_semaphore, #tpu.memory_space<semaphore_mem>>, %arg10: memref<!tpu.dma_semaphore, #tpu.memory_space<semaphore_mem>>) attributes {dimension_semantics = [#tpu.dimension_semantics<core_parallel>, #tpu.dimension_semantics<subcore_parallel>], iteration_bounds = array<i64: 2, 16>, scalar_prefetch = 0 : i64, scratch_operands = 6 : i64, tpu.core_type = #tpu.core_type<sc_vector_subcore>, window_params = [{transform_indices = #map}, {transform_indices = #map}, {transform_indices = #map}]} {
    %mul3A = arith.constant 2 : i32
    %mul3A_0 = arith.muli %arg1, %mul3A : i32
    %add3A = arith.addi %mul3A_0, %arg0 : i32
    %mul3A_1 = arith.constant 64 : i32
    %mul3A_2 = arith.muli %add3A, %mul3A_1 : i32
    "tpu.region"() ({
      %run_scoped3A = tpu.sem_alloc : memref<!tpu.dma_semaphore, #tpu.memory_space<semaphore_mem>>
      %dma_start3A_23 = arith.constant 0 : i32
      %dma_start3A_24 = tpu.memref_slice %arg2[%mul3A_2, %dma_start3A_23] : memref<2048x100xi32, #tpu.memory_space<hbm>> -> memref<64x100xi32, #tpu.memory_space<hbm>>
      %dma_start3A_25 = arith.constant 0 : i32
      %dma_start3A_26 = tpu.memref_slice %arg2[%mul3A_2, %dma_start3A_25] : memref<2048x100xi32, #tpu.memory_space<hbm>> -> memref<64x100xi32, #tpu.memory_space<hbm>>
      tpu.enqueue_dma source(%dma_start3A_26 : memref<64x100xi32, #tpu.memory_space<hbm>>) target(%arg5 : memref<64x100xi32, #tpu.memory_space<vmem>>) target_semaphore(%run_scoped3A : memref<!tpu.dma_semaphore, #tpu.memory_space<semaphore_mem>>)
      %dma_wait3A = arith.constant 0 : i32
      %dma_wait3A_27 = tpu.memref_slice %arg2[%mul3A_2, %dma_wait3A] : memref<2048x100xi32, #tpu.memory_space<hbm>> -> memref<64x100xi32, #tpu.memory_space<hbm>>
      %dma_wait3A_28 = arith.constant 0 : i32
      %dma_wait3A_29 = tpu.memref_slice %arg2[%mul3A_2, %dma_wait3A_28] : memref<2048x100xi32, #tpu.memory_space<hbm>> -> memref<64x100xi32, #tpu.memory_space<hbm>>
      tpu.wait_dma2 semaphore(%run_scoped3A : memref<!tpu.dma_semaphore, #tpu.memory_space<semaphore_mem>>) src(%dma_wait3A_29 : memref<64x100xi32, #tpu.memory_space<hbm>>) dst(%arg5 : memref<64x100xi32, #tpu.memory_space<vmem>>)
      tpu.yield
    }) : () -> ()
    %dma_start3A = arith.constant 0 : i32
    %dma_start3A_3 = arith.constant 0 : i32
    %dma_start3A_4 = tpu.memref_slice %arg5[%dma_start3A, %dma_start3A_3] : memref<64x100xi32, #tpu.memory_space<vmem>> -> memref<1x100xi32, #tpu.memory_space<vmem>>
    %dma_start3A_5 = tpu.memref_squeeze %dma_start3A_4 : memref<1x100xi32, #tpu.memory_space<vmem>> -> memref<100xi32, #tpu.memory_space<vmem>>
    %dma_start3A_6 = arith.constant 0 : i32
    %dma_start3A_7 = arith.constant 0 : i32
    %dma_start3A_8 = tpu.memref_slice %arg3[%dma_start3A_6, %dma_start3A_7] : memref<1000000x64xf32, #tpu.memory_space<hbm>> -> memref<1000000x64xf32, #tpu.memory_space<hbm>>
    tpu.enqueue_indirect_dma source(%dma_start3A_8 : memref<1000000x64xf32, #tpu.memory_space<hbm>>) target(%arg6 : memref<100x64xf32, #tpu.memory_space<vmem>>) offsets(%dma_start3A_5 : memref<100xi32, #tpu.memory_space<vmem>>) semaphore(%arg9 : memref<!tpu.dma_semaphore, #tpu.memory_space<semaphore_mem>>)
    %dma_start3A_9 = arith.constant 1 : i32
    %dma_start3A_10 = arith.constant 0 : i32
    %dma_start3A_11 = tpu.memref_slice %arg5[%dma_start3A_9, %dma_start3A_10] : memref<64x100xi32, #tpu.memory_space<vmem>> -> memref<1x100xi32, #tpu.memory_space<vmem>>
    %dma_start3A_12 = tpu.memref_squeeze %dma_start3A_11 : memref<1x100xi32, #tpu.memory_space<vmem>> -> memref<100xi32, #tpu.memory_space<vmem>>
    %dma_start3A_13 = arith.constant 0 : i32
    %dma_start3A_14 = arith.constant 0 : i32
    %dma_start3A_15 = tpu.memref_slice %arg3[%dma_start3A_13, %dma_start3A_14] : memref<1000000x64xf32, #tpu.memory_space<hbm>> -> memref<1000000x64xf32, #tpu.memory_space<hbm>>
    tpu.enqueue_indirect_dma source(%dma_start3A_15 : memref<1000000x64xf32, #tpu.memory_space<hbm>>) target(%arg7 : memref<100x64xf32, #tpu.memory_space<vmem>>) offsets(%dma_start3A_12 : memref<100xi32, #tpu.memory_space<vmem>>) semaphore(%arg10 : memref<!tpu.dma_semaphore, #tpu.memory_space<semaphore_mem>>)
    %scan3A = arith.constant 0 : i32
    %scan3A_16 = arith.constant 0 : i32
    %scan3A_17 = arith.constant 32 : i32
    %scan3A_18 = arith.addi %scan3A_16, %scan3A_17 : i32
    %scan3A_19 = arith.constant 1 : i32
    scf.for %scan3A_23 = %scan3A_16 to %scan3A_18 step %scan3A_19  : i32 {
      %mul3A_24 = arith.constant 2 : i32
      %mul3A_25 = arith.muli %mul3A_24, %scan3A_23 : i32
      %dma_wait3A = arith.constant 0 : i32
      %dma_wait3A_26 = tpu.memref_slice %arg5[%mul3A_25, %dma_wait3A] : memref<64x100xi32, #tpu.memory_space<vmem>> -> memref<1x100xi32, #tpu.memory_space<vmem>>
      %dma_wait3A_27 = tpu.memref_squeeze %dma_wait3A_26 : memref<1x100xi32, #tpu.memory_space<vmem>> -> memref<100xi32, #tpu.memory_space<vmem>>
      %dma_wait3A_28 = arith.constant 0 : i32
      %dma_wait3A_29 = arith.constant 0 : i32
      %dma_wait3A_30 = tpu.memref_slice %arg3[%dma_wait3A_28, %dma_wait3A_29] : memref<1000000x64xf32, #tpu.memory_space<hbm>> -> memref<1000000x64xf32, #tpu.memory_space<hbm>>
      tpu.wait_indirect_dma semaphore(%arg9 : memref<!tpu.dma_semaphore, #tpu.memory_space<semaphore_mem>>) src(%dma_wait3A_30 : memref<1000000x64xf32, #tpu.memory_space<hbm>>) dst(%arg6 : memref<100x64xf32, #tpu.memory_space<vmem>>)
      %mul3A_31 = arith.constant 4 : i32
      %mul3A_32 = arith.muli %mul3A_31, %scan3A_23 : i32
      %get3A = arith.constant 0 : i32
      %get3A_33 = arith.index_cast %get3A : i32 to index
      %get3A_34 = arith.constant 0 : index
      %get3A_35 = tpu.vector_load %arg6[%get3A_33, %get3A_34] {strides = array<i32>} : memref<100x64xf32, #tpu.memory_space<vmem>>, vector<1x16xf32>,
      %get3A_36 = vector.shape_cast %get3A_35 : vector<1x16xf32> to vector<16xf32>
      %get3A_37 = arith.constant 0 : i32
      %get3A_38 = arith.index_cast %get3A_37 : i32 to index
      %get3A_39 = arith.constant 16 : index
      %get3A_40 = tpu.vector_load %arg6[%get3A_38, %get3A_39] {strides = array<i32>} : memref<100x64xf32, #tpu.memory_space<vmem>>, vector<1x16xf32>,
      %get3A_41 = vector.shape_cast %get3A_40 : vector<1x16xf32> to vector<16xf32>
      %get3A_42 = arith.constant 0 : i32
      %get3A_43 = arith.index_cast %get3A_42 : i32 to index
      %get3A_44 = arith.constant 32 : index
      %get3A_45 = tpu.vector_load %arg6[%get3A_43, %get3A_44] {strides = array<i32>} : memref<100x64xf32, #tpu.memory_space<vmem>>, vector<1x16xf32>,
      %get3A_46 = vector.shape_cast %get3A_45 : vector<1x16xf32> to vector<16xf32>
      %get3A_47 = arith.constant 0 : i32
      %get3A_48 = arith.index_cast %get3A_47 : i32 to index
      %get3A_49 = arith.constant 48 : index
      %get3A_50 = tpu.vector_load %arg6[%get3A_48, %get3A_49] {strides = array<i32>} : memref<100x64xf32, #tpu.memory_space<vmem>>, vector<1x16xf32>,
      %get3A_51 = vector.shape_cast %get3A_50 : vector<1x16xf32> to vector<16xf32>
      %get3A_52 = arith.constant 1 : i32
      %get3A_53 = arith.index_cast %get3A_52 : i32 to index
      %get3A_54 = arith.constant 0 : index
      %get3A_55 = tpu.vector_load %arg6[%get3A_53, %get3A_54] {strides = array<i32>} : memref<100x64xf32, #tpu.memory_space<vmem>>, vector<1x16xf32>,
      %get3A_56 = vector.shape_cast %get3A_55 : vector<1x16xf32> to vector<16xf32>
      %add3A_57 = arith.addf %get3A_36, %get3A_56 : vector<16xf32>
      %get3A_58 = arith.constant 1 : i32
      %get3A_59 = arith.index_cast %get3A_58 : i32 to index
      %get3A_60 = arith.constant 16 : index
      %get3A_61 = tpu.vector_load %arg6[%get3A_59, %get3A_60] {strides = array<i32>} : memref<100x64xf32, #tpu.memory_space<vmem>>, vector<1x16xf32>,
      %get3A_62 = vector.shape_cast %get3A_61 : vector<1x16xf32> to vector<16xf32>
      %add3A_63 = arith.addf %get3A_41, %get3A_62 : vector<16xf32>
      %get3A_64 = arith.constant 1 : i32
      %get3A_65 = arith.index_cast %get3A_64 : i32 to index
      %get3A_66 = arith.constant 32 : index
      %get3A_67 = tpu.vector_load %arg6[%get3A_65, %get3A_66] {strides = array<i32>} : memref<100x64xf32, #tpu.memory_space<vmem>>, vector<1x16xf32>,
      %get3A_68 = vector.shape_cast %get3A_67 : vector<1x16xf32> to vector<16xf32>
      %add3A_69 = arith.addf %get3A_46, %get3A_68 : vector<16xf32>
      %get3A_70 = arith.constant 1 : i32
      %get3A_71 = arith.index_cast %get3A_70 : i32 to index
      %get3A_72 = arith.constant 48 : index
      %get3A_73 = tpu.vector_load %arg6[%get3A_71, %get3A_72] {strides = array<i32>} : memref<100x64xf32, #tpu.memory_space<vmem>>, vector<1x16xf32>,
      %get3A_74 = vector.shape_cast %get3A_73 : vector<1x16xf32> to vector<16xf32>
      %add3A_75 = arith.addf %get3A_51, %get3A_74 : vector<16xf32>
      %get3A_76 = arith.constant 2 : i32
      %get3A_77 = arith.index_cast %get3A_76 : i32 to index
      %get3A_78 = arith.constant 0 : index
      %get3A_79 = tpu.vector_load %arg6[%get3A_77, %get3A_78] {strides = array<i32>} : memref<100x64xf32, #tpu.memory_space<vmem>>, vector<1x16xf32>,
      %get3A_80 = vector.shape_cast %get3A_79 : vector<1x16xf32> to vector<16xf32>
      %add3A_81 = arith.addf %add3A_57, %get3A_80 : vector<16xf32>
      %get3A_82 = arith.constant 2 : i32
      %get3A_83 = arith.index_cast %get3A_82 : i32 to index
      %get3A_84 = arith.constant 16 : index
      %get3A_85 = tpu.vector_load %arg6[%get3A_83, %get3A_84] {strides = array<i32>} : memref<100x64xf32, #tpu.memory_space<vmem>>, vector<1x16xf32>,
      %get3A_86 = vector.shape_cast %get3A_85 : vector<1x16xf32> to vector<16xf32>
      %add3A_87 = arith.addf %add3A_63, %get3A_86 : vector<16xf32>
      %get3A_88 = arith.constant 2 : i32
      %get3A_89 = arith.index_cast %get3A_88 : i32 to index
      %get3A_90 = arith.constant 32 : index
      %get3A_91 = tpu.vector_load %arg6[%get3A_89, %get3A_90] {strides = array<i32>} : memref<100x64xf32, #tpu.memory_space<vmem>>, vector<1x16xf32>,
      %get3A_92 = vector.shape_cast %get3A_91 : vector<1x16xf32> to vector<16xf32>
      %add3A_93 = arith.addf %add3A_69, %get3A_92 : vector<16xf32>
      %get3A_94 = arith.constant 2 : i32
      %get3A_95 = arith.index_cast %get3A_94 : i32 to index
      %get3A_96 = arith.constant 48 : index
      %get3A_97 = tpu.vector_load %arg6[%get3A_95, %get3A_96] {strides = array<i32>} : memref<100x64xf32, #tpu.memory_space<vmem>>, vector<1x16xf32>,
      %get3A_98 = vector.shape_cast %get3A_97 : vector<1x16xf32> to vector<16xf32>
      %add3A_99 = arith.addf %add3A_75, %get3A_98 : vector<16xf32>
      %get3A_100 = arith.constant 3 : i32
      %get3A_101 = arith.index_cast %get3A_100 : i32 to index
      %get3A_102 = arith.constant 0 : index
      %get3A_103 = tpu.vector_load %arg6[%get3A_101, %get3A_102] {strides = array<i32>} : memref<100x64xf32, #tpu.memory_space<vmem>>, vector<1x16xf32>,
      %get3A_104 = vector.shape_cast %get3A_103 : vector<1x16xf32> to vector<16xf32>
      %add3A_105 = arith.addf %add3A_81, %get3A_104 : vector<16xf32>
      %get3A_106 = arith.constant 3 : i32
      %get3A_107 = arith.index_cast %get3A_106 : i32 to index
      %get3A_108 = arith.constant 16 : index
      %get3A_109 = tpu.vector_load %arg6[%get3A_107, %get3A_108] {strides = array<i32>} : memref<100x64xf32, #tpu.memory_space<vmem>>, vector<1x16xf32>,
      %get3A_110 = vector.shape_cast %get3A_109 : vector<1x16xf32> to vector<16xf32>
      %add3A_111 = arith.addf %add3A_87, %get3A_110 : vector<16xf32>
      %get3A_112 = arith.constant 3 : i32
      %get3A_113 = arith.index_cast %get3A_112 : i32 to index
      %get3A_114 = arith.constant 32 : index
      %get3A_115 = tpu.vector_load %arg6[%get3A_113, %get3A_114] {strides = array<i32>} : memref<100x64xf32, #tpu.memory_space<vmem>>, vector<1x16xf32>,
      %get3A_116 = vector.shape_cast %get3A_115 : vector<1x16xf32> to vector<16xf32>
      %add3A_117 = arith.addf %add3A_93, %get3A_116 : vector<16xf32>
      %get3A_118 = arith.constant 3 : i32
      %get3A_119 = arith.index_cast %get3A_118 : i32 to index
      %get3A_120 = arith.constant 48 : index
      %get3A_121 = tpu.vector_load %arg6[%get3A_119, %get3A_120] {strides = array<i32>} : memref<100x64xf32, #tpu.memory_space<vmem>>, vector<1x16xf32>,
      %get3A_122 = vector.shape_cast %get3A_121 : vector<1x16xf32> to vector<16xf32>
      %add3A_123 = arith.addf %add3A_99, %get3A_122 : vector<16xf32>
      %get3A_124 = arith.constant 4 : i32
      %get3A_125 = arith.index_cast %get3A_124 : i32 to index
      %get3A_126 = arith.constant 0 : index
      %get3A_127 = tpu.vector_load %arg6[%get3A_125, %get3A_126] {strides = array<i32>} : memref<100x64xf32, #tpu.memory_space<vmem>>, vector<1x16xf32>,
      %get3A_128 = vector.shape_cast %get3A_127 : vector<1x16xf32> to vector<16xf32>
      %add3A_129 = arith.addf %add3A_105, %get3A_128 : vector<16xf32>
      %get3A_130 = arith.constant 4 : i32
      %get3A_131 = arith.index_cast %get3A_130 : i32 to index
      %get3A_132 = arith.constant 16 : index
      %get3A_133 = tpu.vector_load %arg6[%get3A_131, %get3A_132] {strides = array<i32>} : memref<100x64xf32, #tpu.memory_space<vmem>>, vector<1x16xf32>,
      %get3A_134 = vector.shape_cast %get3A_133 : vector<1x16xf32> to vector<16xf32>
      %add3A_135 = arith.addf %add3A_111, %get3A_134 : vector<16xf32>
      %get3A_136 = arith.constant 4 : i32
      %get3A_137 = arith.index_cast %get3A_136 : i32 to index
      %get3A_138 = arith.constant 32 : index
      %get3A_139 = tpu.vector_load %arg6[%get3A_137, %get3A_138] {strides = array<i32>} : memref<100x64xf32, #tpu.memory_space<vmem>>, vector<1x16xf32>,
      %get3A_140 = vector.shape_cast %get3A_139 : vector<1x16xf32> to vector<16xf32>
      %add3A_141 = arith.addf %add3A_117, %get3A_140 : vector<16xf32>
      %get3A_142 = arith.constant 4 : i32
      %get3A_143 = arith.index_cast %get3A_142 : i32 to index
      %get3A_144 = arith.constant 48 : index
      %get3A_145 = tpu.vector_load %arg6[%get3A_143, %get3A_144] {strides = array<i32>} : memref<100x64xf32, #tpu.memory_space<vmem>>, vector<1x16xf32>,
      %get3A_146 = vector.shape_cast %get3A_145 : vector<1x16xf32> to vector<16xf32>
      %add3A_147 = arith.addf %add3A_123, %get3A_146 : vector<16xf32>
      %get3A_148 = arith.constant 5 : i32
      %get3A_149 = arith.index_cast %get3A_148 : i32 to index
      %get3A_150 = arith.constant 0 : index
      %get3A_151 = tpu.vector_load %arg6[%get3A_149, %get3A_150] {strides = array<i32>} : memref<100x64xf32, #tpu.memory_space<vmem>>, vector<1x16xf32>,
      %get3A_152 = vector.shape_cast %get3A_151 : vector<1x16xf32> to vector<16xf32>
      %add3A_153 = arith.addf %add3A_129, %get3A_152 : vector<16xf32>
      %get3A_154 = arith.constant 5 : i32
      %get3A_155 = arith.index_cast %get3A_154 : i32 to index
      %get3A_156 = arith.constant 16 : index
      %get3A_157 = tpu.vector_load %arg6[%get3A_155, %get3A_156] {strides = array<i32>} : memref<100x64xf32, #tpu.memory_space<vmem>>, vector<1x16xf32>,
      %get3A_158 = vector.shape_cast %get3A_157 : vector<1x16xf32> to vector<16xf32>
      %add3A_159 = arith.addf %add3A_135, %get3A_158 : vector<16xf32>
      %get3A_160 = arith.constant 5 : i32
      %get3A_161 = arith.index_cast %get3A_160 : i32 to index
      %get3A_162 = arith.constant 32 : index
      %get3A_163 = tpu.vector_load %arg6[%get3A_161, %get3A_162] {strides = array<i32>} : memref<100x64xf32, #tpu.memory_space<vmem>>, vector<1x16xf32>,
      %get3A_164 = vector.shape_cast %get3A_163 : vector<1x16xf32> to vector<16xf32>
      %add3A_165 = arith.addf %add3A_141, %get3A_164 : vector<16xf32>
      %get3A_166 = arith.constant 5 : i32
      %get3A_167 = arith.index_cast %get3A_166 : i32 to index
      %get3A_168 = arith.constant 48 : index
      %get3A_169 = tpu.vector_load %arg6[%get3A_167, %get3A_168] {strides = array<i32>} : memref<100x64xf32, #tpu.memory_space<vmem>>, vector<1x16xf32>,
      %get3A_170 = vector.shape_cast %get3A_169 : vector<1x16xf32> to vector<16xf32>
      %add3A_171 = arith.addf %add3A_147, %get3A_170 : vector<16xf32>
      %get3A_172 = arith.constant 6 : i32
      %get3A_173 = arith.index_cast %get3A_172 : i32 to index
      %get3A_174 = arith.constant 0 : index
      %get3A_175 = tpu.vector_load %arg6[%get3A_173, %get3A_174] {strides = array<i32>} : memref<100x64xf32, #tpu.memory_space<vmem>>, vector<1x16xf32>,
      %get3A_176 = vector.shape_cast %get3A_175 : vector<1x16xf32> to vector<16xf32>
      %add3A_177 = arith.addf %add3A_153, %get3A_176 : vector<16xf32>
      %get3A_178 = arith.constant 6 : i32
      %get3A_179 = arith.index_cast %get3A_178 : i32 to index
      %get3A_180 = arith.constant 16 : index
      %get3A_181 = tpu.vector_load %arg6[%get3A_179, %get3A_180] {strides = array<i32>} : memref<100x64xf32, #tpu.memory_space<vmem>>, vector<1x16xf32>,
      %get3A_182 = vector.shape_cast %get3A_181 : vector<1x16xf32> to vector<16xf32>
      %add3A_183 = arith.addf %add3A_159, %get3A_182 : vector<16xf32>
      %get3A_184 = arith.constant 6 : i32
      %get3A_185 = arith.index_cast %get3A_184 : i32 to index
      %get3A_186 = arith.constant 32 : index
      %get3A_187 = tpu.vector_load %arg6[%get3A_185, %get3A_186] {strides = array<i32>} : memref<100x64xf32, #tpu.memory_space<vmem>>, vector<1x16xf32>,
      %get3A_188 = vector.shape_cast %get3A_187 : vector<1x16xf32> to vector<16xf32>
      %add3A_189 = arith.addf %add3A_165, %get3A_188 : vector<16xf32>
      %get3A_190 = arith.constant 6 : i32
      %get3A_191 = arith.index_cast %get3A_190 : i32 to index
      %get3A_192 = arith.constant 48 : index
      %get3A_193 = tpu.vector_load %arg6[%get3A_191, %get3A_192] {strides = array<i32>} : memref<100x64xf32, #tpu.memory_space<vmem>>, vector<1x16xf32>,
      %get3A_194 = vector.shape_cast %get3A_193 : vector<1x16xf32> to vector<16xf32>
      %add3A_195 = arith.addf %add3A_171, %get3A_194 : vector<16xf32>
      %get3A_196 = arith.constant 7 : i32
      %get3A_197 = arith.index_cast %get3A_196 : i32 to index
      %get3A_198 = arith.constant 0 : index
      %get3A_199 = tpu.vector_load %arg6[%get3A_197, %get3A_198] {strides = array<i32>} : memref<100x64xf32, #tpu.memory_space<vmem>>, vector<1x16xf32>,
      %get3A_200 = vector.shape_cast %get3A_199 : vector<1x16xf32> to vector<16xf32>
      %add3A_201 = arith.addf %add3A_177, %get3A_200 : vector<16xf32>
      %get3A_202 = arith.constant 7 : i32
      %get3A_203 = arith.index_cast %get3A_202 : i32 to index
      %get3A_204 = arith.constant 16 : index
      %get3A_205 = tpu.vector_load %arg6[%get3A_203, %get3A_204] {strides = array<i32>} : memref<100x64xf32, #tpu.memory_space<vmem>>, vector<1x16xf32>,
      %get3A_206 = vector.shape_cast %get3A_205 : vector<1x16xf32> to vector<16xf32>
      %add3A_207 = arith.addf %add3A_183, %get3A_206 : vector<16xf32>
      %get3A_208 = arith.constant 7 : i32
      %get3A_209 = arith.index_cast %get3A_208 : i32 to index
      %get3A_210 = arith.constant 32 : index
      %get3A_211 = tpu.vector_load %arg6[%get3A_209, %get3A_210] {strides = array<i32>} : memref<100x64xf32, #tpu.memory_space<vmem>>, vector<1x16xf32>,
      %get3A_212 = vector.shape_cast %get3A_211 : vector<1x16xf32> to vector<16xf32>
      %add3A_213 = arith.addf %add3A_189, %get3A_212 : vector<16xf32>
      %get3A_214 = arith.constant 7 : i32
      %get3A_215 = arith.index_cast %get3A_214 : i32 to index
      %get3A_216 = arith.constant 48 : index
      %get3A_217 = tpu.vector_load %arg6[%get3A_215, %get3A_216] {strides = array<i32>} : memref<100x64xf32, #tpu.memory_space<vmem>>, vector<1x16xf32>,
      %get3A_218 = vector.shape_cast %get3A_217 : vector<1x16xf32> to vector<16xf32>
      %add3A_219 = arith.addf %add3A_195, %get3A_218 : vector<16xf32>
      %get3A_220 = arith.constant 8 : i32
      %get3A_221 = arith.index_cast %get3A_220 : i32 to index
      %get3A_222 = arith.constant 0 : index
      %get3A_223 = tpu.vector_load %arg6[%get3A_221, %get3A_222] {strides = array<i32>} : memref<100x64xf32, #tpu.memory_space<vmem>>, vector<1x16xf32>,
      %get3A_224 = vector.shape_cast %get3A_223 : vector<1x16xf32> to vector<16xf32>
      %add3A_225 = arith.addf %add3A_201, %get3A_224 : vector<16xf32>
      %get3A_226 = arith.constant 8 : i32
      %get3A_227 = arith.index_cast %get3A_226 : i32 to index
      %get3A_228 = arith.constant 16 : index
      %get3A_229 = tpu.vector_load %arg6[%get3A_227, %get3A_228] {strides = array<i32>} : memref<100x64xf32, #tpu.memory_space<vmem>>, vector<1x16xf32>,
      %get3A_230 = vector.shape_cast %get3A_229 : vector<1x16xf32> to vector<16xf32>
      %add3A_231 = arith.addf %add3A_207, %get3A_230 : vector<16xf32>
      %get3A_232 = arith.constant 8 : i32
      %get3A_233 = arith.index_cast %get3A_232 : i32 to index
      %get3A_234 = arith.constant 32 : index
      %get3A_235 = tpu.vector_load %arg6[%get3A_233, %get3A_234] {strides = array<i32>} : memref<100x64xf32, #tpu.memory_space<vmem>>, vector<1x16xf32>,
      %get3A_236 = vector.shape_cast %get3A_235 : vector<1x16xf32> to vector<16xf32>
      %add3A_237 = arith.addf %add3A_213, %get3A_236 : vector<16xf32>
      %get3A_238 = arith.constant 8 : i32
      %get3A_239 = arith.index_cast %get3A_238 : i32 to index
      %get3A_240 = arith.constant 48 : index
      %get3A_241 = tpu.vector_load %arg6[%get3A_239, %get3A_240] {strides = array<i32>} : memref<100x64xf32, #tpu.memory_space<vmem>>, vector<1x16xf32>,
      %get3A_242 = vector.shape_cast %get3A_241 : vector<1x16xf32> to vector<16xf32>
      %add3A_243 = arith.addf %add3A_219, %get3A_242 : vector<16xf32>
      %get3A_244 = arith.constant 9 : i32
      %get3A_245 = arith.index_cast %get3A_244 : i32 to index
      %get3A_246 = arith.constant 0 : index
      %get3A_247 = tpu.vector_load %arg6[%get3A_245, %get3A_246] {strides = array<i32>} : memref<100x64xf32, #tpu.memory_space<vmem>>, vector<1x16xf32>,
      %get3A_248 = vector.shape_cast %get3A_247 : vector<1x16xf32> to vector<16xf32>
      %add3A_249 = arith.addf %add3A_225, %get3A_248 : vector<16xf32>
      %get3A_250 = arith.constant 9 : i32
      %get3A_251 = arith.index_cast %get3A_250 : i32 to index
      %get3A_252 = arith.constant 16 : index
      %get3A_253 = tpu.vector_load %arg6[%get3A_251, %get3A_252] {strides = array<i32>} : memref<100x64xf32, #tpu.memory_space<vmem>>, vector<1x16xf32>,
      %get3A_254 = vector.shape_cast %get3A_253 : vector<1x16xf32> to vector<16xf32>
      %add3A_255 = arith.addf %add3A_231, %get3A_254 : vector<16xf32>
      %get3A_256 = arith.constant 9 : i32
      %get3A_257 = arith.index_cast %get3A_256 : i32 to index
      %get3A_258 = arith.constant 32 : index
      %get3A_259 = tpu.vector_load %arg6[%get3A_257, %get3A_258] {strides = array<i32>} : memref<100x64xf32, #tpu.memory_space<vmem>>, vector<1x16xf32>,
      %get3A_260 = vector.shape_cast %get3A_259 : vector<1x16xf32> to vector<16xf32>
      %add3A_261 = arith.addf %add3A_237, %get3A_260 : vector<16xf32>
      %get3A_262 = arith.constant 9 : i32
      %get3A_263 = arith.index_cast %get3A_262 : i32 to index
      %get3A_264 = arith.constant 48 : index
      %get3A_265 = tpu.vector_load %arg6[%get3A_263, %get3A_264] {strides = array<i32>} : memref<100x64xf32, #tpu.memory_space<vmem>>, vector<1x16xf32>,
      %get3A_266 = vector.shape_cast %get3A_265 : vector<1x16xf32> to vector<16xf32>
      %add3A_267 = arith.addf %add3A_243, %get3A_266 : vector<16xf32>
      %get3A_268 = arith.constant 10 : i32
      %get3A_269 = arith.index_cast %get3A_268 : i32 to index
      %get3A_270 = arith.constant 0 : index
      %get3A_271 = tpu.vector_load %arg6[%get3A_269, %get3A_270] {strides = array<i32>} : memref<100x64xf32, #tpu.memory_space<vmem>>, vector<1x16xf32>,
      %get3A_272 = vector.shape_cast %get3A_271 : vector<1x16xf32> to vector<16xf32>
      %add3A_273 = arith.addf %add3A_249, %get3A_272 : vector<16xf32>
      %get3A_274 = arith.constant 10 : i32
      %get3A_275 = arith.index_cast %get3A_274 : i32 to index
      %get3A_276 = arith.constant 16 : index
      %get3A_277 = tpu.vector_load %arg6[%get3A_275, %get3A_276] {strides = array<i32>} : memref<100x64xf32, #tpu.memory_space<vmem>>, vector<1x16xf32>,
      %get3A_278 = vector.shape_cast %get3A_277 : vector<1x16xf32> to vector<16xf32>
      %add3A_279 = arith.addf %add3A_255, %get3A_278 : vector<16xf32>
      %get3A_280 = arith.constant 10 : i32
      %get3A_281 = arith.index_cast %get3A_280 : i32 to index
      %get3A_282 = arith.constant 32 : index
      %get3A_283 = tpu.vector_load %arg6[%get3A_281, %get3A_282] {strides = array<i32>} : memref<100x64xf32, #tpu.memory_space<vmem>>, vector<1x16xf32>,
      %get3A_284 = vector.shape_cast %get3A_283 : vector<1x16xf32> to vector<16xf32>
      %add3A_285 = arith.addf %add3A_261, %get3A_284 : vector<16xf32>
      %get3A_286 = arith.constant 10 : i32
      %get3A_287 = arith.index_cast %get3A_286 : i32 to index
      %get3A_288 = arith.constant 48 : index
      %get3A_289 = tpu.vector_load %arg6[%get3A_287, %get3A_288] {strides = array<i32>} : memref<100x64xf32, #tpu.memory_space<vmem>>, vector<1x16xf32>,
      %get3A_290 = vector.shape_cast %get3A_289 : vector<1x16xf32> to vector<16xf32>
      %add3A_291 = arith.addf %add3A_267, %get3A_290 : vector<16xf32>
      %get3A_292 = arith.constant 11 : i32
      %get3A_293 = arith.index_cast %get3A_292 : i32 to index
      %get3A_294 = arith.constant 0 : index
      %get3A_295 = tpu.vector_load %arg6[%get3A_293, %get3A_294] {strides = array<i32>} : memref<100x64xf32, #tpu.memory_space<vmem>>, vector<1x16xf32>,
      %get3A_296 = vector.shape_cast %get3A_295 : vector<1x16xf32> to vector<16xf32>
      %add3A_297 = arith.addf %add3A_273, %get3A_296 : vector<16xf32>
      %get3A_298 = arith.constant 11 : i32
      %get3A_299 = arith.index_cast %get3A_298 : i32 to index
      %get3A_300 = arith.constant 16 : index
      %get3A_301 = tpu.vector_load %arg6[%get3A_299, %get3A_300] {strides = array<i32>} : memref<100x64xf32, #tpu.memory_space<vmem>>, vector<1x16xf32>,
      %get3A_302 = vector.shape_cast %get3A_301 : vector<1x16xf32> to vector<16xf32>
      %add3A_303 = arith.addf %add3A_279, %get3A_302 : vector<16xf32>
      %get3A_304 = arith.constant 11 : i32
      %get3A_305 = arith.index_cast %get3A_304 : i32 to index
      %get3A_306 = arith.constant 32 : index
      %get3A_307 = tpu.vector_load %arg6[%get3A_305, %get3A_306] {strides = array<i32>} : memref<100x64xf32, #tpu.memory_space<vmem>>, vector<1x16xf32>,
      %get3A_308 = vector.shape_cast %get3A_307 : vector<1x16xf32> to vector<16xf32>
      %add3A_309 = arith.addf %add3A_285, %get3A_308 : vector<16xf32>
      %get3A_310 = arith.constant 11 : i32
      %get3A_311 = arith.index_cast %get3A_310 : i32 to index
      %get3A_312 = arith.constant 48 : index
      %get3A_313 = tpu.vector_load %arg6[%get3A_311, %get3A_312] {strides = array<i32>} : memref<100x64xf32, #tpu.memory_space<vmem>>, vector<1x16xf32>,
      %get3A_314 = vector.shape_cast %get3A_313 : vector<1x16xf32> to vector<16xf32>
      %add3A_315 = arith.addf %add3A_291, %get3A_314 : vector<16xf32>
      %get3A_316 = arith.constant 12 : i32
      %get3A_317 = arith.index_cast %get3A_316 : i32 to index
      %get3A_318 = arith.constant 0 : index
      %get3A_319 = tpu.vector_load %arg6[%get3A_317, %get3A_318] {strides = array<i32>} : memref<100x64xf32, #tpu.memory_space<vmem>>, vector<1x16xf32>,
      %get3A_320 = vector.shape_cast %get3A_319 : vector<1x16xf32> to vector<16xf32>
      %add3A_321 = arith.addf %add3A_297, %get3A_320 : vector<16xf32>
      %get3A_322 = arith.constant 12 : i32
      %get3A_323 = arith.index_cast %get3A_322 : i32 to index
      %get3A_324 = arith.constant 16 : index
      %get3A_325 = tpu.vector_load %arg6[%get3A_323, %get3A_324] {strides = array<i32>} : memref<100x64xf32, #tpu.memory_space<vmem>>, vector<1x16xf32>,
      %get3A_326 = vector.shape_cast %get3A_325 : vector<1x16xf32> to vector<16xf32>
      %add3A_327 = arith.addf %add3A_303, %get3A_326 : vector<16xf32>
      %get3A_328 = arith.constant 12 : i32
      %get3A_329 = arith.index_cast %get3A_328 : i32 to index
      %get3A_330 = arith.constant 32 : index
      %get3A_331 = tpu.vector_load %arg6[%get3A_329, %get3A_330] {strides = array<i32>} : memref<100x64xf32, #tpu.memory_space<vmem>>, vector<1x16xf32>,
      %get3A_332 = vector.shape_cast %get3A_331 : vector<1x16xf32> to vector<16xf32>
      %add3A_333 = arith.addf %add3A_309, %get3A_332 : vector<16xf32>
      %get3A_334 = arith.constant 12 : i32
      %get3A_335 = arith.index_cast %get3A_334 : i32 to index
      %get3A_336 = arith.constant 48 : index
      %get3A_337 = tpu.vector_load %arg6[%get3A_335, %get3A_336] {strides = array<i32>} : memref<100x64xf32, #tpu.memory_space<vmem>>, vector<1x16xf32>,
      %get3A_338 = vector.shape_cast %get3A_337 : vector<1x16xf32> to vector<16xf32>
      %add3A_339 = arith.addf %add3A_315, %get3A_338 : vector<16xf32>
      %get3A_340 = arith.constant 13 : i32
      %get3A_341 = arith.index_cast %get3A_340 : i32 to index
      %get3A_342 = arith.constant 0 : index
      %get3A_343 = tpu.vector_load %arg6[%get3A_341, %get3A_342] {strides = array<i32>} : memref<100x64xf32, #tpu.memory_space<vmem>>, vector<1x16xf32>,
      %get3A_344 = vector.shape_cast %get3A_343 : vector<1x16xf32> to vector<16xf32>
      %add3A_345 = arith.addf %add3A_321, %get3A_344 : vector<16xf32>
      %get3A_346 = arith.constant 13 : i32
      %get3A_347 = arith.index_cast %get3A_346 : i32 to index
      %get3A_348 = arith.constant 16 : index
      %get3A_349 = tpu.vector_load %arg6[%get3A_347, %get3A_348] {strides = array<i32>} : memref<100x64xf32, #tpu.memory_space<vmem>>, vector<1x16xf32>,
      %get3A_350 = vector.shape_cast %get3A_349 : vector<1x16xf32> to vector<16xf32>
      %add3A_351 = arith.addf %add3A_327, %get3A_350 : vector<16xf32>
      %get3A_352 = arith.constant 13 : i32
      %get3A_353 = arith.index_cast %get3A_352 : i32 to index
      %get3A_354 = arith.constant 32 : index
      %get3A_355 = tpu.vector_load %arg6[%get3A_353, %get3A_354] {strides = array<i32>} : memref<100x64xf32, #tpu.memory_space<vmem>>, vector<1x16xf32>,
      %get3A_356 = vector.shape_cast %get3A_355 : vector<1x16xf32> to vector<16xf32>
      %add3A_357 = arith.addf %add3A_333, %get3A_356 : vector<16xf32>
      %get3A_358 = arith.constant 13 : i32
      %get3A_359 = arith.index_cast %get3A_358 : i32 to index
      %get3A_360 = arith.constant 48 : index
      %get3A_361 = tpu.vector_load %arg6[%get3A_359, %get3A_360] {strides = array<i32>} : memref<100x64xf32, #tpu.memory_space<vmem>>, vector<1x16xf32>,
      %get3A_362 = vector.shape_cast %get3A_361 : vector<1x16xf32> to vector<16xf32>
      %add3A_363 = arith.addf %add3A_339, %get3A_362 : vector<16xf32>
      %get3A_364 = arith.constant 14 : i32
      %get3A_365 = arith.index_cast %get3A_364 : i32 to index
      %get3A_366 = arith.constant 0 : index
      %get3A_367 = tpu.vector_load %arg6[%get3A_365, %get3A_366] {strides = array<i32>} : memref<100x64xf32, #tpu.memory_space<vmem>>, vector<1x16xf32>,
      %get3A_368 = vector.shape_cast %get3A_367 : vector<1x16xf32> to vector<16xf32>
      %add3A_369 = arith.addf %add3A_345, %get3A_368 : vector<16xf32>
      %get3A_370 = arith.constant 14 : i32
      %get3A_371 = arith.index_cast %get3A_370 : i32 to index
      %get3A_372 = arith.constant 16 : index
      %get3A_373 = tpu.vector_load %arg6[%get3A_371, %get3A_372] {strides = array<i32>} : memref<100x64xf32, #tpu.memory_space<vmem>>, vector<1x16xf32>,
      %get3A_374 = vector.shape_cast %get3A_373 : vector<1x16xf32> to vector<16xf32>
      %add3A_375 = arith.addf %add3A_351, %get3A_374 : vector<16xf32>
      %get3A_376 = arith.constant 14 : i32
      %get3A_377 = arith.index_cast %get3A_376 : i32 to index
      %get3A_378 = arith.constant 32 : index
      %get3A_379 = tpu.vector_load %arg6[%get3A_377, %get3A_378] {strides = array<i32>} : memref<100x64xf32, #tpu.memory_space<vmem>>, vector<1x16xf32>,
      %get3A_380 = vector.shape_cast %get3A_379 : vector<1x16xf32> to vector<16xf32>
      %add3A_381 = arith.addf %add3A_357, %get3A_380 : vector<16xf32>
      %get3A_382 = arith.constant 14 : i32
      %get3A_383 = arith.index_cast %get3A_382 : i32 to index
      %get3A_384 = arith.constant 48 : index
      %get3A_385 = tpu.vector_load %arg6[%get3A_383, %get3A_384] {strides = array<i32>} : memref<100x64xf32, #tpu.memory_space<vmem>>, vector<1x16xf32>,
      %get3A_386 = vector.shape_cast %get3A_385 : vector<1x16xf32> to vector<16xf32>
      %add3A_387 = arith.addf %add3A_363, %get3A_386 : vector<16xf32>
      %get3A_388 = arith.constant 15 : i32
      %get3A_389 = arith.index_cast %get3A_388 : i32 to index
      %get3A_390 = arith.constant 0 : index
      %get3A_391 = tpu.vector_load %arg6[%get3A_389, %get3A_390] {strides = array<i32>} : memref<100x64xf32, #tpu.memory_space<vmem>>, vector<1x16xf32>,
      %get3A_392 = vector.shape_cast %get3A_391 : vector<1x16xf32> to vector<16xf32>
      %add3A_393 = arith.addf %add3A_369, %get3A_392 : vector<16xf32>
      %get3A_394 = arith.constant 15 : i32
      %get3A_395 = arith.index_cast %get3A_394 : i32 to index
      %get3A_396 = arith.constant 16 : index
      %get3A_397 = tpu.vector_load %arg6[%get3A_395, %get3A_396] {strides = array<i32>} : memref<100x64xf32, #tpu.memory_space<vmem>>, vector<1x16xf32>,
      %get3A_398 = vector.shape_cast %get3A_397 : vector<1x16xf32> to vector<16xf32>
      %add3A_399 = arith.addf %add3A_375, %get3A_398 : vector<16xf32>
      %get3A_400 = arith.constant 15 : i32
      %get3A_401 = arith.index_cast %get3A_400 : i32 to index
      %get3A_402 = arith.constant 32 : index
      %get3A_403 = tpu.vector_load %arg6[%get3A_401, %get3A_402] {strides = array<i32>} : memref<100x64xf32, #tpu.memory_space<vmem>>, vector<1x16xf32>,
      %get3A_404 = vector.shape_cast %get3A_403 : vector<1x16xf32> to vector<16xf32>
      %add3A_405 = arith.addf %add3A_381, %get3A_404 : vector<16xf32>
      %get3A_406 = arith.constant 15 : i32
      %get3A_407 = arith.index_cast %get3A_406 : i32 to index
      %get3A_408 = arith.constant 48 : index
      %get3A_409 = tpu.vector_load %arg6[%get3A_407, %get3A_408] {strides = array<i32>} : memref<100x64xf32, #tpu.memory_space<vmem>>, vector<1x16xf32>,
      %get3A_410 = vector.shape_cast %get3A_409 : vector<1x16xf32> to vector<16xf32>
      %add3A_411 = arith.addf %add3A_387, %get3A_410 : vector<16xf32>
      %get3A_412 = arith.constant 16 : i32
      %get3A_413 = arith.index_cast %get3A_412 : i32 to index
      %get3A_414 = arith.constant 0 : index
      %get3A_415 = tpu.vector_load %arg6[%get3A_413, %get3A_414] {strides = array<i32>} : memref<100x64xf32, #tpu.memory_space<vmem>>, vector<1x16xf32>,
      %get3A_416 = vector.shape_cast %get3A_415 : vector<1x16xf32> to vector<16xf32>
      %add3A_417 = arith.addf %add3A_393, %get3A_416 : vector<16xf32>
      %get3A_418 = arith.constant 16 : i32
      %get3A_419 = arith.index_cast %get3A_418 : i32 to index
      %get3A_420 = arith.constant 16 : index
      %get3A_421 = tpu.vector_load %arg6[%get3A_419, %get3A_420] {strides = array<i32>} : memref<100x64xf32, #tpu.memory_space<vmem>>, vector<1x16xf32>,
      %get3A_422 = vector.shape_cast %get3A_421 : vector<1x16xf32> to vector<16xf32>
      %add3A_423 = arith.addf %add3A_399, %get3A_422 : vector<16xf32>
      %get3A_424 = arith.constant 16 : i32
      %get3A_425 = arith.index_cast %get3A_424 : i32 to index
      %get3A_426 = arith.constant 32 : index
      %get3A_427 = tpu.vector_load %arg6[%get3A_425, %get3A_426] {strides = array<i32>} : memref<100x64xf32, #tpu.memory_space<vmem>>, vector<1x16xf32>,
      %get3A_428 = vector.shape_cast %get3A_427 : vector<1x16xf32> to vector<16xf32>
      %add3A_429 = arith.addf %add3A_405, %get3A_428 : vector<16xf32>
      %get3A_430 = arith.constant 16 : i32
      %get3A_431 = arith.index_cast %get3A_430 : i32 to index
      %get3A_432 = arith.constant 48 : index
      %get3A_433 = tpu.vector_load %arg6[%get3A_431, %get3A_432] {strides = array<i32>} : memref<100x64xf32, #tpu.memory_space<vmem>>, vector<1x16xf32>,
      %get3A_434 = vector.shape_cast %get3A_433 : vector<1x16xf32> to vector<16xf32>
      %add3A_435 = arith.addf %add3A_411, %get3A_434 : vector<16xf32>
      %get3A_436 = arith.constant 17 : i32
      %get3A_437 = arith.index_cast %get3A_436 : i32 to index
      %get3A_438 = arith.constant 0 : index
      %get3A_439 = tpu.vector_load %arg6[%get3A_437, %get3A_438] {strides = array<i32>} : memref<100x64xf32, #tpu.memory_space<vmem>>, vector<1x16xf32>,
      %get3A_440 = vector.shape_cast %get3A_439 : vector<1x16xf32> to vector<16xf32>
      %add3A_441 = arith.addf %add3A_417, %get3A_440 : vector<16xf32>
      %get3A_442 = arith.constant 17 : i32
      %get3A_443 = arith.index_cast %get3A_442 : i32 to index
      %get3A_444 = arith.constant 16 : index
      %get3A_445 = tpu.vector_load %arg6[%get3A_443, %get3A_444] {strides = array<i32>} : memref<100x64xf32, #tpu.memory_space<vmem>>, vector<1x16xf32>,
      %get3A_446 = vector.shape_cast %get3A_445 : vector<1x16xf32> to vector<16xf32>
      %add3A_447 = arith.addf %add3A_423, %get3A_446 : vector<16xf32>
      %get3A_448 = arith.constant 17 : i32
      %get3A_449 = arith.index_cast %get3A_448 : i32 to index
      %get3A_450 = arith.constant 32 : index
      %get3A_451 = tpu.vector_load %arg6[%get3A_449, %get3A_450] {strides = array<i32>} : memref<100x64xf32, #tpu.memory_space<vmem>>, vector<1x16xf32>,
      %get3A_452 = vector.shape_cast %get3A_451 : vector<1x16xf32> to vector<16xf32>
      %add3A_453 = arith.addf %add3A_429, %get3A_452 : vector<16xf32>
      %get3A_454 = arith.constant 17 : i32
      %get3A_455 = arith.index_cast %get3A_454 : i32 to index
      %get3A_456 = arith.constant 48 : index
      %get3A_457 = tpu.vector_load %arg6[%get3A_455, %get3A_456] {strides = array<i32>} : memref<100x64xf32, #tpu.memory_space<vmem>>, vector<1x16xf32>,
      %get3A_458 = vector.shape_cast %get3A_457 : vector<1x16xf32> to vector<16xf32>
      %add3A_459 = arith.addf %add3A_435, %get3A_458 : vector<16xf32>
      %get3A_460 = arith.constant 18 : i32
      %get3A_461 = arith.index_cast %get3A_460 : i32 to index
      %get3A_462 = arith.constant 0 : index
      %get3A_463 = tpu.vector_load %arg6[%get3A_461, %get3A_462] {strides = array<i32>} : memref<100x64xf32, #tpu.memory_space<vmem>>, vector<1x16xf32>,
      %get3A_464 = vector.shape_cast %get3A_463 : vector<1x16xf32> to vector<16xf32>
      %add3A_465 = arith.addf %add3A_441, %get3A_464 : vector<16xf32>
      %get3A_466 = arith.constant 18 : i32
      %get3A_467 = arith.index_cast %get3A_466 : i32 to index
      %get3A_468 = arith.constant 16 : index
      %get3A_469 = tpu.vector_load %arg6[%get3A_467, %get3A_468] {strides = array<i32>} : memref<100x64xf32, #tpu.memory_space<vmem>>, vector<1x16xf32>,
      %get3A_470 = vector.shape_cast %get3A_469 : vector<1x16xf32> to vector<16xf32>
      %add3A_471 = arith.addf %add3A_447, %get3A_470 : vector<16xf32>
      %get3A_472 = arith.constant 18 : i32
      %get3A_473 = arith.index_cast %get3A_472 : i32 to index
      %get3A_474 = arith.constant 32 : index
      %get3A_475 = tpu.vector_load %arg6[%get3A_473, %get3A_474] {strides = array<i32>} : memref<100x64xf32, #tpu.memory_space<vmem>>, vector<1x16xf32>,
      %get3A_476 = vector.shape_cast %get3A_475 : vector<1x16xf32> to vector<16xf32>
      %add3A_477 = arith.addf %add3A_453, %get3A_476 : vector<16xf32>
      %get3A_478 = arith.constant 18 : i32
      %get3A_479 = arith.index_cast %get3A_478 : i32 to index
      %get3A_480 = arith.constant 48 : index
      %get3A_481 = tpu.vector_load %arg6[%get3A_479, %get3A_480] {strides = array<i32>} : memref<100x64xf32, #tpu.memory_space<vmem>>, vector<1x16xf32>,
      %get3A_482 = vector.shape_cast %get3A_481 : vector<1x16xf32> to vector<16xf32>
      %add3A_483 = arith.addf %add3A_459, %get3A_482 : vector<16xf32>
      %get3A_484 = arith.constant 19 : i32
      %get3A_485 = arith.index_cast %get3A_484 : i32 to index
      %get3A_486 = arith.constant 0 : index
      %get3A_487 = tpu.vector_load %arg6[%get3A_485, %get3A_486] {strides = array<i32>} : memref<100x64xf32, #tpu.memory_space<vmem>>, vector<1x16xf32>,
      %get3A_488 = vector.shape_cast %get3A_487 : vector<1x16xf32> to vector<16xf32>
      %add3A_489 = arith.addf %add3A_465, %get3A_488 : vector<16xf32>
      %get3A_490 = arith.constant 19 : i32
      %get3A_491 = arith.index_cast %get3A_490 : i32 to index
      %get3A_492 = arith.constant 16 : index
      %get3A_493 = tpu.vector_load %arg6[%get3A_491, %get3A_492] {strides = array<i32>} : memref<100x64xf32, #tpu.memory_space<vmem>>, vector<1x16xf32>,
      %get3A_494 = vector.shape_cast %get3A_493 : vector<1x16xf32> to vector<16xf32>
      %add3A_495 = arith.addf %add3A_471, %get3A_494 : vector<16xf32>
      %get3A_496 = arith.constant 19 : i32
      %get3A_497 = arith.index_cast %get3A_496 : i32 to index
      %get3A_498 = arith.constant 32 : index
      %get3A_499 = tpu.vector_load %arg6[%get3A_497, %get3A_498] {strides = array<i32>} : memref<100x64xf32, #tpu.memory_space<vmem>>, vector<1x16xf32>,
      %get3A_500 = vector.shape_cast %get3A_499 : vector<1x16xf32> to vector<16xf32>
      %add3A_501 = arith.addf %add3A_477, %get3A_500 : vector<16xf32>
      %get3A_502 = arith.constant 19 : i32
      %get3A_503 = arith.index_cast %get3A_502 : i32 to index
      %get3A_504 = arith.constant 48 : index
      %get3A_505 = tpu.vector_load %arg6[%get3A_503, %get3A_504] {strides = array<i32>} : memref<100x64xf32, #tpu.memory_space<vmem>>, vector<1x16xf32>,
      %get3A_506 = vector.shape_cast %get3A_505 : vector<1x16xf32> to vector<16xf32>
      %add3A_507 = arith.addf %add3A_483, %get3A_506 : vector<16xf32>
      %get3A_508 = arith.constant 20 : i32
      %get3A_509 = arith.index_cast %get3A_508 : i32 to index
      %get3A_510 = arith.constant 0 : index
      %get3A_511 = tpu.vector_load %arg6[%get3A_509, %get3A_510] {strides = array<i32>} : memref<100x64xf32, #tpu.memory_space<vmem>>, vector<1x16xf32>,
      %get3A_512 = vector.shape_cast %get3A_511 : vector<1x16xf32> to vector<16xf32>
      %add3A_513 = arith.addf %add3A_489, %get3A_512 : vector<16xf32>
      %get3A_514 = arith.constant 20 : i32
      %get3A_515 = arith.index_cast %get3A_514 : i32 to index
      %get3A_516 = arith.constant 16 : index
      %get3A_517 = tpu.vector_load %arg6[%get3A_515, %get3A_516] {strides = array<i32>} : memref<100x64xf32, #tpu.memory_space<vmem>>, vector<1x16xf32>,
      %get3A_518 = vector.shape_cast %get3A_517 : vector<1x16xf32> to vector<16xf32>
      %add3A_519 = arith.addf %add3A_495, %get3A_518 : vector<16xf32>
      %get3A_520 = arith.constant 20 : i32
      %get3A_521 = arith.index_cast %get3A_520 : i32 to index
      %get3A_522 = arith.constant 32 : index
      %get3A_523 = tpu.vector_load %arg6[%get3A_521, %get3A_522] {strides = array<i32>} : memref<100x64xf32, #tpu.memory_space<vmem>>, vector<1x16xf32>,
      %get3A_524 = vector.shape_cast %get3A_523 : vector<1x16xf32> to vector<16xf32>
      %add3A_525 = arith.addf %add3A_501, %get3A_524 : vector<16xf32>
      %get3A_526 = arith.constant 20 : i32
      %get3A_527 = arith.index_cast %get3A_526 : i32 to index
      %get3A_528 = arith.constant 48 : index
      %get3A_529 = tpu.vector_load %arg6[%get3A_527, %get3A_528] {strides = array<i32>} : memref<100x64xf32, #tpu.memory_space<vmem>>, vector<1x16xf32>,
      %get3A_530 = vector.shape_cast %get3A_529 : vector<1x16xf32> to vector<16xf32>
      %add3A_531 = arith.addf %add3A_507, %get3A_530 : vector<16xf32>
      %get3A_532 = arith.constant 21 : i32
      %get3A_533 = arith.index_cast %get3A_532 : i32 to index
      %get3A_534 = arith.constant 0 : index
      %get3A_535 = tpu.vector_load %arg6[%get3A_533, %get3A_534] {strides = array<i32>} : memref<100x64xf32, #tpu.memory_space<vmem>>, vector<1x16xf32>,
      %get3A_536 = vector.shape_cast %get3A_535 : vector<1x16xf32> to vector<16xf32>
      %add3A_537 = arith.addf %add3A_513, %get3A_536 : vector<16xf32>
      %get3A_538 = arith.constant 21 : i32
      %get3A_539 = arith.index_cast %get3A_538 : i32 to index
      %get3A_540 = arith.constant 16 : index
      %get3A_541 = tpu.vector_load %arg6[%get3A_539, %get3A_540] {strides = array<i32>} : memref<100x64xf32, #tpu.memory_space<vmem>>, vector<1x16xf32>,
      %get3A_542 = vector.shape_cast %get3A_541 : vector<1x16xf32> to vector<16xf32>
      %add3A_543 = arith.addf %add3A_519, %get3A_542 : vector<16xf32>
      %get3A_544 = arith.constant 21 : i32
      %get3A_545 = arith.index_cast %get3A_544 : i32 to index
      %get3A_546 = arith.constant 32 : index
      %get3A_547 = tpu.vector_load %arg6[%get3A_545, %get3A_546] {strides = array<i32>} : memref<100x64xf32, #tpu.memory_space<vmem>>, vector<1x16xf32>,
      %get3A_548 = vector.shape_cast %get3A_547 : vector<1x16xf32> to vector<16xf32>
      %add3A_549 = arith.addf %add3A_525, %get3A_548 : vector<16xf32>
      %get3A_550 = arith.constant 21 : i32
      %get3A_551 = arith.index_cast %get3A_550 : i32 to index
      %get3A_552 = arith.constant 48 : index
      %get3A_553 = tpu.vector_load %arg6[%get3A_551, %get3A_552] {strides = array<i32>} : memref<100x64xf32, #tpu.memory_space<vmem>>, vector<1x16xf32>,
      %get3A_554 = vector.shape_cast %get3A_553 : vector<1x16xf32> to vector<16xf32>
      %add3A_555 = arith.addf %add3A_531, %get3A_554 : vector<16xf32>
      %get3A_556 = arith.constant 22 : i32
      %get3A_557 = arith.index_cast %get3A_556 : i32 to index
      %get3A_558 = arith.constant 0 : index
      %get3A_559 = tpu.vector_load %arg6[%get3A_557, %get3A_558] {strides = array<i32>} : memref<100x64xf32, #tpu.memory_space<vmem>>, vector<1x16xf32>,
      %get3A_560 = vector.shape_cast %get3A_559 : vector<1x16xf32> to vector<16xf32>
      %add3A_561 = arith.addf %add3A_537, %get3A_560 : vector<16xf32>
      %get3A_562 = arith.constant 22 : i32
      %get3A_563 = arith.index_cast %get3A_562 : i32 to index
      %get3A_564 = arith.constant 16 : index
      %get3A_565 = tpu.vector_load %arg6[%get3A_563, %get3A_564] {strides = array<i32>} : memref<100x64xf32, #tpu.memory_space<vmem>>, vector<1x16xf32>,
      %get3A_566 = vector.shape_cast %get3A_565 : vector<1x16xf32> to vector<16xf32>
      %add3A_567 = arith.addf %add3A_543, %get3A_566 : vector<16xf32>
      %get3A_568 = arith.constant 22 : i32
      %get3A_569 = arith.index_cast %get3A_568 : i32 to index
      %get3A_570 = arith.constant 32 : index
      %get3A_571 = tpu.vector_load %arg6[%get3A_569, %get3A_570] {strides = array<i32>} : memref<100x64xf32, #tpu.memory_space<vmem>>, vector<1x16xf32>,
      %get3A_572 = vector.shape_cast %get3A_571 : vector<1x16xf32> to vector<16xf32>
      %add3A_573 = arith.addf %add3A_549, %get3A_572 : vector<16xf32>
      %get3A_574 = arith.constant 22 : i32
      %get3A_575 = arith.index_cast %get3A_574 : i32 to index
      %get3A_576 = arith.constant 48 : index
      %get3A_577 = tpu.vector_load %arg6[%get3A_575, %get3A_576] {strides = array<i32>} : memref<100x64xf32, #tpu.memory_space<vmem>>, vector<1x16xf32>,
      %get3A_578 = vector.shape_cast %get3A_577 : vector<1x16xf32> to vector<16xf32>
      %add3A_579 = arith.addf %add3A_555, %get3A_578 : vector<16xf32>
      %get3A_580 = arith.constant 23 : i32
      %get3A_581 = arith.index_cast %get3A_580 : i32 to index
      %get3A_582 = arith.constant 0 : index
      %get3A_583 = tpu.vector_load %arg6[%get3A_581, %get3A_582] {strides = array<i32>} : memref<100x64xf32, #tpu.memory_space<vmem>>, vector<1x16xf32>,
      %get3A_584 = vector.shape_cast %get3A_583 : vector<1x16xf32> to vector<16xf32>
      %add3A_585 = arith.addf %add3A_561, %get3A_584 : vector<16xf32>
      %get3A_586 = arith.constant 23 : i32
      %get3A_587 = arith.index_cast %get3A_586 : i32 to index
      %get3A_588 = arith.constant 16 : index
      %get3A_589 = tpu.vector_load %arg6[%get3A_587, %get3A_588] {strides = array<i32>} : memref<100x64xf32, #tpu.memory_space<vmem>>, vector<1x16xf32>,
      %get3A_590 = vector.shape_cast %get3A_589 : vector<1x16xf32> to vector<16xf32>
      %add3A_591 = arith.addf %add3A_567, %get3A_590 : vector<16xf32>
      %get3A_592 = arith.constant 23 : i32
      %get3A_593 = arith.index_cast %get3A_592 : i32 to index
      %get3A_594 = arith.constant 32 : index
      %get3A_595 = tpu.vector_load %arg6[%get3A_593, %get3A_594] {strides = array<i32>} : memref<100x64xf32, #tpu.memory_space<vmem>>, vector<1x16xf32>,
      %get3A_596 = vector.shape_cast %get3A_595 : vector<1x16xf32> to vector<16xf32>
      %add3A_597 = arith.addf %add3A_573, %get3A_596 : vector<16xf32>
      %get3A_598 = arith.constant 23 : i32
      %get3A_599 = arith.index_cast %get3A_598 : i32 to index
      %get3A_600 = arith.constant 48 : index
      %get3A_601 = tpu.vector_load %arg6[%get3A_599, %get3A_600] {strides = array<i32>} : memref<100x64xf32, #tpu.memory_space<vmem>>, vector<1x16xf32>,
      %get3A_602 = vector.shape_cast %get3A_601 : vector<1x16xf32> to vector<16xf32>
      %add3A_603 = arith.addf %add3A_579, %get3A_602 : vector<16xf32>
      %get3A_604 = arith.constant 24 : i32
      %get3A_605 = arith.index_cast %get3A_604 : i32 to index
      %get3A_606 = arith.constant 0 : index
      %get3A_607 = tpu.vector_load %arg6[%get3A_605, %get3A_606] {strides = array<i32>} : memref<100x64xf32, #tpu.memory_space<vmem>>, vector<1x16xf32>,
      %get3A_608 = vector.shape_cast %get3A_607 : vector<1x16xf32> to vector<16xf32>
      %add3A_609 = arith.addf %add3A_585, %get3A_608 : vector<16xf32>
      %get3A_610 = arith.constant 24 : i32
      %get3A_611 = arith.index_cast %get3A_610 : i32 to index
      %get3A_612 = arith.constant 16 : index
      %get3A_613 = tpu.vector_load %arg6[%get3A_611, %get3A_612] {strides = array<i32>} : memref<100x64xf32, #tpu.memory_space<vmem>>, vector<1x16xf32>,
      %get3A_614 = vector.shape_cast %get3A_613 : vector<1x16xf32> to vector<16xf32>
      %add3A_615 = arith.addf %add3A_591, %get3A_614 : vector<16xf32>
      %get3A_616 = arith.constant 24 : i32
      %get3A_617 = arith.index_cast %get3A_616 : i32 to index
      %get3A_618 = arith.constant 32 : index
      %get3A_619 = tpu.vector_load %arg6[%get3A_617, %get3A_618] {strides = array<i32>} : memref<100x64xf32, #tpu.memory_space<vmem>>, vector<1x16xf32>,
      %get3A_620 = vector.shape_cast %get3A_619 : vector<1x16xf32> to vector<16xf32>
      %add3A_621 = arith.addf %add3A_597, %get3A_620 : vector<16xf32>
      %get3A_622 = arith.constant 24 : i32
      %get3A_623 = arith.index_cast %get3A_622 : i32 to index
      %get3A_624 = arith.constant 48 : index
      %get3A_625 = tpu.vector_load %arg6[%get3A_623, %get3A_624] {strides = array<i32>} : memref<100x64xf32, #tpu.memory_space<vmem>>, vector<1x16xf32>,
      %get3A_626 = vector.shape_cast %get3A_625 : vector<1x16xf32> to vector<16xf32>
      %add3A_627 = arith.addf %add3A_603, %get3A_626 : vector<16xf32>
      %get3A_628 = arith.constant 25 : i32
      %get3A_629 = arith.index_cast %get3A_628 : i32 to index
      %get3A_630 = arith.constant 0 : index
      %get3A_631 = tpu.vector_load %arg6[%get3A_629, %get3A_630] {strides = array<i32>} : memref<100x64xf32, #tpu.memory_space<vmem>>, vector<1x16xf32>,
      %get3A_632 = vector.shape_cast %get3A_631 : vector<1x16xf32> to vector<16xf32>
      %add3A_633 = arith.addf %add3A_609, %get3A_632 : vector<16xf32>
      %get3A_634 = arith.constant 25 : i32
      %get3A_635 = arith.index_cast %get3A_634 : i32 to index
      %get3A_636 = arith.constant 16 : index
      %get3A_637 = tpu.vector_load %arg6[%get3A_635, %get3A_636] {strides = array<i32>} : memref<100x64xf32, #tpu.memory_space<vmem>>, vector<1x16xf32>,
      %get3A_638 = vector.shape_cast %get3A_637 : vector<1x16xf32> to vector<16xf32>
      %add3A_639 = arith.addf %add3A_615, %get3A_638 : vector<16xf32>
      %get3A_640 = arith.constant 25 : i32
      %get3A_641 = arith.index_cast %get3A_640 : i32 to index
      %get3A_642 = arith.constant 32 : index
      %get3A_643 = tpu.vector_load %arg6[%get3A_641, %get3A_642] {strides = array<i32>} : memref<100x64xf32, #tpu.memory_space<vmem>>, vector<1x16xf32>,
      %get3A_644 = vector.shape_cast %get3A_643 : vector<1x16xf32> to vector<16xf32>
      %add3A_645 = arith.addf %add3A_621, %get3A_644 : vector<16xf32>
      %get3A_646 = arith.constant 25 : i32
      %get3A_647 = arith.index_cast %get3A_646 : i32 to index
      %get3A_648 = arith.constant 48 : index
      %get3A_649 = tpu.vector_load %arg6[%get3A_647, %get3A_648] {strides = array<i32>} : memref<100x64xf32, #tpu.memory_space<vmem>>, vector<1x16xf32>,
      %get3A_650 = vector.shape_cast %get3A_649 : vector<1x16xf32> to vector<16xf32>
      %add3A_651 = arith.addf %add3A_627, %get3A_650 : vector<16xf32>
      %get3A_652 = arith.constant 26 : i32
      %get3A_653 = arith.index_cast %get3A_652 : i32 to index
      %get3A_654 = arith.constant 0 : index
      %get3A_655 = tpu.vector_load %arg6[%get3A_653, %get3A_654] {strides = array<i32>} : memref<100x64xf32, #tpu.memory_space<vmem>>, vector<1x16xf32>,
      %get3A_656 = vector.shape_cast %get3A_655 : vector<1x16xf32> to vector<16xf32>
      %add3A_657 = arith.addf %add3A_633, %get3A_656 : vector<16xf32>
      %get3A_658 = arith.constant 26 : i32
      %get3A_659 = arith.index_cast %get3A_658 : i32 to index
      %get3A_660 = arith.constant 16 : index
      %get3A_661 = tpu.vector_load %arg6[%get3A_659, %get3A_660] {strides = array<i32>} : memref<100x64xf32, #tpu.memory_space<vmem>>, vector<1x16xf32>,
      %get3A_662 = vector.shape_cast %get3A_661 : vector<1x16xf32> to vector<16xf32>
      %add3A_663 = arith.addf %add3A_639, %get3A_662 : vector<16xf32>
      %get3A_664 = arith.constant 26 : i32
      %get3A_665 = arith.index_cast %get3A_664 : i32 to index
      %get3A_666 = arith.constant 32 : index
      %get3A_667 = tpu.vector_load %arg6[%get3A_665, %get3A_666] {strides = array<i32>} : memref<100x64xf32, #tpu.memory_space<vmem>>, vector<1x16xf32>,
      %get3A_668 = vector.shape_cast %get3A_667 : vector<1x16xf32> to vector<16xf32>
      %add3A_669 = arith.addf %add3A_645, %get3A_668 : vector<16xf32>
      %get3A_670 = arith.constant 26 : i32
      %get3A_671 = arith.index_cast %get3A_670 : i32 to index
      %get3A_672 = arith.constant 48 : index
      %get3A_673 = tpu.vector_load %arg6[%get3A_671, %get3A_672] {strides = array<i32>} : memref<100x64xf32, #tpu.memory_space<vmem>>, vector<1x16xf32>,
      %get3A_674 = vector.shape_cast %get3A_673 : vector<1x16xf32> to vector<16xf32>
      %add3A_675 = arith.addf %add3A_651, %get3A_674 : vector<16xf32>
      %get3A_676 = arith.constant 27 : i32
      %get3A_677 = arith.index_cast %get3A_676 : i32 to index
      %get3A_678 = arith.constant 0 : index
      %get3A_679 = tpu.vector_load %arg6[%get3A_677, %get3A_678] {strides = array<i32>} : memref<100x64xf32, #tpu.memory_space<vmem>>, vector<1x16xf32>,
      %get3A_680 = vector.shape_cast %get3A_679 : vector<1x16xf32> to vector<16xf32>
      %add3A_681 = arith.addf %add3A_657, %get3A_680 : vector<16xf32>
      %get3A_682 = arith.constant 27 : i32
      %get3A_683 = arith.index_cast %get3A_682 : i32 to index
      %get3A_684 = arith.constant 16 : index
      %get3A_685 = tpu.vector_load %arg6[%get3A_683, %get3A_684] {strides = array<i32>} : memref<100x64xf32, #tpu.memory_space<vmem>>, vector<1x16xf32>,
      %get3A_686 = vector.shape_cast %get3A_685 : vector<1x16xf32> to vector<16xf32>
      %add3A_687 = arith.addf %add3A_663, %get3A_686 : vector<16xf32>
      %get3A_688 = arith.constant 27 : i32
      %get3A_689 = arith.index_cast %get3A_688 : i32 to index
      %get3A_690 = arith.constant 32 : index
      %get3A_691 = tpu.vector_load %arg6[%get3A_689, %get3A_690] {strides = array<i32>} : memref<100x64xf32, #tpu.memory_space<vmem>>, vector<1x16xf32>,
      %get3A_692 = vector.shape_cast %get3A_691 : vector<1x16xf32> to vector<16xf32>
      %add3A_693 = arith.addf %add3A_669, %get3A_692 : vector<16xf32>
      %get3A_694 = arith.constant 27 : i32
      %get3A_695 = arith.index_cast %get3A_694 : i32 to index
      %get3A_696 = arith.constant 48 : index
      %get3A_697 = tpu.vector_load %arg6[%get3A_695, %get3A_696] {strides = array<i32>} : memref<100x64xf32, #tpu.memory_space<vmem>>, vector<1x16xf32>,
      %get3A_698 = vector.shape_cast %get3A_697 : vector<1x16xf32> to vector<16xf32>
      %add3A_699 = arith.addf %add3A_675, %get3A_698 : vector<16xf32>
      %get3A_700 = arith.constant 28 : i32
      %get3A_701 = arith.index_cast %get3A_700 : i32 to index
      %get3A_702 = arith.constant 0 : index
      %get3A_703 = tpu.vector_load %arg6[%get3A_701, %get3A_702] {strides = array<i32>} : memref<100x64xf32, #tpu.memory_space<vmem>>, vector<1x16xf32>,
      %get3A_704 = vector.shape_cast %get3A_703 : vector<1x16xf32> to vector<16xf32>
      %add3A_705 = arith.addf %add3A_681, %get3A_704 : vector<16xf32>
      %get3A_706 = arith.constant 28 : i32
      %get3A_707 = arith.index_cast %get3A_706 : i32 to index
      %get3A_708 = arith.constant 16 : index
      %get3A_709 = tpu.vector_load %arg6[%get3A_707, %get3A_708] {strides = array<i32>} : memref<100x64xf32, #tpu.memory_space<vmem>>, vector<1x16xf32>,
      %get3A_710 = vector.shape_cast %get3A_709 : vector<1x16xf32> to vector<16xf32>
      %add3A_711 = arith.addf %add3A_687, %get3A_710 : vector<16xf32>
      %get3A_712 = arith.constant 28 : i32
      %get3A_713 = arith.index_cast %get3A_712 : i32 to index
      %get3A_714 = arith.constant 32 : index
      %get3A_715 = tpu.vector_load %arg6[%get3A_713, %get3A_714] {strides = array<i32>} : memref<100x64xf32, #tpu.memory_space<vmem>>, vector<1x16xf32>,
      %get3A_716 = vector.shape_cast %get3A_715 : vector<1x16xf32> to vector<16xf32>
      %add3A_717 = arith.addf %add3A_693, %get3A_716 : vector<16xf32>
      %get3A_718 = arith.constant 28 : i32
      %get3A_719 = arith.index_cast %get3A_718 : i32 to index
      %get3A_720 = arith.constant 48 : index
      %get3A_721 = tpu.vector_load %arg6[%get3A_719, %get3A_720] {strides = array<i32>} : memref<100x64xf32, #tpu.memory_space<vmem>>, vector<1x16xf32>,
      %get3A_722 = vector.shape_cast %get3A_721 : vector<1x16xf32> to vector<16xf32>
      %add3A_723 = arith.addf %add3A_699, %get3A_722 : vector<16xf32>
      %get3A_724 = arith.constant 29 : i32
      %get3A_725 = arith.index_cast %get3A_724 : i32 to index
      %get3A_726 = arith.constant 0 : index
      %get3A_727 = tpu.vector_load %arg6[%get3A_725, %get3A_726] {strides = array<i32>} : memref<100x64xf32, #tpu.memory_space<vmem>>, vector<1x16xf32>,
      %get3A_728 = vector.shape_cast %get3A_727 : vector<1x16xf32> to vector<16xf32>
      %add3A_729 = arith.addf %add3A_705, %get3A_728 : vector<16xf32>
      %get3A_730 = arith.constant 29 : i32
      %get3A_731 = arith.index_cast %get3A_730 : i32 to index
      %get3A_732 = arith.constant 16 : index
      %get3A_733 = tpu.vector_load %arg6[%get3A_731, %get3A_732] {strides = array<i32>} : memref<100x64xf32, #tpu.memory_space<vmem>>, vector<1x16xf32>,
      %get3A_734 = vector.shape_cast %get3A_733 : vector<1x16xf32> to vector<16xf32>
      %add3A_735 = arith.addf %add3A_711, %get3A_734 : vector<16xf32>
      %get3A_736 = arith.constant 29 : i32
      %get3A_737 = arith.index_cast %get3A_736 : i32 to index
      %get3A_738 = arith.constant 32 : index
      %get3A_739 = tpu.vector_load %arg6[%get3A_737, %get3A_738] {strides = array<i32>} : memref<100x64xf32, #tpu.memory_space<vmem>>, vector<1x16xf32>,
      %get3A_740 = vector.shape_cast %get3A_739 : vector<1x16xf32> to vector<16xf32>
      %add3A_741 = arith.addf %add3A_717, %get3A_740 : vector<16xf32>
      %get3A_742 = arith.constant 29 : i32
      %get3A_743 = arith.index_cast %get3A_742 : i32 to index
      %get3A_744 = arith.constant 48 : index
      %get3A_745 = tpu.vector_load %arg6[%get3A_743, %get3A_744] {strides = array<i32>} : memref<100x64xf32, #tpu.memory_space<vmem>>, vector<1x16xf32>,
      %get3A_746 = vector.shape_cast %get3A_745 : vector<1x16xf32> to vector<16xf32>
      %add3A_747 = arith.addf %add3A_723, %get3A_746 : vector<16xf32>
      %get3A_748 = arith.constant 30 : i32
      %get3A_749 = arith.index_cast %get3A_748 : i32 to index
      %get3A_750 = arith.constant 0 : index
      %get3A_751 = tpu.vector_load %arg6[%get3A_749, %get3A_750] {strides = array<i32>} : memref<100x64xf32, #tpu.memory_space<vmem>>, vector<1x16xf32>,
      %get3A_752 = vector.shape_cast %get3A_751 : vector<1x16xf32> to vector<16xf32>
      %add3A_753 = arith.addf %add3A_729, %get3A_752 : vector<16xf32>
      %get3A_754 = arith.constant 30 : i32
      %get3A_755 = arith.index_cast %get3A_754 : i32 to index
      %get3A_756 = arith.constant 16 : index
      %get3A_757 = tpu.vector_load %arg6[%get3A_755, %get3A_756] {strides = array<i32>} : memref<100x64xf32, #tpu.memory_space<vmem>>, vector<1x16xf32>,
      %get3A_758 = vector.shape_cast %get3A_757 : vector<1x16xf32> to vector<16xf32>
      %add3A_759 = arith.addf %add3A_735, %get3A_758 : vector<16xf32>
      %get3A_760 = arith.constant 30 : i32
      %get3A_761 = arith.index_cast %get3A_760 : i32 to index
      %get3A_762 = arith.constant 32 : index
      %get3A_763 = tpu.vector_load %arg6[%get3A_761, %get3A_762] {strides = array<i32>} : memref<100x64xf32, #tpu.memory_space<vmem>>, vector<1x16xf32>,
      %get3A_764 = vector.shape_cast %get3A_763 : vector<1x16xf32> to vector<16xf32>
      %add3A_765 = arith.addf %add3A_741, %get3A_764 : vector<16xf32>
      %get3A_766 = arith.constant 30 : i32
      %get3A_767 = arith.index_cast %get3A_766 : i32 to index
      %get3A_768 = arith.constant 48 : index
      %get3A_769 = tpu.vector_load %arg6[%get3A_767, %get3A_768] {strides = array<i32>} : memref<100x64xf32, #tpu.memory_space<vmem>>, vector<1x16xf32>,
      %get3A_770 = vector.shape_cast %get3A_769 : vector<1x16xf32> to vector<16xf32>
      %add3A_771 = arith.addf %add3A_747, %get3A_770 : vector<16xf32>
      %get3A_772 = arith.constant 31 : i32
      %get3A_773 = arith.index_cast %get3A_772 : i32 to index
      %get3A_774 = arith.constant 0 : index
      %get3A_775 = tpu.vector_load %arg6[%get3A_773, %get3A_774] {strides = array<i32>} : memref<100x64xf32, #tpu.memory_space<vmem>>, vector<1x16xf32>,
      %get3A_776 = vector.shape_cast %get3A_775 : vector<1x16xf32> to vector<16xf32>
      %add3A_777 = arith.addf %add3A_753, %get3A_776 : vector<16xf32>
      %get3A_778 = arith.constant 31 : i32
      %get3A_779 = arith.index_cast %get3A_778 : i32 to index
      %get3A_780 = arith.constant 16 : index
      %get3A_781 = tpu.vector_load %arg6[%get3A_779, %get3A_780] {strides = array<i32>} : memref<100x64xf32, #tpu.memory_space<vmem>>, vector<1x16xf32>,
      %get3A_782 = vector.shape_cast %get3A_781 : vector<1x16xf32> to vector<16xf32>
      %add3A_783 = arith.addf %add3A_759, %get3A_782 : vector<16xf32>
      %get3A_784 = arith.constant 31 : i32
      %get3A_785 = arith.index_cast %get3A_784 : i32 to index
      %get3A_786 = arith.constant 32 : index
      %get3A_787 = tpu.vector_load %arg6[%get3A_785, %get3A_786] {strides = array<i32>} : memref<100x64xf32, #tpu.memory_space<vmem>>, vector<1x16xf32>,
      %get3A_788 = vector.shape_cast %get3A_787 : vector<1x16xf32> to vector<16xf32>
      %add3A_789 = arith.addf %add3A_765, %get3A_788 : vector<16xf32>
      %get3A_790 = arith.constant 31 : i32
      %get3A_791 = arith.index_cast %get3A_790 : i32 to index
      %get3A_792 = arith.constant 48 : index
      %get3A_793 = tpu.vector_load %arg6[%get3A_791, %get3A_792] {strides = array<i32>} : memref<100x64xf32, #tpu.memory_space<vmem>>, vector<1x16xf32>,
      %get3A_794 = vector.shape_cast %get3A_793 : vector<1x16xf32> to vector<16xf32>
      %add3A_795 = arith.addf %add3A_771, %get3A_794 : vector<16xf32>
      %get3A_796 = arith.constant 32 : i32
      %get3A_797 = arith.index_cast %get3A_796 : i32 to index
      %get3A_798 = arith.constant 0 : index
      %get3A_799 = tpu.vector_load %arg6[%get3A_797, %get3A_798] {strides = array<i32>} : memref<100x64xf32, #tpu.memory_space<vmem>>, vector<1x16xf32>,
      %get3A_800 = vector.shape_cast %get3A_799 : vector<1x16xf32> to vector<16xf32>
      %add3A_801 = arith.addf %add3A_777, %get3A_800 : vector<16xf32>
      %get3A_802 = arith.constant 32 : i32
      %get3A_803 = arith.index_cast %get3A_802 : i32 to index
      %get3A_804 = arith.constant 16 : index
      %get3A_805 = tpu.vector_load %arg6[%get3A_803, %get3A_804] {strides = array<i32>} : memref<100x64xf32, #tpu.memory_space<vmem>>, vector<1x16xf32>,
      %get3A_806 = vector.shape_cast %get3A_805 : vector<1x16xf32> to vector<16xf32>
      %add3A_807 = arith.addf %add3A_783, %get3A_806 : vector<16xf32>
      %get3A_808 = arith.constant 32 : i32
      %get3A_809 = arith.index_cast %get3A_808 : i32 to index
      %get3A_810 = arith.constant 32 : index
      %get3A_811 = tpu.vector_load %arg6[%get3A_809, %get3A_810] {strides = array<i32>} : memref<100x64xf32, #tpu.memory_space<vmem>>, vector<1x16xf32>,
      %get3A_812 = vector.shape_cast %get3A_811 : vector<1x16xf32> to vector<16xf32>
      %add3A_813 = arith.addf %add3A_789, %get3A_812 : vector<16xf32>
      %get3A_814 = arith.constant 32 : i32
      %get3A_815 = arith.index_cast %get3A_814 : i32 to index
      %get3A_816 = arith.constant 48 : index
      %get3A_817 = tpu.vector_load %arg6[%get3A_815, %get3A_816] {strides = array<i32>} : memref<100x64xf32, #tpu.memory_space<vmem>>, vector<1x16xf32>,
      %get3A_818 = vector.shape_cast %get3A_817 : vector<1x16xf32> to vector<16xf32>
      %add3A_819 = arith.addf %add3A_795, %get3A_818 : vector<16xf32>
      %get3A_820 = arith.constant 33 : i32
      %get3A_821 = arith.index_cast %get3A_820 : i32 to index
      %get3A_822 = arith.constant 0 : index
      %get3A_823 = tpu.vector_load %arg6[%get3A_821, %get3A_822] {strides = array<i32>} : memref<100x64xf32, #tpu.memory_space<vmem>>, vector<1x16xf32>,
      %get3A_824 = vector.shape_cast %get3A_823 : vector<1x16xf32> to vector<16xf32>
      %add3A_825 = arith.addf %add3A_801, %get3A_824 : vector<16xf32>
      %get3A_826 = arith.constant 33 : i32
      %get3A_827 = arith.index_cast %get3A_826 : i32 to index
      %get3A_828 = arith.constant 16 : index
      %get3A_829 = tpu.vector_load %arg6[%get3A_827, %get3A_828] {strides = array<i32>} : memref<100x64xf32, #tpu.memory_space<vmem>>, vector<1x16xf32>,
      %get3A_830 = vector.shape_cast %get3A_829 : vector<1x16xf32> to vector<16xf32>
      %add3A_831 = arith.addf %add3A_807, %get3A_830 : vector<16xf32>
      %get3A_832 = arith.constant 33 : i32
      %get3A_833 = arith.index_cast %get3A_832 : i32 to index
      %get3A_834 = arith.constant 32 : index
      %get3A_835 = tpu.vector_load %arg6[%get3A_833, %get3A_834] {strides = array<i32>} : memref<100x64xf32, #tpu.memory_space<vmem>>, vector<1x16xf32>,
      %get3A_836 = vector.shape_cast %get3A_835 : vector<1x16xf32> to vector<16xf32>
      %add3A_837 = arith.addf %add3A_813, %get3A_836 : vector<16xf32>
      %get3A_838 = arith.constant 33 : i32
      %get3A_839 = arith.index_cast %get3A_838 : i32 to index
      %get3A_840 = arith.constant 48 : index
      %get3A_841 = tpu.vector_load %arg6[%get3A_839, %get3A_840] {strides = array<i32>} : memref<100x64xf32, #tpu.memory_space<vmem>>, vector<1x16xf32>,
      %get3A_842 = vector.shape_cast %get3A_841 : vector<1x16xf32> to vector<16xf32>
      %add3A_843 = arith.addf %add3A_819, %get3A_842 : vector<16xf32>
      %get3A_844 = arith.constant 34 : i32
      %get3A_845 = arith.index_cast %get3A_844 : i32 to index
      %get3A_846 = arith.constant 0 : index
      %get3A_847 = tpu.vector_load %arg6[%get3A_845, %get3A_846] {strides = array<i32>} : memref<100x64xf32, #tpu.memory_space<vmem>>, vector<1x16xf32>,
      %get3A_848 = vector.shape_cast %get3A_847 : vector<1x16xf32> to vector<16xf32>
      %add3A_849 = arith.addf %add3A_825, %get3A_848 : vector<16xf32>
      %get3A_850 = arith.constant 34 : i32
      %get3A_851 = arith.index_cast %get3A_850 : i32 to index
      %get3A_852 = arith.constant 16 : index
      %get3A_853 = tpu.vector_load %arg6[%get3A_851, %get3A_852] {strides = array<i32>} : memref<100x64xf32, #tpu.memory_space<vmem>>, vector<1x16xf32>,
      %get3A_854 = vector.shape_cast %get3A_853 : vector<1x16xf32> to vector<16xf32>
      %add3A_855 = arith.addf %add3A_831, %get3A_854 : vector<16xf32>
      %get3A_856 = arith.constant 34 : i32
      %get3A_857 = arith.index_cast %get3A_856 : i32 to index
      %get3A_858 = arith.constant 32 : index
      %get3A_859 = tpu.vector_load %arg6[%get3A_857, %get3A_858] {strides = array<i32>} : memref<100x64xf32, #tpu.memory_space<vmem>>, vector<1x16xf32>,
      %get3A_860 = vector.shape_cast %get3A_859 : vector<1x16xf32> to vector<16xf32>
      %add3A_861 = arith.addf %add3A_837, %get3A_860 : vector<16xf32>
      %get3A_862 = arith.constant 34 : i32
      %get3A_863 = arith.index_cast %get3A_862 : i32 to index
      %get3A_864 = arith.constant 48 : index
      %get3A_865 = tpu.vector_load %arg6[%get3A_863, %get3A_864] {strides = array<i32>} : memref<100x64xf32, #tpu.memory_space<vmem>>, vector<1x16xf32>,
      %get3A_866 = vector.shape_cast %get3A_865 : vector<1x16xf32> to vector<16xf32>
      %add3A_867 = arith.addf %add3A_843, %get3A_866 : vector<16xf32>
      %get3A_868 = arith.constant 35 : i32
      %get3A_869 = arith.index_cast %get3A_868 : i32 to index
      %get3A_870 = arith.constant 0 : index
      %get3A_871 = tpu.vector_load %arg6[%get3A_869, %get3A_870] {strides = array<i32>} : memref<100x64xf32, #tpu.memory_space<vmem>>, vector<1x16xf32>,
      %get3A_872 = vector.shape_cast %get3A_871 : vector<1x16xf32> to vector<16xf32>
      %add3A_873 = arith.addf %add3A_849, %get3A_872 : vector<16xf32>
      %get3A_874 = arith.constant 35 : i32
      %get3A_875 = arith.index_cast %get3A_874 : i32 to index
      %get3A_876 = arith.constant 16 : index
      %get3A_877 = tpu.vector_load %arg6[%get3A_875, %get3A_876] {strides = array<i32>} : memref<100x64xf32, #tpu.memory_space<vmem>>, vector<1x16xf32>,
      %get3A_878 = vector.shape_cast %get3A_877 : vector<1x16xf32> to vector<16xf32>
      %add3A_879 = arith.addf %add3A_855, %get3A_878 : vector<16xf32>
      %get3A_880 = arith.constant 35 : i32
      %get3A_881 = arith.index_cast %get3A_880 : i32 to index
      %get3A_882 = arith.constant 32 : index
      %get3A_883 = tpu.vector_load %arg6[%get3A_881, %get3A_882] {strides = array<i32>} : memref<100x64xf32, #tpu.memory_space<vmem>>, vector<1x16xf32>,
      %get3A_884 = vector.shape_cast %get3A_883 : vector<1x16xf32> to vector<16xf32>
      %add3A_885 = arith.addf %add3A_861, %get3A_884 : vector<16xf32>
      %get3A_886 = arith.constant 35 : i32
      %get3A_887 = arith.index_cast %get3A_886 : i32 to index
      %get3A_888 = arith.constant 48 : index
      %get3A_889 = tpu.vector_load %arg6[%get3A_887, %get3A_888] {strides = array<i32>} : memref<100x64xf32, #tpu.memory_space<vmem>>, vector<1x16xf32>,
      %get3A_890 = vector.shape_cast %get3A_889 : vector<1x16xf32> to vector<16xf32>
      %add3A_891 = arith.addf %add3A_867, %get3A_890 : vector<16xf32>
      %get3A_892 = arith.constant 36 : i32
      %get3A_893 = arith.index_cast %get3A_892 : i32 to index
      %get3A_894 = arith.constant 0 : index
      %get3A_895 = tpu.vector_load %arg6[%get3A_893, %get3A_894] {strides = array<i32>} : memref<100x64xf32, #tpu.memory_space<vmem>>, vector<1x16xf32>,
      %get3A_896 = vector.shape_cast %get3A_895 : vector<1x16xf32> to vector<16xf32>
      %add3A_897 = arith.addf %add3A_873, %get3A_896 : vector<16xf32>
      %get3A_898 = arith.constant 36 : i32
      %get3A_899 = arith.index_cast %get3A_898 : i32 to index
      %get3A_900 = arith.constant 16 : index
      %get3A_901 = tpu.vector_load %arg6[%get3A_899, %get3A_900] {strides = array<i32>} : memref<100x64xf32, #tpu.memory_space<vmem>>, vector<1x16xf32>,
      %get3A_902 = vector.shape_cast %get3A_901 : vector<1x16xf32> to vector<16xf32>
      %add3A_903 = arith.addf %add3A_879, %get3A_902 : vector<16xf32>
      %get3A_904 = arith.constant 36 : i32
      %get3A_905 = arith.index_cast %get3A_904 : i32 to index
      %get3A_906 = arith.constant 32 : index
      %get3A_907 = tpu.vector_load %arg6[%get3A_905, %get3A_906] {strides = array<i32>} : memref<100x64xf32, #tpu.memory_space<vmem>>, vector<1x16xf32>,
      %get3A_908 = vector.shape_cast %get3A_907 : vector<1x16xf32> to vector<16xf32>
      %add3A_909 = arith.addf %add3A_885, %get3A_908 : vector<16xf32>
      %get3A_910 = arith.constant 36 : i32
      %get3A_911 = arith.index_cast %get3A_910 : i32 to index
      %get3A_912 = arith.constant 48 : index
      %get3A_913 = tpu.vector_load %arg6[%get3A_911, %get3A_912] {strides = array<i32>} : memref<100x64xf32, #tpu.memory_space<vmem>>, vector<1x16xf32>,
      %get3A_914 = vector.shape_cast %get3A_913 : vector<1x16xf32> to vector<16xf32>
      %add3A_915 = arith.addf %add3A_891, %get3A_914 : vector<16xf32>
      %get3A_916 = arith.constant 37 : i32
      %get3A_917 = arith.index_cast %get3A_916 : i32 to index
      %get3A_918 = arith.constant 0 : index
      %get3A_919 = tpu.vector_load %arg6[%get3A_917, %get3A_918] {strides = array<i32>} : memref<100x64xf32, #tpu.memory_space<vmem>>, vector<1x16xf32>,
      %get3A_920 = vector.shape_cast %get3A_919 : vector<1x16xf32> to vector<16xf32>
      %add3A_921 = arith.addf %add3A_897, %get3A_920 : vector<16xf32>
      %get3A_922 = arith.constant 37 : i32
      %get3A_923 = arith.index_cast %get3A_922 : i32 to index
      %get3A_924 = arith.constant 16 : index
      %get3A_925 = tpu.vector_load %arg6[%get3A_923, %get3A_924] {strides = array<i32>} : memref<100x64xf32, #tpu.memory_space<vmem>>, vector<1x16xf32>,
      %get3A_926 = vector.shape_cast %get3A_925 : vector<1x16xf32> to vector<16xf32>
      %add3A_927 = arith.addf %add3A_903, %get3A_926 : vector<16xf32>
      %get3A_928 = arith.constant 37 : i32
      %get3A_929 = arith.index_cast %get3A_928 : i32 to index
      %get3A_930 = arith.constant 32 : index
      %get3A_931 = tpu.vector_load %arg6[%get3A_929, %get3A_930] {strides = array<i32>} : memref<100x64xf32, #tpu.memory_space<vmem>>, vector<1x16xf32>,
      %get3A_932 = vector.shape_cast %get3A_931 : vector<1x16xf32> to vector<16xf32>
      %add3A_933 = arith.addf %add3A_909, %get3A_932 : vector<16xf32>
      %get3A_934 = arith.constant 37 : i32
      %get3A_935 = arith.index_cast %get3A_934 : i32 to index
      %get3A_936 = arith.constant 48 : index
      %get3A_937 = tpu.vector_load %arg6[%get3A_935, %get3A_936] {strides = array<i32>} : memref<100x64xf32, #tpu.memory_space<vmem>>, vector<1x16xf32>,
      %get3A_938 = vector.shape_cast %get3A_937 : vector<1x16xf32> to vector<16xf32>
      %add3A_939 = arith.addf %add3A_915, %get3A_938 : vector<16xf32>
      %get3A_940 = arith.constant 38 : i32
      %get3A_941 = arith.index_cast %get3A_940 : i32 to index
      %get3A_942 = arith.constant 0 : index
      %get3A_943 = tpu.vector_load %arg6[%get3A_941, %get3A_942] {strides = array<i32>} : memref<100x64xf32, #tpu.memory_space<vmem>>, vector<1x16xf32>,
      %get3A_944 = vector.shape_cast %get3A_943 : vector<1x16xf32> to vector<16xf32>
      %add3A_945 = arith.addf %add3A_921, %get3A_944 : vector<16xf32>
      %get3A_946 = arith.constant 38 : i32
      %get3A_947 = arith.index_cast %get3A_946 : i32 to index
      %get3A_948 = arith.constant 16 : index
      %get3A_949 = tpu.vector_load %arg6[%get3A_947, %get3A_948] {strides = array<i32>} : memref<100x64xf32, #tpu.memory_space<vmem>>, vector<1x16xf32>,
      %get3A_950 = vector.shape_cast %get3A_949 : vector<1x16xf32> to vector<16xf32>
      %add3A_951 = arith.addf %add3A_927, %get3A_950 : vector<16xf32>
      %get3A_952 = arith.constant 38 : i32
      %get3A_953 = arith.index_cast %get3A_952 : i32 to index
      %get3A_954 = arith.constant 32 : index
      %get3A_955 = tpu.vector_load %arg6[%get3A_953, %get3A_954] {strides = array<i32>} : memref<100x64xf32, #tpu.memory_space<vmem>>, vector<1x16xf32>,
      %get3A_956 = vector.shape_cast %get3A_955 : vector<1x16xf32> to vector<16xf32>
      %add3A_957 = arith.addf %add3A_933, %get3A_956 : vector<16xf32>
      %get3A_958 = arith.constant 38 : i32
      %get3A_959 = arith.index_cast %get3A_958 : i32 to index
      %get3A_960 = arith.constant 48 : index
      %get3A_961 = tpu.vector_load %arg6[%get3A_959, %get3A_960] {strides = array<i32>} : memref<100x64xf32, #tpu.memory_space<vmem>>, vector<1x16xf32>,
      %get3A_962 = vector.shape_cast %get3A_961 : vector<1x16xf32> to vector<16xf32>
      %add3A_963 = arith.addf %add3A_939, %get3A_962 : vector<16xf32>
      %get3A_964 = arith.constant 39 : i32
      %get3A_965 = arith.index_cast %get3A_964 : i32 to index
      %get3A_966 = arith.constant 0 : index
      %get3A_967 = tpu.vector_load %arg6[%get3A_965, %get3A_966] {strides = array<i32>} : memref<100x64xf32, #tpu.memory_space<vmem>>, vector<1x16xf32>,
      %get3A_968 = vector.shape_cast %get3A_967 : vector<1x16xf32> to vector<16xf32>
      %add3A_969 = arith.addf %add3A_945, %get3A_968 : vector<16xf32>
      %get3A_970 = arith.constant 39 : i32
      %get3A_971 = arith.index_cast %get3A_970 : i32 to index
      %get3A_972 = arith.constant 16 : index
      %get3A_973 = tpu.vector_load %arg6[%get3A_971, %get3A_972] {strides = array<i32>} : memref<100x64xf32, #tpu.memory_space<vmem>>, vector<1x16xf32>,
      %get3A_974 = vector.shape_cast %get3A_973 : vector<1x16xf32> to vector<16xf32>
      %add3A_975 = arith.addf %add3A_951, %get3A_974 : vector<16xf32>
      %get3A_976 = arith.constant 39 : i32
      %get3A_977 = arith.index_cast %get3A_976 : i32 to index
      %get3A_978 = arith.constant 32 : index
      %get3A_979 = tpu.vector_load %arg6[%get3A_977, %get3A_978] {strides = array<i32>} : memref<100x64xf32, #tpu.memory_space<vmem>>, vector<1x16xf32>,
      %get3A_980 = vector.shape_cast %get3A_979 : vector<1x16xf32> to vector<16xf32>
      %add3A_981 = arith.addf %add3A_957, %get3A_980 : vector<16xf32>
      %get3A_982 = arith.constant 39 : i32
      %get3A_983 = arith.index_cast %get3A_982 : i32 to index
      %get3A_984 = arith.constant 48 : index
      %get3A_985 = tpu.vector_load %arg6[%get3A_983, %get3A_984] {strides = array<i32>} : memref<100x64xf32, #tpu.memory_space<vmem>>, vector<1x16xf32>,
      %get3A_986 = vector.shape_cast %get3A_985 : vector<1x16xf32> to vector<16xf32>
      %add3A_987 = arith.addf %add3A_963, %get3A_986 : vector<16xf32>
      %get3A_988 = arith.constant 40 : i32
      %get3A_989 = arith.index_cast %get3A_988 : i32 to index
      %get3A_990 = arith.constant 0 : index
      %get3A_991 = tpu.vector_load %arg6[%get3A_989, %get3A_990] {strides = array<i32>} : memref<100x64xf32, #tpu.memory_space<vmem>>, vector<1x16xf32>,
      %get3A_992 = vector.shape_cast %get3A_991 : vector<1x16xf32> to vector<16xf32>
      %add3A_993 = arith.addf %add3A_969, %get3A_992 : vector<16xf32>
      %get3A_994 = arith.constant 40 : i32
      %get3A_995 = arith.index_cast %get3A_994 : i32 to index
      %get3A_996 = arith.constant 16 : index
      %get3A_997 = tpu.vector_load %arg6[%get3A_995, %get3A_996] {strides = array<i32>} : memref<100x64xf32, #tpu.memory_space<vmem>>, vector<1x16xf32>,
      %get3A_998 = vector.shape_cast %get3A_997 : vector<1x16xf32> to vector<16xf32>
      %add3A_999 = arith.addf %add3A_975, %get3A_998 : vector<16xf32>
      %get3A_1000 = arith.constant 40 : i32
      %get3A_1001 = arith.index_cast %get3A_1000 : i32 to index
      %get3A_1002 = arith.constant 32 : index
      %get3A_1003 = tpu.vector_load %arg6[%get3A_1001, %get3A_1002] {strides = array<i32>} : memref<100x64xf32, #tpu.memory_space<vmem>>, vector<1x16xf32>,
      %get3A_1004 = vector.shape_cast %get3A_1003 : vector<1x16xf32> to vector<16xf32>
      %add3A_1005 = arith.addf %add3A_981, %get3A_1004 : vector<16xf32>
      %get3A_1006 = arith.constant 40 : i32
      %get3A_1007 = arith.index_cast %get3A_1006 : i32 to index
      %get3A_1008 = arith.constant 48 : index
      %get3A_1009 = tpu.vector_load %arg6[%get3A_1007, %get3A_1008] {strides = array<i32>} : memref<100x64xf32, #tpu.memory_space<vmem>>, vector<1x16xf32>,
      %get3A_1010 = vector.shape_cast %get3A_1009 : vector<1x16xf32> to vector<16xf32>
      %add3A_1011 = arith.addf %add3A_987, %get3A_1010 : vector<16xf32>
      %get3A_1012 = arith.constant 41 : i32
      %get3A_1013 = arith.index_cast %get3A_1012 : i32 to index
      %get3A_1014 = arith.constant 0 : index
      %get3A_1015 = tpu.vector_load %arg6[%get3A_1013, %get3A_1014] {strides = array<i32>} : memref<100x64xf32, #tpu.memory_space<vmem>>, vector<1x16xf32>,
      %get3A_1016 = vector.shape_cast %get3A_1015 : vector<1x16xf32> to vector<16xf32>
      %add3A_1017 = arith.addf %add3A_993, %get3A_1016 : vector<16xf32>
      %get3A_1018 = arith.constant 41 : i32
      %get3A_1019 = arith.index_cast %get3A_1018 : i32 to index
      %get3A_1020 = arith.constant 16 : index
      %get3A_1021 = tpu.vector_load %arg6[%get3A_1019, %get3A_1020] {strides = array<i32>} : memref<100x64xf32, #tpu.memory_space<vmem>>, vector<1x16xf32>,
      %get3A_1022 = vector.shape_cast %get3A_1021 : vector<1x16xf32> to vector<16xf32>
      %add3A_1023 = arith.addf %add3A_999, %get3A_1022 : vector<16xf32>
      %get3A_1024 = arith.constant 41 : i32
      %get3A_1025 = arith.index_cast %get3A_1024 : i32 to index
      %get3A_1026 = arith.constant 32 : index
      %get3A_1027 = tpu.vector_load %arg6[%get3A_1025, %get3A_1026] {strides = array<i32>} : memref<100x64xf32, #tpu.memory_space<vmem>>, vector<1x16xf32>,
      %get3A_1028 = vector.shape_cast %get3A_1027 : vector<1x16xf32> to vector<16xf32>
      %add3A_1029 = arith.addf %add3A_1005, %get3A_1028 : vector<16xf32>
      %get3A_1030 = arith.constant 41 : i32
      %get3A_1031 = arith.index_cast %get3A_1030 : i32 to index
      %get3A_1032 = arith.constant 48 : index
      %get3A_1033 = tpu.vector_load %arg6[%get3A_1031, %get3A_1032] {strides = array<i32>} : memref<100x64xf32, #tpu.memory_space<vmem>>, vector<1x16xf32>,
      %get3A_1034 = vector.shape_cast %get3A_1033 : vector<1x16xf32> to vector<16xf32>
      %add3A_1035 = arith.addf %add3A_1011, %get3A_1034 : vector<16xf32>
      %get3A_1036 = arith.constant 42 : i32
      %get3A_1037 = arith.index_cast %get3A_1036 : i32 to index
      %get3A_1038 = arith.constant 0 : index
      %get3A_1039 = tpu.vector_load %arg6[%get3A_1037, %get3A_1038] {strides = array<i32>} : memref<100x64xf32, #tpu.memory_space<vmem>>, vector<1x16xf32>,
      %get3A_1040 = vector.shape_cast %get3A_1039 : vector<1x16xf32> to vector<16xf32>
      %add3A_1041 = arith.addf %add3A_1017, %get3A_1040 : vector<16xf32>
      %get3A_1042 = arith.constant 42 : i32
      %get3A_1043 = arith.index_cast %get3A_1042 : i32 to index
      %get3A_1044 = arith.constant 16 : index
      %get3A_1045 = tpu.vector_load %arg6[%get3A_1043, %get3A_1044] {strides = array<i32>} : memref<100x64xf32, #tpu.memory_space<vmem>>, vector<1x16xf32>,
      %get3A_1046 = vector.shape_cast %get3A_1045 : vector<1x16xf32> to vector<16xf32>
      %add3A_1047 = arith.addf %add3A_1023, %get3A_1046 : vector<16xf32>
      %get3A_1048 = arith.constant 42 : i32
      %get3A_1049 = arith.index_cast %get3A_1048 : i32 to index
      %get3A_1050 = arith.constant 32 : index
      %get3A_1051 = tpu.vector_load %arg6[%get3A_1049, %get3A_1050] {strides = array<i32>} : memref<100x64xf32, #tpu.memory_space<vmem>>, vector<1x16xf32>,
      %get3A_1052 = vector.shape_cast %get3A_1051 : vector<1x16xf32> to vector<16xf32>
      %add3A_1053 = arith.addf %add3A_1029, %get3A_1052 : vector<16xf32>
      %get3A_1054 = arith.constant 42 : i32
      %get3A_1055 = arith.index_cast %get3A_1054 : i32 to index
      %get3A_1056 = arith.constant 48 : index
      %get3A_1057 = tpu.vector_load %arg6[%get3A_1055, %get3A_1056] {strides = array<i32>} : memref<100x64xf32, #tpu.memory_space<vmem>>, vector<1x16xf32>,
      %get3A_1058 = vector.shape_cast %get3A_1057 : vector<1x16xf32> to vector<16xf32>
      %add3A_1059 = arith.addf %add3A_1035, %get3A_1058 : vector<16xf32>
      %get3A_1060 = arith.constant 43 : i32
      %get3A_1061 = arith.index_cast %get3A_1060 : i32 to index
      %get3A_1062 = arith.constant 0 : index
      %get3A_1063 = tpu.vector_load %arg6[%get3A_1061, %get3A_1062] {strides = array<i32>} : memref<100x64xf32, #tpu.memory_space<vmem>>, vector<1x16xf32>,
      %get3A_1064 = vector.shape_cast %get3A_1063 : vector<1x16xf32> to vector<16xf32>
      %add3A_1065 = arith.addf %add3A_1041, %get3A_1064 : vector<16xf32>
      %get3A_1066 = arith.constant 43 : i32
      %get3A_1067 = arith.index_cast %get3A_1066 : i32 to index
      %get3A_1068 = arith.constant 16 : index
      %get3A_1069 = tpu.vector_load %arg6[%get3A_1067, %get3A_1068] {strides = array<i32>} : memref<100x64xf32, #tpu.memory_space<vmem>>, vector<1x16xf32>,
      %get3A_1070 = vector.shape_cast %get3A_1069 : vector<1x16xf32> to vector<16xf32>
      %add3A_1071 = arith.addf %add3A_1047, %get3A_1070 : vector<16xf32>
      %get3A_1072 = arith.constant 43 : i32
      %get3A_1073 = arith.index_cast %get3A_1072 : i32 to index
      %get3A_1074 = arith.constant 32 : index
      %get3A_1075 = tpu.vector_load %arg6[%get3A_1073, %get3A_1074] {strides = array<i32>} : memref<100x64xf32, #tpu.memory_space<vmem>>, vector<1x16xf32>,
      %get3A_1076 = vector.shape_cast %get3A_1075 : vector<1x16xf32> to vector<16xf32>
      %add3A_1077 = arith.addf %add3A_1053, %get3A_1076 : vector<16xf32>
      %get3A_1078 = arith.constant 43 : i32
      %get3A_1079 = arith.index_cast %get3A_1078 : i32 to index
      %get3A_1080 = arith.constant 48 : index
      %get3A_1081 = tpu.vector_load %arg6[%get3A_1079, %get3A_1080] {strides = array<i32>} : memref<100x64xf32, #tpu.memory_space<vmem>>, vector<1x16xf32>,
      %get3A_1082 = vector.shape_cast %get3A_1081 : vector<1x16xf32> to vector<16xf32>
      %add3A_1083 = arith.addf %add3A_1059, %get3A_1082 : vector<16xf32>
      %get3A_1084 = arith.constant 44 : i32
      %get3A_1085 = arith.index_cast %get3A_1084 : i32 to index
      %get3A_1086 = arith.constant 0 : index
      %get3A_1087 = tpu.vector_load %arg6[%get3A_1085, %get3A_1086] {strides = array<i32>} : memref<100x64xf32, #tpu.memory_space<vmem>>, vector<1x16xf32>,
      %get3A_1088 = vector.shape_cast %get3A_1087 : vector<1x16xf32> to vector<16xf32>
      %add3A_1089 = arith.addf %add3A_1065, %get3A_1088 : vector<16xf32>
      %get3A_1090 = arith.constant 44 : i32
      %get3A_1091 = arith.index_cast %get3A_1090 : i32 to index
      %get3A_1092 = arith.constant 16 : index
      %get3A_1093 = tpu.vector_load %arg6[%get3A_1091, %get3A_1092] {strides = array<i32>} : memref<100x64xf32, #tpu.memory_space<vmem>>, vector<1x16xf32>,
      %get3A_1094 = vector.shape_cast %get3A_1093 : vector<1x16xf32> to vector<16xf32>
      %add3A_1095 = arith.addf %add3A_1071, %get3A_1094 : vector<16xf32>
      %get3A_1096 = arith.constant 44 : i32
      %get3A_1097 = arith.index_cast %get3A_1096 : i32 to index
      %get3A_1098 = arith.constant 32 : index
      %get3A_1099 = tpu.vector_load %arg6[%get3A_1097, %get3A_1098] {strides = array<i32>} : memref<100x64xf32, #tpu.memory_space<vmem>>, vector<1x16xf32>,
      %get3A_1100 = vector.shape_cast %get3A_1099 : vector<1x16xf32> to vector<16xf32>
      %add3A_1101 = arith.addf %add3A_1077, %get3A_1100 : vector<16xf32>
      %get3A_1102 = arith.constant 44 : i32
      %get3A_1103 = arith.index_cast %get3A_1102 : i32 to index
      %get3A_1104 = arith.constant 48 : index
      %get3A_1105 = tpu.vector_load %arg6[%get3A_1103, %get3A_1104] {strides = array<i32>} : memref<100x64xf32, #tpu.memory_space<vmem>>, vector<1x16xf32>,
      %get3A_1106 = vector.shape_cast %get3A_1105 : vector<1x16xf32> to vector<16xf32>
      %add3A_1107 = arith.addf %add3A_1083, %get3A_1106 : vector<16xf32>
      %get3A_1108 = arith.constant 45 : i32
      %get3A_1109 = arith.index_cast %get3A_1108 : i32 to index
      %get3A_1110 = arith.constant 0 : index
      %get3A_1111 = tpu.vector_load %arg6[%get3A_1109, %get3A_1110] {strides = array<i32>} : memref<100x64xf32, #tpu.memory_space<vmem>>, vector<1x16xf32>,
      %get3A_1112 = vector.shape_cast %get3A_1111 : vector<1x16xf32> to vector<16xf32>
      %add3A_1113 = arith.addf %add3A_1089, %get3A_1112 : vector<16xf32>
      %get3A_1114 = arith.constant 45 : i32
      %get3A_1115 = arith.index_cast %get3A_1114 : i32 to index
      %get3A_1116 = arith.constant 16 : index
      %get3A_1117 = tpu.vector_load %arg6[%get3A_1115, %get3A_1116] {strides = array<i32>} : memref<100x64xf32, #tpu.memory_space<vmem>>, vector<1x16xf32>,
      %get3A_1118 = vector.shape_cast %get3A_1117 : vector<1x16xf32> to vector<16xf32>
      %add3A_1119 = arith.addf %add3A_1095, %get3A_1118 : vector<16xf32>
      %get3A_1120 = arith.constant 45 : i32
      %get3A_1121 = arith.index_cast %get3A_1120 : i32 to index
      %get3A_1122 = arith.constant 32 : index
      %get3A_1123 = tpu.vector_load %arg6[%get3A_1121, %get3A_1122] {strides = array<i32>} : memref<100x64xf32, #tpu.memory_space<vmem>>, vector<1x16xf32>,
      %get3A_1124 = vector.shape_cast %get3A_1123 : vector<1x16xf32> to vector<16xf32>
      %add3A_1125 = arith.addf %add3A_1101, %get3A_1124 : vector<16xf32>
      %get3A_1126 = arith.constant 45 : i32
      %get3A_1127 = arith.index_cast %get3A_1126 : i32 to index
      %get3A_1128 = arith.constant 48 : index
      %get3A_1129 = tpu.vector_load %arg6[%get3A_1127, %get3A_1128] {strides = array<i32>} : memref<100x64xf32, #tpu.memory_space<vmem>>, vector<1x16xf32>,
      %get3A_1130 = vector.shape_cast %get3A_1129 : vector<1x16xf32> to vector<16xf32>
      %add3A_1131 = arith.addf %add3A_1107, %get3A_1130 : vector<16xf32>
      %get3A_1132 = arith.constant 46 : i32
      %get3A_1133 = arith.index_cast %get3A_1132 : i32 to index
      %get3A_1134 = arith.constant 0 : index
      %get3A_1135 = tpu.vector_load %arg6[%get3A_1133, %get3A_1134] {strides = array<i32>} : memref<100x64xf32, #tpu.memory_space<vmem>>, vector<1x16xf32>,
      %get3A_1136 = vector.shape_cast %get3A_1135 : vector<1x16xf32> to vector<16xf32>
      %add3A_1137 = arith.addf %add3A_1113, %get3A_1136 : vector<16xf32>
      %get3A_1138 = arith.constant 46 : i32
      %get3A_1139 = arith.index_cast %get3A_1138 : i32 to index
      %get3A_1140 = arith.constant 16 : index
      %get3A_1141 = tpu.vector_load %arg6[%get3A_1139, %get3A_1140] {strides = array<i32>} : memref<100x64xf32, #tpu.memory_space<vmem>>, vector<1x16xf32>,
      %get3A_1142 = vector.shape_cast %get3A_1141 : vector<1x16xf32> to vector<16xf32>
      %add3A_1143 = arith.addf %add3A_1119, %get3A_1142 : vector<16xf32>
      %get3A_1144 = arith.constant 46 : i32
      %get3A_1145 = arith.index_cast %get3A_1144 : i32 to index
      %get3A_1146 = arith.constant 32 : index
      %get3A_1147 = tpu.vector_load %arg6[%get3A_1145, %get3A_1146] {strides = array<i32>} : memref<100x64xf32, #tpu.memory_space<vmem>>, vector<1x16xf32>,
      %get3A_1148 = vector.shape_cast %get3A_1147 : vector<1x16xf32> to vector<16xf32>
      %add3A_1149 = arith.addf %add3A_1125, %get3A_1148 : vector<16xf32>
      %get3A_1150 = arith.constant 46 : i32
      %get3A_1151 = arith.index_cast %get3A_1150 : i32 to index
      %get3A_1152 = arith.constant 48 : index
      %get3A_1153 = tpu.vector_load %arg6[%get3A_1151, %get3A_1152] {strides = array<i32>} : memref<100x64xf32, #tpu.memory_space<vmem>>, vector<1x16xf32>,
      %get3A_1154 = vector.shape_cast %get3A_1153 : vector<1x16xf32> to vector<16xf32>
      %add3A_1155 = arith.addf %add3A_1131, %get3A_1154 : vector<16xf32>
      %get3A_1156 = arith.constant 47 : i32
      %get3A_1157 = arith.index_cast %get3A_1156 : i32 to index
      %get3A_1158 = arith.constant 0 : index
      %get3A_1159 = tpu.vector_load %arg6[%get3A_1157, %get3A_1158] {strides = array<i32>} : memref<100x64xf32, #tpu.memory_space<vmem>>, vector<1x16xf32>,
      %get3A_1160 = vector.shape_cast %get3A_1159 : vector<1x16xf32> to vector<16xf32>
      %add3A_1161 = arith.addf %add3A_1137, %get3A_1160 : vector<16xf32>
      %get3A_1162 = arith.constant 47 : i32
      %get3A_1163 = arith.index_cast %get3A_1162 : i32 to index
      %get3A_1164 = arith.constant 16 : index
      %get3A_1165 = tpu.vector_load %arg6[%get3A_1163, %get3A_1164] {strides = array<i32>} : memref<100x64xf32, #tpu.memory_space<vmem>>, vector<1x16xf32>,
      %get3A_1166 = vector.shape_cast %get3A_1165 : vector<1x16xf32> to vector<16xf32>
      %add3A_1167 = arith.addf %add3A_1143, %get3A_1166 : vector<16xf32>
      %get3A_1168 = arith.constant 47 : i32
      %get3A_1169 = arith.index_cast %get3A_1168 : i32 to index
      %get3A_1170 = arith.constant 32 : index
      %get3A_1171 = tpu.vector_load %arg6[%get3A_1169, %get3A_1170] {strides = array<i32>} : memref<100x64xf32, #tpu.memory_space<vmem>>, vector<1x16xf32>,
      %get3A_1172 = vector.shape_cast %get3A_1171 : vector<1x16xf32> to vector<16xf32>
      %add3A_1173 = arith.addf %add3A_1149, %get3A_1172 : vector<16xf32>
      %get3A_1174 = arith.constant 47 : i32
      %get3A_1175 = arith.index_cast %get3A_1174 : i32 to index
      %get3A_1176 = arith.constant 48 : index
      %get3A_1177 = tpu.vector_load %arg6[%get3A_1175, %get3A_1176] {strides = array<i32>} : memref<100x64xf32, #tpu.memory_space<vmem>>, vector<1x16xf32>,
      %get3A_1178 = vector.shape_cast %get3A_1177 : vector<1x16xf32> to vector<16xf32>
      %add3A_1179 = arith.addf %add3A_1155, %get3A_1178 : vector<16xf32>
      %get3A_1180 = arith.constant 48 : i32
      %get3A_1181 = arith.index_cast %get3A_1180 : i32 to index
      %get3A_1182 = arith.constant 0 : index
      %get3A_1183 = tpu.vector_load %arg6[%get3A_1181, %get3A_1182] {strides = array<i32>} : memref<100x64xf32, #tpu.memory_space<vmem>>, vector<1x16xf32>,
      %get3A_1184 = vector.shape_cast %get3A_1183 : vector<1x16xf32> to vector<16xf32>
      %add3A_1185 = arith.addf %add3A_1161, %get3A_1184 : vector<16xf32>
      %get3A_1186 = arith.constant 48 : i32
      %get3A_1187 = arith.index_cast %get3A_1186 : i32 to index
      %get3A_1188 = arith.constant 16 : index
      %get3A_1189 = tpu.vector_load %arg6[%get3A_1187, %get3A_1188] {strides = array<i32>} : memref<100x64xf32, #tpu.memory_space<vmem>>, vector<1x16xf32>,
      %get3A_1190 = vector.shape_cast %get3A_1189 : vector<1x16xf32> to vector<16xf32>
      %add3A_1191 = arith.addf %add3A_1167, %get3A_1190 : vector<16xf32>
      %get3A_1192 = arith.constant 48 : i32
      %get3A_1193 = arith.index_cast %get3A_1192 : i32 to index
      %get3A_1194 = arith.constant 32 : index
      %get3A_1195 = tpu.vector_load %arg6[%get3A_1193, %get3A_1194] {strides = array<i32>} : memref<100x64xf32, #tpu.memory_space<vmem>>, vector<1x16xf32>,
      %get3A_1196 = vector.shape_cast %get3A_1195 : vector<1x16xf32> to vector<16xf32>
      %add3A_1197 = arith.addf %add3A_1173, %get3A_1196 : vector<16xf32>
      %get3A_1198 = arith.constant 48 : i32
      %get3A_1199 = arith.index_cast %get3A_1198 : i32 to index
      %get3A_1200 = arith.constant 48 : index
      %get3A_1201 = tpu.vector_load %arg6[%get3A_1199, %get3A_1200] {strides = array<i32>} : memref<100x64xf32, #tpu.memory_space<vmem>>, vector<1x16xf32>,
      %get3A_1202 = vector.shape_cast %get3A_1201 : vector<1x16xf32> to vector<16xf32>
      %add3A_1203 = arith.addf %add3A_1179, %get3A_1202 : vector<16xf32>
      %get3A_1204 = arith.constant 49 : i32
      %get3A_1205 = arith.index_cast %get3A_1204 : i32 to index
      %get3A_1206 = arith.constant 0 : index
      %get3A_1207 = tpu.vector_load %arg6[%get3A_1205, %get3A_1206] {strides = array<i32>} : memref<100x64xf32, #tpu.memory_space<vmem>>, vector<1x16xf32>,
      %get3A_1208 = vector.shape_cast %get3A_1207 : vector<1x16xf32> to vector<16xf32>
      %add3A_1209 = arith.addf %add3A_1185, %get3A_1208 : vector<16xf32>
      %get3A_1210 = arith.constant 49 : i32
      %get3A_1211 = arith.index_cast %get3A_1210 : i32 to index
      %get3A_1212 = arith.constant 16 : index
      %get3A_1213 = tpu.vector_load %arg6[%get3A_1211, %get3A_1212] {strides = array<i32>} : memref<100x64xf32, #tpu.memory_space<vmem>>, vector<1x16xf32>,
      %get3A_1214 = vector.shape_cast %get3A_1213 : vector<1x16xf32> to vector<16xf32>
      %add3A_1215 = arith.addf %add3A_1191, %get3A_1214 : vector<16xf32>
      %get3A_1216 = arith.constant 49 : i32
      %get3A_1217 = arith.index_cast %get3A_1216 : i32 to index
      %get3A_1218 = arith.constant 32 : index
      %get3A_1219 = tpu.vector_load %arg6[%get3A_1217, %get3A_1218] {strides = array<i32>} : memref<100x64xf32, #tpu.memory_space<vmem>>, vector<1x16xf32>,
      %get3A_1220 = vector.shape_cast %get3A_1219 : vector<1x16xf32> to vector<16xf32>
      %add3A_1221 = arith.addf %add3A_1197, %get3A_1220 : vector<16xf32>
      %get3A_1222 = arith.constant 49 : i32
      %get3A_1223 = arith.index_cast %get3A_1222 : i32 to index
      %get3A_1224 = arith.constant 48 : index
      %get3A_1225 = tpu.vector_load %arg6[%get3A_1223, %get3A_1224] {strides = array<i32>} : memref<100x64xf32, #tpu.memory_space<vmem>>, vector<1x16xf32>,
      %get3A_1226 = vector.shape_cast %get3A_1225 : vector<1x16xf32> to vector<16xf32>
      %add3A_1227 = arith.addf %add3A_1203, %get3A_1226 : vector<16xf32>
      %add3A_1228 = arith.constant 0 : i32
      %add3A_1229 = arith.addi %mul3A_32, %add3A_1228 : i32
      %swap3A = arith.index_cast %add3A_1229 : i32 to index
      %swap3A_1230 = arith.constant 0 : index
      %swap3A_1231 = tpu.vector_load %arg8[%swap3A, %swap3A_1230] {strides = array<i32>} : memref<128x64xf32, #tpu.memory_space<vmem>>, vector<1x16xf32>,
      %swap3A_1232 = vector.shape_cast %swap3A_1231 : vector<1x16xf32> to vector<16xf32>
      %swap3A_1233 = vector.shape_cast %add3A_1209 : vector<16xf32> to vector<1x16xf32>
      tpu.vector_store %arg8[%swap3A, %swap3A_1230], %swap3A_1233 {strides = array<i32>} : memref<128x64xf32, #tpu.memory_space<vmem>>, vector<1x16xf32>,
      %add3A_1234 = arith.constant 0 : i32
      %add3A_1235 = arith.addi %mul3A_32, %add3A_1234 : i32
      %swap3A_1236 = arith.index_cast %add3A_1235 : i32 to index
      %swap3A_1237 = arith.constant 16 : index
      %swap3A_1238 = tpu.vector_load %arg8[%swap3A_1236, %swap3A_1237] {strides = array<i32>} : memref<128x64xf32, #tpu.memory_space<vmem>>, vector<1x16xf32>,
      %swap3A_1239 = vector.shape_cast %swap3A_1238 : vector<1x16xf32> to vector<16xf32>
      %swap3A_1240 = vector.shape_cast %add3A_1215 : vector<16xf32> to vector<1x16xf32>
      tpu.vector_store %arg8[%swap3A_1236, %swap3A_1237], %swap3A_1240 {strides = array<i32>} : memref<128x64xf32, #tpu.memory_space<vmem>>, vector<1x16xf32>,
      %add3A_1241 = arith.constant 0 : i32
      %add3A_1242 = arith.addi %mul3A_32, %add3A_1241 : i32
      %swap3A_1243 = arith.index_cast %add3A_1242 : i32 to index
      %swap3A_1244 = arith.constant 32 : index
      %swap3A_1245 = tpu.vector_load %arg8[%swap3A_1243, %swap3A_1244] {strides = array<i32>} : memref<128x64xf32, #tpu.memory_space<vmem>>, vector<1x16xf32>,
      %swap3A_1246 = vector.shape_cast %swap3A_1245 : vector<1x16xf32> to vector<16xf32>
      %swap3A_1247 = vector.shape_cast %add3A_1221 : vector<16xf32> to vector<1x16xf32>
      tpu.vector_store %arg8[%swap3A_1243, %swap3A_1244], %swap3A_1247 {strides = array<i32>} : memref<128x64xf32, #tpu.memory_space<vmem>>, vector<1x16xf32>,
      %add3A_1248 = arith.constant 0 : i32
      %add3A_1249 = arith.addi %mul3A_32, %add3A_1248 : i32
      %swap3A_1250 = arith.index_cast %add3A_1249 : i32 to index
      %swap3A_1251 = arith.constant 48 : index
      %swap3A_1252 = tpu.vector_load %arg8[%swap3A_1250, %swap3A_1251] {strides = array<i32>} : memref<128x64xf32, #tpu.memory_space<vmem>>, vector<1x16xf32>,
      %swap3A_1253 = vector.shape_cast %swap3A_1252 : vector<1x16xf32> to vector<16xf32>
      %swap3A_1254 = vector.shape_cast %add3A_1227 : vector<16xf32> to vector<1x16xf32>
      tpu.vector_store %arg8[%swap3A_1250, %swap3A_1251], %swap3A_1254 {strides = array<i32>} : memref<128x64xf32, #tpu.memory_space<vmem>>, vector<1x16xf32>,
      %get3A_1255 = arith.constant 50 : i32
      %get3A_1256 = arith.index_cast %get3A_1255 : i32 to index
      %get3A_1257 = arith.constant 0 : index
      %get3A_1258 = tpu.vector_load %arg6[%get3A_1256, %get3A_1257] {strides = array<i32>} : memref<100x64xf32, #tpu.memory_space<vmem>>, vector<1x16xf32>,
      %get3A_1259 = vector.shape_cast %get3A_1258 : vector<1x16xf32> to vector<16xf32>
      %get3A_1260 = arith.constant 50 : i32
      %get3A_1261 = arith.index_cast %get3A_1260 : i32 to index
      %get3A_1262 = arith.constant 16 : index
      %get3A_1263 = tpu.vector_load %arg6[%get3A_1261, %get3A_1262] {strides = array<i32>} : memref<100x64xf32, #tpu.memory_space<vmem>>, vector<1x16xf32>,
      %get3A_1264 = vector.shape_cast %get3A_1263 : vector<1x16xf32> to vector<16xf32>
      %get3A_1265 = arith.constant 50 : i32
      %get3A_1266 = arith.index_cast %get3A_1265 : i32 to index
      %get3A_1267 = arith.constant 32 : index
      %get3A_1268 = tpu.vector_load %arg6[%get3A_1266, %get3A_1267] {strides = array<i32>} : memref<100x64xf32, #tpu.memory_space<vmem>>, vector<1x16xf32>,
      %get3A_1269 = vector.shape_cast %get3A_1268 : vector<1x16xf32> to vector<16xf32>
      %get3A_1270 = arith.constant 50 : i32
      %get3A_1271 = arith.index_cast %get3A_1270 : i32 to index
      %get3A_1272 = arith.constant 48 : index
      %get3A_1273 = tpu.vector_load %arg6[%get3A_1271, %get3A_1272] {strides = array<i32>} : memref<100x64xf32, #tpu.memory_space<vmem>>, vector<1x16xf32>,
      %get3A_1274 = vector.shape_cast %get3A_1273 : vector<1x16xf32> to vector<16xf32>
      %get3A_1275 = arith.constant 51 : i32
      %get3A_1276 = arith.index_cast %get3A_1275 : i32 to index
      %get3A_1277 = arith.constant 0 : index
      %get3A_1278 = tpu.vector_load %arg6[%get3A_1276, %get3A_1277] {strides = array<i32>} : memref<100x64xf32, #tpu.memory_space<vmem>>, vector<1x16xf32>,
      %get3A_1279 = vector.shape_cast %get3A_1278 : vector<1x16xf32> to vector<16xf32>
      %add3A_1280 = arith.addf %get3A_1259, %get3A_1279 : vector<16xf32>
      %get3A_1281 = arith.constant 51 : i32
      %get3A_1282 = arith.index_cast %get3A_1281 : i32 to index
      %get3A_1283 = arith.constant 16 : index
      %get3A_1284 = tpu.vector_load %arg6[%get3A_1282, %get3A_1283] {strides = array<i32>} : memref<100x64xf32, #tpu.memory_space<vmem>>, vector<1x16xf32>,
      %get3A_1285 = vector.shape_cast %get3A_1284 : vector<1x16xf32> to vector<16xf32>
      %add3A_1286 = arith.addf %get3A_1264, %get3A_1285 : vector<16xf32>
      %get3A_1287 = arith.constant 51 : i32
      %get3A_1288 = arith.index_cast %get3A_1287 : i32 to index
      %get3A_1289 = arith.constant 32 : index
      %get3A_1290 = tpu.vector_load %arg6[%get3A_1288, %get3A_1289] {strides = array<i32>} : memref<100x64xf32, #tpu.memory_space<vmem>>, vector<1x16xf32>,
      %get3A_1291 = vector.shape_cast %get3A_1290 : vector<1x16xf32> to vector<16xf32>
      %add3A_1292 = arith.addf %get3A_1269, %get3A_1291 : vector<16xf32>
      %get3A_1293 = arith.constant 51 : i32
      %get3A_1294 = arith.index_cast %get3A_1293 : i32 to index
      %get3A_1295 = arith.constant 48 : index
      %get3A_1296 = tpu.vector_load %arg6[%get3A_1294, %get3A_1295] {strides = array<i32>} : memref<100x64xf32, #tpu.memory_space<vmem>>, vector<1x16xf32>,
      %get3A_1297 = vector.shape_cast %get3A_1296 : vector<1x16xf32> to vector<16xf32>
      %add3A_1298 = arith.addf %get3A_1274, %get3A_1297 : vector<16xf32>
      %get3A_1299 = arith.constant 52 : i32
      %get3A_1300 = arith.index_cast %get3A_1299 : i32 to index
      %get3A_1301 = arith.constant 0 : index
      %get3A_1302 = tpu.vector_load %arg6[%get3A_1300, %get3A_1301] {strides = array<i32>} : memref<100x64xf32, #tpu.memory_space<vmem>>, vector<1x16xf32>,
      %get3A_1303 = vector.shape_cast %get3A_1302 : vector<1x16xf32> to vector<16xf32>
      %add3A_1304 = arith.addf %add3A_1280, %get3A_1303 : vector<16xf32>
      %get3A_1305 = arith.constant 52 : i32
      %get3A_1306 = arith.index_cast %get3A_1305 : i32 to index
      %get3A_1307 = arith.constant 16 : index
      %get3A_1308 = tpu.vector_load %arg6[%get3A_1306, %get3A_1307] {strides = array<i32>} : memref<100x64xf32, #tpu.memory_space<vmem>>, vector<1x16xf32>,
      %get3A_1309 = vector.shape_cast %get3A_1308 : vector<1x16xf32> to vector<16xf32>
      %add3A_1310 = arith.addf %add3A_1286, %get3A_1309 : vector<16xf32>
      %get3A_1311 = arith.constant 52 : i32
      %get3A_1312 = arith.index_cast %get3A_1311 : i32 to index
      %get3A_1313 = arith.constant 32 : index
      %get3A_1314 = tpu.vector_load %arg6[%get3A_1312, %get3A_1313] {strides = array<i32>} : memref<100x64xf32, #tpu.memory_space<vmem>>, vector<1x16xf32>,
      %get3A_1315 = vector.shape_cast %get3A_1314 : vector<1x16xf32> to vector<16xf32>
      %add3A_1316 = arith.addf %add3A_1292, %get3A_1315 : vector<16xf32>
      %get3A_1317 = arith.constant 52 : i32
      %get3A_1318 = arith.index_cast %get3A_1317 : i32 to index
      %get3A_1319 = arith.constant 48 : index
      %get3A_1320 = tpu.vector_load %arg6[%get3A_1318, %get3A_1319] {strides = array<i32>} : memref<100x64xf32, #tpu.memory_space<vmem>>, vector<1x16xf32>,
      %get3A_1321 = vector.shape_cast %get3A_1320 : vector<1x16xf32> to vector<16xf32>
      %add3A_1322 = arith.addf %add3A_1298, %get3A_1321 : vector<16xf32>
      %get3A_1323 = arith.constant 53 : i32
      %get3A_1324 = arith.index_cast %get3A_1323 : i32 to index
      %get3A_1325 = arith.constant 0 : index
      %get3A_1326 = tpu.vector_load %arg6[%get3A_1324, %get3A_1325] {strides = array<i32>} : memref<100x64xf32, #tpu.memory_space<vmem>>, vector<1x16xf32>,
      %get3A_1327 = vector.shape_cast %get3A_1326 : vector<1x16xf32> to vector<16xf32>
      %add3A_1328 = arith.addf %add3A_1304, %get3A_1327 : vector<16xf32>
      %get3A_1329 = arith.constant 53 : i32
      %get3A_1330 = arith.index_cast %get3A_1329 : i32 to index
      %get3A_1331 = arith.constant 16 : index
      %get3A_1332 = tpu.vector_load %arg6[%get3A_1330, %get3A_1331] {strides = array<i32>} : memref<100x64xf32, #tpu.memory_space<vmem>>, vector<1x16xf32>,
      %get3A_1333 = vector.shape_cast %get3A_1332 : vector<1x16xf32> to vector<16xf32>
      %add3A_1334 = arith.addf %add3A_1310, %get3A_1333 : vector<16xf32>
      %get3A_1335 = arith.constant 53 : i32
      %get3A_1336 = arith.index_cast %get3A_1335 : i32 to index
      %get3A_1337 = arith.constant 32 : index
      %get3A_1338 = tpu.vector_load %arg6[%get3A_1336, %get3A_1337] {strides = array<i32>} : memref<100x64xf32, #tpu.memory_space<vmem>>, vector<1x16xf32>,
      %get3A_1339 = vector.shape_cast %get3A_1338 : vector<1x16xf32> to vector<16xf32>
      %add3A_1340 = arith.addf %add3A_1316, %get3A_1339 : vector<16xf32>
      %get3A_1341 = arith.constant 53 : i32
      %get3A_1342 = arith.index_cast %get3A_1341 : i32 to index
      %get3A_1343 = arith.constant 48 : index
      %get3A_1344 = tpu.vector_load %arg6[%get3A_1342, %get3A_1343] {strides = array<i32>} : memref<100x64xf32, #tpu.memory_space<vmem>>, vector<1x16xf32>,
      %get3A_1345 = vector.shape_cast %get3A_1344 : vector<1x16xf32> to vector<16xf32>
      %add3A_1346 = arith.addf %add3A_1322, %get3A_1345 : vector<16xf32>
      %get3A_1347 = arith.constant 54 : i32
      %get3A_1348 = arith.index_cast %get3A_1347 : i32 to index
      %get3A_1349 = arith.constant 0 : index
      %get3A_1350 = tpu.vector_load %arg6[%get3A_1348, %get3A_1349] {strides = array<i32>} : memref<100x64xf32, #tpu.memory_space<vmem>>, vector<1x16xf32>,
      %get3A_1351 = vector.shape_cast %get3A_1350 : vector<1x16xf32> to vector<16xf32>
      %add3A_1352 = arith.addf %add3A_1328, %get3A_1351 : vector<16xf32>
      %get3A_1353 = arith.constant 54 : i32
      %get3A_1354 = arith.index_cast %get3A_1353 : i32 to index
      %get3A_1355 = arith.constant 16 : index
      %get3A_1356 = tpu.vector_load %arg6[%get3A_1354, %get3A_1355] {strides = array<i32>} : memref<100x64xf32, #tpu.memory_space<vmem>>, vector<1x16xf32>,
      %get3A_1357 = vector.shape_cast %get3A_1356 : vector<1x16xf32> to vector<16xf32>
      %add3A_1358 = arith.addf %add3A_1334, %get3A_1357 : vector<16xf32>
      %get3A_1359 = arith.constant 54 : i32
      %get3A_1360 = arith.index_cast %get3A_1359 : i32 to index
      %get3A_1361 = arith.constant 32 : index
      %get3A_1362 = tpu.vector_load %arg6[%get3A_1360, %get3A_1361] {strides = array<i32>} : memref<100x64xf32, #tpu.memory_space<vmem>>, vector<1x16xf32>,
      %get3A_1363 = vector.shape_cast %get3A_1362 : vector<1x16xf32> to vector<16xf32>
      %add3A_1364 = arith.addf %add3A_1340, %get3A_1363 : vector<16xf32>
      %get3A_1365 = arith.constant 54 : i32
      %get3A_1366 = arith.index_cast %get3A_1365 : i32 to index
      %get3A_1367 = arith.constant 48 : index
      %get3A_1368 = tpu.vector_load %arg6[%get3A_1366, %get3A_1367] {strides = array<i32>} : memref<100x64xf32, #tpu.memory_space<vmem>>, vector<1x16xf32>,
      %get3A_1369 = vector.shape_cast %get3A_1368 : vector<1x16xf32> to vector<16xf32>
      %add3A_1370 = arith.addf %add3A_1346, %get3A_1369 : vector<16xf32>
      %get3A_1371 = arith.constant 55 : i32
      %get3A_1372 = arith.index_cast %get3A_1371 : i32 to index
      %get3A_1373 = arith.constant 0 : index
      %get3A_1374 = tpu.vector_load %arg6[%get3A_1372, %get3A_1373] {strides = array<i32>} : memref<100x64xf32, #tpu.memory_space<vmem>>, vector<1x16xf32>,
      %get3A_1375 = vector.shape_cast %get3A_1374 : vector<1x16xf32> to vector<16xf32>
      %add3A_1376 = arith.addf %add3A_1352, %get3A_1375 : vector<16xf32>
      %get3A_1377 = arith.constant 55 : i32
      %get3A_1378 = arith.index_cast %get3A_1377 : i32 to index
      %get3A_1379 = arith.constant 16 : index
      %get3A_1380 = tpu.vector_load %arg6[%get3A_1378, %get3A_1379] {strides = array<i32>} : memref<100x64xf32, #tpu.memory_space<vmem>>, vector<1x16xf32>,
      %get3A_1381 = vector.shape_cast %get3A_1380 : vector<1x16xf32> to vector<16xf32>
      %add3A_1382 = arith.addf %add3A_1358, %get3A_1381 : vector<16xf32>
      %get3A_1383 = arith.constant 55 : i32
      %get3A_1384 = arith.index_cast %get3A_1383 : i32 to index
      %get3A_1385 = arith.constant 32 : index
      %get3A_1386 = tpu.vector_load %arg6[%get3A_1384, %get3A_1385] {strides = array<i32>} : memref<100x64xf32, #tpu.memory_space<vmem>>, vector<1x16xf32>,
      %get3A_1387 = vector.shape_cast %get3A_1386 : vector<1x16xf32> to vector<16xf32>
      %add3A_1388 = arith.addf %add3A_1364, %get3A_1387 : vector<16xf32>
      %get3A_1389 = arith.constant 55 : i32
      %get3A_1390 = arith.index_cast %get3A_1389 : i32 to index
      %get3A_1391 = arith.constant 48 : index
      %get3A_1392 = tpu.vector_load %arg6[%get3A_1390, %get3A_1391] {strides = array<i32>} : memref<100x64xf32, #tpu.memory_space<vmem>>, vector<1x16xf32>,
      %get3A_1393 = vector.shape_cast %get3A_1392 : vector<1x16xf32> to vector<16xf32>
      %add3A_1394 = arith.addf %add3A_1370, %get3A_1393 : vector<16xf32>
      %get3A_1395 = arith.constant 56 : i32
      %get3A_1396 = arith.index_cast %get3A_1395 : i32 to index
      %get3A_1397 = arith.constant 0 : index
      %get3A_1398 = tpu.vector_load %arg6[%get3A_1396, %get3A_1397] {strides = array<i32>} : memref<100x64xf32, #tpu.memory_space<vmem>>, vector<1x16xf32>,
      %get3A_1399 = vector.shape_cast %get3A_1398 : vector<1x16xf32> to vector<16xf32>
      %add3A_1400 = arith.addf %add3A_1376, %get3A_1399 : vector<16xf32>
      %get3A_1401 = arith.constant 56 : i32
      %get3A_1402 = arith.index_cast %get3A_1401 : i32 to index
      %get3A_1403 = arith.constant 16 : index
      %get3A_1404 = tpu.vector_load %arg6[%get3A_1402, %get3A_1403] {strides = array<i32>} : memref<100x64xf32, #tpu.memory_space<vmem>>, vector<1x16xf32>,
      %get3A_1405 = vector.shape_cast %get3A_1404 : vector<1x16xf32> to vector<16xf32>
      %add3A_1406 = arith.addf %add3A_1382, %get3A_1405 : vector<16xf32>
      %get3A_1407 = arith.constant 56 : i32
      %get3A_1408 = arith.index_cast %get3A_1407 : i32 to index
      %get3A_1409 = arith.constant 32 : index
      %get3A_1410 = tpu.vector_load %arg6[%get3A_1408, %get3A_1409] {strides = array<i32>} : memref<100x64xf32, #tpu.memory_space<vmem>>, vector<1x16xf32>,
      %get3A_1411 = vector.shape_cast %get3A_1410 : vector<1x16xf32> to vector<16xf32>
      %add3A_1412 = arith.addf %add3A_1388, %get3A_1411 : vector<16xf32>
      %get3A_1413 = arith.constant 56 : i32
      %get3A_1414 = arith.index_cast %get3A_1413 : i32 to index
      %get3A_1415 = arith.constant 48 : index
      %get3A_1416 = tpu.vector_load %arg6[%get3A_1414, %get3A_1415] {strides = array<i32>} : memref<100x64xf32, #tpu.memory_space<vmem>>, vector<1x16xf32>,
      %get3A_1417 = vector.shape_cast %get3A_1416 : vector<1x16xf32> to vector<16xf32>
      %add3A_1418 = arith.addf %add3A_1394, %get3A_1417 : vector<16xf32>
      %get3A_1419 = arith.constant 57 : i32
      %get3A_1420 = arith.index_cast %get3A_1419 : i32 to index
      %get3A_1421 = arith.constant 0 : index
      %get3A_1422 = tpu.vector_load %arg6[%get3A_1420, %get3A_1421] {strides = array<i32>} : memref<100x64xf32, #tpu.memory_space<vmem>>, vector<1x16xf32>,
      %get3A_1423 = vector.shape_cast %get3A_1422 : vector<1x16xf32> to vector<16xf32>
      %add3A_1424 = arith.addf %add3A_1400, %get3A_1423 : vector<16xf32>
      %get3A_1425 = arith.constant 57 : i32
      %get3A_1426 = arith.index_cast %get3A_1425 : i32 to index
      %get3A_1427 = arith.constant 16 : index
      %get3A_1428 = tpu.vector_load %arg6[%get3A_1426, %get3A_1427] {strides = array<i32>} : memref<100x64xf32, #tpu.memory_space<vmem>>, vector<1x16xf32>,
      %get3A_1429 = vector.shape_cast %get3A_1428 : vector<1x16xf32> to vector<16xf32>
      %add3A_1430 = arith.addf %add3A_1406, %get3A_1429 : vector<16xf32>
      %get3A_1431 = arith.constant 57 : i32
      %get3A_1432 = arith.index_cast %get3A_1431 : i32 to index
      %get3A_1433 = arith.constant 32 : index
      %get3A_1434 = tpu.vector_load %arg6[%get3A_1432, %get3A_1433] {strides = array<i32>} : memref<100x64xf32, #tpu.memory_space<vmem>>, vector<1x16xf32>,
      %get3A_1435 = vector.shape_cast %get3A_1434 : vector<1x16xf32> to vector<16xf32>
      %add3A_1436 = arith.addf %add3A_1412, %get3A_1435 : vector<16xf32>
      %get3A_1437 = arith.constant 57 : i32
      %get3A_1438 = arith.index_cast %get3A_1437 : i32 to index
      %get3A_1439 = arith.constant 48 : index
      %get3A_1440 = tpu.vector_load %arg6[%get3A_1438, %get3A_1439] {strides = array<i32>} : memref<100x64xf32, #tpu.memory_space<vmem>>, vector<1x16xf32>,
      %get3A_1441 = vector.shape_cast %get3A_1440 : vector<1x16xf32> to vector<16xf32>
      %add3A_1442 = arith.addf %add3A_1418, %get3A_1441 : vector<16xf32>
      %get3A_1443 = arith.constant 58 : i32
      %get3A_1444 = arith.index_cast %get3A_1443 : i32 to index
      %get3A_1445 = arith.constant 0 : index
      %get3A_1446 = tpu.vector_load %arg6[%get3A_1444, %get3A_1445] {strides = array<i32>} : memref<100x64xf32, #tpu.memory_space<vmem>>, vector<1x16xf32>,
      %get3A_1447 = vector.shape_cast %get3A_1446 : vector<1x16xf32> to vector<16xf32>
      %add3A_1448 = arith.addf %add3A_1424, %get3A_1447 : vector<16xf32>
      %get3A_1449 = arith.constant 58 : i32
      %get3A_1450 = arith.index_cast %get3A_1449 : i32 to index
      %get3A_1451 = arith.constant 16 : index
      %get3A_1452 = tpu.vector_load %arg6[%get3A_1450, %get3A_1451] {strides = array<i32>} : memref<100x64xf32, #tpu.memory_space<vmem>>, vector<1x16xf32>,
      %get3A_1453 = vector.shape_cast %get3A_1452 : vector<1x16xf32> to vector<16xf32>
      %add3A_1454 = arith.addf %add3A_1430, %get3A_1453 : vector<16xf32>
      %get3A_1455 = arith.constant 58 : i32
      %get3A_1456 = arith.index_cast %get3A_1455 : i32 to index
      %get3A_1457 = arith.constant 32 : index
      %get3A_1458 = tpu.vector_load %arg6[%get3A_1456, %get3A_1457] {strides = array<i32>} : memref<100x64xf32, #tpu.memory_space<vmem>>, vector<1x16xf32>,
      %get3A_1459 = vector.shape_cast %get3A_1458 : vector<1x16xf32> to vector<16xf32>
      %add3A_1460 = arith.addf %add3A_1436, %get3A_1459 : vector<16xf32>
      %get3A_1461 = arith.constant 58 : i32
      %get3A_1462 = arith.index_cast %get3A_1461 : i32 to index
      %get3A_1463 = arith.constant 48 : index
      %get3A_1464 = tpu.vector_load %arg6[%get3A_1462, %get3A_1463] {strides = array<i32>} : memref<100x64xf32, #tpu.memory_space<vmem>>, vector<1x16xf32>,
      %get3A_1465 = vector.shape_cast %get3A_1464 : vector<1x16xf32> to vector<16xf32>
      %add3A_1466 = arith.addf %add3A_1442, %get3A_1465 : vector<16xf32>
      %get3A_1467 = arith.constant 59 : i32
      %get3A_1468 = arith.index_cast %get3A_1467 : i32 to index
      %get3A_1469 = arith.constant 0 : index
      %get3A_1470 = tpu.vector_load %arg6[%get3A_1468, %get3A_1469] {strides = array<i32>} : memref<100x64xf32, #tpu.memory_space<vmem>>, vector<1x16xf32>,
      %get3A_1471 = vector.shape_cast %get3A_1470 : vector<1x16xf32> to vector<16xf32>
      %add3A_1472 = arith.addf %add3A_1448, %get3A_1471 : vector<16xf32>
      %get3A_1473 = arith.constant 59 : i32
      %get3A_1474 = arith.index_cast %get3A_1473 : i32 to index
      %get3A_1475 = arith.constant 16 : index
      %get3A_1476 = tpu.vector_load %arg6[%get3A_1474, %get3A_1475] {strides = array<i32>} : memref<100x64xf32, #tpu.memory_space<vmem>>, vector<1x16xf32>,
      %get3A_1477 = vector.shape_cast %get3A_1476 : vector<1x16xf32> to vector<16xf32>
      %add3A_1478 = arith.addf %add3A_1454, %get3A_1477 : vector<16xf32>
      %get3A_1479 = arith.constant 59 : i32
      %get3A_1480 = arith.index_cast %get3A_1479 : i32 to index
      %get3A_1481 = arith.constant 32 : index
      %get3A_1482 = tpu.vector_load %arg6[%get3A_1480, %get3A_1481] {strides = array<i32>} : memref<100x64xf32, #tpu.memory_space<vmem>>, vector<1x16xf32>,
      %get3A_1483 = vector.shape_cast %get3A_1482 : vector<1x16xf32> to vector<16xf32>
      %add3A_1484 = arith.addf %add3A_1460, %get3A_1483 : vector<16xf32>
      %get3A_1485 = arith.constant 59 : i32
      %get3A_1486 = arith.index_cast %get3A_1485 : i32 to index
      %get3A_1487 = arith.constant 48 : index
      %get3A_1488 = tpu.vector_load %arg6[%get3A_1486, %get3A_1487] {strides = array<i32>} : memref<100x64xf32, #tpu.memory_space<vmem>>, vector<1x16xf32>,
      %get3A_1489 = vector.shape_cast %get3A_1488 : vector<1x16xf32> to vector<16xf32>
      %add3A_1490 = arith.addf %add3A_1466, %get3A_1489 : vector<16xf32>
      %get3A_1491 = arith.constant 60 : i32
      %get3A_1492 = arith.index_cast %get3A_1491 : i32 to index
      %get3A_1493 = arith.constant 0 : index
      %get3A_1494 = tpu.vector_load %arg6[%get3A_1492, %get3A_1493] {strides = array<i32>} : memref<100x64xf32, #tpu.memory_space<vmem>>, vector<1x16xf32>,
      %get3A_1495 = vector.shape_cast %get3A_1494 : vector<1x16xf32> to vector<16xf32>
      %add3A_1496 = arith.addf %add3A_1472, %get3A_1495 : vector<16xf32>
      %get3A_1497 = arith.constant 60 : i32
      %get3A_1498 = arith.index_cast %get3A_1497 : i32 to index
      %get3A_1499 = arith.constant 16 : index
      %get3A_1500 = tpu.vector_load %arg6[%get3A_1498, %get3A_1499] {strides = array<i32>} : memref<100x64xf32, #tpu.memory_space<vmem>>, vector<1x16xf32>,
      %get3A_1501 = vector.shape_cast %get3A_1500 : vector<1x16xf32> to vector<16xf32>
      %add3A_1502 = arith.addf %add3A_1478, %get3A_1501 : vector<16xf32>
      %get3A_1503 = arith.constant 60 : i32
      %get3A_1504 = arith.index_cast %get3A_1503 : i32 to index
      %get3A_1505 = arith.constant 32 : index
      %get3A_1506 = tpu.vector_load %arg6[%get3A_1504, %get3A_1505] {strides = array<i32>} : memref<100x64xf32, #tpu.memory_space<vmem>>, vector<1x16xf32>,
      %get3A_1507 = vector.shape_cast %get3A_1506 : vector<1x16xf32> to vector<16xf32>
      %add3A_1508 = arith.addf %add3A_1484, %get3A_1507 : vector<16xf32>
      %get3A_1509 = arith.constant 60 : i32
      %get3A_1510 = arith.index_cast %get3A_1509 : i32 to index
      %get3A_1511 = arith.constant 48 : index
      %get3A_1512 = tpu.vector_load %arg6[%get3A_1510, %get3A_1511] {strides = array<i32>} : memref<100x64xf32, #tpu.memory_space<vmem>>, vector<1x16xf32>,
      %get3A_1513 = vector.shape_cast %get3A_1512 : vector<1x16xf32> to vector<16xf32>
      %add3A_1514 = arith.addf %add3A_1490, %get3A_1513 : vector<16xf32>
      %get3A_1515 = arith.constant 61 : i32
      %get3A_1516 = arith.index_cast %get3A_1515 : i32 to index
      %get3A_1517 = arith.constant 0 : index
      %get3A_1518 = tpu.vector_load %arg6[%get3A_1516, %get3A_1517] {strides = array<i32>} : memref<100x64xf32, #tpu.memory_space<vmem>>, vector<1x16xf32>,
      %get3A_1519 = vector.shape_cast %get3A_1518 : vector<1x16xf32> to vector<16xf32>
      %add3A_1520 = arith.addf %add3A_1496, %get3A_1519 : vector<16xf32>
      %get3A_1521 = arith.constant 61 : i32
      %get3A_1522 = arith.index_cast %get3A_1521 : i32 to index
      %get3A_1523 = arith.constant 16 : index
      %get3A_1524 = tpu.vector_load %arg6[%get3A_1522, %get3A_1523] {strides = array<i32>} : memref<100x64xf32, #tpu.memory_space<vmem>>, vector<1x16xf32>,
      %get3A_1525 = vector.shape_cast %get3A_1524 : vector<1x16xf32> to vector<16xf32>
      %add3A_1526 = arith.addf %add3A_1502, %get3A_1525 : vector<16xf32>
      %get3A_1527 = arith.constant 61 : i32
      %get3A_1528 = arith.index_cast %get3A_1527 : i32 to index
      %get3A_1529 = arith.constant 32 : index
      %get3A_1530 = tpu.vector_load %arg6[%get3A_1528, %get3A_1529] {strides = array<i32>} : memref<100x64xf32, #tpu.memory_space<vmem>>, vector<1x16xf32>,
      %get3A_1531 = vector.shape_cast %get3A_1530 : vector<1x16xf32> to vector<16xf32>
      %add3A_1532 = arith.addf %add3A_1508, %get3A_1531 : vector<16xf32>
      %get3A_1533 = arith.constant 61 : i32
      %get3A_1534 = arith.index_cast %get3A_1533 : i32 to index
      %get3A_1535 = arith.constant 48 : index
      %get3A_1536 = tpu.vector_load %arg6[%get3A_1534, %get3A_1535] {strides = array<i32>} : memref<100x64xf32, #tpu.memory_space<vmem>>, vector<1x16xf32>,
      %get3A_1537 = vector.shape_cast %get3A_1536 : vector<1x16xf32> to vector<16xf32>
      %add3A_1538 = arith.addf %add3A_1514, %get3A_1537 : vector<16xf32>
      %get3A_1539 = arith.constant 62 : i32
      %get3A_1540 = arith.index_cast %get3A_1539 : i32 to index
      %get3A_1541 = arith.constant 0 : index
      %get3A_1542 = tpu.vector_load %arg6[%get3A_1540, %get3A_1541] {strides = array<i32>} : memref<100x64xf32, #tpu.memory_space<vmem>>, vector<1x16xf32>,
      %get3A_1543 = vector.shape_cast %get3A_1542 : vector<1x16xf32> to vector<16xf32>
      %add3A_1544 = arith.addf %add3A_1520, %get3A_1543 : vector<16xf32>
      %get3A_1545 = arith.constant 62 : i32
      %get3A_1546 = arith.index_cast %get3A_1545 : i32 to index
      %get3A_1547 = arith.constant 16 : index
      %get3A_1548 = tpu.vector_load %arg6[%get3A_1546, %get3A_1547] {strides = array<i32>} : memref<100x64xf32, #tpu.memory_space<vmem>>, vector<1x16xf32>,
      %get3A_1549 = vector.shape_cast %get3A_1548 : vector<1x16xf32> to vector<16xf32>
      %add3A_1550 = arith.addf %add3A_1526, %get3A_1549 : vector<16xf32>
      %get3A_1551 = arith.constant 62 : i32
      %get3A_1552 = arith.index_cast %get3A_1551 : i32 to index
      %get3A_1553 = arith.constant 32 : index
      %get3A_1554 = tpu.vector_load %arg6[%get3A_1552, %get3A_1553] {strides = array<i32>} : memref<100x64xf32, #tpu.memory_space<vmem>>, vector<1x16xf32>,
      %get3A_1555 = vector.shape_cast %get3A_1554 : vector<1x16xf32> to vector<16xf32>
      %add3A_1556 = arith.addf %add3A_1532, %get3A_1555 : vector<16xf32>
      %get3A_1557 = arith.constant 62 : i32
      %get3A_1558 = arith.index_cast %get3A_1557 : i32 to index
      %get3A_1559 = arith.constant 48 : index
      %get3A_1560 = tpu.vector_load %arg6[%get3A_1558, %get3A_1559] {strides = array<i32>} : memref<100x64xf32, #tpu.memory_space<vmem>>, vector<1x16xf32>,
      %get3A_1561 = vector.shape_cast %get3A_1560 : vector<1x16xf32> to vector<16xf32>
      %add3A_1562 = arith.addf %add3A_1538, %get3A_1561 : vector<16xf32>
      %get3A_1563 = arith.constant 63 : i32
      %get3A_1564 = arith.index_cast %get3A_1563 : i32 to index
      %get3A_1565 = arith.constant 0 : index
      %get3A_1566 = tpu.vector_load %arg6[%get3A_1564, %get3A_1565] {strides = array<i32>} : memref<100x64xf32, #tpu.memory_space<vmem>>, vector<1x16xf32>,
      %get3A_1567 = vector.shape_cast %get3A_1566 : vector<1x16xf32> to vector<16xf32>
      %add3A_1568 = arith.addf %add3A_1544, %get3A_1567 : vector<16xf32>
      %get3A_1569 = arith.constant 63 : i32
      %get3A_1570 = arith.index_cast %get3A_1569 : i32 to index
      %get3A_1571 = arith.constant 16 : index
      %get3A_1572 = tpu.vector_load %arg6[%get3A_1570, %get3A_1571] {strides = array<i32>} : memref<100x64xf32, #tpu.memory_space<vmem>>, vector<1x16xf32>,
      %get3A_1573 = vector.shape_cast %get3A_1572 : vector<1x16xf32> to vector<16xf32>
      %add3A_1574 = arith.addf %add3A_1550, %get3A_1573 : vector<16xf32>
      %get3A_1575 = arith.constant 63 : i32
      %get3A_1576 = arith.index_cast %get3A_1575 : i32 to index
      %get3A_1577 = arith.constant 32 : index
      %get3A_1578 = tpu.vector_load %arg6[%get3A_1576, %get3A_1577] {strides = array<i32>} : memref<100x64xf32, #tpu.memory_space<vmem>>, vector<1x16xf32>,
      %get3A_1579 = vector.shape_cast %get3A_1578 : vector<1x16xf32> to vector<16xf32>
      %add3A_1580 = arith.addf %add3A_1556, %get3A_1579 : vector<16xf32>
      %get3A_1581 = arith.constant 63 : i32
      %get3A_1582 = arith.index_cast %get3A_1581 : i32 to index
      %get3A_1583 = arith.constant 48 : index
      %get3A_1584 = tpu.vector_load %arg6[%get3A_1582, %get3A_1583] {strides = array<i32>} : memref<100x64xf32, #tpu.memory_space<vmem>>, vector<1x16xf32>,
      %get3A_1585 = vector.shape_cast %get3A_1584 : vector<1x16xf32> to vector<16xf32>
      %add3A_1586 = arith.addf %add3A_1562, %get3A_1585 : vector<16xf32>
      %get3A_1587 = arith.constant 64 : i32
      %get3A_1588 = arith.index_cast %get3A_1587 : i32 to index
      %get3A_1589 = arith.constant 0 : index
      %get3A_1590 = tpu.vector_load %arg6[%get3A_1588, %get3A_1589] {strides = array<i32>} : memref<100x64xf32, #tpu.memory_space<vmem>>, vector<1x16xf32>,
      %get3A_1591 = vector.shape_cast %get3A_1590 : vector<1x16xf32> to vector<16xf32>
      %add3A_1592 = arith.addf %add3A_1568, %get3A_1591 : vector<16xf32>
      %get3A_1593 = arith.constant 64 : i32
      %get3A_1594 = arith.index_cast %get3A_1593 : i32 to index
      %get3A_1595 = arith.constant 16 : index
      %get3A_1596 = tpu.vector_load %arg6[%get3A_1594, %get3A_1595] {strides = array<i32>} : memref<100x64xf32, #tpu.memory_space<vmem>>, vector<1x16xf32>,
      %get3A_1597 = vector.shape_cast %get3A_1596 : vector<1x16xf32> to vector<16xf32>
      %add3A_1598 = arith.addf %add3A_1574, %get3A_1597 : vector<16xf32>
      %get3A_1599 = arith.constant 64 : i32
      %get3A_1600 = arith.index_cast %get3A_1599 : i32 to index
      %get3A_1601 = arith.constant 32 : index
      %get3A_1602 = tpu.vector_load %arg6[%get3A_1600, %get3A_1601] {strides = array<i32>} : memref<100x64xf32, #tpu.memory_space<vmem>>, vector<1x16xf32>,
      %get3A_1603 = vector.shape_cast %get3A_1602 : vector<1x16xf32> to vector<16xf32>
      %add3A_1604 = arith.addf %add3A_1580, %get3A_1603 : vector<16xf32>
      %get3A_1605 = arith.constant 64 : i32
      %get3A_1606 = arith.index_cast %get3A_1605 : i32 to index
      %get3A_1607 = arith.constant 48 : index
      %get3A_1608 = tpu.vector_load %arg6[%get3A_1606, %get3A_1607] {strides = array<i32>} : memref<100x64xf32, #tpu.memory_space<vmem>>, vector<1x16xf32>,
      %get3A_1609 = vector.shape_cast %get3A_1608 : vector<1x16xf32> to vector<16xf32>
      %add3A_1610 = arith.addf %add3A_1586, %get3A_1609 : vector<16xf32>
      %get3A_1611 = arith.constant 65 : i32
      %get3A_1612 = arith.index_cast %get3A_1611 : i32 to index
      %get3A_1613 = arith.constant 0 : index
      %get3A_1614 = tpu.vector_load %arg6[%get3A_1612, %get3A_1613] {strides = array<i32>} : memref<100x64xf32, #tpu.memory_space<vmem>>, vector<1x16xf32>,
      %get3A_1615 = vector.shape_cast %get3A_1614 : vector<1x16xf32> to vector<16xf32>
      %add3A_1616 = arith.addf %add3A_1592, %get3A_1615 : vector<16xf32>
      %get3A_1617 = arith.constant 65 : i32
      %get3A_1618 = arith.index_cast %get3A_1617 : i32 to index
      %get3A_1619 = arith.constant 16 : index
      %get3A_1620 = tpu.vector_load %arg6[%get3A_1618, %get3A_1619] {strides = array<i32>} : memref<100x64xf32, #tpu.memory_space<vmem>>, vector<1x16xf32>,
      %get3A_1621 = vector.shape_cast %get3A_1620 : vector<1x16xf32> to vector<16xf32>
      %add3A_1622 = arith.addf %add3A_1598, %get3A_1621 : vector<16xf32>
      %get3A_1623 = arith.constant 65 : i32
      %get3A_1624 = arith.index_cast %get3A_1623 : i32 to index
      %get3A_1625 = arith.constant 32 : index
      %get3A_1626 = tpu.vector_load %arg6[%get3A_1624, %get3A_1625] {strides = array<i32>} : memref<100x64xf32, #tpu.memory_space<vmem>>, vector<1x16xf32>,
      %get3A_1627 = vector.shape_cast %get3A_1626 : vector<1x16xf32> to vector<16xf32>
      %add3A_1628 = arith.addf %add3A_1604, %get3A_1627 : vector<16xf32>
      %get3A_1629 = arith.constant 65 : i32
      %get3A_1630 = arith.index_cast %get3A_1629 : i32 to index
      %get3A_1631 = arith.constant 48 : index
      %get3A_1632 = tpu.vector_load %arg6[%get3A_1630, %get3A_1631] {strides = array<i32>} : memref<100x64xf32, #tpu.memory_space<vmem>>, vector<1x16xf32>,
      %get3A_1633 = vector.shape_cast %get3A_1632 : vector<1x16xf32> to vector<16xf32>
      %add3A_1634 = arith.addf %add3A_1610, %get3A_1633 : vector<16xf32>
      %get3A_1635 = arith.constant 66 : i32
      %get3A_1636 = arith.index_cast %get3A_1635 : i32 to index
      %get3A_1637 = arith.constant 0 : index
      %get3A_1638 = tpu.vector_load %arg6[%get3A_1636, %get3A_1637] {strides = array<i32>} : memref<100x64xf32, #tpu.memory_space<vmem>>, vector<1x16xf32>,
      %get3A_1639 = vector.shape_cast %get3A_1638 : vector<1x16xf32> to vector<16xf32>
      %add3A_1640 = arith.addf %add3A_1616, %get3A_1639 : vector<16xf32>
      %get3A_1641 = arith.constant 66 : i32
      %get3A_1642 = arith.index_cast %get3A_1641 : i32 to index
      %get3A_1643 = arith.constant 16 : index
      %get3A_1644 = tpu.vector_load %arg6[%get3A_1642, %get3A_1643] {strides = array<i32>} : memref<100x64xf32, #tpu.memory_space<vmem>>, vector<1x16xf32>,
      %get3A_1645 = vector.shape_cast %get3A_1644 : vector<1x16xf32> to vector<16xf32>
      %add3A_1646 = arith.addf %add3A_1622, %get3A_1645 : vector<16xf32>
      %get3A_1647 = arith.constant 66 : i32
      %get3A_1648 = arith.index_cast %get3A_1647 : i32 to index
      %get3A_1649 = arith.constant 32 : index
      %get3A_1650 = tpu.vector_load %arg6[%get3A_1648, %get3A_1649] {strides = array<i32>} : memref<100x64xf32, #tpu.memory_space<vmem>>, vector<1x16xf32>,
      %get3A_1651 = vector.shape_cast %get3A_1650 : vector<1x16xf32> to vector<16xf32>
      %add3A_1652 = arith.addf %add3A_1628, %get3A_1651 : vector<16xf32>
      %get3A_1653 = arith.constant 66 : i32
      %get3A_1654 = arith.index_cast %get3A_1653 : i32 to index
      %get3A_1655 = arith.constant 48 : index
      %get3A_1656 = tpu.vector_load %arg6[%get3A_1654, %get3A_1655] {strides = array<i32>} : memref<100x64xf32, #tpu.memory_space<vmem>>, vector<1x16xf32>,
      %get3A_1657 = vector.shape_cast %get3A_1656 : vector<1x16xf32> to vector<16xf32>
      %add3A_1658 = arith.addf %add3A_1634, %get3A_1657 : vector<16xf32>
      %get3A_1659 = arith.constant 67 : i32
      %get3A_1660 = arith.index_cast %get3A_1659 : i32 to index
      %get3A_1661 = arith.constant 0 : index
      %get3A_1662 = tpu.vector_load %arg6[%get3A_1660, %get3A_1661] {strides = array<i32>} : memref<100x64xf32, #tpu.memory_space<vmem>>, vector<1x16xf32>,
      %get3A_1663 = vector.shape_cast %get3A_1662 : vector<1x16xf32> to vector<16xf32>
      %add3A_1664 = arith.addf %add3A_1640, %get3A_1663 : vector<16xf32>
      %get3A_1665 = arith.constant 67 : i32
      %get3A_1666 = arith.index_cast %get3A_1665 : i32 to index
      %get3A_1667 = arith.constant 16 : index
      %get3A_1668 = tpu.vector_load %arg6[%get3A_1666, %get3A_1667] {strides = array<i32>} : memref<100x64xf32, #tpu.memory_space<vmem>>, vector<1x16xf32>,
      %get3A_1669 = vector.shape_cast %get3A_1668 : vector<1x16xf32> to vector<16xf32>
      %add3A_1670 = arith.addf %add3A_1646, %get3A_1669 : vector<16xf32>
      %get3A_1671 = arith.constant 67 : i32
      %get3A_1672 = arith.index_cast %get3A_1671 : i32 to index
      %get3A_1673 = arith.constant 32 : index
      %get3A_1674 = tpu.vector_load %arg6[%get3A_1672, %get3A_1673] {strides = array<i32>} : memref<100x64xf32, #tpu.memory_space<vmem>>, vector<1x16xf32>,
      %get3A_1675 = vector.shape_cast %get3A_1674 : vector<1x16xf32> to vector<16xf32>
      %add3A_1676 = arith.addf %add3A_1652, %get3A_1675 : vector<16xf32>
      %get3A_1677 = arith.constant 67 : i32
      %get3A_1678 = arith.index_cast %get3A_1677 : i32 to index
      %get3A_1679 = arith.constant 48 : index
      %get3A_1680 = tpu.vector_load %arg6[%get3A_1678, %get3A_1679] {strides = array<i32>} : memref<100x64xf32, #tpu.memory_space<vmem>>, vector<1x16xf32>,
      %get3A_1681 = vector.shape_cast %get3A_1680 : vector<1x16xf32> to vector<16xf32>
      %add3A_1682 = arith.addf %add3A_1658, %get3A_1681 : vector<16xf32>
      %get3A_1683 = arith.constant 68 : i32
      %get3A_1684 = arith.index_cast %get3A_1683 : i32 to index
      %get3A_1685 = arith.constant 0 : index
      %get3A_1686 = tpu.vector_load %arg6[%get3A_1684, %get3A_1685] {strides = array<i32>} : memref<100x64xf32, #tpu.memory_space<vmem>>, vector<1x16xf32>,
      %get3A_1687 = vector.shape_cast %get3A_1686 : vector<1x16xf32> to vector<16xf32>
      %add3A_1688 = arith.addf %add3A_1664, %get3A_1687 : vector<16xf32>
      %get3A_1689 = arith.constant 68 : i32
      %get3A_1690 = arith.index_cast %get3A_1689 : i32 to index
      %get3A_1691 = arith.constant 16 : index
      %get3A_1692 = tpu.vector_load %arg6[%get3A_1690, %get3A_1691] {strides = array<i32>} : memref<100x64xf32, #tpu.memory_space<vmem>>, vector<1x16xf32>,
      %get3A_1693 = vector.shape_cast %get3A_1692 : vector<1x16xf32> to vector<16xf32>
      %add3A_1694 = arith.addf %add3A_1670, %get3A_1693 : vector<16xf32>
      %get3A_1695 = arith.constant 68 : i32
      %get3A_1696 = arith.index_cast %get3A_1695 : i32 to index
      %get3A_1697 = arith.constant 32 : index
      %get3A_1698 = tpu.vector_load %arg6[%get3A_1696, %get3A_1697] {strides = array<i32>} : memref<100x64xf32, #tpu.memory_space<vmem>>, vector<1x16xf32>,
      %get3A_1699 = vector.shape_cast %get3A_1698 : vector<1x16xf32> to vector<16xf32>
      %add3A_1700 = arith.addf %add3A_1676, %get3A_1699 : vector<16xf32>
      %get3A_1701 = arith.constant 68 : i32
      %get3A_1702 = arith.index_cast %get3A_1701 : i32 to index
      %get3A_1703 = arith.constant 48 : index
      %get3A_1704 = tpu.vector_load %arg6[%get3A_1702, %get3A_1703] {strides = array<i32>} : memref<100x64xf32, #tpu.memory_space<vmem>>, vector<1x16xf32>,
      %get3A_1705 = vector.shape_cast %get3A_1704 : vector<1x16xf32> to vector<16xf32>
      %add3A_1706 = arith.addf %add3A_1682, %get3A_1705 : vector<16xf32>
      %get3A_1707 = arith.constant 69 : i32
      %get3A_1708 = arith.index_cast %get3A_1707 : i32 to index
      %get3A_1709 = arith.constant 0 : index
      %get3A_1710 = tpu.vector_load %arg6[%get3A_1708, %get3A_1709] {strides = array<i32>} : memref<100x64xf32, #tpu.memory_space<vmem>>, vector<1x16xf32>,
      %get3A_1711 = vector.shape_cast %get3A_1710 : vector<1x16xf32> to vector<16xf32>
      %add3A_1712 = arith.addf %add3A_1688, %get3A_1711 : vector<16xf32>
      %get3A_1713 = arith.constant 69 : i32
      %get3A_1714 = arith.index_cast %get3A_1713 : i32 to index
      %get3A_1715 = arith.constant 16 : index
      %get3A_1716 = tpu.vector_load %arg6[%get3A_1714, %get3A_1715] {strides = array<i32>} : memref<100x64xf32, #tpu.memory_space<vmem>>, vector<1x16xf32>,
      %get3A_1717 = vector.shape_cast %get3A_1716 : vector<1x16xf32> to vector<16xf32>
      %add3A_1718 = arith.addf %add3A_1694, %get3A_1717 : vector<16xf32>
      %get3A_1719 = arith.constant 69 : i32
      %get3A_1720 = arith.index_cast %get3A_1719 : i32 to index
      %get3A_1721 = arith.constant 32 : index
      %get3A_1722 = tpu.vector_load %arg6[%get3A_1720, %get3A_1721] {strides = array<i32>} : memref<100x64xf32, #tpu.memory_space<vmem>>, vector<1x16xf32>,
      %get3A_1723 = vector.shape_cast %get3A_1722 : vector<1x16xf32> to vector<16xf32>
      %add3A_1724 = arith.addf %add3A_1700, %get3A_1723 : vector<16xf32>
      %get3A_1725 = arith.constant 69 : i32
      %get3A_1726 = arith.index_cast %get3A_1725 : i32 to index
      %get3A_1727 = arith.constant 48 : index
      %get3A_1728 = tpu.vector_load %arg6[%get3A_1726, %get3A_1727] {strides = array<i32>} : memref<100x64xf32, #tpu.memory_space<vmem>>, vector<1x16xf32>,
      %get3A_1729 = vector.shape_cast %get3A_1728 : vector<1x16xf32> to vector<16xf32>
      %add3A_1730 = arith.addf %add3A_1706, %get3A_1729 : vector<16xf32>
      %get3A_1731 = arith.constant 70 : i32
      %get3A_1732 = arith.index_cast %get3A_1731 : i32 to index
      %get3A_1733 = arith.constant 0 : index
      %get3A_1734 = tpu.vector_load %arg6[%get3A_1732, %get3A_1733] {strides = array<i32>} : memref<100x64xf32, #tpu.memory_space<vmem>>, vector<1x16xf32>,
      %get3A_1735 = vector.shape_cast %get3A_1734 : vector<1x16xf32> to vector<16xf32>
      %add3A_1736 = arith.addf %add3A_1712, %get3A_1735 : vector<16xf32>
      %get3A_1737 = arith.constant 70 : i32
      %get3A_1738 = arith.index_cast %get3A_1737 : i32 to index
      %get3A_1739 = arith.constant 16 : index
      %get3A_1740 = tpu.vector_load %arg6[%get3A_1738, %get3A_1739] {strides = array<i32>} : memref<100x64xf32, #tpu.memory_space<vmem>>, vector<1x16xf32>,
      %get3A_1741 = vector.shape_cast %get3A_1740 : vector<1x16xf32> to vector<16xf32>
      %add3A_1742 = arith.addf %add3A_1718, %get3A_1741 : vector<16xf32>
      %get3A_1743 = arith.constant 70 : i32
      %get3A_1744 = arith.index_cast %get3A_1743 : i32 to index
      %get3A_1745 = arith.constant 32 : index
      %get3A_1746 = tpu.vector_load %arg6[%get3A_1744, %get3A_1745] {strides = array<i32>} : memref<100x64xf32, #tpu.memory_space<vmem>>, vector<1x16xf32>,
      %get3A_1747 = vector.shape_cast %get3A_1746 : vector<1x16xf32> to vector<16xf32>
      %add3A_1748 = arith.addf %add3A_1724, %get3A_1747 : vector<16xf32>
      %get3A_1749 = arith.constant 70 : i32
      %get3A_1750 = arith.index_cast %get3A_1749 : i32 to index
      %get3A_1751 = arith.constant 48 : index
      %get3A_1752 = tpu.vector_load %arg6[%get3A_1750, %get3A_1751] {strides = array<i32>} : memref<100x64xf32, #tpu.memory_space<vmem>>, vector<1x16xf32>,
      %get3A_1753 = vector.shape_cast %get3A_1752 : vector<1x16xf32> to vector<16xf32>
      %add3A_1754 = arith.addf %add3A_1730, %get3A_1753 : vector<16xf32>
      %get3A_1755 = arith.constant 71 : i32
      %get3A_1756 = arith.index_cast %get3A_1755 : i32 to index
      %get3A_1757 = arith.constant 0 : index
      %get3A_1758 = tpu.vector_load %arg6[%get3A_1756, %get3A_1757] {strides = array<i32>} : memref<100x64xf32, #tpu.memory_space<vmem>>, vector<1x16xf32>,
      %get3A_1759 = vector.shape_cast %get3A_1758 : vector<1x16xf32> to vector<16xf32>
      %add3A_1760 = arith.addf %add3A_1736, %get3A_1759 : vector<16xf32>
      %get3A_1761 = arith.constant 71 : i32
      %get3A_1762 = arith.index_cast %get3A_1761 : i32 to index
      %get3A_1763 = arith.constant 16 : index
      %get3A_1764 = tpu.vector_load %arg6[%get3A_1762, %get3A_1763] {strides = array<i32>} : memref<100x64xf32, #tpu.memory_space<vmem>>, vector<1x16xf32>,
      %get3A_1765 = vector.shape_cast %get3A_1764 : vector<1x16xf32> to vector<16xf32>
      %add3A_1766 = arith.addf %add3A_1742, %get3A_1765 : vector<16xf32>
      %get3A_1767 = arith.constant 71 : i32
      %get3A_1768 = arith.index_cast %get3A_1767 : i32 to index
      %get3A_1769 = arith.constant 32 : index
      %get3A_1770 = tpu.vector_load %arg6[%get3A_1768, %get3A_1769] {strides = array<i32>} : memref<100x64xf32, #tpu.memory_space<vmem>>, vector<1x16xf32>,
      %get3A_1771 = vector.shape_cast %get3A_1770 : vector<1x16xf32> to vector<16xf32>
      %add3A_1772 = arith.addf %add3A_1748, %get3A_1771 : vector<16xf32>
      %get3A_1773 = arith.constant 71 : i32
      %get3A_1774 = arith.index_cast %get3A_1773 : i32 to index
      %get3A_1775 = arith.constant 48 : index
      %get3A_1776 = tpu.vector_load %arg6[%get3A_1774, %get3A_1775] {strides = array<i32>} : memref<100x64xf32, #tpu.memory_space<vmem>>, vector<1x16xf32>,
      %get3A_1777 = vector.shape_cast %get3A_1776 : vector<1x16xf32> to vector<16xf32>
      %add3A_1778 = arith.addf %add3A_1754, %get3A_1777 : vector<16xf32>
      %get3A_1779 = arith.constant 72 : i32
      %get3A_1780 = arith.index_cast %get3A_1779 : i32 to index
      %get3A_1781 = arith.constant 0 : index
      %get3A_1782 = tpu.vector_load %arg6[%get3A_1780, %get3A_1781] {strides = array<i32>} : memref<100x64xf32, #tpu.memory_space<vmem>>, vector<1x16xf32>,
      %get3A_1783 = vector.shape_cast %get3A_1782 : vector<1x16xf32> to vector<16xf32>
      %add3A_1784 = arith.addf %add3A_1760, %get3A_1783 : vector<16xf32>
      %get3A_1785 = arith.constant 72 : i32
      %get3A_1786 = arith.index_cast %get3A_1785 : i32 to index
      %get3A_1787 = arith.constant 16 : index
      %get3A_1788 = tpu.vector_load %arg6[%get3A_1786, %get3A_1787] {strides = array<i32>} : memref<100x64xf32, #tpu.memory_space<vmem>>, vector<1x16xf32>,
      %get3A_1789 = vector.shape_cast %get3A_1788 : vector<1x16xf32> to vector<16xf32>
      %add3A_1790 = arith.addf %add3A_1766, %get3A_1789 : vector<16xf32>
      %get3A_1791 = arith.constant 72 : i32
      %get3A_1792 = arith.index_cast %get3A_1791 : i32 to index
      %get3A_1793 = arith.constant 32 : index
      %get3A_1794 = tpu.vector_load %arg6[%get3A_1792, %get3A_1793] {strides = array<i32>} : memref<100x64xf32, #tpu.memory_space<vmem>>, vector<1x16xf32>,
      %get3A_1795 = vector.shape_cast %get3A_1794 : vector<1x16xf32> to vector<16xf32>
      %add3A_1796 = arith.addf %add3A_1772, %get3A_1795 : vector<16xf32>
      %get3A_1797 = arith.constant 72 : i32
      %get3A_1798 = arith.index_cast %get3A_1797 : i32 to index
      %get3A_1799 = arith.constant 48 : index
      %get3A_1800 = tpu.vector_load %arg6[%get3A_1798, %get3A_1799] {strides = array<i32>} : memref<100x64xf32, #tpu.memory_space<vmem>>, vector<1x16xf32>,
      %get3A_1801 = vector.shape_cast %get3A_1800 : vector<1x16xf32> to vector<16xf32>
      %add3A_1802 = arith.addf %add3A_1778, %get3A_1801 : vector<16xf32>
      %get3A_1803 = arith.constant 73 : i32
      %get3A_1804 = arith.index_cast %get3A_1803 : i32 to index
      %get3A_1805 = arith.constant 0 : index
      %get3A_1806 = tpu.vector_load %arg6[%get3A_1804, %get3A_1805] {strides = array<i32>} : memref<100x64xf32, #tpu.memory_space<vmem>>, vector<1x16xf32>,
      %get3A_1807 = vector.shape_cast %get3A_1806 : vector<1x16xf32> to vector<16xf32>
      %add3A_1808 = arith.addf %add3A_1784, %get3A_1807 : vector<16xf32>
      %get3A_1809 = arith.constant 73 : i32
      %get3A_1810 = arith.index_cast %get3A_1809 : i32 to index
      %get3A_1811 = arith.constant 16 : index
      %get3A_1812 = tpu.vector_load %arg6[%get3A_1810, %get3A_1811] {strides = array<i32>} : memref<100x64xf32, #tpu.memory_space<vmem>>, vector<1x16xf32>,
      %get3A_1813 = vector.shape_cast %get3A_1812 : vector<1x16xf32> to vector<16xf32>
      %add3A_1814 = arith.addf %add3A_1790, %get3A_1813 : vector<16xf32>
      %get3A_1815 = arith.constant 73 : i32
      %get3A_1816 = arith.index_cast %get3A_1815 : i32 to index
      %get3A_1817 = arith.constant 32 : index
      %get3A_1818 = tpu.vector_load %arg6[%get3A_1816, %get3A_1817] {strides = array<i32>} : memref<100x64xf32, #tpu.memory_space<vmem>>, vector<1x16xf32>,
      %get3A_1819 = vector.shape_cast %get3A_1818 : vector<1x16xf32> to vector<16xf32>
      %add3A_1820 = arith.addf %add3A_1796, %get3A_1819 : vector<16xf32>
      %get3A_1821 = arith.constant 73 : i32
      %get3A_1822 = arith.index_cast %get3A_1821 : i32 to index
      %get3A_1823 = arith.constant 48 : index
      %get3A_1824 = tpu.vector_load %arg6[%get3A_1822, %get3A_1823] {strides = array<i32>} : memref<100x64xf32, #tpu.memory_space<vmem>>, vector<1x16xf32>,
      %get3A_1825 = vector.shape_cast %get3A_1824 : vector<1x16xf32> to vector<16xf32>
      %add3A_1826 = arith.addf %add3A_1802, %get3A_1825 : vector<16xf32>
      %get3A_1827 = arith.constant 74 : i32
      %get3A_1828 = arith.index_cast %get3A_1827 : i32 to index
      %get3A_1829 = arith.constant 0 : index
      %get3A_1830 = tpu.vector_load %arg6[%get3A_1828, %get3A_1829] {strides = array<i32>} : memref<100x64xf32, #tpu.memory_space<vmem>>, vector<1x16xf32>,
      %get3A_1831 = vector.shape_cast %get3A_1830 : vector<1x16xf32> to vector<16xf32>
      %add3A_1832 = arith.addf %add3A_1808, %get3A_1831 : vector<16xf32>
      %get3A_1833 = arith.constant 74 : i32
      %get3A_1834 = arith.index_cast %get3A_1833 : i32 to index
      %get3A_1835 = arith.constant 16 : index
      %get3A_1836 = tpu.vector_load %arg6[%get3A_1834, %get3A_1835] {strides = array<i32>} : memref<100x64xf32, #tpu.memory_space<vmem>>, vector<1x16xf32>,
      %get3A_1837 = vector.shape_cast %get3A_1836 : vector<1x16xf32> to vector<16xf32>
      %add3A_1838 = arith.addf %add3A_1814, %get3A_1837 : vector<16xf32>
      %get3A_1839 = arith.constant 74 : i32
      %get3A_1840 = arith.index_cast %get3A_1839 : i32 to index
      %get3A_1841 = arith.constant 32 : index
      %get3A_1842 = tpu.vector_load %arg6[%get3A_1840, %get3A_1841] {strides = array<i32>} : memref<100x64xf32, #tpu.memory_space<vmem>>, vector<1x16xf32>,
      %get3A_1843 = vector.shape_cast %get3A_1842 : vector<1x16xf32> to vector<16xf32>
      %add3A_1844 = arith.addf %add3A_1820, %get3A_1843 : vector<16xf32>
      %get3A_1845 = arith.constant 74 : i32
      %get3A_1846 = arith.index_cast %get3A_1845 : i32 to index
      %get3A_1847 = arith.constant 48 : index
      %get3A_1848 = tpu.vector_load %arg6[%get3A_1846, %get3A_1847] {strides = array<i32>} : memref<100x64xf32, #tpu.memory_space<vmem>>, vector<1x16xf32>,
      %get3A_1849 = vector.shape_cast %get3A_1848 : vector<1x16xf32> to vector<16xf32>
      %add3A_1850 = arith.addf %add3A_1826, %get3A_1849 : vector<16xf32>
      %get3A_1851 = arith.constant 75 : i32
      %get3A_1852 = arith.index_cast %get3A_1851 : i32 to index
      %get3A_1853 = arith.constant 0 : index
      %get3A_1854 = tpu.vector_load %arg6[%get3A_1852, %get3A_1853] {strides = array<i32>} : memref<100x64xf32, #tpu.memory_space<vmem>>, vector<1x16xf32>,
      %get3A_1855 = vector.shape_cast %get3A_1854 : vector<1x16xf32> to vector<16xf32>
      %add3A_1856 = arith.addf %add3A_1832, %get3A_1855 : vector<16xf32>
      %get3A_1857 = arith.constant 75 : i32
      %get3A_1858 = arith.index_cast %get3A_1857 : i32 to index
      %get3A_1859 = arith.constant 16 : index
      %get3A_1860 = tpu.vector_load %arg6[%get3A_1858, %get3A_1859] {strides = array<i32>} : memref<100x64xf32, #tpu.memory_space<vmem>>, vector<1x16xf32>,
      %get3A_1861 = vector.shape_cast %get3A_1860 : vector<1x16xf32> to vector<16xf32>
      %add3A_1862 = arith.addf %add3A_1838, %get3A_1861 : vector<16xf32>
      %get3A_1863 = arith.constant 75 : i32
      %get3A_1864 = arith.index_cast %get3A_1863 : i32 to index
      %get3A_1865 = arith.constant 32 : index
      %get3A_1866 = tpu.vector_load %arg6[%get3A_1864, %get3A_1865] {strides = array<i32>} : memref<100x64xf32, #tpu.memory_space<vmem>>, vector<1x16xf32>,
      %get3A_1867 = vector.shape_cast %get3A_1866 : vector<1x16xf32> to vector<16xf32>
      %add3A_1868 = arith.addf %add3A_1844, %get3A_1867 : vector<16xf32>
      %get3A_1869 = arith.constant 75 : i32
      %get3A_1870 = arith.index_cast %get3A_1869 : i32 to index
      %get3A_1871 = arith.constant 48 : index
      %get3A_1872 = tpu.vector_load %arg6[%get3A_1870, %get3A_1871] {strides = array<i32>} : memref<100x64xf32, #tpu.memory_space<vmem>>, vector<1x16xf32>,
      %get3A_1873 = vector.shape_cast %get3A_1872 : vector<1x16xf32> to vector<16xf32>
      %add3A_1874 = arith.addf %add3A_1850, %get3A_1873 : vector<16xf32>
      %get3A_1875 = arith.constant 76 : i32
      %get3A_1876 = arith.index_cast %get3A_1875 : i32 to index
      %get3A_1877 = arith.constant 0 : index
      %get3A_1878 = tpu.vector_load %arg6[%get3A_1876, %get3A_1877] {strides = array<i32>} : memref<100x64xf32, #tpu.memory_space<vmem>>, vector<1x16xf32>,
      %get3A_1879 = vector.shape_cast %get3A_1878 : vector<1x16xf32> to vector<16xf32>
      %add3A_1880 = arith.addf %add3A_1856, %get3A_1879 : vector<16xf32>
      %get3A_1881 = arith.constant 76 : i32
      %get3A_1882 = arith.index_cast %get3A_1881 : i32 to index
      %get3A_1883 = arith.constant 16 : index
      %get3A_1884 = tpu.vector_load %arg6[%get3A_1882, %get3A_1883] {strides = array<i32>} : memref<100x64xf32, #tpu.memory_space<vmem>>, vector<1x16xf32>,
      %get3A_1885 = vector.shape_cast %get3A_1884 : vector<1x16xf32> to vector<16xf32>
      %add3A_1886 = arith.addf %add3A_1862, %get3A_1885 : vector<16xf32>
      %get3A_1887 = arith.constant 76 : i32
      %get3A_1888 = arith.index_cast %get3A_1887 : i32 to index
      %get3A_1889 = arith.constant 32 : index
      %get3A_1890 = tpu.vector_load %arg6[%get3A_1888, %get3A_1889] {strides = array<i32>} : memref<100x64xf32, #tpu.memory_space<vmem>>, vector<1x16xf32>,
      %get3A_1891 = vector.shape_cast %get3A_1890 : vector<1x16xf32> to vector<16xf32>
      %add3A_1892 = arith.addf %add3A_1868, %get3A_1891 : vector<16xf32>
      %get3A_1893 = arith.constant 76 : i32
      %get3A_1894 = arith.index_cast %get3A_1893 : i32 to index
      %get3A_1895 = arith.constant 48 : index
      %get3A_1896 = tpu.vector_load %arg6[%get3A_1894, %get3A_1895] {strides = array<i32>} : memref<100x64xf32, #tpu.memory_space<vmem>>, vector<1x16xf32>,
      %get3A_1897 = vector.shape_cast %get3A_1896 : vector<1x16xf32> to vector<16xf32>
      %add3A_1898 = arith.addf %add3A_1874, %get3A_1897 : vector<16xf32>
      %get3A_1899 = arith.constant 77 : i32
      %get3A_1900 = arith.index_cast %get3A_1899 : i32 to index
      %get3A_1901 = arith.constant 0 : index
      %get3A_1902 = tpu.vector_load %arg6[%get3A_1900, %get3A_1901] {strides = array<i32>} : memref<100x64xf32, #tpu.memory_space<vmem>>, vector<1x16xf32>,
      %get3A_1903 = vector.shape_cast %get3A_1902 : vector<1x16xf32> to vector<16xf32>
      %add3A_1904 = arith.addf %add3A_1880, %get3A_1903 : vector<16xf32>
      %get3A_1905 = arith.constant 77 : i32
      %get3A_1906 = arith.index_cast %get3A_1905 : i32 to index
      %get3A_1907 = arith.constant 16 : index
      %get3A_1908 = tpu.vector_load %arg6[%get3A_1906, %get3A_1907] {strides = array<i32>} : memref<100x64xf32, #tpu.memory_space<vmem>>, vector<1x16xf32>,
      %get3A_1909 = vector.shape_cast %get3A_1908 : vector<1x16xf32> to vector<16xf32>
      %add3A_1910 = arith.addf %add3A_1886, %get3A_1909 : vector<16xf32>
      %get3A_1911 = arith.constant 77 : i32
      %get3A_1912 = arith.index_cast %get3A_1911 : i32 to index
      %get3A_1913 = arith.constant 32 : index
      %get3A_1914 = tpu.vector_load %arg6[%get3A_1912, %get3A_1913] {strides = array<i32>} : memref<100x64xf32, #tpu.memory_space<vmem>>, vector<1x16xf32>,
      %get3A_1915 = vector.shape_cast %get3A_1914 : vector<1x16xf32> to vector<16xf32>
      %add3A_1916 = arith.addf %add3A_1892, %get3A_1915 : vector<16xf32>
      %get3A_1917 = arith.constant 77 : i32
      %get3A_1918 = arith.index_cast %get3A_1917 : i32 to index
      %get3A_1919 = arith.constant 48 : index
      %get3A_1920 = tpu.vector_load %arg6[%get3A_1918, %get3A_1919] {strides = array<i32>} : memref<100x64xf32, #tpu.memory_space<vmem>>, vector<1x16xf32>,
      %get3A_1921 = vector.shape_cast %get3A_1920 : vector<1x16xf32> to vector<16xf32>
      %add3A_1922 = arith.addf %add3A_1898, %get3A_1921 : vector<16xf32>
      %get3A_1923 = arith.constant 78 : i32
      %get3A_1924 = arith.index_cast %get3A_1923 : i32 to index
      %get3A_1925 = arith.constant 0 : index
      %get3A_1926 = tpu.vector_load %arg6[%get3A_1924, %get3A_1925] {strides = array<i32>} : memref<100x64xf32, #tpu.memory_space<vmem>>, vector<1x16xf32>,
      %get3A_1927 = vector.shape_cast %get3A_1926 : vector<1x16xf32> to vector<16xf32>
      %add3A_1928 = arith.addf %add3A_1904, %get3A_1927 : vector<16xf32>
      %get3A_1929 = arith.constant 78 : i32
      %get3A_1930 = arith.index_cast %get3A_1929 : i32 to index
      %get3A_1931 = arith.constant 16 : index
      %get3A_1932 = tpu.vector_load %arg6[%get3A_1930, %get3A_1931] {strides = array<i32>} : memref<100x64xf32, #tpu.memory_space<vmem>>, vector<1x16xf32>,
      %get3A_1933 = vector.shape_cast %get3A_1932 : vector<1x16xf32> to vector<16xf32>
      %add3A_1934 = arith.addf %add3A_1910, %get3A_1933 : vector<16xf32>
      %get3A_1935 = arith.constant 78 : i32
      %get3A_1936 = arith.index_cast %get3A_1935 : i32 to index
      %get3A_1937 = arith.constant 32 : index
      %get3A_1938 = tpu.vector_load %arg6[%get3A_1936, %get3A_1937] {strides = array<i32>} : memref<100x64xf32, #tpu.memory_space<vmem>>, vector<1x16xf32>,
      %get3A_1939 = vector.shape_cast %get3A_1938 : vector<1x16xf32> to vector<16xf32>
      %add3A_1940 = arith.addf %add3A_1916, %get3A_1939 : vector<16xf32>
      %get3A_1941 = arith.constant 78 : i32
      %get3A_1942 = arith.index_cast %get3A_1941 : i32 to index
      %get3A_1943 = arith.constant 48 : index
      %get3A_1944 = tpu.vector_load %arg6[%get3A_1942, %get3A_1943] {strides = array<i32>} : memref<100x64xf32, #tpu.memory_space<vmem>>, vector<1x16xf32>,
      %get3A_1945 = vector.shape_cast %get3A_1944 : vector<1x16xf32> to vector<16xf32>
      %add3A_1946 = arith.addf %add3A_1922, %get3A_1945 : vector<16xf32>
      %get3A_1947 = arith.constant 79 : i32
      %get3A_1948 = arith.index_cast %get3A_1947 : i32 to index
      %get3A_1949 = arith.constant 0 : index
      %get3A_1950 = tpu.vector_load %arg6[%get3A_1948, %get3A_1949] {strides = array<i32>} : memref<100x64xf32, #tpu.memory_space<vmem>>, vector<1x16xf32>,
      %get3A_1951 = vector.shape_cast %get3A_1950 : vector<1x16xf32> to vector<16xf32>
      %add3A_1952 = arith.addf %add3A_1928, %get3A_1951 : vector<16xf32>
      %get3A_1953 = arith.constant 79 : i32
      %get3A_1954 = arith.index_cast %get3A_1953 : i32 to index
      %get3A_1955 = arith.constant 16 : index
      %get3A_1956 = tpu.vector_load %arg6[%get3A_1954, %get3A_1955] {strides = array<i32>} : memref<100x64xf32, #tpu.memory_space<vmem>>, vector<1x16xf32>,
      %get3A_1957 = vector.shape_cast %get3A_1956 : vector<1x16xf32> to vector<16xf32>
      %add3A_1958 = arith.addf %add3A_1934, %get3A_1957 : vector<16xf32>
      %get3A_1959 = arith.constant 79 : i32
      %get3A_1960 = arith.index_cast %get3A_1959 : i32 to index
      %get3A_1961 = arith.constant 32 : index
      %get3A_1962 = tpu.vector_load %arg6[%get3A_1960, %get3A_1961] {strides = array<i32>} : memref<100x64xf32, #tpu.memory_space<vmem>>, vector<1x16xf32>,
      %get3A_1963 = vector.shape_cast %get3A_1962 : vector<1x16xf32> to vector<16xf32>
      %add3A_1964 = arith.addf %add3A_1940, %get3A_1963 : vector<16xf32>
      %get3A_1965 = arith.constant 79 : i32
      %get3A_1966 = arith.index_cast %get3A_1965 : i32 to index
      %get3A_1967 = arith.constant 48 : index
      %get3A_1968 = tpu.vector_load %arg6[%get3A_1966, %get3A_1967] {strides = array<i32>} : memref<100x64xf32, #tpu.memory_space<vmem>>, vector<1x16xf32>,
      %get3A_1969 = vector.shape_cast %get3A_1968 : vector<1x16xf32> to vector<16xf32>
      %add3A_1970 = arith.addf %add3A_1946, %get3A_1969 : vector<16xf32>
      %get3A_1971 = arith.constant 80 : i32
      %get3A_1972 = arith.index_cast %get3A_1971 : i32 to index
      %get3A_1973 = arith.constant 0 : index
      %get3A_1974 = tpu.vector_load %arg6[%get3A_1972, %get3A_1973] {strides = array<i32>} : memref<100x64xf32, #tpu.memory_space<vmem>>, vector<1x16xf32>,
      %get3A_1975 = vector.shape_cast %get3A_1974 : vector<1x16xf32> to vector<16xf32>
      %add3A_1976 = arith.addf %add3A_1952, %get3A_1975 : vector<16xf32>
      %get3A_1977 = arith.constant 80 : i32
      %get3A_1978 = arith.index_cast %get3A_1977 : i32 to index
      %get3A_1979 = arith.constant 16 : index
      %get3A_1980 = tpu.vector_load %arg6[%get3A_1978, %get3A_1979] {strides = array<i32>} : memref<100x64xf32, #tpu.memory_space<vmem>>, vector<1x16xf32>,
      %get3A_1981 = vector.shape_cast %get3A_1980 : vector<1x16xf32> to vector<16xf32>
      %add3A_1982 = arith.addf %add3A_1958, %get3A_1981 : vector<16xf32>
      %get3A_1983 = arith.constant 80 : i32
      %get3A_1984 = arith.index_cast %get3A_1983 : i32 to index
      %get3A_1985 = arith.constant 32 : index
      %get3A_1986 = tpu.vector_load %arg6[%get3A_1984, %get3A_1985] {strides = array<i32>} : memref<100x64xf32, #tpu.memory_space<vmem>>, vector<1x16xf32>,
      %get3A_1987 = vector.shape_cast %get3A_1986 : vector<1x16xf32> to vector<16xf32>
      %add3A_1988 = arith.addf %add3A_1964, %get3A_1987 : vector<16xf32>
      %get3A_1989 = arith.constant 80 : i32
      %get3A_1990 = arith.index_cast %get3A_1989 : i32 to index
      %get3A_1991 = arith.constant 48 : index
      %get3A_1992 = tpu.vector_load %arg6[%get3A_1990, %get3A_1991] {strides = array<i32>} : memref<100x64xf32, #tpu.memory_space<vmem>>, vector<1x16xf32>,
      %get3A_1993 = vector.shape_cast %get3A_1992 : vector<1x16xf32> to vector<16xf32>
      %add3A_1994 = arith.addf %add3A_1970, %get3A_1993 : vector<16xf32>
      %get3A_1995 = arith.constant 81 : i32
      %get3A_1996 = arith.index_cast %get3A_1995 : i32 to index
      %get3A_1997 = arith.constant 0 : index
      %get3A_1998 = tpu.vector_load %arg6[%get3A_1996, %get3A_1997] {strides = array<i32>} : memref<100x64xf32, #tpu.memory_space<vmem>>, vector<1x16xf32>,
      %get3A_1999 = vector.shape_cast %get3A_1998 : vector<1x16xf32> to vector<16xf32>
      %add3A_2000 = arith.addf %add3A_1976, %get3A_1999 : vector<16xf32>
      %get3A_2001 = arith.constant 81 : i32
      %get3A_2002 = arith.index_cast %get3A_2001 : i32 to index
      %get3A_2003 = arith.constant 16 : index
      %get3A_2004 = tpu.vector_load %arg6[%get3A_2002, %get3A_2003] {strides = array<i32>} : memref<100x64xf32, #tpu.memory_space<vmem>>, vector<1x16xf32>,
      %get3A_2005 = vector.shape_cast %get3A_2004 : vector<1x16xf32> to vector<16xf32>
      %add3A_2006 = arith.addf %add3A_1982, %get3A_2005 : vector<16xf32>
      %get3A_2007 = arith.constant 81 : i32
      %get3A_2008 = arith.index_cast %get3A_2007 : i32 to index
      %get3A_2009 = arith.constant 32 : index
      %get3A_2010 = tpu.vector_load %arg6[%get3A_2008, %get3A_2009] {strides = array<i32>} : memref<100x64xf32, #tpu.memory_space<vmem>>, vector<1x16xf32>,
      %get3A_2011 = vector.shape_cast %get3A_2010 : vector<1x16xf32> to vector<16xf32>
      %add3A_2012 = arith.addf %add3A_1988, %get3A_2011 : vector<16xf32>
      %get3A_2013 = arith.constant 81 : i32
      %get3A_2014 = arith.index_cast %get3A_2013 : i32 to index
      %get3A_2015 = arith.constant 48 : index
      %get3A_2016 = tpu.vector_load %arg6[%get3A_2014, %get3A_2015] {strides = array<i32>} : memref<100x64xf32, #tpu.memory_space<vmem>>, vector<1x16xf32>,
      %get3A_2017 = vector.shape_cast %get3A_2016 : vector<1x16xf32> to vector<16xf32>
      %add3A_2018 = arith.addf %add3A_1994, %get3A_2017 : vector<16xf32>
      %get3A_2019 = arith.constant 82 : i32
      %get3A_2020 = arith.index_cast %get3A_2019 : i32 to index
      %get3A_2021 = arith.constant 0 : index
      %get3A_2022 = tpu.vector_load %arg6[%get3A_2020, %get3A_2021] {strides = array<i32>} : memref<100x64xf32, #tpu.memory_space<vmem>>, vector<1x16xf32>,
      %get3A_2023 = vector.shape_cast %get3A_2022 : vector<1x16xf32> to vector<16xf32>
      %add3A_2024 = arith.addf %add3A_2000, %get3A_2023 : vector<16xf32>
      %get3A_2025 = arith.constant 82 : i32
      %get3A_2026 = arith.index_cast %get3A_2025 : i32 to index
      %get3A_2027 = arith.constant 16 : index
      %get3A_2028 = tpu.vector_load %arg6[%get3A_2026, %get3A_2027] {strides = array<i32>} : memref<100x64xf32, #tpu.memory_space<vmem>>, vector<1x16xf32>,
      %get3A_2029 = vector.shape_cast %get3A_2028 : vector<1x16xf32> to vector<16xf32>
      %add3A_2030 = arith.addf %add3A_2006, %get3A_2029 : vector<16xf32>
      %get3A_2031 = arith.constant 82 : i32
      %get3A_2032 = arith.index_cast %get3A_2031 : i32 to index
      %get3A_2033 = arith.constant 32 : index
      %get3A_2034 = tpu.vector_load %arg6[%get3A_2032, %get3A_2033] {strides = array<i32>} : memref<100x64xf32, #tpu.memory_space<vmem>>, vector<1x16xf32>,
      %get3A_2035 = vector.shape_cast %get3A_2034 : vector<1x16xf32> to vector<16xf32>
      %add3A_2036 = arith.addf %add3A_2012, %get3A_2035 : vector<16xf32>
      %get3A_2037 = arith.constant 82 : i32
      %get3A_2038 = arith.index_cast %get3A_2037 : i32 to index
      %get3A_2039 = arith.constant 48 : index
      %get3A_2040 = tpu.vector_load %arg6[%get3A_2038, %get3A_2039] {strides = array<i32>} : memref<100x64xf32, #tpu.memory_space<vmem>>, vector<1x16xf32>,
      %get3A_2041 = vector.shape_cast %get3A_2040 : vector<1x16xf32> to vector<16xf32>
      %add3A_2042 = arith.addf %add3A_2018, %get3A_2041 : vector<16xf32>
      %get3A_2043 = arith.constant 83 : i32
      %get3A_2044 = arith.index_cast %get3A_2043 : i32 to index
      %get3A_2045 = arith.constant 0 : index
      %get3A_2046 = tpu.vector_load %arg6[%get3A_2044, %get3A_2045] {strides = array<i32>} : memref<100x64xf32, #tpu.memory_space<vmem>>, vector<1x16xf32>,
      %get3A_2047 = vector.shape_cast %get3A_2046 : vector<1x16xf32> to vector<16xf32>
      %add3A_2048 = arith.addf %add3A_2024, %get3A_2047 : vector<16xf32>
      %get3A_2049 = arith.constant 83 : i32
      %get3A_2050 = arith.index_cast %get3A_2049 : i32 to index
      %get3A_2051 = arith.constant 16 : index
      %get3A_2052 = tpu.vector_load %arg6[%get3A_2050, %get3A_2051] {strides = array<i32>} : memref<100x64xf32, #tpu.memory_space<vmem>>, vector<1x16xf32>,
      %get3A_2053 = vector.shape_cast %get3A_2052 : vector<1x16xf32> to vector<16xf32>
      %add3A_2054 = arith.addf %add3A_2030, %get3A_2053 : vector<16xf32>
      %get3A_2055 = arith.constant 83 : i32
      %get3A_2056 = arith.index_cast %get3A_2055 : i32 to index
      %get3A_2057 = arith.constant 32 : index
      %get3A_2058 = tpu.vector_load %arg6[%get3A_2056, %get3A_2057] {strides = array<i32>} : memref<100x64xf32, #tpu.memory_space<vmem>>, vector<1x16xf32>,
      %get3A_2059 = vector.shape_cast %get3A_2058 : vector<1x16xf32> to vector<16xf32>
      %add3A_2060 = arith.addf %add3A_2036, %get3A_2059 : vector<16xf32>
      %get3A_2061 = arith.constant 83 : i32
      %get3A_2062 = arith.index_cast %get3A_2061 : i32 to index
      %get3A_2063 = arith.constant 48 : index
      %get3A_2064 = tpu.vector_load %arg6[%get3A_2062, %get3A_2063] {strides = array<i32>} : memref<100x64xf32, #tpu.memory_space<vmem>>, vector<1x16xf32>,
      %get3A_2065 = vector.shape_cast %get3A_2064 : vector<1x16xf32> to vector<16xf32>
      %add3A_2066 = arith.addf %add3A_2042, %get3A_2065 : vector<16xf32>
      %get3A_2067 = arith.constant 84 : i32
      %get3A_2068 = arith.index_cast %get3A_2067 : i32 to index
      %get3A_2069 = arith.constant 0 : index
      %get3A_2070 = tpu.vector_load %arg6[%get3A_2068, %get3A_2069] {strides = array<i32>} : memref<100x64xf32, #tpu.memory_space<vmem>>, vector<1x16xf32>,
      %get3A_2071 = vector.shape_cast %get3A_2070 : vector<1x16xf32> to vector<16xf32>
      %add3A_2072 = arith.addf %add3A_2048, %get3A_2071 : vector<16xf32>
      %get3A_2073 = arith.constant 84 : i32
      %get3A_2074 = arith.index_cast %get3A_2073 : i32 to index
      %get3A_2075 = arith.constant 16 : index
      %get3A_2076 = tpu.vector_load %arg6[%get3A_2074, %get3A_2075] {strides = array<i32>} : memref<100x64xf32, #tpu.memory_space<vmem>>, vector<1x16xf32>,
      %get3A_2077 = vector.shape_cast %get3A_2076 : vector<1x16xf32> to vector<16xf32>
      %add3A_2078 = arith.addf %add3A_2054, %get3A_2077 : vector<16xf32>
      %get3A_2079 = arith.constant 84 : i32
      %get3A_2080 = arith.index_cast %get3A_2079 : i32 to index
      %get3A_2081 = arith.constant 32 : index
      %get3A_2082 = tpu.vector_load %arg6[%get3A_2080, %get3A_2081] {strides = array<i32>} : memref<100x64xf32, #tpu.memory_space<vmem>>, vector<1x16xf32>,
      %get3A_2083 = vector.shape_cast %get3A_2082 : vector<1x16xf32> to vector<16xf32>
      %add3A_2084 = arith.addf %add3A_2060, %get3A_2083 : vector<16xf32>
      %get3A_2085 = arith.constant 84 : i32
      %get3A_2086 = arith.index_cast %get3A_2085 : i32 to index
      %get3A_2087 = arith.constant 48 : index
      %get3A_2088 = tpu.vector_load %arg6[%get3A_2086, %get3A_2087] {strides = array<i32>} : memref<100x64xf32, #tpu.memory_space<vmem>>, vector<1x16xf32>,
      %get3A_2089 = vector.shape_cast %get3A_2088 : vector<1x16xf32> to vector<16xf32>
      %add3A_2090 = arith.addf %add3A_2066, %get3A_2089 : vector<16xf32>
      %get3A_2091 = arith.constant 85 : i32
      %get3A_2092 = arith.index_cast %get3A_2091 : i32 to index
      %get3A_2093 = arith.constant 0 : index
      %get3A_2094 = tpu.vector_load %arg6[%get3A_2092, %get3A_2093] {strides = array<i32>} : memref<100x64xf32, #tpu.memory_space<vmem>>, vector<1x16xf32>,
      %get3A_2095 = vector.shape_cast %get3A_2094 : vector<1x16xf32> to vector<16xf32>
      %add3A_2096 = arith.addf %add3A_2072, %get3A_2095 : vector<16xf32>
      %get3A_2097 = arith.constant 85 : i32
      %get3A_2098 = arith.index_cast %get3A_2097 : i32 to index
      %get3A_2099 = arith.constant 16 : index
      %get3A_2100 = tpu.vector_load %arg6[%get3A_2098, %get3A_2099] {strides = array<i32>} : memref<100x64xf32, #tpu.memory_space<vmem>>, vector<1x16xf32>,
      %get3A_2101 = vector.shape_cast %get3A_2100 : vector<1x16xf32> to vector<16xf32>
      %add3A_2102 = arith.addf %add3A_2078, %get3A_2101 : vector<16xf32>
      %get3A_2103 = arith.constant 85 : i32
      %get3A_2104 = arith.index_cast %get3A_2103 : i32 to index
      %get3A_2105 = arith.constant 32 : index
      %get3A_2106 = tpu.vector_load %arg6[%get3A_2104, %get3A_2105] {strides = array<i32>} : memref<100x64xf32, #tpu.memory_space<vmem>>, vector<1x16xf32>,
      %get3A_2107 = vector.shape_cast %get3A_2106 : vector<1x16xf32> to vector<16xf32>
      %add3A_2108 = arith.addf %add3A_2084, %get3A_2107 : vector<16xf32>
      %get3A_2109 = arith.constant 85 : i32
      %get3A_2110 = arith.index_cast %get3A_2109 : i32 to index
      %get3A_2111 = arith.constant 48 : index
      %get3A_2112 = tpu.vector_load %arg6[%get3A_2110, %get3A_2111] {strides = array<i32>} : memref<100x64xf32, #tpu.memory_space<vmem>>, vector<1x16xf32>,
      %get3A_2113 = vector.shape_cast %get3A_2112 : vector<1x16xf32> to vector<16xf32>
      %add3A_2114 = arith.addf %add3A_2090, %get3A_2113 : vector<16xf32>
      %get3A_2115 = arith.constant 86 : i32
      %get3A_2116 = arith.index_cast %get3A_2115 : i32 to index
      %get3A_2117 = arith.constant 0 : index
      %get3A_2118 = tpu.vector_load %arg6[%get3A_2116, %get3A_2117] {strides = array<i32>} : memref<100x64xf32, #tpu.memory_space<vmem>>, vector<1x16xf32>,
      %get3A_2119 = vector.shape_cast %get3A_2118 : vector<1x16xf32> to vector<16xf32>
      %add3A_2120 = arith.addf %add3A_2096, %get3A_2119 : vector<16xf32>
      %get3A_2121 = arith.constant 86 : i32
      %get3A_2122 = arith.index_cast %get3A_2121 : i32 to index
      %get3A_2123 = arith.constant 16 : index
      %get3A_2124 = tpu.vector_load %arg6[%get3A_2122, %get3A_2123] {strides = array<i32>} : memref<100x64xf32, #tpu.memory_space<vmem>>, vector<1x16xf32>,
      %get3A_2125 = vector.shape_cast %get3A_2124 : vector<1x16xf32> to vector<16xf32>
      %add3A_2126 = arith.addf %add3A_2102, %get3A_2125 : vector<16xf32>
      %get3A_2127 = arith.constant 86 : i32
      %get3A_2128 = arith.index_cast %get3A_2127 : i32 to index
      %get3A_2129 = arith.constant 32 : index
      %get3A_2130 = tpu.vector_load %arg6[%get3A_2128, %get3A_2129] {strides = array<i32>} : memref<100x64xf32, #tpu.memory_space<vmem>>, vector<1x16xf32>,
      %get3A_2131 = vector.shape_cast %get3A_2130 : vector<1x16xf32> to vector<16xf32>
      %add3A_2132 = arith.addf %add3A_2108, %get3A_2131 : vector<16xf32>
      %get3A_2133 = arith.constant 86 : i32
      %get3A_2134 = arith.index_cast %get3A_2133 : i32 to index
      %get3A_2135 = arith.constant 48 : index
      %get3A_2136 = tpu.vector_load %arg6[%get3A_2134, %get3A_2135] {strides = array<i32>} : memref<100x64xf32, #tpu.memory_space<vmem>>, vector<1x16xf32>,
      %get3A_2137 = vector.shape_cast %get3A_2136 : vector<1x16xf32> to vector<16xf32>
      %add3A_2138 = arith.addf %add3A_2114, %get3A_2137 : vector<16xf32>
      %get3A_2139 = arith.constant 87 : i32
      %get3A_2140 = arith.index_cast %get3A_2139 : i32 to index
      %get3A_2141 = arith.constant 0 : index
      %get3A_2142 = tpu.vector_load %arg6[%get3A_2140, %get3A_2141] {strides = array<i32>} : memref<100x64xf32, #tpu.memory_space<vmem>>, vector<1x16xf32>,
      %get3A_2143 = vector.shape_cast %get3A_2142 : vector<1x16xf32> to vector<16xf32>
      %add3A_2144 = arith.addf %add3A_2120, %get3A_2143 : vector<16xf32>
      %get3A_2145 = arith.constant 87 : i32
      %get3A_2146 = arith.index_cast %get3A_2145 : i32 to index
      %get3A_2147 = arith.constant 16 : index
      %get3A_2148 = tpu.vector_load %arg6[%get3A_2146, %get3A_2147] {strides = array<i32>} : memref<100x64xf32, #tpu.memory_space<vmem>>, vector<1x16xf32>,
      %get3A_2149 = vector.shape_cast %get3A_2148 : vector<1x16xf32> to vector<16xf32>
      %add3A_2150 = arith.addf %add3A_2126, %get3A_2149 : vector<16xf32>
      %get3A_2151 = arith.constant 87 : i32
      %get3A_2152 = arith.index_cast %get3A_2151 : i32 to index
      %get3A_2153 = arith.constant 32 : index
      %get3A_2154 = tpu.vector_load %arg6[%get3A_2152, %get3A_2153] {strides = array<i32>} : memref<100x64xf32, #tpu.memory_space<vmem>>, vector<1x16xf32>,
      %get3A_2155 = vector.shape_cast %get3A_2154 : vector<1x16xf32> to vector<16xf32>
      %add3A_2156 = arith.addf %add3A_2132, %get3A_2155 : vector<16xf32>
      %get3A_2157 = arith.constant 87 : i32
      %get3A_2158 = arith.index_cast %get3A_2157 : i32 to index
      %get3A_2159 = arith.constant 48 : index
      %get3A_2160 = tpu.vector_load %arg6[%get3A_2158, %get3A_2159] {strides = array<i32>} : memref<100x64xf32, #tpu.memory_space<vmem>>, vector<1x16xf32>,
      %get3A_2161 = vector.shape_cast %get3A_2160 : vector<1x16xf32> to vector<16xf32>
      %add3A_2162 = arith.addf %add3A_2138, %get3A_2161 : vector<16xf32>
      %get3A_2163 = arith.constant 88 : i32
      %get3A_2164 = arith.index_cast %get3A_2163 : i32 to index
      %get3A_2165 = arith.constant 0 : index
      %get3A_2166 = tpu.vector_load %arg6[%get3A_2164, %get3A_2165] {strides = array<i32>} : memref<100x64xf32, #tpu.memory_space<vmem>>, vector<1x16xf32>,
      %get3A_2167 = vector.shape_cast %get3A_2166 : vector<1x16xf32> to vector<16xf32>
      %add3A_2168 = arith.addf %add3A_2144, %get3A_2167 : vector<16xf32>
      %get3A_2169 = arith.constant 88 : i32
      %get3A_2170 = arith.index_cast %get3A_2169 : i32 to index
      %get3A_2171 = arith.constant 16 : index
      %get3A_2172 = tpu.vector_load %arg6[%get3A_2170, %get3A_2171] {strides = array<i32>} : memref<100x64xf32, #tpu.memory_space<vmem>>, vector<1x16xf32>,
      %get3A_2173 = vector.shape_cast %get3A_2172 : vector<1x16xf32> to vector<16xf32>
      %add3A_2174 = arith.addf %add3A_2150, %get3A_2173 : vector<16xf32>
      %get3A_2175 = arith.constant 88 : i32
      %get3A_2176 = arith.index_cast %get3A_2175 : i32 to index
      %get3A_2177 = arith.constant 32 : index
      %get3A_2178 = tpu.vector_load %arg6[%get3A_2176, %get3A_2177] {strides = array<i32>} : memref<100x64xf32, #tpu.memory_space<vmem>>, vector<1x16xf32>,
      %get3A_2179 = vector.shape_cast %get3A_2178 : vector<1x16xf32> to vector<16xf32>
      %add3A_2180 = arith.addf %add3A_2156, %get3A_2179 : vector<16xf32>
      %get3A_2181 = arith.constant 88 : i32
      %get3A_2182 = arith.index_cast %get3A_2181 : i32 to index
      %get3A_2183 = arith.constant 48 : index
      %get3A_2184 = tpu.vector_load %arg6[%get3A_2182, %get3A_2183] {strides = array<i32>} : memref<100x64xf32, #tpu.memory_space<vmem>>, vector<1x16xf32>,
      %get3A_2185 = vector.shape_cast %get3A_2184 : vector<1x16xf32> to vector<16xf32>
      %add3A_2186 = arith.addf %add3A_2162, %get3A_2185 : vector<16xf32>
      %get3A_2187 = arith.constant 89 : i32
      %get3A_2188 = arith.index_cast %get3A_2187 : i32 to index
      %get3A_2189 = arith.constant 0 : index
      %get3A_2190 = tpu.vector_load %arg6[%get3A_2188, %get3A_2189] {strides = array<i32>} : memref<100x64xf32, #tpu.memory_space<vmem>>, vector<1x16xf32>,
      %get3A_2191 = vector.shape_cast %get3A_2190 : vector<1x16xf32> to vector<16xf32>
      %add3A_2192 = arith.addf %add3A_2168, %get3A_2191 : vector<16xf32>
      %get3A_2193 = arith.constant 89 : i32
      %get3A_2194 = arith.index_cast %get3A_2193 : i32 to index
      %get3A_2195 = arith.constant 16 : index
      %get3A_2196 = tpu.vector_load %arg6[%get3A_2194, %get3A_2195] {strides = array<i32>} : memref<100x64xf32, #tpu.memory_space<vmem>>, vector<1x16xf32>,
      %get3A_2197 = vector.shape_cast %get3A_2196 : vector<1x16xf32> to vector<16xf32>
      %add3A_2198 = arith.addf %add3A_2174, %get3A_2197 : vector<16xf32>
      %get3A_2199 = arith.constant 89 : i32
      %get3A_2200 = arith.index_cast %get3A_2199 : i32 to index
      %get3A_2201 = arith.constant 32 : index
      %get3A_2202 = tpu.vector_load %arg6[%get3A_2200, %get3A_2201] {strides = array<i32>} : memref<100x64xf32, #tpu.memory_space<vmem>>, vector<1x16xf32>,
      %get3A_2203 = vector.shape_cast %get3A_2202 : vector<1x16xf32> to vector<16xf32>
      %add3A_2204 = arith.addf %add3A_2180, %get3A_2203 : vector<16xf32>
      %get3A_2205 = arith.constant 89 : i32
      %get3A_2206 = arith.index_cast %get3A_2205 : i32 to index
      %get3A_2207 = arith.constant 48 : index
      %get3A_2208 = tpu.vector_load %arg6[%get3A_2206, %get3A_2207] {strides = array<i32>} : memref<100x64xf32, #tpu.memory_space<vmem>>, vector<1x16xf32>,
      %get3A_2209 = vector.shape_cast %get3A_2208 : vector<1x16xf32> to vector<16xf32>
      %add3A_2210 = arith.addf %add3A_2186, %get3A_2209 : vector<16xf32>
      %get3A_2211 = arith.constant 90 : i32
      %get3A_2212 = arith.index_cast %get3A_2211 : i32 to index
      %get3A_2213 = arith.constant 0 : index
      %get3A_2214 = tpu.vector_load %arg6[%get3A_2212, %get3A_2213] {strides = array<i32>} : memref<100x64xf32, #tpu.memory_space<vmem>>, vector<1x16xf32>,
      %get3A_2215 = vector.shape_cast %get3A_2214 : vector<1x16xf32> to vector<16xf32>
      %add3A_2216 = arith.addf %add3A_2192, %get3A_2215 : vector<16xf32>
      %get3A_2217 = arith.constant 90 : i32
      %get3A_2218 = arith.index_cast %get3A_2217 : i32 to index
      %get3A_2219 = arith.constant 16 : index
      %get3A_2220 = tpu.vector_load %arg6[%get3A_2218, %get3A_2219] {strides = array<i32>} : memref<100x64xf32, #tpu.memory_space<vmem>>, vector<1x16xf32>,
      %get3A_2221 = vector.shape_cast %get3A_2220 : vector<1x16xf32> to vector<16xf32>
      %add3A_2222 = arith.addf %add3A_2198, %get3A_2221 : vector<16xf32>
      %get3A_2223 = arith.constant 90 : i32
      %get3A_2224 = arith.index_cast %get3A_2223 : i32 to index
      %get3A_2225 = arith.constant 32 : index
      %get3A_2226 = tpu.vector_load %arg6[%get3A_2224, %get3A_2225] {strides = array<i32>} : memref<100x64xf32, #tpu.memory_space<vmem>>, vector<1x16xf32>,
      %get3A_2227 = vector.shape_cast %get3A_2226 : vector<1x16xf32> to vector<16xf32>
      %add3A_2228 = arith.addf %add3A_2204, %get3A_2227 : vector<16xf32>
      %get3A_2229 = arith.constant 90 : i32
      %get3A_2230 = arith.index_cast %get3A_2229 : i32 to index
      %get3A_2231 = arith.constant 48 : index
      %get3A_2232 = tpu.vector_load %arg6[%get3A_2230, %get3A_2231] {strides = array<i32>} : memref<100x64xf32, #tpu.memory_space<vmem>>, vector<1x16xf32>,
      %get3A_2233 = vector.shape_cast %get3A_2232 : vector<1x16xf32> to vector<16xf32>
      %add3A_2234 = arith.addf %add3A_2210, %get3A_2233 : vector<16xf32>
      %get3A_2235 = arith.constant 91 : i32
      %get3A_2236 = arith.index_cast %get3A_2235 : i32 to index
      %get3A_2237 = arith.constant 0 : index
      %get3A_2238 = tpu.vector_load %arg6[%get3A_2236, %get3A_2237] {strides = array<i32>} : memref<100x64xf32, #tpu.memory_space<vmem>>, vector<1x16xf32>,
      %get3A_2239 = vector.shape_cast %get3A_2238 : vector<1x16xf32> to vector<16xf32>
      %add3A_2240 = arith.addf %add3A_2216, %get3A_2239 : vector<16xf32>
      %get3A_2241 = arith.constant 91 : i32
      %get3A_2242 = arith.index_cast %get3A_2241 : i32 to index
      %get3A_2243 = arith.constant 16 : index
      %get3A_2244 = tpu.vector_load %arg6[%get3A_2242, %get3A_2243] {strides = array<i32>} : memref<100x64xf32, #tpu.memory_space<vmem>>, vector<1x16xf32>,
      %get3A_2245 = vector.shape_cast %get3A_2244 : vector<1x16xf32> to vector<16xf32>
      %add3A_2246 = arith.addf %add3A_2222, %get3A_2245 : vector<16xf32>
      %get3A_2247 = arith.constant 91 : i32
      %get3A_2248 = arith.index_cast %get3A_2247 : i32 to index
      %get3A_2249 = arith.constant 32 : index
      %get3A_2250 = tpu.vector_load %arg6[%get3A_2248, %get3A_2249] {strides = array<i32>} : memref<100x64xf32, #tpu.memory_space<vmem>>, vector<1x16xf32>,
      %get3A_2251 = vector.shape_cast %get3A_2250 : vector<1x16xf32> to vector<16xf32>
      %add3A_2252 = arith.addf %add3A_2228, %get3A_2251 : vector<16xf32>
      %get3A_2253 = arith.constant 91 : i32
      %get3A_2254 = arith.index_cast %get3A_2253 : i32 to index
      %get3A_2255 = arith.constant 48 : index
      %get3A_2256 = tpu.vector_load %arg6[%get3A_2254, %get3A_2255] {strides = array<i32>} : memref<100x64xf32, #tpu.memory_space<vmem>>, vector<1x16xf32>,
      %get3A_2257 = vector.shape_cast %get3A_2256 : vector<1x16xf32> to vector<16xf32>
      %add3A_2258 = arith.addf %add3A_2234, %get3A_2257 : vector<16xf32>
      %get3A_2259 = arith.constant 92 : i32
      %get3A_2260 = arith.index_cast %get3A_2259 : i32 to index
      %get3A_2261 = arith.constant 0 : index
      %get3A_2262 = tpu.vector_load %arg6[%get3A_2260, %get3A_2261] {strides = array<i32>} : memref<100x64xf32, #tpu.memory_space<vmem>>, vector<1x16xf32>,
      %get3A_2263 = vector.shape_cast %get3A_2262 : vector<1x16xf32> to vector<16xf32>
      %add3A_2264 = arith.addf %add3A_2240, %get3A_2263 : vector<16xf32>
      %get3A_2265 = arith.constant 92 : i32
      %get3A_2266 = arith.index_cast %get3A_2265 : i32 to index
      %get3A_2267 = arith.constant 16 : index
      %get3A_2268 = tpu.vector_load %arg6[%get3A_2266, %get3A_2267] {strides = array<i32>} : memref<100x64xf32, #tpu.memory_space<vmem>>, vector<1x16xf32>,
      %get3A_2269 = vector.shape_cast %get3A_2268 : vector<1x16xf32> to vector<16xf32>
      %add3A_2270 = arith.addf %add3A_2246, %get3A_2269 : vector<16xf32>
      %get3A_2271 = arith.constant 92 : i32
      %get3A_2272 = arith.index_cast %get3A_2271 : i32 to index
      %get3A_2273 = arith.constant 32 : index
      %get3A_2274 = tpu.vector_load %arg6[%get3A_2272, %get3A_2273] {strides = array<i32>} : memref<100x64xf32, #tpu.memory_space<vmem>>, vector<1x16xf32>,
      %get3A_2275 = vector.shape_cast %get3A_2274 : vector<1x16xf32> to vector<16xf32>
      %add3A_2276 = arith.addf %add3A_2252, %get3A_2275 : vector<16xf32>
      %get3A_2277 = arith.constant 92 : i32
      %get3A_2278 = arith.index_cast %get3A_2277 : i32 to index
      %get3A_2279 = arith.constant 48 : index
      %get3A_2280 = tpu.vector_load %arg6[%get3A_2278, %get3A_2279] {strides = array<i32>} : memref<100x64xf32, #tpu.memory_space<vmem>>, vector<1x16xf32>,
      %get3A_2281 = vector.shape_cast %get3A_2280 : vector<1x16xf32> to vector<16xf32>
      %add3A_2282 = arith.addf %add3A_2258, %get3A_2281 : vector<16xf32>
      %get3A_2283 = arith.constant 93 : i32
      %get3A_2284 = arith.index_cast %get3A_2283 : i32 to index
      %get3A_2285 = arith.constant 0 : index
      %get3A_2286 = tpu.vector_load %arg6[%get3A_2284, %get3A_2285] {strides = array<i32>} : memref<100x64xf32, #tpu.memory_space<vmem>>, vector<1x16xf32>,
      %get3A_2287 = vector.shape_cast %get3A_2286 : vector<1x16xf32> to vector<16xf32>
      %add3A_2288 = arith.addf %add3A_2264, %get3A_2287 : vector<16xf32>
      %get3A_2289 = arith.constant 93 : i32
      %get3A_2290 = arith.index_cast %get3A_2289 : i32 to index
      %get3A_2291 = arith.constant 16 : index
      %get3A_2292 = tpu.vector_load %arg6[%get3A_2290, %get3A_2291] {strides = array<i32>} : memref<100x64xf32, #tpu.memory_space<vmem>>, vector<1x16xf32>,
      %get3A_2293 = vector.shape_cast %get3A_2292 : vector<1x16xf32> to vector<16xf32>
      %add3A_2294 = arith.addf %add3A_2270, %get3A_2293 : vector<16xf32>
      %get3A_2295 = arith.constant 93 : i32
      %get3A_2296 = arith.index_cast %get3A_2295 : i32 to index
      %get3A_2297 = arith.constant 32 : index
      %get3A_2298 = tpu.vector_load %arg6[%get3A_2296, %get3A_2297] {strides = array<i32>} : memref<100x64xf32, #tpu.memory_space<vmem>>, vector<1x16xf32>,
      %get3A_2299 = vector.shape_cast %get3A_2298 : vector<1x16xf32> to vector<16xf32>
      %add3A_2300 = arith.addf %add3A_2276, %get3A_2299 : vector<16xf32>
      %get3A_2301 = arith.constant 93 : i32
      %get3A_2302 = arith.index_cast %get3A_2301 : i32 to index
      %get3A_2303 = arith.constant 48 : index
      %get3A_2304 = tpu.vector_load %arg6[%get3A_2302, %get3A_2303] {strides = array<i32>} : memref<100x64xf32, #tpu.memory_space<vmem>>, vector<1x16xf32>,
      %get3A_2305 = vector.shape_cast %get3A_2304 : vector<1x16xf32> to vector<16xf32>
      %add3A_2306 = arith.addf %add3A_2282, %get3A_2305 : vector<16xf32>
      %get3A_2307 = arith.constant 94 : i32
      %get3A_2308 = arith.index_cast %get3A_2307 : i32 to index
      %get3A_2309 = arith.constant 0 : index
      %get3A_2310 = tpu.vector_load %arg6[%get3A_2308, %get3A_2309] {strides = array<i32>} : memref<100x64xf32, #tpu.memory_space<vmem>>, vector<1x16xf32>,
      %get3A_2311 = vector.shape_cast %get3A_2310 : vector<1x16xf32> to vector<16xf32>
      %add3A_2312 = arith.addf %add3A_2288, %get3A_2311 : vector<16xf32>
      %get3A_2313 = arith.constant 94 : i32
      %get3A_2314 = arith.index_cast %get3A_2313 : i32 to index
      %get3A_2315 = arith.constant 16 : index
      %get3A_2316 = tpu.vector_load %arg6[%get3A_2314, %get3A_2315] {strides = array<i32>} : memref<100x64xf32, #tpu.memory_space<vmem>>, vector<1x16xf32>,
      %get3A_2317 = vector.shape_cast %get3A_2316 : vector<1x16xf32> to vector<16xf32>
      %add3A_2318 = arith.addf %add3A_2294, %get3A_2317 : vector<16xf32>
      %get3A_2319 = arith.constant 94 : i32
      %get3A_2320 = arith.index_cast %get3A_2319 : i32 to index
      %get3A_2321 = arith.constant 32 : index
      %get3A_2322 = tpu.vector_load %arg6[%get3A_2320, %get3A_2321] {strides = array<i32>} : memref<100x64xf32, #tpu.memory_space<vmem>>, vector<1x16xf32>,
      %get3A_2323 = vector.shape_cast %get3A_2322 : vector<1x16xf32> to vector<16xf32>
      %add3A_2324 = arith.addf %add3A_2300, %get3A_2323 : vector<16xf32>
      %get3A_2325 = arith.constant 94 : i32
      %get3A_2326 = arith.index_cast %get3A_2325 : i32 to index
      %get3A_2327 = arith.constant 48 : index
      %get3A_2328 = tpu.vector_load %arg6[%get3A_2326, %get3A_2327] {strides = array<i32>} : memref<100x64xf32, #tpu.memory_space<vmem>>, vector<1x16xf32>,
      %get3A_2329 = vector.shape_cast %get3A_2328 : vector<1x16xf32> to vector<16xf32>
      %add3A_2330 = arith.addf %add3A_2306, %get3A_2329 : vector<16xf32>
      %get3A_2331 = arith.constant 95 : i32
      %get3A_2332 = arith.index_cast %get3A_2331 : i32 to index
      %get3A_2333 = arith.constant 0 : index
      %get3A_2334 = tpu.vector_load %arg6[%get3A_2332, %get3A_2333] {strides = array<i32>} : memref<100x64xf32, #tpu.memory_space<vmem>>, vector<1x16xf32>,
      %get3A_2335 = vector.shape_cast %get3A_2334 : vector<1x16xf32> to vector<16xf32>
      %add3A_2336 = arith.addf %add3A_2312, %get3A_2335 : vector<16xf32>
      %get3A_2337 = arith.constant 95 : i32
      %get3A_2338 = arith.index_cast %get3A_2337 : i32 to index
      %get3A_2339 = arith.constant 16 : index
      %get3A_2340 = tpu.vector_load %arg6[%get3A_2338, %get3A_2339] {strides = array<i32>} : memref<100x64xf32, #tpu.memory_space<vmem>>, vector<1x16xf32>,
      %get3A_2341 = vector.shape_cast %get3A_2340 : vector<1x16xf32> to vector<16xf32>
      %add3A_2342 = arith.addf %add3A_2318, %get3A_2341 : vector<16xf32>
      %get3A_2343 = arith.constant 95 : i32
      %get3A_2344 = arith.index_cast %get3A_2343 : i32 to index
      %get3A_2345 = arith.constant 32 : index
      %get3A_2346 = tpu.vector_load %arg6[%get3A_2344, %get3A_2345] {strides = array<i32>} : memref<100x64xf32, #tpu.memory_space<vmem>>, vector<1x16xf32>,
      %get3A_2347 = vector.shape_cast %get3A_2346 : vector<1x16xf32> to vector<16xf32>
      %add3A_2348 = arith.addf %add3A_2324, %get3A_2347 : vector<16xf32>
      %get3A_2349 = arith.constant 95 : i32
      %get3A_2350 = arith.index_cast %get3A_2349 : i32 to index
      %get3A_2351 = arith.constant 48 : index
      %get3A_2352 = tpu.vector_load %arg6[%get3A_2350, %get3A_2351] {strides = array<i32>} : memref<100x64xf32, #tpu.memory_space<vmem>>, vector<1x16xf32>,
      %get3A_2353 = vector.shape_cast %get3A_2352 : vector<1x16xf32> to vector<16xf32>
      %add3A_2354 = arith.addf %add3A_2330, %get3A_2353 : vector<16xf32>
      %get3A_2355 = arith.constant 96 : i32
      %get3A_2356 = arith.index_cast %get3A_2355 : i32 to index
      %get3A_2357 = arith.constant 0 : index
      %get3A_2358 = tpu.vector_load %arg6[%get3A_2356, %get3A_2357] {strides = array<i32>} : memref<100x64xf32, #tpu.memory_space<vmem>>, vector<1x16xf32>,
      %get3A_2359 = vector.shape_cast %get3A_2358 : vector<1x16xf32> to vector<16xf32>
      %add3A_2360 = arith.addf %add3A_2336, %get3A_2359 : vector<16xf32>
      %get3A_2361 = arith.constant 96 : i32
      %get3A_2362 = arith.index_cast %get3A_2361 : i32 to index
      %get3A_2363 = arith.constant 16 : index
      %get3A_2364 = tpu.vector_load %arg6[%get3A_2362, %get3A_2363] {strides = array<i32>} : memref<100x64xf32, #tpu.memory_space<vmem>>, vector<1x16xf32>,
      %get3A_2365 = vector.shape_cast %get3A_2364 : vector<1x16xf32> to vector<16xf32>
      %add3A_2366 = arith.addf %add3A_2342, %get3A_2365 : vector<16xf32>
      %get3A_2367 = arith.constant 96 : i32
      %get3A_2368 = arith.index_cast %get3A_2367 : i32 to index
      %get3A_2369 = arith.constant 32 : index
      %get3A_2370 = tpu.vector_load %arg6[%get3A_2368, %get3A_2369] {strides = array<i32>} : memref<100x64xf32, #tpu.memory_space<vmem>>, vector<1x16xf32>,
      %get3A_2371 = vector.shape_cast %get3A_2370 : vector<1x16xf32> to vector<16xf32>
      %add3A_2372 = arith.addf %add3A_2348, %get3A_2371 : vector<16xf32>
      %get3A_2373 = arith.constant 96 : i32
      %get3A_2374 = arith.index_cast %get3A_2373 : i32 to index
      %get3A_2375 = arith.constant 48 : index
      %get3A_2376 = tpu.vector_load %arg6[%get3A_2374, %get3A_2375] {strides = array<i32>} : memref<100x64xf32, #tpu.memory_space<vmem>>, vector<1x16xf32>,
      %get3A_2377 = vector.shape_cast %get3A_2376 : vector<1x16xf32> to vector<16xf32>
      %add3A_2378 = arith.addf %add3A_2354, %get3A_2377 : vector<16xf32>
      %get3A_2379 = arith.constant 97 : i32
      %get3A_2380 = arith.index_cast %get3A_2379 : i32 to index
      %get3A_2381 = arith.constant 0 : index
      %get3A_2382 = tpu.vector_load %arg6[%get3A_2380, %get3A_2381] {strides = array<i32>} : memref<100x64xf32, #tpu.memory_space<vmem>>, vector<1x16xf32>,
      %get3A_2383 = vector.shape_cast %get3A_2382 : vector<1x16xf32> to vector<16xf32>
      %add3A_2384 = arith.addf %add3A_2360, %get3A_2383 : vector<16xf32>
      %get3A_2385 = arith.constant 97 : i32
      %get3A_2386 = arith.index_cast %get3A_2385 : i32 to index
      %get3A_2387 = arith.constant 16 : index
      %get3A_2388 = tpu.vector_load %arg6[%get3A_2386, %get3A_2387] {strides = array<i32>} : memref<100x64xf32, #tpu.memory_space<vmem>>, vector<1x16xf32>,
      %get3A_2389 = vector.shape_cast %get3A_2388 : vector<1x16xf32> to vector<16xf32>
      %add3A_2390 = arith.addf %add3A_2366, %get3A_2389 : vector<16xf32>
      %get3A_2391 = arith.constant 97 : i32
      %get3A_2392 = arith.index_cast %get3A_2391 : i32 to index
      %get3A_2393 = arith.constant 32 : index
      %get3A_2394 = tpu.vector_load %arg6[%get3A_2392, %get3A_2393] {strides = array<i32>} : memref<100x64xf32, #tpu.memory_space<vmem>>, vector<1x16xf32>,
      %get3A_2395 = vector.shape_cast %get3A_2394 : vector<1x16xf32> to vector<16xf32>
      %add3A_2396 = arith.addf %add3A_2372, %get3A_2395 : vector<16xf32>
      %get3A_2397 = arith.constant 97 : i32
      %get3A_2398 = arith.index_cast %get3A_2397 : i32 to index
      %get3A_2399 = arith.constant 48 : index
      %get3A_2400 = tpu.vector_load %arg6[%get3A_2398, %get3A_2399] {strides = array<i32>} : memref<100x64xf32, #tpu.memory_space<vmem>>, vector<1x16xf32>,
      %get3A_2401 = vector.shape_cast %get3A_2400 : vector<1x16xf32> to vector<16xf32>
      %add3A_2402 = arith.addf %add3A_2378, %get3A_2401 : vector<16xf32>
      %get3A_2403 = arith.constant 98 : i32
      %get3A_2404 = arith.index_cast %get3A_2403 : i32 to index
      %get3A_2405 = arith.constant 0 : index
      %get3A_2406 = tpu.vector_load %arg6[%get3A_2404, %get3A_2405] {strides = array<i32>} : memref<100x64xf32, #tpu.memory_space<vmem>>, vector<1x16xf32>,
      %get3A_2407 = vector.shape_cast %get3A_2406 : vector<1x16xf32> to vector<16xf32>
      %add3A_2408 = arith.addf %add3A_2384, %get3A_2407 : vector<16xf32>
      %get3A_2409 = arith.constant 98 : i32
      %get3A_2410 = arith.index_cast %get3A_2409 : i32 to index
      %get3A_2411 = arith.constant 16 : index
      %get3A_2412 = tpu.vector_load %arg6[%get3A_2410, %get3A_2411] {strides = array<i32>} : memref<100x64xf32, #tpu.memory_space<vmem>>, vector<1x16xf32>,
      %get3A_2413 = vector.shape_cast %get3A_2412 : vector<1x16xf32> to vector<16xf32>
      %add3A_2414 = arith.addf %add3A_2390, %get3A_2413 : vector<16xf32>
      %get3A_2415 = arith.constant 98 : i32
      %get3A_2416 = arith.index_cast %get3A_2415 : i32 to index
      %get3A_2417 = arith.constant 32 : index
      %get3A_2418 = tpu.vector_load %arg6[%get3A_2416, %get3A_2417] {strides = array<i32>} : memref<100x64xf32, #tpu.memory_space<vmem>>, vector<1x16xf32>,
      %get3A_2419 = vector.shape_cast %get3A_2418 : vector<1x16xf32> to vector<16xf32>
      %add3A_2420 = arith.addf %add3A_2396, %get3A_2419 : vector<16xf32>
      %get3A_2421 = arith.constant 98 : i32
      %get3A_2422 = arith.index_cast %get3A_2421 : i32 to index
      %get3A_2423 = arith.constant 48 : index
      %get3A_2424 = tpu.vector_load %arg6[%get3A_2422, %get3A_2423] {strides = array<i32>} : memref<100x64xf32, #tpu.memory_space<vmem>>, vector<1x16xf32>,
      %get3A_2425 = vector.shape_cast %get3A_2424 : vector<1x16xf32> to vector<16xf32>
      %add3A_2426 = arith.addf %add3A_2402, %get3A_2425 : vector<16xf32>
      %get3A_2427 = arith.constant 99 : i32
      %get3A_2428 = arith.index_cast %get3A_2427 : i32 to index
      %get3A_2429 = arith.constant 0 : index
      %get3A_2430 = tpu.vector_load %arg6[%get3A_2428, %get3A_2429] {strides = array<i32>} : memref<100x64xf32, #tpu.memory_space<vmem>>, vector<1x16xf32>,
      %get3A_2431 = vector.shape_cast %get3A_2430 : vector<1x16xf32> to vector<16xf32>
      %add3A_2432 = arith.addf %add3A_2408, %get3A_2431 : vector<16xf32>
      %get3A_2433 = arith.constant 99 : i32
      %get3A_2434 = arith.index_cast %get3A_2433 : i32 to index
      %get3A_2435 = arith.constant 16 : index
      %get3A_2436 = tpu.vector_load %arg6[%get3A_2434, %get3A_2435] {strides = array<i32>} : memref<100x64xf32, #tpu.memory_space<vmem>>, vector<1x16xf32>,
      %get3A_2437 = vector.shape_cast %get3A_2436 : vector<1x16xf32> to vector<16xf32>
      %add3A_2438 = arith.addf %add3A_2414, %get3A_2437 : vector<16xf32>
      %get3A_2439 = arith.constant 99 : i32
      %get3A_2440 = arith.index_cast %get3A_2439 : i32 to index
      %get3A_2441 = arith.constant 32 : index
      %get3A_2442 = tpu.vector_load %arg6[%get3A_2440, %get3A_2441] {strides = array<i32>} : memref<100x64xf32, #tpu.memory_space<vmem>>, vector<1x16xf32>,
      %get3A_2443 = vector.shape_cast %get3A_2442 : vector<1x16xf32> to vector<16xf32>
      %add3A_2444 = arith.addf %add3A_2420, %get3A_2443 : vector<16xf32>
      %get3A_2445 = arith.constant 99 : i32
      %get3A_2446 = arith.index_cast %get3A_2445 : i32 to index
      %get3A_2447 = arith.constant 48 : index
      %get3A_2448 = tpu.vector_load %arg6[%get3A_2446, %get3A_2447] {strides = array<i32>} : memref<100x64xf32, #tpu.memory_space<vmem>>, vector<1x16xf32>,
      %get3A_2449 = vector.shape_cast %get3A_2448 : vector<1x16xf32> to vector<16xf32>
      %add3A_2450 = arith.addf %add3A_2426, %get3A_2449 : vector<16xf32>
      %add3A_2451 = arith.constant 1 : i32
      %add3A_2452 = arith.addi %mul3A_32, %add3A_2451 : i32
      %swap3A_2453 = arith.index_cast %add3A_2452 : i32 to index
      %swap3A_2454 = arith.constant 0 : index
      %swap3A_2455 = tpu.vector_load %arg8[%swap3A_2453, %swap3A_2454] {strides = array<i32>} : memref<128x64xf32, #tpu.memory_space<vmem>>, vector<1x16xf32>,
      %swap3A_2456 = vector.shape_cast %swap3A_2455 : vector<1x16xf32> to vector<16xf32>
      %swap3A_2457 = vector.shape_cast %add3A_2432 : vector<16xf32> to vector<1x16xf32>
      tpu.vector_store %arg8[%swap3A_2453, %swap3A_2454], %swap3A_2457 {strides = array<i32>} : memref<128x64xf32, #tpu.memory_space<vmem>>, vector<1x16xf32>,
      %add3A_2458 = arith.constant 1 : i32
      %add3A_2459 = arith.addi %mul3A_32, %add3A_2458 : i32
      %swap3A_2460 = arith.index_cast %add3A_2459 : i32 to index
      %swap3A_2461 = arith.constant 16 : index
      %swap3A_2462 = tpu.vector_load %arg8[%swap3A_2460, %swap3A_2461] {strides = array<i32>} : memref<128x64xf32, #tpu.memory_space<vmem>>, vector<1x16xf32>,
      %swap3A_2463 = vector.shape_cast %swap3A_2462 : vector<1x16xf32> to vector<16xf32>
      %swap3A_2464 = vector.shape_cast %add3A_2438 : vector<16xf32> to vector<1x16xf32>
      tpu.vector_store %arg8[%swap3A_2460, %swap3A_2461], %swap3A_2464 {strides = array<i32>} : memref<128x64xf32, #tpu.memory_space<vmem>>, vector<1x16xf32>,
      %add3A_2465 = arith.constant 1 : i32
      %add3A_2466 = arith.addi %mul3A_32, %add3A_2465 : i32
      %swap3A_2467 = arith.index_cast %add3A_2466 : i32 to index
      %swap3A_2468 = arith.constant 32 : index
      %swap3A_2469 = tpu.vector_load %arg8[%swap3A_2467, %swap3A_2468] {strides = array<i32>} : memref<128x64xf32, #tpu.memory_space<vmem>>, vector<1x16xf32>,
      %swap3A_2470 = vector.shape_cast %swap3A_2469 : vector<1x16xf32> to vector<16xf32>
      %swap3A_2471 = vector.shape_cast %add3A_2444 : vector<16xf32> to vector<1x16xf32>
      tpu.vector_store %arg8[%swap3A_2467, %swap3A_2468], %swap3A_2471 {strides = array<i32>} : memref<128x64xf32, #tpu.memory_space<vmem>>, vector<1x16xf32>,
      %add3A_2472 = arith.constant 1 : i32
      %add3A_2473 = arith.addi %mul3A_32, %add3A_2472 : i32
      %swap3A_2474 = arith.index_cast %add3A_2473 : i32 to index
      %swap3A_2475 = arith.constant 48 : index
      %swap3A_2476 = tpu.vector_load %arg8[%swap3A_2474, %swap3A_2475] {strides = array<i32>} : memref<128x64xf32, #tpu.memory_space<vmem>>, vector<1x16xf32>,
      %swap3A_2477 = vector.shape_cast %swap3A_2476 : vector<1x16xf32> to vector<16xf32>
      %swap3A_2478 = vector.shape_cast %add3A_2450 : vector<16xf32> to vector<1x16xf32>
      tpu.vector_store %arg8[%swap3A_2474, %swap3A_2475], %swap3A_2478 {strides = array<i32>} : memref<128x64xf32, #tpu.memory_space<vmem>>, vector<1x16xf32>,
      %lt3A = arith.constant 31 : i32
      %lt3A_2479 = arith.cmpi slt, %scan3A_23, %lt3A : i32
      %convert_element_type3A = arith.extui %lt3A_2479 : i1 to i32
      %cond3A = arith.constant 0 : i32
      %cond3A_2480 = arith.cmpi ne, %convert_element_type3A, %cond3A : i32
      scf.if %cond3A_2480 {
        %mul3A_4948 = arith.constant 2 : i32
        %mul3A_4949 = arith.muli %mul3A_4948, %scan3A_23 : i32
        %add3A_4950 = arith.constant 2 : i32
        %add3A_4951 = arith.addi %mul3A_4949, %add3A_4950 : i32
        %dma_start3A_4952 = arith.constant 0 : i32
        %dma_start3A_4953 = tpu.memref_slice %arg5[%add3A_4951, %dma_start3A_4952] : memref<64x100xi32, #tpu.memory_space<vmem>> -> memref<1x100xi32, #tpu.memory_space<vmem>>
        %dma_start3A_4954 = tpu.memref_squeeze %dma_start3A_4953 : memref<1x100xi32, #tpu.memory_space<vmem>> -> memref<100xi32, #tpu.memory_space<vmem>>
        %dma_start3A_4955 = arith.constant 0 : i32
        %dma_start3A_4956 = arith.constant 0 : i32
        %dma_start3A_4957 = tpu.memref_slice %arg3[%dma_start3A_4955, %dma_start3A_4956] : memref<1000000x64xf32, #tpu.memory_space<hbm>> -> memref<1000000x64xf32, #tpu.memory_space<hbm>>
        tpu.enqueue_indirect_dma source(%dma_start3A_4957 : memref<1000000x64xf32, #tpu.memory_space<hbm>>) target(%arg6 : memref<100x64xf32, #tpu.memory_space<vmem>>) offsets(%dma_start3A_4954 : memref<100xi32, #tpu.memory_space<vmem>>) semaphore(%arg9 : memref<!tpu.dma_semaphore, #tpu.memory_space<semaphore_mem>>)
      } else {
      }
      %mul3A_2481 = arith.constant 2 : i32
      %mul3A_2482 = arith.muli %mul3A_2481, %scan3A_23 : i32
      %add3A_2483 = arith.constant 1 : i32
      %add3A_2484 = arith.addi %mul3A_2482, %add3A_2483 : i32
      %dma_wait3A_2485 = arith.constant 0 : i32
      %dma_wait3A_2486 = tpu.memref_slice %arg5[%add3A_2484, %dma_wait3A_2485] : memref<64x100xi32, #tpu.memory_space<vmem>> -> memref<1x100xi32, #tpu.memory_space<vmem>>
      %dma_wait3A_2487 = tpu.memref_squeeze %dma_wait3A_2486 : memref<1x100xi32, #tpu.memory_space<vmem>> -> memref<100xi32, #tpu.memory_space<vmem>>
      %dma_wait3A_2488 = arith.constant 0 : i32
      %dma_wait3A_2489 = arith.constant 0 : i32
      %dma_wait3A_2490 = tpu.memref_slice %arg3[%dma_wait3A_2488, %dma_wait3A_2489] : memref<1000000x64xf32, #tpu.memory_space<hbm>> -> memref<1000000x64xf32, #tpu.memory_space<hbm>>
      tpu.wait_indirect_dma semaphore(%arg10 : memref<!tpu.dma_semaphore, #tpu.memory_space<semaphore_mem>>) src(%dma_wait3A_2490 : memref<1000000x64xf32, #tpu.memory_space<hbm>>) dst(%arg7 : memref<100x64xf32, #tpu.memory_space<vmem>>)
      %mul3A_2491 = arith.constant 4 : i32
      %mul3A_2492 = arith.muli %mul3A_2491, %scan3A_23 : i32
      %add3A_2493 = arith.constant 2 : i32
      %add3A_2494 = arith.addi %mul3A_2492, %add3A_2493 : i32
      %get3A_2495 = arith.constant 0 : i32
      %get3A_2496 = arith.index_cast %get3A_2495 : i32 to index
      %get3A_2497 = arith.constant 0 : index
      %get3A_2498 = tpu.vector_load %arg7[%get3A_2496, %get3A_2497] {strides = array<i32>} : memref<100x64xf32, #tpu.memory_space<vmem>>, vector<1x16xf32>,
      %get3A_2499 = vector.shape_cast %get3A_2498 : vector<1x16xf32> to vector<16xf32>
      %get3A_2500 = arith.constant 0 : i32
      %get3A_2501 = arith.index_cast %get3A_2500 : i32 to index
      %get3A_2502 = arith.constant 16 : index
      %get3A_2503 = tpu.vector_load %arg7[%get3A_2501, %get3A_2502] {strides = array<i32>} : memref<100x64xf32, #tpu.memory_space<vmem>>, vector<1x16xf32>,
      %get3A_2504 = vector.shape_cast %get3A_2503 : vector<1x16xf32> to vector<16xf32>
      %get3A_2505 = arith.constant 0 : i32
      %get3A_2506 = arith.index_cast %get3A_2505 : i32 to index
      %get3A_2507 = arith.constant 32 : index
      %get3A_2508 = tpu.vector_load %arg7[%get3A_2506, %get3A_2507] {strides = array<i32>} : memref<100x64xf32, #tpu.memory_space<vmem>>, vector<1x16xf32>,
      %get3A_2509 = vector.shape_cast %get3A_2508 : vector<1x16xf32> to vector<16xf32>
      %get3A_2510 = arith.constant 0 : i32
      %get3A_2511 = arith.index_cast %get3A_2510 : i32 to index
      %get3A_2512 = arith.constant 48 : index
      %get3A_2513 = tpu.vector_load %arg7[%get3A_2511, %get3A_2512] {strides = array<i32>} : memref<100x64xf32, #tpu.memory_space<vmem>>, vector<1x16xf32>,
      %get3A_2514 = vector.shape_cast %get3A_2513 : vector<1x16xf32> to vector<16xf32>
      %get3A_2515 = arith.constant 1 : i32
      %get3A_2516 = arith.index_cast %get3A_2515 : i32 to index
      %get3A_2517 = arith.constant 0 : index
      %get3A_2518 = tpu.vector_load %arg7[%get3A_2516, %get3A_2517] {strides = array<i32>} : memref<100x64xf32, #tpu.memory_space<vmem>>, vector<1x16xf32>,
      %get3A_2519 = vector.shape_cast %get3A_2518 : vector<1x16xf32> to vector<16xf32>
      %add3A_2520 = arith.addf %get3A_2499, %get3A_2519 : vector<16xf32>
      %get3A_2521 = arith.constant 1 : i32
      %get3A_2522 = arith.index_cast %get3A_2521 : i32 to index
      %get3A_2523 = arith.constant 16 : index
      %get3A_2524 = tpu.vector_load %arg7[%get3A_2522, %get3A_2523] {strides = array<i32>} : memref<100x64xf32, #tpu.memory_space<vmem>>, vector<1x16xf32>,
      %get3A_2525 = vector.shape_cast %get3A_2524 : vector<1x16xf32> to vector<16xf32>
      %add3A_2526 = arith.addf %get3A_2504, %get3A_2525 : vector<16xf32>
      %get3A_2527 = arith.constant 1 : i32
      %get3A_2528 = arith.index_cast %get3A_2527 : i32 to index
      %get3A_2529 = arith.constant 32 : index
      %get3A_2530 = tpu.vector_load %arg7[%get3A_2528, %get3A_2529] {strides = array<i32>} : memref<100x64xf32, #tpu.memory_space<vmem>>, vector<1x16xf32>,
      %get3A_2531 = vector.shape_cast %get3A_2530 : vector<1x16xf32> to vector<16xf32>
      %add3A_2532 = arith.addf %get3A_2509, %get3A_2531 : vector<16xf32>
      %get3A_2533 = arith.constant 1 : i32
      %get3A_2534 = arith.index_cast %get3A_2533 : i32 to index
      %get3A_2535 = arith.constant 48 : index
      %get3A_2536 = tpu.vector_load %arg7[%get3A_2534, %get3A_2535] {strides = array<i32>} : memref<100x64xf32, #tpu.memory_space<vmem>>, vector<1x16xf32>,
      %get3A_2537 = vector.shape_cast %get3A_2536 : vector<1x16xf32> to vector<16xf32>
      %add3A_2538 = arith.addf %get3A_2514, %get3A_2537 : vector<16xf32>
      %get3A_2539 = arith.constant 2 : i32
      %get3A_2540 = arith.index_cast %get3A_2539 : i32 to index
      %get3A_2541 = arith.constant 0 : index
      %get3A_2542 = tpu.vector_load %arg7[%get3A_2540, %get3A_2541] {strides = array<i32>} : memref<100x64xf32, #tpu.memory_space<vmem>>, vector<1x16xf32>,
      %get3A_2543 = vector.shape_cast %get3A_2542 : vector<1x16xf32> to vector<16xf32>
      %add3A_2544 = arith.addf %add3A_2520, %get3A_2543 : vector<16xf32>
      %get3A_2545 = arith.constant 2 : i32
      %get3A_2546 = arith.index_cast %get3A_2545 : i32 to index
      %get3A_2547 = arith.constant 16 : index
      %get3A_2548 = tpu.vector_load %arg7[%get3A_2546, %get3A_2547] {strides = array<i32>} : memref<100x64xf32, #tpu.memory_space<vmem>>, vector<1x16xf32>,
      %get3A_2549 = vector.shape_cast %get3A_2548 : vector<1x16xf32> to vector<16xf32>
      %add3A_2550 = arith.addf %add3A_2526, %get3A_2549 : vector<16xf32>
      %get3A_2551 = arith.constant 2 : i32
      %get3A_2552 = arith.index_cast %get3A_2551 : i32 to index
      %get3A_2553 = arith.constant 32 : index
      %get3A_2554 = tpu.vector_load %arg7[%get3A_2552, %get3A_2553] {strides = array<i32>} : memref<100x64xf32, #tpu.memory_space<vmem>>, vector<1x16xf32>,
      %get3A_2555 = vector.shape_cast %get3A_2554 : vector<1x16xf32> to vector<16xf32>
      %add3A_2556 = arith.addf %add3A_2532, %get3A_2555 : vector<16xf32>
      %get3A_2557 = arith.constant 2 : i32
      %get3A_2558 = arith.index_cast %get3A_2557 : i32 to index
      %get3A_2559 = arith.constant 48 : index
      %get3A_2560 = tpu.vector_load %arg7[%get3A_2558, %get3A_2559] {strides = array<i32>} : memref<100x64xf32, #tpu.memory_space<vmem>>, vector<1x16xf32>,
      %get3A_2561 = vector.shape_cast %get3A_2560 : vector<1x16xf32> to vector<16xf32>
      %add3A_2562 = arith.addf %add3A_2538, %get3A_2561 : vector<16xf32>
      %get3A_2563 = arith.constant 3 : i32
      %get3A_2564 = arith.index_cast %get3A_2563 : i32 to index
      %get3A_2565 = arith.constant 0 : index
      %get3A_2566 = tpu.vector_load %arg7[%get3A_2564, %get3A_2565] {strides = array<i32>} : memref<100x64xf32, #tpu.memory_space<vmem>>, vector<1x16xf32>,
      %get3A_2567 = vector.shape_cast %get3A_2566 : vector<1x16xf32> to vector<16xf32>
      %add3A_2568 = arith.addf %add3A_2544, %get3A_2567 : vector<16xf32>
      %get3A_2569 = arith.constant 3 : i32
      %get3A_2570 = arith.index_cast %get3A_2569 : i32 to index
      %get3A_2571 = arith.constant 16 : index
      %get3A_2572 = tpu.vector_load %arg7[%get3A_2570, %get3A_2571] {strides = array<i32>} : memref<100x64xf32, #tpu.memory_space<vmem>>, vector<1x16xf32>,
      %get3A_2573 = vector.shape_cast %get3A_2572 : vector<1x16xf32> to vector<16xf32>
      %add3A_2574 = arith.addf %add3A_2550, %get3A_2573 : vector<16xf32>
      %get3A_2575 = arith.constant 3 : i32
      %get3A_2576 = arith.index_cast %get3A_2575 : i32 to index
      %get3A_2577 = arith.constant 32 : index
      %get3A_2578 = tpu.vector_load %arg7[%get3A_2576, %get3A_2577] {strides = array<i32>} : memref<100x64xf32, #tpu.memory_space<vmem>>, vector<1x16xf32>,
      %get3A_2579 = vector.shape_cast %get3A_2578 : vector<1x16xf32> to vector<16xf32>
      %add3A_2580 = arith.addf %add3A_2556, %get3A_2579 : vector<16xf32>
      %get3A_2581 = arith.constant 3 : i32
      %get3A_2582 = arith.index_cast %get3A_2581 : i32 to index
      %get3A_2583 = arith.constant 48 : index
      %get3A_2584 = tpu.vector_load %arg7[%get3A_2582, %get3A_2583] {strides = array<i32>} : memref<100x64xf32, #tpu.memory_space<vmem>>, vector<1x16xf32>,
      %get3A_2585 = vector.shape_cast %get3A_2584 : vector<1x16xf32> to vector<16xf32>
      %add3A_2586 = arith.addf %add3A_2562, %get3A_2585 : vector<16xf32>
      %get3A_2587 = arith.constant 4 : i32
      %get3A_2588 = arith.index_cast %get3A_2587 : i32 to index
      %get3A_2589 = arith.constant 0 : index
      %get3A_2590 = tpu.vector_load %arg7[%get3A_2588, %get3A_2589] {strides = array<i32>} : memref<100x64xf32, #tpu.memory_space<vmem>>, vector<1x16xf32>,
      %get3A_2591 = vector.shape_cast %get3A_2590 : vector<1x16xf32> to vector<16xf32>
      %add3A_2592 = arith.addf %add3A_2568, %get3A_2591 : vector<16xf32>
      %get3A_2593 = arith.constant 4 : i32
      %get3A_2594 = arith.index_cast %get3A_2593 : i32 to index
      %get3A_2595 = arith.constant 16 : index
      %get3A_2596 = tpu.vector_load %arg7[%get3A_2594, %get3A_2595] {strides = array<i32>} : memref<100x64xf32, #tpu.memory_space<vmem>>, vector<1x16xf32>,
      %get3A_2597 = vector.shape_cast %get3A_2596 : vector<1x16xf32> to vector<16xf32>
      %add3A_2598 = arith.addf %add3A_2574, %get3A_2597 : vector<16xf32>
      %get3A_2599 = arith.constant 4 : i32
      %get3A_2600 = arith.index_cast %get3A_2599 : i32 to index
      %get3A_2601 = arith.constant 32 : index
      %get3A_2602 = tpu.vector_load %arg7[%get3A_2600, %get3A_2601] {strides = array<i32>} : memref<100x64xf32, #tpu.memory_space<vmem>>, vector<1x16xf32>,
      %get3A_2603 = vector.shape_cast %get3A_2602 : vector<1x16xf32> to vector<16xf32>
      %add3A_2604 = arith.addf %add3A_2580, %get3A_2603 : vector<16xf32>
      %get3A_2605 = arith.constant 4 : i32
      %get3A_2606 = arith.index_cast %get3A_2605 : i32 to index
      %get3A_2607 = arith.constant 48 : index
      %get3A_2608 = tpu.vector_load %arg7[%get3A_2606, %get3A_2607] {strides = array<i32>} : memref<100x64xf32, #tpu.memory_space<vmem>>, vector<1x16xf32>,
      %get3A_2609 = vector.shape_cast %get3A_2608 : vector<1x16xf32> to vector<16xf32>
      %add3A_2610 = arith.addf %add3A_2586, %get3A_2609 : vector<16xf32>
      %get3A_2611 = arith.constant 5 : i32
      %get3A_2612 = arith.index_cast %get3A_2611 : i32 to index
      %get3A_2613 = arith.constant 0 : index
      %get3A_2614 = tpu.vector_load %arg7[%get3A_2612, %get3A_2613] {strides = array<i32>} : memref<100x64xf32, #tpu.memory_space<vmem>>, vector<1x16xf32>,
      %get3A_2615 = vector.shape_cast %get3A_2614 : vector<1x16xf32> to vector<16xf32>
      %add3A_2616 = arith.addf %add3A_2592, %get3A_2615 : vector<16xf32>
      %get3A_2617 = arith.constant 5 : i32
      %get3A_2618 = arith.index_cast %get3A_2617 : i32 to index
      %get3A_2619 = arith.constant 16 : index
      %get3A_2620 = tpu.vector_load %arg7[%get3A_2618, %get3A_2619] {strides = array<i32>} : memref<100x64xf32, #tpu.memory_space<vmem>>, vector<1x16xf32>,
      %get3A_2621 = vector.shape_cast %get3A_2620 : vector<1x16xf32> to vector<16xf32>
      %add3A_2622 = arith.addf %add3A_2598, %get3A_2621 : vector<16xf32>
      %get3A_2623 = arith.constant 5 : i32
      %get3A_2624 = arith.index_cast %get3A_2623 : i32 to index
      %get3A_2625 = arith.constant 32 : index
      %get3A_2626 = tpu.vector_load %arg7[%get3A_2624, %get3A_2625] {strides = array<i32>} : memref<100x64xf32, #tpu.memory_space<vmem>>, vector<1x16xf32>,
      %get3A_2627 = vector.shape_cast %get3A_2626 : vector<1x16xf32> to vector<16xf32>
      %add3A_2628 = arith.addf %add3A_2604, %get3A_2627 : vector<16xf32>
      %get3A_2629 = arith.constant 5 : i32
      %get3A_2630 = arith.index_cast %get3A_2629 : i32 to index
      %get3A_2631 = arith.constant 48 : index
      %get3A_2632 = tpu.vector_load %arg7[%get3A_2630, %get3A_2631] {strides = array<i32>} : memref<100x64xf32, #tpu.memory_space<vmem>>, vector<1x16xf32>,
      %get3A_2633 = vector.shape_cast %get3A_2632 : vector<1x16xf32> to vector<16xf32>
      %add3A_2634 = arith.addf %add3A_2610, %get3A_2633 : vector<16xf32>
      %get3A_2635 = arith.constant 6 : i32
      %get3A_2636 = arith.index_cast %get3A_2635 : i32 to index
      %get3A_2637 = arith.constant 0 : index
      %get3A_2638 = tpu.vector_load %arg7[%get3A_2636, %get3A_2637] {strides = array<i32>} : memref<100x64xf32, #tpu.memory_space<vmem>>, vector<1x16xf32>,
      %get3A_2639 = vector.shape_cast %get3A_2638 : vector<1x16xf32> to vector<16xf32>
      %add3A_2640 = arith.addf %add3A_2616, %get3A_2639 : vector<16xf32>
      %get3A_2641 = arith.constant 6 : i32
      %get3A_2642 = arith.index_cast %get3A_2641 : i32 to index
      %get3A_2643 = arith.constant 16 : index
      %get3A_2644 = tpu.vector_load %arg7[%get3A_2642, %get3A_2643] {strides = array<i32>} : memref<100x64xf32, #tpu.memory_space<vmem>>, vector<1x16xf32>,
      %get3A_2645 = vector.shape_cast %get3A_2644 : vector<1x16xf32> to vector<16xf32>
      %add3A_2646 = arith.addf %add3A_2622, %get3A_2645 : vector<16xf32>
      %get3A_2647 = arith.constant 6 : i32
      %get3A_2648 = arith.index_cast %get3A_2647 : i32 to index
      %get3A_2649 = arith.constant 32 : index
      %get3A_2650 = tpu.vector_load %arg7[%get3A_2648, %get3A_2649] {strides = array<i32>} : memref<100x64xf32, #tpu.memory_space<vmem>>, vector<1x16xf32>,
      %get3A_2651 = vector.shape_cast %get3A_2650 : vector<1x16xf32> to vector<16xf32>
      %add3A_2652 = arith.addf %add3A_2628, %get3A_2651 : vector<16xf32>
      %get3A_2653 = arith.constant 6 : i32
      %get3A_2654 = arith.index_cast %get3A_2653 : i32 to index
      %get3A_2655 = arith.constant 48 : index
      %get3A_2656 = tpu.vector_load %arg7[%get3A_2654, %get3A_2655] {strides = array<i32>} : memref<100x64xf32, #tpu.memory_space<vmem>>, vector<1x16xf32>,
      %get3A_2657 = vector.shape_cast %get3A_2656 : vector<1x16xf32> to vector<16xf32>
      %add3A_2658 = arith.addf %add3A_2634, %get3A_2657 : vector<16xf32>
      %get3A_2659 = arith.constant 7 : i32
      %get3A_2660 = arith.index_cast %get3A_2659 : i32 to index
      %get3A_2661 = arith.constant 0 : index
      %get3A_2662 = tpu.vector_load %arg7[%get3A_2660, %get3A_2661] {strides = array<i32>} : memref<100x64xf32, #tpu.memory_space<vmem>>, vector<1x16xf32>,
      %get3A_2663 = vector.shape_cast %get3A_2662 : vector<1x16xf32> to vector<16xf32>
      %add3A_2664 = arith.addf %add3A_2640, %get3A_2663 : vector<16xf32>
      %get3A_2665 = arith.constant 7 : i32
      %get3A_2666 = arith.index_cast %get3A_2665 : i32 to index
      %get3A_2667 = arith.constant 16 : index
      %get3A_2668 = tpu.vector_load %arg7[%get3A_2666, %get3A_2667] {strides = array<i32>} : memref<100x64xf32, #tpu.memory_space<vmem>>, vector<1x16xf32>,
      %get3A_2669 = vector.shape_cast %get3A_2668 : vector<1x16xf32> to vector<16xf32>
      %add3A_2670 = arith.addf %add3A_2646, %get3A_2669 : vector<16xf32>
      %get3A_2671 = arith.constant 7 : i32
      %get3A_2672 = arith.index_cast %get3A_2671 : i32 to index
      %get3A_2673 = arith.constant 32 : index
      %get3A_2674 = tpu.vector_load %arg7[%get3A_2672, %get3A_2673] {strides = array<i32>} : memref<100x64xf32, #tpu.memory_space<vmem>>, vector<1x16xf32>,
      %get3A_2675 = vector.shape_cast %get3A_2674 : vector<1x16xf32> to vector<16xf32>
      %add3A_2676 = arith.addf %add3A_2652, %get3A_2675 : vector<16xf32>
      %get3A_2677 = arith.constant 7 : i32
      %get3A_2678 = arith.index_cast %get3A_2677 : i32 to index
      %get3A_2679 = arith.constant 48 : index
      %get3A_2680 = tpu.vector_load %arg7[%get3A_2678, %get3A_2679] {strides = array<i32>} : memref<100x64xf32, #tpu.memory_space<vmem>>, vector<1x16xf32>,
      %get3A_2681 = vector.shape_cast %get3A_2680 : vector<1x16xf32> to vector<16xf32>
      %add3A_2682 = arith.addf %add3A_2658, %get3A_2681 : vector<16xf32>
      %get3A_2683 = arith.constant 8 : i32
      %get3A_2684 = arith.index_cast %get3A_2683 : i32 to index
      %get3A_2685 = arith.constant 0 : index
      %get3A_2686 = tpu.vector_load %arg7[%get3A_2684, %get3A_2685] {strides = array<i32>} : memref<100x64xf32, #tpu.memory_space<vmem>>, vector<1x16xf32>,
      %get3A_2687 = vector.shape_cast %get3A_2686 : vector<1x16xf32> to vector<16xf32>
      %add3A_2688 = arith.addf %add3A_2664, %get3A_2687 : vector<16xf32>
      %get3A_2689 = arith.constant 8 : i32
      %get3A_2690 = arith.index_cast %get3A_2689 : i32 to index
      %get3A_2691 = arith.constant 16 : index
      %get3A_2692 = tpu.vector_load %arg7[%get3A_2690, %get3A_2691] {strides = array<i32>} : memref<100x64xf32, #tpu.memory_space<vmem>>, vector<1x16xf32>,
      %get3A_2693 = vector.shape_cast %get3A_2692 : vector<1x16xf32> to vector<16xf32>
      %add3A_2694 = arith.addf %add3A_2670, %get3A_2693 : vector<16xf32>
      %get3A_2695 = arith.constant 8 : i32
      %get3A_2696 = arith.index_cast %get3A_2695 : i32 to index
      %get3A_2697 = arith.constant 32 : index
      %get3A_2698 = tpu.vector_load %arg7[%get3A_2696, %get3A_2697] {strides = array<i32>} : memref<100x64xf32, #tpu.memory_space<vmem>>, vector<1x16xf32>,
      %get3A_2699 = vector.shape_cast %get3A_2698 : vector<1x16xf32> to vector<16xf32>
      %add3A_2700 = arith.addf %add3A_2676, %get3A_2699 : vector<16xf32>
      %get3A_2701 = arith.constant 8 : i32
      %get3A_2702 = arith.index_cast %get3A_2701 : i32 to index
      %get3A_2703 = arith.constant 48 : index
      %get3A_2704 = tpu.vector_load %arg7[%get3A_2702, %get3A_2703] {strides = array<i32>} : memref<100x64xf32, #tpu.memory_space<vmem>>, vector<1x16xf32>,
      %get3A_2705 = vector.shape_cast %get3A_2704 : vector<1x16xf32> to vector<16xf32>
      %add3A_2706 = arith.addf %add3A_2682, %get3A_2705 : vector<16xf32>
      %get3A_2707 = arith.constant 9 : i32
      %get3A_2708 = arith.index_cast %get3A_2707 : i32 to index
      %get3A_2709 = arith.constant 0 : index
      %get3A_2710 = tpu.vector_load %arg7[%get3A_2708, %get3A_2709] {strides = array<i32>} : memref<100x64xf32, #tpu.memory_space<vmem>>, vector<1x16xf32>,
      %get3A_2711 = vector.shape_cast %get3A_2710 : vector<1x16xf32> to vector<16xf32>
      %add3A_2712 = arith.addf %add3A_2688, %get3A_2711 : vector<16xf32>
      %get3A_2713 = arith.constant 9 : i32
      %get3A_2714 = arith.index_cast %get3A_2713 : i32 to index
      %get3A_2715 = arith.constant 16 : index
      %get3A_2716 = tpu.vector_load %arg7[%get3A_2714, %get3A_2715] {strides = array<i32>} : memref<100x64xf32, #tpu.memory_space<vmem>>, vector<1x16xf32>,
      %get3A_2717 = vector.shape_cast %get3A_2716 : vector<1x16xf32> to vector<16xf32>
      %add3A_2718 = arith.addf %add3A_2694, %get3A_2717 : vector<16xf32>
      %get3A_2719 = arith.constant 9 : i32
      %get3A_2720 = arith.index_cast %get3A_2719 : i32 to index
      %get3A_2721 = arith.constant 32 : index
      %get3A_2722 = tpu.vector_load %arg7[%get3A_2720, %get3A_2721] {strides = array<i32>} : memref<100x64xf32, #tpu.memory_space<vmem>>, vector<1x16xf32>,
      %get3A_2723 = vector.shape_cast %get3A_2722 : vector<1x16xf32> to vector<16xf32>
      %add3A_2724 = arith.addf %add3A_2700, %get3A_2723 : vector<16xf32>
      %get3A_2725 = arith.constant 9 : i32
      %get3A_2726 = arith.index_cast %get3A_2725 : i32 to index
      %get3A_2727 = arith.constant 48 : index
      %get3A_2728 = tpu.vector_load %arg7[%get3A_2726, %get3A_2727] {strides = array<i32>} : memref<100x64xf32, #tpu.memory_space<vmem>>, vector<1x16xf32>,
      %get3A_2729 = vector.shape_cast %get3A_2728 : vector<1x16xf32> to vector<16xf32>
      %add3A_2730 = arith.addf %add3A_2706, %get3A_2729 : vector<16xf32>
      %get3A_2731 = arith.constant 10 : i32
      %get3A_2732 = arith.index_cast %get3A_2731 : i32 to index
      %get3A_2733 = arith.constant 0 : index
      %get3A_2734 = tpu.vector_load %arg7[%get3A_2732, %get3A_2733] {strides = array<i32>} : memref<100x64xf32, #tpu.memory_space<vmem>>, vector<1x16xf32>,
      %get3A_2735 = vector.shape_cast %get3A_2734 : vector<1x16xf32> to vector<16xf32>
      %add3A_2736 = arith.addf %add3A_2712, %get3A_2735 : vector<16xf32>
      %get3A_2737 = arith.constant 10 : i32
      %get3A_2738 = arith.index_cast %get3A_2737 : i32 to index
      %get3A_2739 = arith.constant 16 : index
      %get3A_2740 = tpu.vector_load %arg7[%get3A_2738, %get3A_2739] {strides = array<i32>} : memref<100x64xf32, #tpu.memory_space<vmem>>, vector<1x16xf32>,
      %get3A_2741 = vector.shape_cast %get3A_2740 : vector<1x16xf32> to vector<16xf32>
      %add3A_2742 = arith.addf %add3A_2718, %get3A_2741 : vector<16xf32>
      %get3A_2743 = arith.constant 10 : i32
      %get3A_2744 = arith.index_cast %get3A_2743 : i32 to index
      %get3A_2745 = arith.constant 32 : index
      %get3A_2746 = tpu.vector_load %arg7[%get3A_2744, %get3A_2745] {strides = array<i32>} : memref<100x64xf32, #tpu.memory_space<vmem>>, vector<1x16xf32>,
      %get3A_2747 = vector.shape_cast %get3A_2746 : vector<1x16xf32> to vector<16xf32>
      %add3A_2748 = arith.addf %add3A_2724, %get3A_2747 : vector<16xf32>
      %get3A_2749 = arith.constant 10 : i32
      %get3A_2750 = arith.index_cast %get3A_2749 : i32 to index
      %get3A_2751 = arith.constant 48 : index
      %get3A_2752 = tpu.vector_load %arg7[%get3A_2750, %get3A_2751] {strides = array<i32>} : memref<100x64xf32, #tpu.memory_space<vmem>>, vector<1x16xf32>,
      %get3A_2753 = vector.shape_cast %get3A_2752 : vector<1x16xf32> to vector<16xf32>
      %add3A_2754 = arith.addf %add3A_2730, %get3A_2753 : vector<16xf32>
      %get3A_2755 = arith.constant 11 : i32
      %get3A_2756 = arith.index_cast %get3A_2755 : i32 to index
      %get3A_2757 = arith.constant 0 : index
      %get3A_2758 = tpu.vector_load %arg7[%get3A_2756, %get3A_2757] {strides = array<i32>} : memref<100x64xf32, #tpu.memory_space<vmem>>, vector<1x16xf32>,
      %get3A_2759 = vector.shape_cast %get3A_2758 : vector<1x16xf32> to vector<16xf32>
      %add3A_2760 = arith.addf %add3A_2736, %get3A_2759 : vector<16xf32>
      %get3A_2761 = arith.constant 11 : i32
      %get3A_2762 = arith.index_cast %get3A_2761 : i32 to index
      %get3A_2763 = arith.constant 16 : index
      %get3A_2764 = tpu.vector_load %arg7[%get3A_2762, %get3A_2763] {strides = array<i32>} : memref<100x64xf32, #tpu.memory_space<vmem>>, vector<1x16xf32>,
      %get3A_2765 = vector.shape_cast %get3A_2764 : vector<1x16xf32> to vector<16xf32>
      %add3A_2766 = arith.addf %add3A_2742, %get3A_2765 : vector<16xf32>
      %get3A_2767 = arith.constant 11 : i32
      %get3A_2768 = arith.index_cast %get3A_2767 : i32 to index
      %get3A_2769 = arith.constant 32 : index
      %get3A_2770 = tpu.vector_load %arg7[%get3A_2768, %get3A_2769] {strides = array<i32>} : memref<100x64xf32, #tpu.memory_space<vmem>>, vector<1x16xf32>,
      %get3A_2771 = vector.shape_cast %get3A_2770 : vector<1x16xf32> to vector<16xf32>
      %add3A_2772 = arith.addf %add3A_2748, %get3A_2771 : vector<16xf32>
      %get3A_2773 = arith.constant 11 : i32
      %get3A_2774 = arith.index_cast %get3A_2773 : i32 to index
      %get3A_2775 = arith.constant 48 : index
      %get3A_2776 = tpu.vector_load %arg7[%get3A_2774, %get3A_2775] {strides = array<i32>} : memref<100x64xf32, #tpu.memory_space<vmem>>, vector<1x16xf32>,
      %get3A_2777 = vector.shape_cast %get3A_2776 : vector<1x16xf32> to vector<16xf32>
      %add3A_2778 = arith.addf %add3A_2754, %get3A_2777 : vector<16xf32>
      %get3A_2779 = arith.constant 12 : i32
      %get3A_2780 = arith.index_cast %get3A_2779 : i32 to index
      %get3A_2781 = arith.constant 0 : index
      %get3A_2782 = tpu.vector_load %arg7[%get3A_2780, %get3A_2781] {strides = array<i32>} : memref<100x64xf32, #tpu.memory_space<vmem>>, vector<1x16xf32>,
      %get3A_2783 = vector.shape_cast %get3A_2782 : vector<1x16xf32> to vector<16xf32>
      %add3A_2784 = arith.addf %add3A_2760, %get3A_2783 : vector<16xf32>
      %get3A_2785 = arith.constant 12 : i32
      %get3A_2786 = arith.index_cast %get3A_2785 : i32 to index
      %get3A_2787 = arith.constant 16 : index
      %get3A_2788 = tpu.vector_load %arg7[%get3A_2786, %get3A_2787] {strides = array<i32>} : memref<100x64xf32, #tpu.memory_space<vmem>>, vector<1x16xf32>,
      %get3A_2789 = vector.shape_cast %get3A_2788 : vector<1x16xf32> to vector<16xf32>
      %add3A_2790 = arith.addf %add3A_2766, %get3A_2789 : vector<16xf32>
      %get3A_2791 = arith.constant 12 : i32
      %get3A_2792 = arith.index_cast %get3A_2791 : i32 to index
      %get3A_2793 = arith.constant 32 : index
      %get3A_2794 = tpu.vector_load %arg7[%get3A_2792, %get3A_2793] {strides = array<i32>} : memref<100x64xf32, #tpu.memory_space<vmem>>, vector<1x16xf32>,
      %get3A_2795 = vector.shape_cast %get3A_2794 : vector<1x16xf32> to vector<16xf32>
      %add3A_2796 = arith.addf %add3A_2772, %get3A_2795 : vector<16xf32>
      %get3A_2797 = arith.constant 12 : i32
      %get3A_2798 = arith.index_cast %get3A_2797 : i32 to index
      %get3A_2799 = arith.constant 48 : index
      %get3A_2800 = tpu.vector_load %arg7[%get3A_2798, %get3A_2799] {strides = array<i32>} : memref<100x64xf32, #tpu.memory_space<vmem>>, vector<1x16xf32>,
      %get3A_2801 = vector.shape_cast %get3A_2800 : vector<1x16xf32> to vector<16xf32>
      %add3A_2802 = arith.addf %add3A_2778, %get3A_2801 : vector<16xf32>
      %get3A_2803 = arith.constant 13 : i32
      %get3A_2804 = arith.index_cast %get3A_2803 : i32 to index
      %get3A_2805 = arith.constant 0 : index
      %get3A_2806 = tpu.vector_load %arg7[%get3A_2804, %get3A_2805] {strides = array<i32>} : memref<100x64xf32, #tpu.memory_space<vmem>>, vector<1x16xf32>,
      %get3A_2807 = vector.shape_cast %get3A_2806 : vector<1x16xf32> to vector<16xf32>
      %add3A_2808 = arith.addf %add3A_2784, %get3A_2807 : vector<16xf32>
      %get3A_2809 = arith.constant 13 : i32
      %get3A_2810 = arith.index_cast %get3A_2809 : i32 to index
      %get3A_2811 = arith.constant 16 : index
      %get3A_2812 = tpu.vector_load %arg7[%get3A_2810, %get3A_2811] {strides = array<i32>} : memref<100x64xf32, #tpu.memory_space<vmem>>, vector<1x16xf32>,
      %get3A_2813 = vector.shape_cast %get3A_2812 : vector<1x16xf32> to vector<16xf32>
      %add3A_2814 = arith.addf %add3A_2790, %get3A_2813 : vector<16xf32>
      %get3A_2815 = arith.constant 13 : i32
      %get3A_2816 = arith.index_cast %get3A_2815 : i32 to index
      %get3A_2817 = arith.constant 32 : index
      %get3A_2818 = tpu.vector_load %arg7[%get3A_2816, %get3A_2817] {strides = array<i32>} : memref<100x64xf32, #tpu.memory_space<vmem>>, vector<1x16xf32>,
      %get3A_2819 = vector.shape_cast %get3A_2818 : vector<1x16xf32> to vector<16xf32>
      %add3A_2820 = arith.addf %add3A_2796, %get3A_2819 : vector<16xf32>
      %get3A_2821 = arith.constant 13 : i32
      %get3A_2822 = arith.index_cast %get3A_2821 : i32 to index
      %get3A_2823 = arith.constant 48 : index
      %get3A_2824 = tpu.vector_load %arg7[%get3A_2822, %get3A_2823] {strides = array<i32>} : memref<100x64xf32, #tpu.memory_space<vmem>>, vector<1x16xf32>,
      %get3A_2825 = vector.shape_cast %get3A_2824 : vector<1x16xf32> to vector<16xf32>
      %add3A_2826 = arith.addf %add3A_2802, %get3A_2825 : vector<16xf32>
      %get3A_2827 = arith.constant 14 : i32
      %get3A_2828 = arith.index_cast %get3A_2827 : i32 to index
      %get3A_2829 = arith.constant 0 : index
      %get3A_2830 = tpu.vector_load %arg7[%get3A_2828, %get3A_2829] {strides = array<i32>} : memref<100x64xf32, #tpu.memory_space<vmem>>, vector<1x16xf32>,
      %get3A_2831 = vector.shape_cast %get3A_2830 : vector<1x16xf32> to vector<16xf32>
      %add3A_2832 = arith.addf %add3A_2808, %get3A_2831 : vector<16xf32>
      %get3A_2833 = arith.constant 14 : i32
      %get3A_2834 = arith.index_cast %get3A_2833 : i32 to index
      %get3A_2835 = arith.constant 16 : index
      %get3A_2836 = tpu.vector_load %arg7[%get3A_2834, %get3A_2835] {strides = array<i32>} : memref<100x64xf32, #tpu.memory_space<vmem>>, vector<1x16xf32>,
      %get3A_2837 = vector.shape_cast %get3A_2836 : vector<1x16xf32> to vector<16xf32>
      %add3A_2838 = arith.addf %add3A_2814, %get3A_2837 : vector<16xf32>
      %get3A_2839 = arith.constant 14 : i32
      %get3A_2840 = arith.index_cast %get3A_2839 : i32 to index
      %get3A_2841 = arith.constant 32 : index
      %get3A_2842 = tpu.vector_load %arg7[%get3A_2840, %get3A_2841] {strides = array<i32>} : memref<100x64xf32, #tpu.memory_space<vmem>>, vector<1x16xf32>,
      %get3A_2843 = vector.shape_cast %get3A_2842 : vector<1x16xf32> to vector<16xf32>
      %add3A_2844 = arith.addf %add3A_2820, %get3A_2843 : vector<16xf32>
      %get3A_2845 = arith.constant 14 : i32
      %get3A_2846 = arith.index_cast %get3A_2845 : i32 to index
      %get3A_2847 = arith.constant 48 : index
      %get3A_2848 = tpu.vector_load %arg7[%get3A_2846, %get3A_2847] {strides = array<i32>} : memref<100x64xf32, #tpu.memory_space<vmem>>, vector<1x16xf32>,
      %get3A_2849 = vector.shape_cast %get3A_2848 : vector<1x16xf32> to vector<16xf32>
      %add3A_2850 = arith.addf %add3A_2826, %get3A_2849 : vector<16xf32>
      %get3A_2851 = arith.constant 15 : i32
      %get3A_2852 = arith.index_cast %get3A_2851 : i32 to index
      %get3A_2853 = arith.constant 0 : index
      %get3A_2854 = tpu.vector_load %arg7[%get3A_2852, %get3A_2853] {strides = array<i32>} : memref<100x64xf32, #tpu.memory_space<vmem>>, vector<1x16xf32>,
      %get3A_2855 = vector.shape_cast %get3A_2854 : vector<1x16xf32> to vector<16xf32>
      %add3A_2856 = arith.addf %add3A_2832, %get3A_2855 : vector<16xf32>
      %get3A_2857 = arith.constant 15 : i32
      %get3A_2858 = arith.index_cast %get3A_2857 : i32 to index
      %get3A_2859 = arith.constant 16 : index
      %get3A_2860 = tpu.vector_load %arg7[%get3A_2858, %get3A_2859] {strides = array<i32>} : memref<100x64xf32, #tpu.memory_space<vmem>>, vector<1x16xf32>,
      %get3A_2861 = vector.shape_cast %get3A_2860 : vector<1x16xf32> to vector<16xf32>
      %add3A_2862 = arith.addf %add3A_2838, %get3A_2861 : vector<16xf32>
      %get3A_2863 = arith.constant 15 : i32
      %get3A_2864 = arith.index_cast %get3A_2863 : i32 to index
      %get3A_2865 = arith.constant 32 : index
      %get3A_2866 = tpu.vector_load %arg7[%get3A_2864, %get3A_2865] {strides = array<i32>} : memref<100x64xf32, #tpu.memory_space<vmem>>, vector<1x16xf32>,
      %get3A_2867 = vector.shape_cast %get3A_2866 : vector<1x16xf32> to vector<16xf32>
      %add3A_2868 = arith.addf %add3A_2844, %get3A_2867 : vector<16xf32>
      %get3A_2869 = arith.constant 15 : i32
      %get3A_2870 = arith.index_cast %get3A_2869 : i32 to index
      %get3A_2871 = arith.constant 48 : index
      %get3A_2872 = tpu.vector_load %arg7[%get3A_2870, %get3A_2871] {strides = array<i32>} : memref<100x64xf32, #tpu.memory_space<vmem>>, vector<1x16xf32>,
      %get3A_2873 = vector.shape_cast %get3A_2872 : vector<1x16xf32> to vector<16xf32>
      %add3A_2874 = arith.addf %add3A_2850, %get3A_2873 : vector<16xf32>
      %get3A_2875 = arith.constant 16 : i32
      %get3A_2876 = arith.index_cast %get3A_2875 : i32 to index
      %get3A_2877 = arith.constant 0 : index
      %get3A_2878 = tpu.vector_load %arg7[%get3A_2876, %get3A_2877] {strides = array<i32>} : memref<100x64xf32, #tpu.memory_space<vmem>>, vector<1x16xf32>,
      %get3A_2879 = vector.shape_cast %get3A_2878 : vector<1x16xf32> to vector<16xf32>
      %add3A_2880 = arith.addf %add3A_2856, %get3A_2879 : vector<16xf32>
      %get3A_2881 = arith.constant 16 : i32
      %get3A_2882 = arith.index_cast %get3A_2881 : i32 to index
      %get3A_2883 = arith.constant 16 : index
      %get3A_2884 = tpu.vector_load %arg7[%get3A_2882, %get3A_2883] {strides = array<i32>} : memref<100x64xf32, #tpu.memory_space<vmem>>, vector<1x16xf32>,
      %get3A_2885 = vector.shape_cast %get3A_2884 : vector<1x16xf32> to vector<16xf32>
      %add3A_2886 = arith.addf %add3A_2862, %get3A_2885 : vector<16xf32>
      %get3A_2887 = arith.constant 16 : i32
      %get3A_2888 = arith.index_cast %get3A_2887 : i32 to index
      %get3A_2889 = arith.constant 32 : index
      %get3A_2890 = tpu.vector_load %arg7[%get3A_2888, %get3A_2889] {strides = array<i32>} : memref<100x64xf32, #tpu.memory_space<vmem>>, vector<1x16xf32>,
      %get3A_2891 = vector.shape_cast %get3A_2890 : vector<1x16xf32> to vector<16xf32>
      %add3A_2892 = arith.addf %add3A_2868, %get3A_2891 : vector<16xf32>
      %get3A_2893 = arith.constant 16 : i32
      %get3A_2894 = arith.index_cast %get3A_2893 : i32 to index
      %get3A_2895 = arith.constant 48 : index
      %get3A_2896 = tpu.vector_load %arg7[%get3A_2894, %get3A_2895] {strides = array<i32>} : memref<100x64xf32, #tpu.memory_space<vmem>>, vector<1x16xf32>,
      %get3A_2897 = vector.shape_cast %get3A_2896 : vector<1x16xf32> to vector<16xf32>
      %add3A_2898 = arith.addf %add3A_2874, %get3A_2897 : vector<16xf32>
      %get3A_2899 = arith.constant 17 : i32
      %get3A_2900 = arith.index_cast %get3A_2899 : i32 to index
      %get3A_2901 = arith.constant 0 : index
      %get3A_2902 = tpu.vector_load %arg7[%get3A_2900, %get3A_2901] {strides = array<i32>} : memref<100x64xf32, #tpu.memory_space<vmem>>, vector<1x16xf32>,
      %get3A_2903 = vector.shape_cast %get3A_2902 : vector<1x16xf32> to vector<16xf32>
      %add3A_2904 = arith.addf %add3A_2880, %get3A_2903 : vector<16xf32>
      %get3A_2905 = arith.constant 17 : i32
      %get3A_2906 = arith.index_cast %get3A_2905 : i32 to index
      %get3A_2907 = arith.constant 16 : index
      %get3A_2908 = tpu.vector_load %arg7[%get3A_2906, %get3A_2907] {strides = array<i32>} : memref<100x64xf32, #tpu.memory_space<vmem>>, vector<1x16xf32>,
      %get3A_2909 = vector.shape_cast %get3A_2908 : vector<1x16xf32> to vector<16xf32>
      %add3A_2910 = arith.addf %add3A_2886, %get3A_2909 : vector<16xf32>
      %get3A_2911 = arith.constant 17 : i32
      %get3A_2912 = arith.index_cast %get3A_2911 : i32 to index
      %get3A_2913 = arith.constant 32 : index
      %get3A_2914 = tpu.vector_load %arg7[%get3A_2912, %get3A_2913] {strides = array<i32>} : memref<100x64xf32, #tpu.memory_space<vmem>>, vector<1x16xf32>,
      %get3A_2915 = vector.shape_cast %get3A_2914 : vector<1x16xf32> to vector<16xf32>
      %add3A_2916 = arith.addf %add3A_2892, %get3A_2915 : vector<16xf32>
      %get3A_2917 = arith.constant 17 : i32
      %get3A_2918 = arith.index_cast %get3A_2917 : i32 to index
      %get3A_2919 = arith.constant 48 : index
      %get3A_2920 = tpu.vector_load %arg7[%get3A_2918, %get3A_2919] {strides = array<i32>} : memref<100x64xf32, #tpu.memory_space<vmem>>, vector<1x16xf32>,
      %get3A_2921 = vector.shape_cast %get3A_2920 : vector<1x16xf32> to vector<16xf32>
      %add3A_2922 = arith.addf %add3A_2898, %get3A_2921 : vector<16xf32>
      %get3A_2923 = arith.constant 18 : i32
      %get3A_2924 = arith.index_cast %get3A_2923 : i32 to index
      %get3A_2925 = arith.constant 0 : index
      %get3A_2926 = tpu.vector_load %arg7[%get3A_2924, %get3A_2925] {strides = array<i32>} : memref<100x64xf32, #tpu.memory_space<vmem>>, vector<1x16xf32>,
      %get3A_2927 = vector.shape_cast %get3A_2926 : vector<1x16xf32> to vector<16xf32>
      %add3A_2928 = arith.addf %add3A_2904, %get3A_2927 : vector<16xf32>
      %get3A_2929 = arith.constant 18 : i32
      %get3A_2930 = arith.index_cast %get3A_2929 : i32 to index
      %get3A_2931 = arith.constant 16 : index
      %get3A_2932 = tpu.vector_load %arg7[%get3A_2930, %get3A_2931] {strides = array<i32>} : memref<100x64xf32, #tpu.memory_space<vmem>>, vector<1x16xf32>,
      %get3A_2933 = vector.shape_cast %get3A_2932 : vector<1x16xf32> to vector<16xf32>
      %add3A_2934 = arith.addf %add3A_2910, %get3A_2933 : vector<16xf32>
      %get3A_2935 = arith.constant 18 : i32
      %get3A_2936 = arith.index_cast %get3A_2935 : i32 to index
      %get3A_2937 = arith.constant 32 : index
      %get3A_2938 = tpu.vector_load %arg7[%get3A_2936, %get3A_2937] {strides = array<i32>} : memref<100x64xf32, #tpu.memory_space<vmem>>, vector<1x16xf32>,
      %get3A_2939 = vector.shape_cast %get3A_2938 : vector<1x16xf32> to vector<16xf32>
      %add3A_2940 = arith.addf %add3A_2916, %get3A_2939 : vector<16xf32>
      %get3A_2941 = arith.constant 18 : i32
      %get3A_2942 = arith.index_cast %get3A_2941 : i32 to index
      %get3A_2943 = arith.constant 48 : index
      %get3A_2944 = tpu.vector_load %arg7[%get3A_2942, %get3A_2943] {strides = array<i32>} : memref<100x64xf32, #tpu.memory_space<vmem>>, vector<1x16xf32>,
      %get3A_2945 = vector.shape_cast %get3A_2944 : vector<1x16xf32> to vector<16xf32>
      %add3A_2946 = arith.addf %add3A_2922, %get3A_2945 : vector<16xf32>
      %get3A_2947 = arith.constant 19 : i32
      %get3A_2948 = arith.index_cast %get3A_2947 : i32 to index
      %get3A_2949 = arith.constant 0 : index
      %get3A_2950 = tpu.vector_load %arg7[%get3A_2948, %get3A_2949] {strides = array<i32>} : memref<100x64xf32, #tpu.memory_space<vmem>>, vector<1x16xf32>,
      %get3A_2951 = vector.shape_cast %get3A_2950 : vector<1x16xf32> to vector<16xf32>
      %add3A_2952 = arith.addf %add3A_2928, %get3A_2951 : vector<16xf32>
      %get3A_2953 = arith.constant 19 : i32
      %get3A_2954 = arith.index_cast %get3A_2953 : i32 to index
      %get3A_2955 = arith.constant 16 : index
      %get3A_2956 = tpu.vector_load %arg7[%get3A_2954, %get3A_2955] {strides = array<i32>} : memref<100x64xf32, #tpu.memory_space<vmem>>, vector<1x16xf32>,
      %get3A_2957 = vector.shape_cast %get3A_2956 : vector<1x16xf32> to vector<16xf32>
      %add3A_2958 = arith.addf %add3A_2934, %get3A_2957 : vector<16xf32>
      %get3A_2959 = arith.constant 19 : i32
      %get3A_2960 = arith.index_cast %get3A_2959 : i32 to index
      %get3A_2961 = arith.constant 32 : index
      %get3A_2962 = tpu.vector_load %arg7[%get3A_2960, %get3A_2961] {strides = array<i32>} : memref<100x64xf32, #tpu.memory_space<vmem>>, vector<1x16xf32>,
      %get3A_2963 = vector.shape_cast %get3A_2962 : vector<1x16xf32> to vector<16xf32>
      %add3A_2964 = arith.addf %add3A_2940, %get3A_2963 : vector<16xf32>
      %get3A_2965 = arith.constant 19 : i32
      %get3A_2966 = arith.index_cast %get3A_2965 : i32 to index
      %get3A_2967 = arith.constant 48 : index
      %get3A_2968 = tpu.vector_load %arg7[%get3A_2966, %get3A_2967] {strides = array<i32>} : memref<100x64xf32, #tpu.memory_space<vmem>>, vector<1x16xf32>,
      %get3A_2969 = vector.shape_cast %get3A_2968 : vector<1x16xf32> to vector<16xf32>
      %add3A_2970 = arith.addf %add3A_2946, %get3A_2969 : vector<16xf32>
      %get3A_2971 = arith.constant 20 : i32
      %get3A_2972 = arith.index_cast %get3A_2971 : i32 to index
      %get3A_2973 = arith.constant 0 : index
      %get3A_2974 = tpu.vector_load %arg7[%get3A_2972, %get3A_2973] {strides = array<i32>} : memref<100x64xf32, #tpu.memory_space<vmem>>, vector<1x16xf32>,
      %get3A_2975 = vector.shape_cast %get3A_2974 : vector<1x16xf32> to vector<16xf32>
      %add3A_2976 = arith.addf %add3A_2952, %get3A_2975 : vector<16xf32>
      %get3A_2977 = arith.constant 20 : i32
      %get3A_2978 = arith.index_cast %get3A_2977 : i32 to index
      %get3A_2979 = arith.constant 16 : index
      %get3A_2980 = tpu.vector_load %arg7[%get3A_2978, %get3A_2979] {strides = array<i32>} : memref<100x64xf32, #tpu.memory_space<vmem>>, vector<1x16xf32>,
      %get3A_2981 = vector.shape_cast %get3A_2980 : vector<1x16xf32> to vector<16xf32>
      %add3A_2982 = arith.addf %add3A_2958, %get3A_2981 : vector<16xf32>
      %get3A_2983 = arith.constant 20 : i32
      %get3A_2984 = arith.index_cast %get3A_2983 : i32 to index
      %get3A_2985 = arith.constant 32 : index
      %get3A_2986 = tpu.vector_load %arg7[%get3A_2984, %get3A_2985] {strides = array<i32>} : memref<100x64xf32, #tpu.memory_space<vmem>>, vector<1x16xf32>,
      %get3A_2987 = vector.shape_cast %get3A_2986 : vector<1x16xf32> to vector<16xf32>
      %add3A_2988 = arith.addf %add3A_2964, %get3A_2987 : vector<16xf32>
      %get3A_2989 = arith.constant 20 : i32
      %get3A_2990 = arith.index_cast %get3A_2989 : i32 to index
      %get3A_2991 = arith.constant 48 : index
      %get3A_2992 = tpu.vector_load %arg7[%get3A_2990, %get3A_2991] {strides = array<i32>} : memref<100x64xf32, #tpu.memory_space<vmem>>, vector<1x16xf32>,
      %get3A_2993 = vector.shape_cast %get3A_2992 : vector<1x16xf32> to vector<16xf32>
      %add3A_2994 = arith.addf %add3A_2970, %get3A_2993 : vector<16xf32>
      %get3A_2995 = arith.constant 21 : i32
      %get3A_2996 = arith.index_cast %get3A_2995 : i32 to index
      %get3A_2997 = arith.constant 0 : index
      %get3A_2998 = tpu.vector_load %arg7[%get3A_2996, %get3A_2997] {strides = array<i32>} : memref<100x64xf32, #tpu.memory_space<vmem>>, vector<1x16xf32>,
      %get3A_2999 = vector.shape_cast %get3A_2998 : vector<1x16xf32> to vector<16xf32>
      %add3A_3000 = arith.addf %add3A_2976, %get3A_2999 : vector<16xf32>
      %get3A_3001 = arith.constant 21 : i32
      %get3A_3002 = arith.index_cast %get3A_3001 : i32 to index
      %get3A_3003 = arith.constant 16 : index
      %get3A_3004 = tpu.vector_load %arg7[%get3A_3002, %get3A_3003] {strides = array<i32>} : memref<100x64xf32, #tpu.memory_space<vmem>>, vector<1x16xf32>,
      %get3A_3005 = vector.shape_cast %get3A_3004 : vector<1x16xf32> to vector<16xf32>
      %add3A_3006 = arith.addf %add3A_2982, %get3A_3005 : vector<16xf32>
      %get3A_3007 = arith.constant 21 : i32
      %get3A_3008 = arith.index_cast %get3A_3007 : i32 to index
      %get3A_3009 = arith.constant 32 : index
      %get3A_3010 = tpu.vector_load %arg7[%get3A_3008, %get3A_3009] {strides = array<i32>} : memref<100x64xf32, #tpu.memory_space<vmem>>, vector<1x16xf32>,
      %get3A_3011 = vector.shape_cast %get3A_3010 : vector<1x16xf32> to vector<16xf32>
      %add3A_3012 = arith.addf %add3A_2988, %get3A_3011 : vector<16xf32>
      %get3A_3013 = arith.constant 21 : i32
      %get3A_3014 = arith.index_cast %get3A_3013 : i32 to index
      %get3A_3015 = arith.constant 48 : index
      %get3A_3016 = tpu.vector_load %arg7[%get3A_3014, %get3A_3015] {strides = array<i32>} : memref<100x64xf32, #tpu.memory_space<vmem>>, vector<1x16xf32>,
      %get3A_3017 = vector.shape_cast %get3A_3016 : vector<1x16xf32> to vector<16xf32>
      %add3A_3018 = arith.addf %add3A_2994, %get3A_3017 : vector<16xf32>
      %get3A_3019 = arith.constant 22 : i32
      %get3A_3020 = arith.index_cast %get3A_3019 : i32 to index
      %get3A_3021 = arith.constant 0 : index
      %get3A_3022 = tpu.vector_load %arg7[%get3A_3020, %get3A_3021] {strides = array<i32>} : memref<100x64xf32, #tpu.memory_space<vmem>>, vector<1x16xf32>,
      %get3A_3023 = vector.shape_cast %get3A_3022 : vector<1x16xf32> to vector<16xf32>
      %add3A_3024 = arith.addf %add3A_3000, %get3A_3023 : vector<16xf32>
      %get3A_3025 = arith.constant 22 : i32
      %get3A_3026 = arith.index_cast %get3A_3025 : i32 to index
      %get3A_3027 = arith.constant 16 : index
      %get3A_3028 = tpu.vector_load %arg7[%get3A_3026, %get3A_3027] {strides = array<i32>} : memref<100x64xf32, #tpu.memory_space<vmem>>, vector<1x16xf32>,
      %get3A_3029 = vector.shape_cast %get3A_3028 : vector<1x16xf32> to vector<16xf32>
      %add3A_3030 = arith.addf %add3A_3006, %get3A_3029 : vector<16xf32>
      %get3A_3031 = arith.constant 22 : i32
      %get3A_3032 = arith.index_cast %get3A_3031 : i32 to index
      %get3A_3033 = arith.constant 32 : index
      %get3A_3034 = tpu.vector_load %arg7[%get3A_3032, %get3A_3033] {strides = array<i32>} : memref<100x64xf32, #tpu.memory_space<vmem>>, vector<1x16xf32>,
      %get3A_3035 = vector.shape_cast %get3A_3034 : vector<1x16xf32> to vector<16xf32>
      %add3A_3036 = arith.addf %add3A_3012, %get3A_3035 : vector<16xf32>
      %get3A_3037 = arith.constant 22 : i32
      %get3A_3038 = arith.index_cast %get3A_3037 : i32 to index
      %get3A_3039 = arith.constant 48 : index
      %get3A_3040 = tpu.vector_load %arg7[%get3A_3038, %get3A_3039] {strides = array<i32>} : memref<100x64xf32, #tpu.memory_space<vmem>>, vector<1x16xf32>,
      %get3A_3041 = vector.shape_cast %get3A_3040 : vector<1x16xf32> to vector<16xf32>
      %add3A_3042 = arith.addf %add3A_3018, %get3A_3041 : vector<16xf32>
      %get3A_3043 = arith.constant 23 : i32
      %get3A_3044 = arith.index_cast %get3A_3043 : i32 to index
      %get3A_3045 = arith.constant 0 : index
      %get3A_3046 = tpu.vector_load %arg7[%get3A_3044, %get3A_3045] {strides = array<i32>} : memref<100x64xf32, #tpu.memory_space<vmem>>, vector<1x16xf32>,
      %get3A_3047 = vector.shape_cast %get3A_3046 : vector<1x16xf32> to vector<16xf32>
      %add3A_3048 = arith.addf %add3A_3024, %get3A_3047 : vector<16xf32>
      %get3A_3049 = arith.constant 23 : i32
      %get3A_3050 = arith.index_cast %get3A_3049 : i32 to index
      %get3A_3051 = arith.constant 16 : index
      %get3A_3052 = tpu.vector_load %arg7[%get3A_3050, %get3A_3051] {strides = array<i32>} : memref<100x64xf32, #tpu.memory_space<vmem>>, vector<1x16xf32>,
      %get3A_3053 = vector.shape_cast %get3A_3052 : vector<1x16xf32> to vector<16xf32>
      %add3A_3054 = arith.addf %add3A_3030, %get3A_3053 : vector<16xf32>
      %get3A_3055 = arith.constant 23 : i32
      %get3A_3056 = arith.index_cast %get3A_3055 : i32 to index
      %get3A_3057 = arith.constant 32 : index
      %get3A_3058 = tpu.vector_load %arg7[%get3A_3056, %get3A_3057] {strides = array<i32>} : memref<100x64xf32, #tpu.memory_space<vmem>>, vector<1x16xf32>,
      %get3A_3059 = vector.shape_cast %get3A_3058 : vector<1x16xf32> to vector<16xf32>
      %add3A_3060 = arith.addf %add3A_3036, %get3A_3059 : vector<16xf32>
      %get3A_3061 = arith.constant 23 : i32
      %get3A_3062 = arith.index_cast %get3A_3061 : i32 to index
      %get3A_3063 = arith.constant 48 : index
      %get3A_3064 = tpu.vector_load %arg7[%get3A_3062, %get3A_3063] {strides = array<i32>} : memref<100x64xf32, #tpu.memory_space<vmem>>, vector<1x16xf32>,
      %get3A_3065 = vector.shape_cast %get3A_3064 : vector<1x16xf32> to vector<16xf32>
      %add3A_3066 = arith.addf %add3A_3042, %get3A_3065 : vector<16xf32>
      %get3A_3067 = arith.constant 24 : i32
      %get3A_3068 = arith.index_cast %get3A_3067 : i32 to index
      %get3A_3069 = arith.constant 0 : index
      %get3A_3070 = tpu.vector_load %arg7[%get3A_3068, %get3A_3069] {strides = array<i32>} : memref<100x64xf32, #tpu.memory_space<vmem>>, vector<1x16xf32>,
      %get3A_3071 = vector.shape_cast %get3A_3070 : vector<1x16xf32> to vector<16xf32>
      %add3A_3072 = arith.addf %add3A_3048, %get3A_3071 : vector<16xf32>
      %get3A_3073 = arith.constant 24 : i32
      %get3A_3074 = arith.index_cast %get3A_3073 : i32 to index
      %get3A_3075 = arith.constant 16 : index
      %get3A_3076 = tpu.vector_load %arg7[%get3A_3074, %get3A_3075] {strides = array<i32>} : memref<100x64xf32, #tpu.memory_space<vmem>>, vector<1x16xf32>,
      %get3A_3077 = vector.shape_cast %get3A_3076 : vector<1x16xf32> to vector<16xf32>
      %add3A_3078 = arith.addf %add3A_3054, %get3A_3077 : vector<16xf32>
      %get3A_3079 = arith.constant 24 : i32
      %get3A_3080 = arith.index_cast %get3A_3079 : i32 to index
      %get3A_3081 = arith.constant 32 : index
      %get3A_3082 = tpu.vector_load %arg7[%get3A_3080, %get3A_3081] {strides = array<i32>} : memref<100x64xf32, #tpu.memory_space<vmem>>, vector<1x16xf32>,
      %get3A_3083 = vector.shape_cast %get3A_3082 : vector<1x16xf32> to vector<16xf32>
      %add3A_3084 = arith.addf %add3A_3060, %get3A_3083 : vector<16xf32>
      %get3A_3085 = arith.constant 24 : i32
      %get3A_3086 = arith.index_cast %get3A_3085 : i32 to index
      %get3A_3087 = arith.constant 48 : index
      %get3A_3088 = tpu.vector_load %arg7[%get3A_3086, %get3A_3087] {strides = array<i32>} : memref<100x64xf32, #tpu.memory_space<vmem>>, vector<1x16xf32>,
      %get3A_3089 = vector.shape_cast %get3A_3088 : vector<1x16xf32> to vector<16xf32>
      %add3A_3090 = arith.addf %add3A_3066, %get3A_3089 : vector<16xf32>
      %get3A_3091 = arith.constant 25 : i32
      %get3A_3092 = arith.index_cast %get3A_3091 : i32 to index
      %get3A_3093 = arith.constant 0 : index
      %get3A_3094 = tpu.vector_load %arg7[%get3A_3092, %get3A_3093] {strides = array<i32>} : memref<100x64xf32, #tpu.memory_space<vmem>>, vector<1x16xf32>,
      %get3A_3095 = vector.shape_cast %get3A_3094 : vector<1x16xf32> to vector<16xf32>
      %add3A_3096 = arith.addf %add3A_3072, %get3A_3095 : vector<16xf32>
      %get3A_3097 = arith.constant 25 : i32
      %get3A_3098 = arith.index_cast %get3A_3097 : i32 to index
      %get3A_3099 = arith.constant 16 : index
      %get3A_3100 = tpu.vector_load %arg7[%get3A_3098, %get3A_3099] {strides = array<i32>} : memref<100x64xf32, #tpu.memory_space<vmem>>, vector<1x16xf32>,
      %get3A_3101 = vector.shape_cast %get3A_3100 : vector<1x16xf32> to vector<16xf32>
      %add3A_3102 = arith.addf %add3A_3078, %get3A_3101 : vector<16xf32>
      %get3A_3103 = arith.constant 25 : i32
      %get3A_3104 = arith.index_cast %get3A_3103 : i32 to index
      %get3A_3105 = arith.constant 32 : index
      %get3A_3106 = tpu.vector_load %arg7[%get3A_3104, %get3A_3105] {strides = array<i32>} : memref<100x64xf32, #tpu.memory_space<vmem>>, vector<1x16xf32>,
      %get3A_3107 = vector.shape_cast %get3A_3106 : vector<1x16xf32> to vector<16xf32>
      %add3A_3108 = arith.addf %add3A_3084, %get3A_3107 : vector<16xf32>
      %get3A_3109 = arith.constant 25 : i32
      %get3A_3110 = arith.index_cast %get3A_3109 : i32 to index
      %get3A_3111 = arith.constant 48 : index
      %get3A_3112 = tpu.vector_load %arg7[%get3A_3110, %get3A_3111] {strides = array<i32>} : memref<100x64xf32, #tpu.memory_space<vmem>>, vector<1x16xf32>,
      %get3A_3113 = vector.shape_cast %get3A_3112 : vector<1x16xf32> to vector<16xf32>
      %add3A_3114 = arith.addf %add3A_3090, %get3A_3113 : vector<16xf32>
      %get3A_3115 = arith.constant 26 : i32
      %get3A_3116 = arith.index_cast %get3A_3115 : i32 to index
      %get3A_3117 = arith.constant 0 : index
      %get3A_3118 = tpu.vector_load %arg7[%get3A_3116, %get3A_3117] {strides = array<i32>} : memref<100x64xf32, #tpu.memory_space<vmem>>, vector<1x16xf32>,
      %get3A_3119 = vector.shape_cast %get3A_3118 : vector<1x16xf32> to vector<16xf32>
      %add3A_3120 = arith.addf %add3A_3096, %get3A_3119 : vector<16xf32>
      %get3A_3121 = arith.constant 26 : i32
      %get3A_3122 = arith.index_cast %get3A_3121 : i32 to index
      %get3A_3123 = arith.constant 16 : index
      %get3A_3124 = tpu.vector_load %arg7[%get3A_3122, %get3A_3123] {strides = array<i32>} : memref<100x64xf32, #tpu.memory_space<vmem>>, vector<1x16xf32>,
      %get3A_3125 = vector.shape_cast %get3A_3124 : vector<1x16xf32> to vector<16xf32>
      %add3A_3126 = arith.addf %add3A_3102, %get3A_3125 : vector<16xf32>
      %get3A_3127 = arith.constant 26 : i32
      %get3A_3128 = arith.index_cast %get3A_3127 : i32 to index
      %get3A_3129 = arith.constant 32 : index
      %get3A_3130 = tpu.vector_load %arg7[%get3A_3128, %get3A_3129] {strides = array<i32>} : memref<100x64xf32, #tpu.memory_space<vmem>>, vector<1x16xf32>,
      %get3A_3131 = vector.shape_cast %get3A_3130 : vector<1x16xf32> to vector<16xf32>
      %add3A_3132 = arith.addf %add3A_3108, %get3A_3131 : vector<16xf32>
      %get3A_3133 = arith.constant 26 : i32
      %get3A_3134 = arith.index_cast %get3A_3133 : i32 to index
      %get3A_3135 = arith.constant 48 : index
      %get3A_3136 = tpu.vector_load %arg7[%get3A_3134, %get3A_3135] {strides = array<i32>} : memref<100x64xf32, #tpu.memory_space<vmem>>, vector<1x16xf32>,
      %get3A_3137 = vector.shape_cast %get3A_3136 : vector<1x16xf32> to vector<16xf32>
      %add3A_3138 = arith.addf %add3A_3114, %get3A_3137 : vector<16xf32>
      %get3A_3139 = arith.constant 27 : i32
      %get3A_3140 = arith.index_cast %get3A_3139 : i32 to index
      %get3A_3141 = arith.constant 0 : index
      %get3A_3142 = tpu.vector_load %arg7[%get3A_3140, %get3A_3141] {strides = array<i32>} : memref<100x64xf32, #tpu.memory_space<vmem>>, vector<1x16xf32>,
      %get3A_3143 = vector.shape_cast %get3A_3142 : vector<1x16xf32> to vector<16xf32>
      %add3A_3144 = arith.addf %add3A_3120, %get3A_3143 : vector<16xf32>
      %get3A_3145 = arith.constant 27 : i32
      %get3A_3146 = arith.index_cast %get3A_3145 : i32 to index
      %get3A_3147 = arith.constant 16 : index
      %get3A_3148 = tpu.vector_load %arg7[%get3A_3146, %get3A_3147] {strides = array<i32>} : memref<100x64xf32, #tpu.memory_space<vmem>>, vector<1x16xf32>,
      %get3A_3149 = vector.shape_cast %get3A_3148 : vector<1x16xf32> to vector<16xf32>
      %add3A_3150 = arith.addf %add3A_3126, %get3A_3149 : vector<16xf32>
      %get3A_3151 = arith.constant 27 : i32
      %get3A_3152 = arith.index_cast %get3A_3151 : i32 to index
      %get3A_3153 = arith.constant 32 : index
      %get3A_3154 = tpu.vector_load %arg7[%get3A_3152, %get3A_3153] {strides = array<i32>} : memref<100x64xf32, #tpu.memory_space<vmem>>, vector<1x16xf32>,
      %get3A_3155 = vector.shape_cast %get3A_3154 : vector<1x16xf32> to vector<16xf32>
      %add3A_3156 = arith.addf %add3A_3132, %get3A_3155 : vector<16xf32>
      %get3A_3157 = arith.constant 27 : i32
      %get3A_3158 = arith.index_cast %get3A_3157 : i32 to index
      %get3A_3159 = arith.constant 48 : index
      %get3A_3160 = tpu.vector_load %arg7[%get3A_3158, %get3A_3159] {strides = array<i32>} : memref<100x64xf32, #tpu.memory_space<vmem>>, vector<1x16xf32>,
      %get3A_3161 = vector.shape_cast %get3A_3160 : vector<1x16xf32> to vector<16xf32>
      %add3A_3162 = arith.addf %add3A_3138, %get3A_3161 : vector<16xf32>
      %get3A_3163 = arith.constant 28 : i32
      %get3A_3164 = arith.index_cast %get3A_3163 : i32 to index
      %get3A_3165 = arith.constant 0 : index
      %get3A_3166 = tpu.vector_load %arg7[%get3A_3164, %get3A_3165] {strides = array<i32>} : memref<100x64xf32, #tpu.memory_space<vmem>>, vector<1x16xf32>,
      %get3A_3167 = vector.shape_cast %get3A_3166 : vector<1x16xf32> to vector<16xf32>
      %add3A_3168 = arith.addf %add3A_3144, %get3A_3167 : vector<16xf32>
      %get3A_3169 = arith.constant 28 : i32
      %get3A_3170 = arith.index_cast %get3A_3169 : i32 to index
      %get3A_3171 = arith.constant 16 : index
      %get3A_3172 = tpu.vector_load %arg7[%get3A_3170, %get3A_3171] {strides = array<i32>} : memref<100x64xf32, #tpu.memory_space<vmem>>, vector<1x16xf32>,
      %get3A_3173 = vector.shape_cast %get3A_3172 : vector<1x16xf32> to vector<16xf32>
      %add3A_3174 = arith.addf %add3A_3150, %get3A_3173 : vector<16xf32>
      %get3A_3175 = arith.constant 28 : i32
      %get3A_3176 = arith.index_cast %get3A_3175 : i32 to index
      %get3A_3177 = arith.constant 32 : index
      %get3A_3178 = tpu.vector_load %arg7[%get3A_3176, %get3A_3177] {strides = array<i32>} : memref<100x64xf32, #tpu.memory_space<vmem>>, vector<1x16xf32>,
      %get3A_3179 = vector.shape_cast %get3A_3178 : vector<1x16xf32> to vector<16xf32>
      %add3A_3180 = arith.addf %add3A_3156, %get3A_3179 : vector<16xf32>
      %get3A_3181 = arith.constant 28 : i32
      %get3A_3182 = arith.index_cast %get3A_3181 : i32 to index
      %get3A_3183 = arith.constant 48 : index
      %get3A_3184 = tpu.vector_load %arg7[%get3A_3182, %get3A_3183] {strides = array<i32>} : memref<100x64xf32, #tpu.memory_space<vmem>>, vector<1x16xf32>,
      %get3A_3185 = vector.shape_cast %get3A_3184 : vector<1x16xf32> to vector<16xf32>
      %add3A_3186 = arith.addf %add3A_3162, %get3A_3185 : vector<16xf32>
      %get3A_3187 = arith.constant 29 : i32
      %get3A_3188 = arith.index_cast %get3A_3187 : i32 to index
      %get3A_3189 = arith.constant 0 : index
      %get3A_3190 = tpu.vector_load %arg7[%get3A_3188, %get3A_3189] {strides = array<i32>} : memref<100x64xf32, #tpu.memory_space<vmem>>, vector<1x16xf32>,
      %get3A_3191 = vector.shape_cast %get3A_3190 : vector<1x16xf32> to vector<16xf32>
      %add3A_3192 = arith.addf %add3A_3168, %get3A_3191 : vector<16xf32>
      %get3A_3193 = arith.constant 29 : i32
      %get3A_3194 = arith.index_cast %get3A_3193 : i32 to index
      %get3A_3195 = arith.constant 16 : index
      %get3A_3196 = tpu.vector_load %arg7[%get3A_3194, %get3A_3195] {strides = array<i32>} : memref<100x64xf32, #tpu.memory_space<vmem>>, vector<1x16xf32>,
      %get3A_3197 = vector.shape_cast %get3A_3196 : vector<1x16xf32> to vector<16xf32>
      %add3A_3198 = arith.addf %add3A_3174, %get3A_3197 : vector<16xf32>
      %get3A_3199 = arith.constant 29 : i32
      %get3A_3200 = arith.index_cast %get3A_3199 : i32 to index
      %get3A_3201 = arith.constant 32 : index
      %get3A_3202 = tpu.vector_load %arg7[%get3A_3200, %get3A_3201] {strides = array<i32>} : memref<100x64xf32, #tpu.memory_space<vmem>>, vector<1x16xf32>,
      %get3A_3203 = vector.shape_cast %get3A_3202 : vector<1x16xf32> to vector<16xf32>
      %add3A_3204 = arith.addf %add3A_3180, %get3A_3203 : vector<16xf32>
      %get3A_3205 = arith.constant 29 : i32
      %get3A_3206 = arith.index_cast %get3A_3205 : i32 to index
      %get3A_3207 = arith.constant 48 : index
      %get3A_3208 = tpu.vector_load %arg7[%get3A_3206, %get3A_3207] {strides = array<i32>} : memref<100x64xf32, #tpu.memory_space<vmem>>, vector<1x16xf32>,
      %get3A_3209 = vector.shape_cast %get3A_3208 : vector<1x16xf32> to vector<16xf32>
      %add3A_3210 = arith.addf %add3A_3186, %get3A_3209 : vector<16xf32>
      %get3A_3211 = arith.constant 30 : i32
      %get3A_3212 = arith.index_cast %get3A_3211 : i32 to index
      %get3A_3213 = arith.constant 0 : index
      %get3A_3214 = tpu.vector_load %arg7[%get3A_3212, %get3A_3213] {strides = array<i32>} : memref<100x64xf32, #tpu.memory_space<vmem>>, vector<1x16xf32>,
      %get3A_3215 = vector.shape_cast %get3A_3214 : vector<1x16xf32> to vector<16xf32>
      %add3A_3216 = arith.addf %add3A_3192, %get3A_3215 : vector<16xf32>
      %get3A_3217 = arith.constant 30 : i32
      %get3A_3218 = arith.index_cast %get3A_3217 : i32 to index
      %get3A_3219 = arith.constant 16 : index
      %get3A_3220 = tpu.vector_load %arg7[%get3A_3218, %get3A_3219] {strides = array<i32>} : memref<100x64xf32, #tpu.memory_space<vmem>>, vector<1x16xf32>,
      %get3A_3221 = vector.shape_cast %get3A_3220 : vector<1x16xf32> to vector<16xf32>
      %add3A_3222 = arith.addf %add3A_3198, %get3A_3221 : vector<16xf32>
      %get3A_3223 = arith.constant 30 : i32
      %get3A_3224 = arith.index_cast %get3A_3223 : i32 to index
      %get3A_3225 = arith.constant 32 : index
      %get3A_3226 = tpu.vector_load %arg7[%get3A_3224, %get3A_3225] {strides = array<i32>} : memref<100x64xf32, #tpu.memory_space<vmem>>, vector<1x16xf32>,
      %get3A_3227 = vector.shape_cast %get3A_3226 : vector<1x16xf32> to vector<16xf32>
      %add3A_3228 = arith.addf %add3A_3204, %get3A_3227 : vector<16xf32>
      %get3A_3229 = arith.constant 30 : i32
      %get3A_3230 = arith.index_cast %get3A_3229 : i32 to index
      %get3A_3231 = arith.constant 48 : index
      %get3A_3232 = tpu.vector_load %arg7[%get3A_3230, %get3A_3231] {strides = array<i32>} : memref<100x64xf32, #tpu.memory_space<vmem>>, vector<1x16xf32>,
      %get3A_3233 = vector.shape_cast %get3A_3232 : vector<1x16xf32> to vector<16xf32>
      %add3A_3234 = arith.addf %add3A_3210, %get3A_3233 : vector<16xf32>
      %get3A_3235 = arith.constant 31 : i32
      %get3A_3236 = arith.index_cast %get3A_3235 : i32 to index
      %get3A_3237 = arith.constant 0 : index
      %get3A_3238 = tpu.vector_load %arg7[%get3A_3236, %get3A_3237] {strides = array<i32>} : memref<100x64xf32, #tpu.memory_space<vmem>>, vector<1x16xf32>,
      %get3A_3239 = vector.shape_cast %get3A_3238 : vector<1x16xf32> to vector<16xf32>
      %add3A_3240 = arith.addf %add3A_3216, %get3A_3239 : vector<16xf32>
      %get3A_3241 = arith.constant 31 : i32
      %get3A_3242 = arith.index_cast %get3A_3241 : i32 to index
      %get3A_3243 = arith.constant 16 : index
      %get3A_3244 = tpu.vector_load %arg7[%get3A_3242, %get3A_3243] {strides = array<i32>} : memref<100x64xf32, #tpu.memory_space<vmem>>, vector<1x16xf32>,
      %get3A_3245 = vector.shape_cast %get3A_3244 : vector<1x16xf32> to vector<16xf32>
      %add3A_3246 = arith.addf %add3A_3222, %get3A_3245 : vector<16xf32>
      %get3A_3247 = arith.constant 31 : i32
      %get3A_3248 = arith.index_cast %get3A_3247 : i32 to index
      %get3A_3249 = arith.constant 32 : index
      %get3A_3250 = tpu.vector_load %arg7[%get3A_3248, %get3A_3249] {strides = array<i32>} : memref<100x64xf32, #tpu.memory_space<vmem>>, vector<1x16xf32>,
      %get3A_3251 = vector.shape_cast %get3A_3250 : vector<1x16xf32> to vector<16xf32>
      %add3A_3252 = arith.addf %add3A_3228, %get3A_3251 : vector<16xf32>
      %get3A_3253 = arith.constant 31 : i32
      %get3A_3254 = arith.index_cast %get3A_3253 : i32 to index
      %get3A_3255 = arith.constant 48 : index
      %get3A_3256 = tpu.vector_load %arg7[%get3A_3254, %get3A_3255] {strides = array<i32>} : memref<100x64xf32, #tpu.memory_space<vmem>>, vector<1x16xf32>,
      %get3A_3257 = vector.shape_cast %get3A_3256 : vector<1x16xf32> to vector<16xf32>
      %add3A_3258 = arith.addf %add3A_3234, %get3A_3257 : vector<16xf32>
      %get3A_3259 = arith.constant 32 : i32
      %get3A_3260 = arith.index_cast %get3A_3259 : i32 to index
      %get3A_3261 = arith.constant 0 : index
      %get3A_3262 = tpu.vector_load %arg7[%get3A_3260, %get3A_3261] {strides = array<i32>} : memref<100x64xf32, #tpu.memory_space<vmem>>, vector<1x16xf32>,
      %get3A_3263 = vector.shape_cast %get3A_3262 : vector<1x16xf32> to vector<16xf32>
      %add3A_3264 = arith.addf %add3A_3240, %get3A_3263 : vector<16xf32>
      %get3A_3265 = arith.constant 32 : i32
      %get3A_3266 = arith.index_cast %get3A_3265 : i32 to index
      %get3A_3267 = arith.constant 16 : index
      %get3A_3268 = tpu.vector_load %arg7[%get3A_3266, %get3A_3267] {strides = array<i32>} : memref<100x64xf32, #tpu.memory_space<vmem>>, vector<1x16xf32>,
      %get3A_3269 = vector.shape_cast %get3A_3268 : vector<1x16xf32> to vector<16xf32>
      %add3A_3270 = arith.addf %add3A_3246, %get3A_3269 : vector<16xf32>
      %get3A_3271 = arith.constant 32 : i32
      %get3A_3272 = arith.index_cast %get3A_3271 : i32 to index
      %get3A_3273 = arith.constant 32 : index
      %get3A_3274 = tpu.vector_load %arg7[%get3A_3272, %get3A_3273] {strides = array<i32>} : memref<100x64xf32, #tpu.memory_space<vmem>>, vector<1x16xf32>,
      %get3A_3275 = vector.shape_cast %get3A_3274 : vector<1x16xf32> to vector<16xf32>
      %add3A_3276 = arith.addf %add3A_3252, %get3A_3275 : vector<16xf32>
      %get3A_3277 = arith.constant 32 : i32
      %get3A_3278 = arith.index_cast %get3A_3277 : i32 to index
      %get3A_3279 = arith.constant 48 : index
      %get3A_3280 = tpu.vector_load %arg7[%get3A_3278, %get3A_3279] {strides = array<i32>} : memref<100x64xf32, #tpu.memory_space<vmem>>, vector<1x16xf32>,
      %get3A_3281 = vector.shape_cast %get3A_3280 : vector<1x16xf32> to vector<16xf32>
      %add3A_3282 = arith.addf %add3A_3258, %get3A_3281 : vector<16xf32>
      %get3A_3283 = arith.constant 33 : i32
      %get3A_3284 = arith.index_cast %get3A_3283 : i32 to index
      %get3A_3285 = arith.constant 0 : index
      %get3A_3286 = tpu.vector_load %arg7[%get3A_3284, %get3A_3285] {strides = array<i32>} : memref<100x64xf32, #tpu.memory_space<vmem>>, vector<1x16xf32>,
      %get3A_3287 = vector.shape_cast %get3A_3286 : vector<1x16xf32> to vector<16xf32>
      %add3A_3288 = arith.addf %add3A_3264, %get3A_3287 : vector<16xf32>
      %get3A_3289 = arith.constant 33 : i32
      %get3A_3290 = arith.index_cast %get3A_3289 : i32 to index
      %get3A_3291 = arith.constant 16 : index
      %get3A_3292 = tpu.vector_load %arg7[%get3A_3290, %get3A_3291] {strides = array<i32>} : memref<100x64xf32, #tpu.memory_space<vmem>>, vector<1x16xf32>,
      %get3A_3293 = vector.shape_cast %get3A_3292 : vector<1x16xf32> to vector<16xf32>
      %add3A_3294 = arith.addf %add3A_3270, %get3A_3293 : vector<16xf32>
      %get3A_3295 = arith.constant 33 : i32
      %get3A_3296 = arith.index_cast %get3A_3295 : i32 to index
      %get3A_3297 = arith.constant 32 : index
      %get3A_3298 = tpu.vector_load %arg7[%get3A_3296, %get3A_3297] {strides = array<i32>} : memref<100x64xf32, #tpu.memory_space<vmem>>, vector<1x16xf32>,
      %get3A_3299 = vector.shape_cast %get3A_3298 : vector<1x16xf32> to vector<16xf32>
      %add3A_3300 = arith.addf %add3A_3276, %get3A_3299 : vector<16xf32>
      %get3A_3301 = arith.constant 33 : i32
      %get3A_3302 = arith.index_cast %get3A_3301 : i32 to index
      %get3A_3303 = arith.constant 48 : index
      %get3A_3304 = tpu.vector_load %arg7[%get3A_3302, %get3A_3303] {strides = array<i32>} : memref<100x64xf32, #tpu.memory_space<vmem>>, vector<1x16xf32>,
      %get3A_3305 = vector.shape_cast %get3A_3304 : vector<1x16xf32> to vector<16xf32>
      %add3A_3306 = arith.addf %add3A_3282, %get3A_3305 : vector<16xf32>
      %get3A_3307 = arith.constant 34 : i32
      %get3A_3308 = arith.index_cast %get3A_3307 : i32 to index
      %get3A_3309 = arith.constant 0 : index
      %get3A_3310 = tpu.vector_load %arg7[%get3A_3308, %get3A_3309] {strides = array<i32>} : memref<100x64xf32, #tpu.memory_space<vmem>>, vector<1x16xf32>,
      %get3A_3311 = vector.shape_cast %get3A_3310 : vector<1x16xf32> to vector<16xf32>
      %add3A_3312 = arith.addf %add3A_3288, %get3A_3311 : vector<16xf32>
      %get3A_3313 = arith.constant 34 : i32
      %get3A_3314 = arith.index_cast %get3A_3313 : i32 to index
      %get3A_3315 = arith.constant 16 : index
      %get3A_3316 = tpu.vector_load %arg7[%get3A_3314, %get3A_3315] {strides = array<i32>} : memref<100x64xf32, #tpu.memory_space<vmem>>, vector<1x16xf32>,
      %get3A_3317 = vector.shape_cast %get3A_3316 : vector<1x16xf32> to vector<16xf32>
      %add3A_3318 = arith.addf %add3A_3294, %get3A_3317 : vector<16xf32>
      %get3A_3319 = arith.constant 34 : i32
      %get3A_3320 = arith.index_cast %get3A_3319 : i32 to index
      %get3A_3321 = arith.constant 32 : index
      %get3A_3322 = tpu.vector_load %arg7[%get3A_3320, %get3A_3321] {strides = array<i32>} : memref<100x64xf32, #tpu.memory_space<vmem>>, vector<1x16xf32>,
      %get3A_3323 = vector.shape_cast %get3A_3322 : vector<1x16xf32> to vector<16xf32>
      %add3A_3324 = arith.addf %add3A_3300, %get3A_3323 : vector<16xf32>
      %get3A_3325 = arith.constant 34 : i32
      %get3A_3326 = arith.index_cast %get3A_3325 : i32 to index
      %get3A_3327 = arith.constant 48 : index
      %get3A_3328 = tpu.vector_load %arg7[%get3A_3326, %get3A_3327] {strides = array<i32>} : memref<100x64xf32, #tpu.memory_space<vmem>>, vector<1x16xf32>,
      %get3A_3329 = vector.shape_cast %get3A_3328 : vector<1x16xf32> to vector<16xf32>
      %add3A_3330 = arith.addf %add3A_3306, %get3A_3329 : vector<16xf32>
      %get3A_3331 = arith.constant 35 : i32
      %get3A_3332 = arith.index_cast %get3A_3331 : i32 to index
      %get3A_3333 = arith.constant 0 : index
      %get3A_3334 = tpu.vector_load %arg7[%get3A_3332, %get3A_3333] {strides = array<i32>} : memref<100x64xf32, #tpu.memory_space<vmem>>, vector<1x16xf32>,
      %get3A_3335 = vector.shape_cast %get3A_3334 : vector<1x16xf32> to vector<16xf32>
      %add3A_3336 = arith.addf %add3A_3312, %get3A_3335 : vector<16xf32>
      %get3A_3337 = arith.constant 35 : i32
      %get3A_3338 = arith.index_cast %get3A_3337 : i32 to index
      %get3A_3339 = arith.constant 16 : index
      %get3A_3340 = tpu.vector_load %arg7[%get3A_3338, %get3A_3339] {strides = array<i32>} : memref<100x64xf32, #tpu.memory_space<vmem>>, vector<1x16xf32>,
      %get3A_3341 = vector.shape_cast %get3A_3340 : vector<1x16xf32> to vector<16xf32>
      %add3A_3342 = arith.addf %add3A_3318, %get3A_3341 : vector<16xf32>
      %get3A_3343 = arith.constant 35 : i32
      %get3A_3344 = arith.index_cast %get3A_3343 : i32 to index
      %get3A_3345 = arith.constant 32 : index
      %get3A_3346 = tpu.vector_load %arg7[%get3A_3344, %get3A_3345] {strides = array<i32>} : memref<100x64xf32, #tpu.memory_space<vmem>>, vector<1x16xf32>,
      %get3A_3347 = vector.shape_cast %get3A_3346 : vector<1x16xf32> to vector<16xf32>
      %add3A_3348 = arith.addf %add3A_3324, %get3A_3347 : vector<16xf32>
      %get3A_3349 = arith.constant 35 : i32
      %get3A_3350 = arith.index_cast %get3A_3349 : i32 to index
      %get3A_3351 = arith.constant 48 : index
      %get3A_3352 = tpu.vector_load %arg7[%get3A_3350, %get3A_3351] {strides = array<i32>} : memref<100x64xf32, #tpu.memory_space<vmem>>, vector<1x16xf32>,
      %get3A_3353 = vector.shape_cast %get3A_3352 : vector<1x16xf32> to vector<16xf32>
      %add3A_3354 = arith.addf %add3A_3330, %get3A_3353 : vector<16xf32>
      %get3A_3355 = arith.constant 36 : i32
      %get3A_3356 = arith.index_cast %get3A_3355 : i32 to index
      %get3A_3357 = arith.constant 0 : index
      %get3A_3358 = tpu.vector_load %arg7[%get3A_3356, %get3A_3357] {strides = array<i32>} : memref<100x64xf32, #tpu.memory_space<vmem>>, vector<1x16xf32>,
      %get3A_3359 = vector.shape_cast %get3A_3358 : vector<1x16xf32> to vector<16xf32>
      %add3A_3360 = arith.addf %add3A_3336, %get3A_3359 : vector<16xf32>
      %get3A_3361 = arith.constant 36 : i32
      %get3A_3362 = arith.index_cast %get3A_3361 : i32 to index
      %get3A_3363 = arith.constant 16 : index
      %get3A_3364 = tpu.vector_load %arg7[%get3A_3362, %get3A_3363] {strides = array<i32>} : memref<100x64xf32, #tpu.memory_space<vmem>>, vector<1x16xf32>,
      %get3A_3365 = vector.shape_cast %get3A_3364 : vector<1x16xf32> to vector<16xf32>
      %add3A_3366 = arith.addf %add3A_3342, %get3A_3365 : vector<16xf32>
      %get3A_3367 = arith.constant 36 : i32
      %get3A_3368 = arith.index_cast %get3A_3367 : i32 to index
      %get3A_3369 = arith.constant 32 : index
      %get3A_3370 = tpu.vector_load %arg7[%get3A_3368, %get3A_3369] {strides = array<i32>} : memref<100x64xf32, #tpu.memory_space<vmem>>, vector<1x16xf32>,
      %get3A_3371 = vector.shape_cast %get3A_3370 : vector<1x16xf32> to vector<16xf32>
      %add3A_3372 = arith.addf %add3A_3348, %get3A_3371 : vector<16xf32>
      %get3A_3373 = arith.constant 36 : i32
      %get3A_3374 = arith.index_cast %get3A_3373 : i32 to index
      %get3A_3375 = arith.constant 48 : index
      %get3A_3376 = tpu.vector_load %arg7[%get3A_3374, %get3A_3375] {strides = array<i32>} : memref<100x64xf32, #tpu.memory_space<vmem>>, vector<1x16xf32>,
      %get3A_3377 = vector.shape_cast %get3A_3376 : vector<1x16xf32> to vector<16xf32>
      %add3A_3378 = arith.addf %add3A_3354, %get3A_3377 : vector<16xf32>
      %get3A_3379 = arith.constant 37 : i32
      %get3A_3380 = arith.index_cast %get3A_3379 : i32 to index
      %get3A_3381 = arith.constant 0 : index
      %get3A_3382 = tpu.vector_load %arg7[%get3A_3380, %get3A_3381] {strides = array<i32>} : memref<100x64xf32, #tpu.memory_space<vmem>>, vector<1x16xf32>,
      %get3A_3383 = vector.shape_cast %get3A_3382 : vector<1x16xf32> to vector<16xf32>
      %add3A_3384 = arith.addf %add3A_3360, %get3A_3383 : vector<16xf32>
      %get3A_3385 = arith.constant 37 : i32
      %get3A_3386 = arith.index_cast %get3A_3385 : i32 to index
      %get3A_3387 = arith.constant 16 : index
      %get3A_3388 = tpu.vector_load %arg7[%get3A_3386, %get3A_3387] {strides = array<i32>} : memref<100x64xf32, #tpu.memory_space<vmem>>, vector<1x16xf32>,
      %get3A_3389 = vector.shape_cast %get3A_3388 : vector<1x16xf32> to vector<16xf32>
      %add3A_3390 = arith.addf %add3A_3366, %get3A_3389 : vector<16xf32>
      %get3A_3391 = arith.constant 37 : i32
      %get3A_3392 = arith.index_cast %get3A_3391 : i32 to index
      %get3A_3393 = arith.constant 32 : index
      %get3A_3394 = tpu.vector_load %arg7[%get3A_3392, %get3A_3393] {strides = array<i32>} : memref<100x64xf32, #tpu.memory_space<vmem>>, vector<1x16xf32>,
      %get3A_3395 = vector.shape_cast %get3A_3394 : vector<1x16xf32> to vector<16xf32>
      %add3A_3396 = arith.addf %add3A_3372, %get3A_3395 : vector<16xf32>
      %get3A_3397 = arith.constant 37 : i32
      %get3A_3398 = arith.index_cast %get3A_3397 : i32 to index
      %get3A_3399 = arith.constant 48 : index
      %get3A_3400 = tpu.vector_load %arg7[%get3A_3398, %get3A_3399] {strides = array<i32>} : memref<100x64xf32, #tpu.memory_space<vmem>>, vector<1x16xf32>,
      %get3A_3401 = vector.shape_cast %get3A_3400 : vector<1x16xf32> to vector<16xf32>
      %add3A_3402 = arith.addf %add3A_3378, %get3A_3401 : vector<16xf32>
      %get3A_3403 = arith.constant 38 : i32
      %get3A_3404 = arith.index_cast %get3A_3403 : i32 to index
      %get3A_3405 = arith.constant 0 : index
      %get3A_3406 = tpu.vector_load %arg7[%get3A_3404, %get3A_3405] {strides = array<i32>} : memref<100x64xf32, #tpu.memory_space<vmem>>, vector<1x16xf32>,
      %get3A_3407 = vector.shape_cast %get3A_3406 : vector<1x16xf32> to vector<16xf32>
      %add3A_3408 = arith.addf %add3A_3384, %get3A_3407 : vector<16xf32>
      %get3A_3409 = arith.constant 38 : i32
      %get3A_3410 = arith.index_cast %get3A_3409 : i32 to index
      %get3A_3411 = arith.constant 16 : index
      %get3A_3412 = tpu.vector_load %arg7[%get3A_3410, %get3A_3411] {strides = array<i32>} : memref<100x64xf32, #tpu.memory_space<vmem>>, vector<1x16xf32>,
      %get3A_3413 = vector.shape_cast %get3A_3412 : vector<1x16xf32> to vector<16xf32>
      %add3A_3414 = arith.addf %add3A_3390, %get3A_3413 : vector<16xf32>
      %get3A_3415 = arith.constant 38 : i32
      %get3A_3416 = arith.index_cast %get3A_3415 : i32 to index
      %get3A_3417 = arith.constant 32 : index
      %get3A_3418 = tpu.vector_load %arg7[%get3A_3416, %get3A_3417] {strides = array<i32>} : memref<100x64xf32, #tpu.memory_space<vmem>>, vector<1x16xf32>,
      %get3A_3419 = vector.shape_cast %get3A_3418 : vector<1x16xf32> to vector<16xf32>
      %add3A_3420 = arith.addf %add3A_3396, %get3A_3419 : vector<16xf32>
      %get3A_3421 = arith.constant 38 : i32
      %get3A_3422 = arith.index_cast %get3A_3421 : i32 to index
      %get3A_3423 = arith.constant 48 : index
      %get3A_3424 = tpu.vector_load %arg7[%get3A_3422, %get3A_3423] {strides = array<i32>} : memref<100x64xf32, #tpu.memory_space<vmem>>, vector<1x16xf32>,
      %get3A_3425 = vector.shape_cast %get3A_3424 : vector<1x16xf32> to vector<16xf32>
      %add3A_3426 = arith.addf %add3A_3402, %get3A_3425 : vector<16xf32>
      %get3A_3427 = arith.constant 39 : i32
      %get3A_3428 = arith.index_cast %get3A_3427 : i32 to index
      %get3A_3429 = arith.constant 0 : index
      %get3A_3430 = tpu.vector_load %arg7[%get3A_3428, %get3A_3429] {strides = array<i32>} : memref<100x64xf32, #tpu.memory_space<vmem>>, vector<1x16xf32>,
      %get3A_3431 = vector.shape_cast %get3A_3430 : vector<1x16xf32> to vector<16xf32>
      %add3A_3432 = arith.addf %add3A_3408, %get3A_3431 : vector<16xf32>
      %get3A_3433 = arith.constant 39 : i32
      %get3A_3434 = arith.index_cast %get3A_3433 : i32 to index
      %get3A_3435 = arith.constant 16 : index
      %get3A_3436 = tpu.vector_load %arg7[%get3A_3434, %get3A_3435] {strides = array<i32>} : memref<100x64xf32, #tpu.memory_space<vmem>>, vector<1x16xf32>,
      %get3A_3437 = vector.shape_cast %get3A_3436 : vector<1x16xf32> to vector<16xf32>
      %add3A_3438 = arith.addf %add3A_3414, %get3A_3437 : vector<16xf32>
      %get3A_3439 = arith.constant 39 : i32
      %get3A_3440 = arith.index_cast %get3A_3439 : i32 to index
      %get3A_3441 = arith.constant 32 : index
      %get3A_3442 = tpu.vector_load %arg7[%get3A_3440, %get3A_3441] {strides = array<i32>} : memref<100x64xf32, #tpu.memory_space<vmem>>, vector<1x16xf32>,
      %get3A_3443 = vector.shape_cast %get3A_3442 : vector<1x16xf32> to vector<16xf32>
      %add3A_3444 = arith.addf %add3A_3420, %get3A_3443 : vector<16xf32>
      %get3A_3445 = arith.constant 39 : i32
      %get3A_3446 = arith.index_cast %get3A_3445 : i32 to index
      %get3A_3447 = arith.constant 48 : index
      %get3A_3448 = tpu.vector_load %arg7[%get3A_3446, %get3A_3447] {strides = array<i32>} : memref<100x64xf32, #tpu.memory_space<vmem>>, vector<1x16xf32>,
      %get3A_3449 = vector.shape_cast %get3A_3448 : vector<1x16xf32> to vector<16xf32>
      %add3A_3450 = arith.addf %add3A_3426, %get3A_3449 : vector<16xf32>
      %get3A_3451 = arith.constant 40 : i32
      %get3A_3452 = arith.index_cast %get3A_3451 : i32 to index
      %get3A_3453 = arith.constant 0 : index
      %get3A_3454 = tpu.vector_load %arg7[%get3A_3452, %get3A_3453] {strides = array<i32>} : memref<100x64xf32, #tpu.memory_space<vmem>>, vector<1x16xf32>,
      %get3A_3455 = vector.shape_cast %get3A_3454 : vector<1x16xf32> to vector<16xf32>
      %add3A_3456 = arith.addf %add3A_3432, %get3A_3455 : vector<16xf32>
      %get3A_3457 = arith.constant 40 : i32
      %get3A_3458 = arith.index_cast %get3A_3457 : i32 to index
      %get3A_3459 = arith.constant 16 : index
      %get3A_3460 = tpu.vector_load %arg7[%get3A_3458, %get3A_3459] {strides = array<i32>} : memref<100x64xf32, #tpu.memory_space<vmem>>, vector<1x16xf32>,
      %get3A_3461 = vector.shape_cast %get3A_3460 : vector<1x16xf32> to vector<16xf32>
      %add3A_3462 = arith.addf %add3A_3438, %get3A_3461 : vector<16xf32>
      %get3A_3463 = arith.constant 40 : i32
      %get3A_3464 = arith.index_cast %get3A_3463 : i32 to index
      %get3A_3465 = arith.constant 32 : index
      %get3A_3466 = tpu.vector_load %arg7[%get3A_3464, %get3A_3465] {strides = array<i32>} : memref<100x64xf32, #tpu.memory_space<vmem>>, vector<1x16xf32>,
      %get3A_3467 = vector.shape_cast %get3A_3466 : vector<1x16xf32> to vector<16xf32>
      %add3A_3468 = arith.addf %add3A_3444, %get3A_3467 : vector<16xf32>
      %get3A_3469 = arith.constant 40 : i32
      %get3A_3470 = arith.index_cast %get3A_3469 : i32 to index
      %get3A_3471 = arith.constant 48 : index
      %get3A_3472 = tpu.vector_load %arg7[%get3A_3470, %get3A_3471] {strides = array<i32>} : memref<100x64xf32, #tpu.memory_space<vmem>>, vector<1x16xf32>,
      %get3A_3473 = vector.shape_cast %get3A_3472 : vector<1x16xf32> to vector<16xf32>
      %add3A_3474 = arith.addf %add3A_3450, %get3A_3473 : vector<16xf32>
      %get3A_3475 = arith.constant 41 : i32
      %get3A_3476 = arith.index_cast %get3A_3475 : i32 to index
      %get3A_3477 = arith.constant 0 : index
      %get3A_3478 = tpu.vector_load %arg7[%get3A_3476, %get3A_3477] {strides = array<i32>} : memref<100x64xf32, #tpu.memory_space<vmem>>, vector<1x16xf32>,
      %get3A_3479 = vector.shape_cast %get3A_3478 : vector<1x16xf32> to vector<16xf32>
      %add3A_3480 = arith.addf %add3A_3456, %get3A_3479 : vector<16xf32>
      %get3A_3481 = arith.constant 41 : i32
      %get3A_3482 = arith.index_cast %get3A_3481 : i32 to index
      %get3A_3483 = arith.constant 16 : index
      %get3A_3484 = tpu.vector_load %arg7[%get3A_3482, %get3A_3483] {strides = array<i32>} : memref<100x64xf32, #tpu.memory_space<vmem>>, vector<1x16xf32>,
      %get3A_3485 = vector.shape_cast %get3A_3484 : vector<1x16xf32> to vector<16xf32>
      %add3A_3486 = arith.addf %add3A_3462, %get3A_3485 : vector<16xf32>
      %get3A_3487 = arith.constant 41 : i32
      %get3A_3488 = arith.index_cast %get3A_3487 : i32 to index
      %get3A_3489 = arith.constant 32 : index
      %get3A_3490 = tpu.vector_load %arg7[%get3A_3488, %get3A_3489] {strides = array<i32>} : memref<100x64xf32, #tpu.memory_space<vmem>>, vector<1x16xf32>,
      %get3A_3491 = vector.shape_cast %get3A_3490 : vector<1x16xf32> to vector<16xf32>
      %add3A_3492 = arith.addf %add3A_3468, %get3A_3491 : vector<16xf32>
      %get3A_3493 = arith.constant 41 : i32
      %get3A_3494 = arith.index_cast %get3A_3493 : i32 to index
      %get3A_3495 = arith.constant 48 : index
      %get3A_3496 = tpu.vector_load %arg7[%get3A_3494, %get3A_3495] {strides = array<i32>} : memref<100x64xf32, #tpu.memory_space<vmem>>, vector<1x16xf32>,
      %get3A_3497 = vector.shape_cast %get3A_3496 : vector<1x16xf32> to vector<16xf32>
      %add3A_3498 = arith.addf %add3A_3474, %get3A_3497 : vector<16xf32>
      %get3A_3499 = arith.constant 42 : i32
      %get3A_3500 = arith.index_cast %get3A_3499 : i32 to index
      %get3A_3501 = arith.constant 0 : index
      %get3A_3502 = tpu.vector_load %arg7[%get3A_3500, %get3A_3501] {strides = array<i32>} : memref<100x64xf32, #tpu.memory_space<vmem>>, vector<1x16xf32>,
      %get3A_3503 = vector.shape_cast %get3A_3502 : vector<1x16xf32> to vector<16xf32>
      %add3A_3504 = arith.addf %add3A_3480, %get3A_3503 : vector<16xf32>
      %get3A_3505 = arith.constant 42 : i32
      %get3A_3506 = arith.index_cast %get3A_3505 : i32 to index
      %get3A_3507 = arith.constant 16 : index
      %get3A_3508 = tpu.vector_load %arg7[%get3A_3506, %get3A_3507] {strides = array<i32>} : memref<100x64xf32, #tpu.memory_space<vmem>>, vector<1x16xf32>,
      %get3A_3509 = vector.shape_cast %get3A_3508 : vector<1x16xf32> to vector<16xf32>
      %add3A_3510 = arith.addf %add3A_3486, %get3A_3509 : vector<16xf32>
      %get3A_3511 = arith.constant 42 : i32
      %get3A_3512 = arith.index_cast %get3A_3511 : i32 to index
      %get3A_3513 = arith.constant 32 : index
      %get3A_3514 = tpu.vector_load %arg7[%get3A_3512, %get3A_3513] {strides = array<i32>} : memref<100x64xf32, #tpu.memory_space<vmem>>, vector<1x16xf32>,
      %get3A_3515 = vector.shape_cast %get3A_3514 : vector<1x16xf32> to vector<16xf32>
      %add3A_3516 = arith.addf %add3A_3492, %get3A_3515 : vector<16xf32>
      %get3A_3517 = arith.constant 42 : i32
      %get3A_3518 = arith.index_cast %get3A_3517 : i32 to index
      %get3A_3519 = arith.constant 48 : index
      %get3A_3520 = tpu.vector_load %arg7[%get3A_3518, %get3A_3519] {strides = array<i32>} : memref<100x64xf32, #tpu.memory_space<vmem>>, vector<1x16xf32>,
      %get3A_3521 = vector.shape_cast %get3A_3520 : vector<1x16xf32> to vector<16xf32>
      %add3A_3522 = arith.addf %add3A_3498, %get3A_3521 : vector<16xf32>
      %get3A_3523 = arith.constant 43 : i32
      %get3A_3524 = arith.index_cast %get3A_3523 : i32 to index
      %get3A_3525 = arith.constant 0 : index
      %get3A_3526 = tpu.vector_load %arg7[%get3A_3524, %get3A_3525] {strides = array<i32>} : memref<100x64xf32, #tpu.memory_space<vmem>>, vector<1x16xf32>,
      %get3A_3527 = vector.shape_cast %get3A_3526 : vector<1x16xf32> to vector<16xf32>
      %add3A_3528 = arith.addf %add3A_3504, %get3A_3527 : vector<16xf32>
      %get3A_3529 = arith.constant 43 : i32
      %get3A_3530 = arith.index_cast %get3A_3529 : i32 to index
      %get3A_3531 = arith.constant 16 : index
      %get3A_3532 = tpu.vector_load %arg7[%get3A_3530, %get3A_3531] {strides = array<i32>} : memref<100x64xf32, #tpu.memory_space<vmem>>, vector<1x16xf32>,
      %get3A_3533 = vector.shape_cast %get3A_3532 : vector<1x16xf32> to vector<16xf32>
      %add3A_3534 = arith.addf %add3A_3510, %get3A_3533 : vector<16xf32>
      %get3A_3535 = arith.constant 43 : i32
      %get3A_3536 = arith.index_cast %get3A_3535 : i32 to index
      %get3A_3537 = arith.constant 32 : index
      %get3A_3538 = tpu.vector_load %arg7[%get3A_3536, %get3A_3537] {strides = array<i32>} : memref<100x64xf32, #tpu.memory_space<vmem>>, vector<1x16xf32>,
      %get3A_3539 = vector.shape_cast %get3A_3538 : vector<1x16xf32> to vector<16xf32>
      %add3A_3540 = arith.addf %add3A_3516, %get3A_3539 : vector<16xf32>
      %get3A_3541 = arith.constant 43 : i32
      %get3A_3542 = arith.index_cast %get3A_3541 : i32 to index
      %get3A_3543 = arith.constant 48 : index
      %get3A_3544 = tpu.vector_load %arg7[%get3A_3542, %get3A_3543] {strides = array<i32>} : memref<100x64xf32, #tpu.memory_space<vmem>>, vector<1x16xf32>,
      %get3A_3545 = vector.shape_cast %get3A_3544 : vector<1x16xf32> to vector<16xf32>
      %add3A_3546 = arith.addf %add3A_3522, %get3A_3545 : vector<16xf32>
      %get3A_3547 = arith.constant 44 : i32
      %get3A_3548 = arith.index_cast %get3A_3547 : i32 to index
      %get3A_3549 = arith.constant 0 : index
      %get3A_3550 = tpu.vector_load %arg7[%get3A_3548, %get3A_3549] {strides = array<i32>} : memref<100x64xf32, #tpu.memory_space<vmem>>, vector<1x16xf32>,
      %get3A_3551 = vector.shape_cast %get3A_3550 : vector<1x16xf32> to vector<16xf32>
      %add3A_3552 = arith.addf %add3A_3528, %get3A_3551 : vector<16xf32>
      %get3A_3553 = arith.constant 44 : i32
      %get3A_3554 = arith.index_cast %get3A_3553 : i32 to index
      %get3A_3555 = arith.constant 16 : index
      %get3A_3556 = tpu.vector_load %arg7[%get3A_3554, %get3A_3555] {strides = array<i32>} : memref<100x64xf32, #tpu.memory_space<vmem>>, vector<1x16xf32>,
      %get3A_3557 = vector.shape_cast %get3A_3556 : vector<1x16xf32> to vector<16xf32>
      %add3A_3558 = arith.addf %add3A_3534, %get3A_3557 : vector<16xf32>
      %get3A_3559 = arith.constant 44 : i32
      %get3A_3560 = arith.index_cast %get3A_3559 : i32 to index
      %get3A_3561 = arith.constant 32 : index
      %get3A_3562 = tpu.vector_load %arg7[%get3A_3560, %get3A_3561] {strides = array<i32>} : memref<100x64xf32, #tpu.memory_space<vmem>>, vector<1x16xf32>,
      %get3A_3563 = vector.shape_cast %get3A_3562 : vector<1x16xf32> to vector<16xf32>
      %add3A_3564 = arith.addf %add3A_3540, %get3A_3563 : vector<16xf32>
      %get3A_3565 = arith.constant 44 : i32
      %get3A_3566 = arith.index_cast %get3A_3565 : i32 to index
      %get3A_3567 = arith.constant 48 : index
      %get3A_3568 = tpu.vector_load %arg7[%get3A_3566, %get3A_3567] {strides = array<i32>} : memref<100x64xf32, #tpu.memory_space<vmem>>, vector<1x16xf32>,
      %get3A_3569 = vector.shape_cast %get3A_3568 : vector<1x16xf32> to vector<16xf32>
      %add3A_3570 = arith.addf %add3A_3546, %get3A_3569 : vector<16xf32>
      %get3A_3571 = arith.constant 45 : i32
      %get3A_3572 = arith.index_cast %get3A_3571 : i32 to index
      %get3A_3573 = arith.constant 0 : index
      %get3A_3574 = tpu.vector_load %arg7[%get3A_3572, %get3A_3573] {strides = array<i32>} : memref<100x64xf32, #tpu.memory_space<vmem>>, vector<1x16xf32>,
      %get3A_3575 = vector.shape_cast %get3A_3574 : vector<1x16xf32> to vector<16xf32>
      %add3A_3576 = arith.addf %add3A_3552, %get3A_3575 : vector<16xf32>
      %get3A_3577 = arith.constant 45 : i32
      %get3A_3578 = arith.index_cast %get3A_3577 : i32 to index
      %get3A_3579 = arith.constant 16 : index
      %get3A_3580 = tpu.vector_load %arg7[%get3A_3578, %get3A_3579] {strides = array<i32>} : memref<100x64xf32, #tpu.memory_space<vmem>>, vector<1x16xf32>,
      %get3A_3581 = vector.shape_cast %get3A_3580 : vector<1x16xf32> to vector<16xf32>
      %add3A_3582 = arith.addf %add3A_3558, %get3A_3581 : vector<16xf32>
      %get3A_3583 = arith.constant 45 : i32
      %get3A_3584 = arith.index_cast %get3A_3583 : i32 to index
      %get3A_3585 = arith.constant 32 : index
      %get3A_3586 = tpu.vector_load %arg7[%get3A_3584, %get3A_3585] {strides = array<i32>} : memref<100x64xf32, #tpu.memory_space<vmem>>, vector<1x16xf32>,
      %get3A_3587 = vector.shape_cast %get3A_3586 : vector<1x16xf32> to vector<16xf32>
      %add3A_3588 = arith.addf %add3A_3564, %get3A_3587 : vector<16xf32>
      %get3A_3589 = arith.constant 45 : i32
      %get3A_3590 = arith.index_cast %get3A_3589 : i32 to index
      %get3A_3591 = arith.constant 48 : index
      %get3A_3592 = tpu.vector_load %arg7[%get3A_3590, %get3A_3591] {strides = array<i32>} : memref<100x64xf32, #tpu.memory_space<vmem>>, vector<1x16xf32>,
      %get3A_3593 = vector.shape_cast %get3A_3592 : vector<1x16xf32> to vector<16xf32>
      %add3A_3594 = arith.addf %add3A_3570, %get3A_3593 : vector<16xf32>
      %get3A_3595 = arith.constant 46 : i32
      %get3A_3596 = arith.index_cast %get3A_3595 : i32 to index
      %get3A_3597 = arith.constant 0 : index
      %get3A_3598 = tpu.vector_load %arg7[%get3A_3596, %get3A_3597] {strides = array<i32>} : memref<100x64xf32, #tpu.memory_space<vmem>>, vector<1x16xf32>,
      %get3A_3599 = vector.shape_cast %get3A_3598 : vector<1x16xf32> to vector<16xf32>
      %add3A_3600 = arith.addf %add3A_3576, %get3A_3599 : vector<16xf32>
      %get3A_3601 = arith.constant 46 : i32
      %get3A_3602 = arith.index_cast %get3A_3601 : i32 to index
      %get3A_3603 = arith.constant 16 : index
      %get3A_3604 = tpu.vector_load %arg7[%get3A_3602, %get3A_3603] {strides = array<i32>} : memref<100x64xf32, #tpu.memory_space<vmem>>, vector<1x16xf32>,
      %get3A_3605 = vector.shape_cast %get3A_3604 : vector<1x16xf32> to vector<16xf32>
      %add3A_3606 = arith.addf %add3A_3582, %get3A_3605 : vector<16xf32>
      %get3A_3607 = arith.constant 46 : i32
      %get3A_3608 = arith.index_cast %get3A_3607 : i32 to index
      %get3A_3609 = arith.constant 32 : index
      %get3A_3610 = tpu.vector_load %arg7[%get3A_3608, %get3A_3609] {strides = array<i32>} : memref<100x64xf32, #tpu.memory_space<vmem>>, vector<1x16xf32>,
      %get3A_3611 = vector.shape_cast %get3A_3610 : vector<1x16xf32> to vector<16xf32>
      %add3A_3612 = arith.addf %add3A_3588, %get3A_3611 : vector<16xf32>
      %get3A_3613 = arith.constant 46 : i32
      %get3A_3614 = arith.index_cast %get3A_3613 : i32 to index
      %get3A_3615 = arith.constant 48 : index
      %get3A_3616 = tpu.vector_load %arg7[%get3A_3614, %get3A_3615] {strides = array<i32>} : memref<100x64xf32, #tpu.memory_space<vmem>>, vector<1x16xf32>,
      %get3A_3617 = vector.shape_cast %get3A_3616 : vector<1x16xf32> to vector<16xf32>
      %add3A_3618 = arith.addf %add3A_3594, %get3A_3617 : vector<16xf32>
      %get3A_3619 = arith.constant 47 : i32
      %get3A_3620 = arith.index_cast %get3A_3619 : i32 to index
      %get3A_3621 = arith.constant 0 : index
      %get3A_3622 = tpu.vector_load %arg7[%get3A_3620, %get3A_3621] {strides = array<i32>} : memref<100x64xf32, #tpu.memory_space<vmem>>, vector<1x16xf32>,
      %get3A_3623 = vector.shape_cast %get3A_3622 : vector<1x16xf32> to vector<16xf32>
      %add3A_3624 = arith.addf %add3A_3600, %get3A_3623 : vector<16xf32>
      %get3A_3625 = arith.constant 47 : i32
      %get3A_3626 = arith.index_cast %get3A_3625 : i32 to index
      %get3A_3627 = arith.constant 16 : index
      %get3A_3628 = tpu.vector_load %arg7[%get3A_3626, %get3A_3627] {strides = array<i32>} : memref<100x64xf32, #tpu.memory_space<vmem>>, vector<1x16xf32>,
      %get3A_3629 = vector.shape_cast %get3A_3628 : vector<1x16xf32> to vector<16xf32>
      %add3A_3630 = arith.addf %add3A_3606, %get3A_3629 : vector<16xf32>
      %get3A_3631 = arith.constant 47 : i32
      %get3A_3632 = arith.index_cast %get3A_3631 : i32 to index
      %get3A_3633 = arith.constant 32 : index
      %get3A_3634 = tpu.vector_load %arg7[%get3A_3632, %get3A_3633] {strides = array<i32>} : memref<100x64xf32, #tpu.memory_space<vmem>>, vector<1x16xf32>,
      %get3A_3635 = vector.shape_cast %get3A_3634 : vector<1x16xf32> to vector<16xf32>
      %add3A_3636 = arith.addf %add3A_3612, %get3A_3635 : vector<16xf32>
      %get3A_3637 = arith.constant 47 : i32
      %get3A_3638 = arith.index_cast %get3A_3637 : i32 to index
      %get3A_3639 = arith.constant 48 : index
      %get3A_3640 = tpu.vector_load %arg7[%get3A_3638, %get3A_3639] {strides = array<i32>} : memref<100x64xf32, #tpu.memory_space<vmem>>, vector<1x16xf32>,
      %get3A_3641 = vector.shape_cast %get3A_3640 : vector<1x16xf32> to vector<16xf32>
      %add3A_3642 = arith.addf %add3A_3618, %get3A_3641 : vector<16xf32>
      %get3A_3643 = arith.constant 48 : i32
      %get3A_3644 = arith.index_cast %get3A_3643 : i32 to index
      %get3A_3645 = arith.constant 0 : index
      %get3A_3646 = tpu.vector_load %arg7[%get3A_3644, %get3A_3645] {strides = array<i32>} : memref<100x64xf32, #tpu.memory_space<vmem>>, vector<1x16xf32>,
      %get3A_3647 = vector.shape_cast %get3A_3646 : vector<1x16xf32> to vector<16xf32>
      %add3A_3648 = arith.addf %add3A_3624, %get3A_3647 : vector<16xf32>
      %get3A_3649 = arith.constant 48 : i32
      %get3A_3650 = arith.index_cast %get3A_3649 : i32 to index
      %get3A_3651 = arith.constant 16 : index
      %get3A_3652 = tpu.vector_load %arg7[%get3A_3650, %get3A_3651] {strides = array<i32>} : memref<100x64xf32, #tpu.memory_space<vmem>>, vector<1x16xf32>,
      %get3A_3653 = vector.shape_cast %get3A_3652 : vector<1x16xf32> to vector<16xf32>
      %add3A_3654 = arith.addf %add3A_3630, %get3A_3653 : vector<16xf32>
      %get3A_3655 = arith.constant 48 : i32
      %get3A_3656 = arith.index_cast %get3A_3655 : i32 to index
      %get3A_3657 = arith.constant 32 : index
      %get3A_3658 = tpu.vector_load %arg7[%get3A_3656, %get3A_3657] {strides = array<i32>} : memref<100x64xf32, #tpu.memory_space<vmem>>, vector<1x16xf32>,
      %get3A_3659 = vector.shape_cast %get3A_3658 : vector<1x16xf32> to vector<16xf32>
      %add3A_3660 = arith.addf %add3A_3636, %get3A_3659 : vector<16xf32>
      %get3A_3661 = arith.constant 48 : i32
      %get3A_3662 = arith.index_cast %get3A_3661 : i32 to index
      %get3A_3663 = arith.constant 48 : index
      %get3A_3664 = tpu.vector_load %arg7[%get3A_3662, %get3A_3663] {strides = array<i32>} : memref<100x64xf32, #tpu.memory_space<vmem>>, vector<1x16xf32>,
      %get3A_3665 = vector.shape_cast %get3A_3664 : vector<1x16xf32> to vector<16xf32>
      %add3A_3666 = arith.addf %add3A_3642, %get3A_3665 : vector<16xf32>
      %get3A_3667 = arith.constant 49 : i32
      %get3A_3668 = arith.index_cast %get3A_3667 : i32 to index
      %get3A_3669 = arith.constant 0 : index
      %get3A_3670 = tpu.vector_load %arg7[%get3A_3668, %get3A_3669] {strides = array<i32>} : memref<100x64xf32, #tpu.memory_space<vmem>>, vector<1x16xf32>,
      %get3A_3671 = vector.shape_cast %get3A_3670 : vector<1x16xf32> to vector<16xf32>
      %add3A_3672 = arith.addf %add3A_3648, %get3A_3671 : vector<16xf32>
      %get3A_3673 = arith.constant 49 : i32
      %get3A_3674 = arith.index_cast %get3A_3673 : i32 to index
      %get3A_3675 = arith.constant 16 : index
      %get3A_3676 = tpu.vector_load %arg7[%get3A_3674, %get3A_3675] {strides = array<i32>} : memref<100x64xf32, #tpu.memory_space<vmem>>, vector<1x16xf32>,
      %get3A_3677 = vector.shape_cast %get3A_3676 : vector<1x16xf32> to vector<16xf32>
      %add3A_3678 = arith.addf %add3A_3654, %get3A_3677 : vector<16xf32>
      %get3A_3679 = arith.constant 49 : i32
      %get3A_3680 = arith.index_cast %get3A_3679 : i32 to index
      %get3A_3681 = arith.constant 32 : index
      %get3A_3682 = tpu.vector_load %arg7[%get3A_3680, %get3A_3681] {strides = array<i32>} : memref<100x64xf32, #tpu.memory_space<vmem>>, vector<1x16xf32>,
      %get3A_3683 = vector.shape_cast %get3A_3682 : vector<1x16xf32> to vector<16xf32>
      %add3A_3684 = arith.addf %add3A_3660, %get3A_3683 : vector<16xf32>
      %get3A_3685 = arith.constant 49 : i32
      %get3A_3686 = arith.index_cast %get3A_3685 : i32 to index
      %get3A_3687 = arith.constant 48 : index
      %get3A_3688 = tpu.vector_load %arg7[%get3A_3686, %get3A_3687] {strides = array<i32>} : memref<100x64xf32, #tpu.memory_space<vmem>>, vector<1x16xf32>,
      %get3A_3689 = vector.shape_cast %get3A_3688 : vector<1x16xf32> to vector<16xf32>
      %add3A_3690 = arith.addf %add3A_3666, %get3A_3689 : vector<16xf32>
      %add3A_3691 = arith.constant 0 : i32
      %add3A_3692 = arith.addi %add3A_2494, %add3A_3691 : i32
      %swap3A_3693 = arith.index_cast %add3A_3692 : i32 to index
      %swap3A_3694 = arith.constant 0 : index
      %swap3A_3695 = tpu.vector_load %arg8[%swap3A_3693, %swap3A_3694] {strides = array<i32>} : memref<128x64xf32, #tpu.memory_space<vmem>>, vector<1x16xf32>,
      %swap3A_3696 = vector.shape_cast %swap3A_3695 : vector<1x16xf32> to vector<16xf32>
      %swap3A_3697 = vector.shape_cast %add3A_3672 : vector<16xf32> to vector<1x16xf32>
      tpu.vector_store %arg8[%swap3A_3693, %swap3A_3694], %swap3A_3697 {strides = array<i32>} : memref<128x64xf32, #tpu.memory_space<vmem>>, vector<1x16xf32>,
      %add3A_3698 = arith.constant 0 : i32
      %add3A_3699 = arith.addi %add3A_2494, %add3A_3698 : i32
      %swap3A_3700 = arith.index_cast %add3A_3699 : i32 to index
      %swap3A_3701 = arith.constant 16 : index
      %swap3A_3702 = tpu.vector_load %arg8[%swap3A_3700, %swap3A_3701] {strides = array<i32>} : memref<128x64xf32, #tpu.memory_space<vmem>>, vector<1x16xf32>,
      %swap3A_3703 = vector.shape_cast %swap3A_3702 : vector<1x16xf32> to vector<16xf32>
      %swap3A_3704 = vector.shape_cast %add3A_3678 : vector<16xf32> to vector<1x16xf32>
      tpu.vector_store %arg8[%swap3A_3700, %swap3A_3701], %swap3A_3704 {strides = array<i32>} : memref<128x64xf32, #tpu.memory_space<vmem>>, vector<1x16xf32>,
      %add3A_3705 = arith.constant 0 : i32
      %add3A_3706 = arith.addi %add3A_2494, %add3A_3705 : i32
      %swap3A_3707 = arith.index_cast %add3A_3706 : i32 to index
      %swap3A_3708 = arith.constant 32 : index
      %swap3A_3709 = tpu.vector_load %arg8[%swap3A_3707, %swap3A_3708] {strides = array<i32>} : memref<128x64xf32, #tpu.memory_space<vmem>>, vector<1x16xf32>,
      %swap3A_3710 = vector.shape_cast %swap3A_3709 : vector<1x16xf32> to vector<16xf32>
      %swap3A_3711 = vector.shape_cast %add3A_3684 : vector<16xf32> to vector<1x16xf32>
      tpu.vector_store %arg8[%swap3A_3707, %swap3A_3708], %swap3A_3711 {strides = array<i32>} : memref<128x64xf32, #tpu.memory_space<vmem>>, vector<1x16xf32>,
      %add3A_3712 = arith.constant 0 : i32
      %add3A_3713 = arith.addi %add3A_2494, %add3A_3712 : i32
      %swap3A_3714 = arith.index_cast %add3A_3713 : i32 to index
      %swap3A_3715 = arith.constant 48 : index
      %swap3A_3716 = tpu.vector_load %arg8[%swap3A_3714, %swap3A_3715] {strides = array<i32>} : memref<128x64xf32, #tpu.memory_space<vmem>>, vector<1x16xf32>,
      %swap3A_3717 = vector.shape_cast %swap3A_3716 : vector<1x16xf32> to vector<16xf32>
      %swap3A_3718 = vector.shape_cast %add3A_3690 : vector<16xf32> to vector<1x16xf32>
      tpu.vector_store %arg8[%swap3A_3714, %swap3A_3715], %swap3A_3718 {strides = array<i32>} : memref<128x64xf32, #tpu.memory_space<vmem>>, vector<1x16xf32>,
      %get3A_3719 = arith.constant 50 : i32
      %get3A_3720 = arith.index_cast %get3A_3719 : i32 to index
      %get3A_3721 = arith.constant 0 : index
      %get3A_3722 = tpu.vector_load %arg7[%get3A_3720, %get3A_3721] {strides = array<i32>} : memref<100x64xf32, #tpu.memory_space<vmem>>, vector<1x16xf32>,
      %get3A_3723 = vector.shape_cast %get3A_3722 : vector<1x16xf32> to vector<16xf32>
      %get3A_3724 = arith.constant 50 : i32
      %get3A_3725 = arith.index_cast %get3A_3724 : i32 to index
      %get3A_3726 = arith.constant 16 : index
      %get3A_3727 = tpu.vector_load %arg7[%get3A_3725, %get3A_3726] {strides = array<i32>} : memref<100x64xf32, #tpu.memory_space<vmem>>, vector<1x16xf32>,
      %get3A_3728 = vector.shape_cast %get3A_3727 : vector<1x16xf32> to vector<16xf32>
      %get3A_3729 = arith.constant 50 : i32
      %get3A_3730 = arith.index_cast %get3A_3729 : i32 to index
      %get3A_3731 = arith.constant 32 : index
      %get3A_3732 = tpu.vector_load %arg7[%get3A_3730, %get3A_3731] {strides = array<i32>} : memref<100x64xf32, #tpu.memory_space<vmem>>, vector<1x16xf32>,
      %get3A_3733 = vector.shape_cast %get3A_3732 : vector<1x16xf32> to vector<16xf32>
      %get3A_3734 = arith.constant 50 : i32
      %get3A_3735 = arith.index_cast %get3A_3734 : i32 to index
      %get3A_3736 = arith.constant 48 : index
      %get3A_3737 = tpu.vector_load %arg7[%get3A_3735, %get3A_3736] {strides = array<i32>} : memref<100x64xf32, #tpu.memory_space<vmem>>, vector<1x16xf32>,
      %get3A_3738 = vector.shape_cast %get3A_3737 : vector<1x16xf32> to vector<16xf32>
      %get3A_3739 = arith.constant 51 : i32
      %get3A_3740 = arith.index_cast %get3A_3739 : i32 to index
      %get3A_3741 = arith.constant 0 : index
      %get3A_3742 = tpu.vector_load %arg7[%get3A_3740, %get3A_3741] {strides = array<i32>} : memref<100x64xf32, #tpu.memory_space<vmem>>, vector<1x16xf32>,
      %get3A_3743 = vector.shape_cast %get3A_3742 : vector<1x16xf32> to vector<16xf32>
      %add3A_3744 = arith.addf %get3A_3723, %get3A_3743 : vector<16xf32>
      %get3A_3745 = arith.constant 51 : i32
      %get3A_3746 = arith.index_cast %get3A_3745 : i32 to index
      %get3A_3747 = arith.constant 16 : index
      %get3A_3748 = tpu.vector_load %arg7[%get3A_3746, %get3A_3747] {strides = array<i32>} : memref<100x64xf32, #tpu.memory_space<vmem>>, vector<1x16xf32>,
      %get3A_3749 = vector.shape_cast %get3A_3748 : vector<1x16xf32> to vector<16xf32>
      %add3A_3750 = arith.addf %get3A_3728, %get3A_3749 : vector<16xf32>
      %get3A_3751 = arith.constant 51 : i32
      %get3A_3752 = arith.index_cast %get3A_3751 : i32 to index
      %get3A_3753 = arith.constant 32 : index
      %get3A_3754 = tpu.vector_load %arg7[%get3A_3752, %get3A_3753] {strides = array<i32>} : memref<100x64xf32, #tpu.memory_space<vmem>>, vector<1x16xf32>,
      %get3A_3755 = vector.shape_cast %get3A_3754 : vector<1x16xf32> to vector<16xf32>
      %add3A_3756 = arith.addf %get3A_3733, %get3A_3755 : vector<16xf32>
      %get3A_3757 = arith.constant 51 : i32
      %get3A_3758 = arith.index_cast %get3A_3757 : i32 to index
      %get3A_3759 = arith.constant 48 : index
      %get3A_3760 = tpu.vector_load %arg7[%get3A_3758, %get3A_3759] {strides = array<i32>} : memref<100x64xf32, #tpu.memory_space<vmem>>, vector<1x16xf32>,
      %get3A_3761 = vector.shape_cast %get3A_3760 : vector<1x16xf32> to vector<16xf32>
      %add3A_3762 = arith.addf %get3A_3738, %get3A_3761 : vector<16xf32>
      %get3A_3763 = arith.constant 52 : i32
      %get3A_3764 = arith.index_cast %get3A_3763 : i32 to index
      %get3A_3765 = arith.constant 0 : index
      %get3A_3766 = tpu.vector_load %arg7[%get3A_3764, %get3A_3765] {strides = array<i32>} : memref<100x64xf32, #tpu.memory_space<vmem>>, vector<1x16xf32>,
      %get3A_3767 = vector.shape_cast %get3A_3766 : vector<1x16xf32> to vector<16xf32>
      %add3A_3768 = arith.addf %add3A_3744, %get3A_3767 : vector<16xf32>
      %get3A_3769 = arith.constant 52 : i32
      %get3A_3770 = arith.index_cast %get3A_3769 : i32 to index
      %get3A_3771 = arith.constant 16 : index
      %get3A_3772 = tpu.vector_load %arg7[%get3A_3770, %get3A_3771] {strides = array<i32>} : memref<100x64xf32, #tpu.memory_space<vmem>>, vector<1x16xf32>,
      %get3A_3773 = vector.shape_cast %get3A_3772 : vector<1x16xf32> to vector<16xf32>
      %add3A_3774 = arith.addf %add3A_3750, %get3A_3773 : vector<16xf32>
      %get3A_3775 = arith.constant 52 : i32
      %get3A_3776 = arith.index_cast %get3A_3775 : i32 to index
      %get3A_3777 = arith.constant 32 : index
      %get3A_3778 = tpu.vector_load %arg7[%get3A_3776, %get3A_3777] {strides = array<i32>} : memref<100x64xf32, #tpu.memory_space<vmem>>, vector<1x16xf32>,
      %get3A_3779 = vector.shape_cast %get3A_3778 : vector<1x16xf32> to vector<16xf32>
      %add3A_3780 = arith.addf %add3A_3756, %get3A_3779 : vector<16xf32>
      %get3A_3781 = arith.constant 52 : i32
      %get3A_3782 = arith.index_cast %get3A_3781 : i32 to index
      %get3A_3783 = arith.constant 48 : index
      %get3A_3784 = tpu.vector_load %arg7[%get3A_3782, %get3A_3783] {strides = array<i32>} : memref<100x64xf32, #tpu.memory_space<vmem>>, vector<1x16xf32>,
      %get3A_3785 = vector.shape_cast %get3A_3784 : vector<1x16xf32> to vector<16xf32>
      %add3A_3786 = arith.addf %add3A_3762, %get3A_3785 : vector<16xf32>
      %get3A_3787 = arith.constant 53 : i32
      %get3A_3788 = arith.index_cast %get3A_3787 : i32 to index
      %get3A_3789 = arith.constant 0 : index
      %get3A_3790 = tpu.vector_load %arg7[%get3A_3788, %get3A_3789] {strides = array<i32>} : memref<100x64xf32, #tpu.memory_space<vmem>>, vector<1x16xf32>,
      %get3A_3791 = vector.shape_cast %get3A_3790 : vector<1x16xf32> to vector<16xf32>
      %add3A_3792 = arith.addf %add3A_3768, %get3A_3791 : vector<16xf32>
      %get3A_3793 = arith.constant 53 : i32
      %get3A_3794 = arith.index_cast %get3A_3793 : i32 to index
      %get3A_3795 = arith.constant 16 : index
      %get3A_3796 = tpu.vector_load %arg7[%get3A_3794, %get3A_3795] {strides = array<i32>} : memref<100x64xf32, #tpu.memory_space<vmem>>, vector<1x16xf32>,
      %get3A_3797 = vector.shape_cast %get3A_3796 : vector<1x16xf32> to vector<16xf32>
      %add3A_3798 = arith.addf %add3A_3774, %get3A_3797 : vector<16xf32>
      %get3A_3799 = arith.constant 53 : i32
      %get3A_3800 = arith.index_cast %get3A_3799 : i32 to index
      %get3A_3801 = arith.constant 32 : index
      %get3A_3802 = tpu.vector_load %arg7[%get3A_3800, %get3A_3801] {strides = array<i32>} : memref<100x64xf32, #tpu.memory_space<vmem>>, vector<1x16xf32>,
      %get3A_3803 = vector.shape_cast %get3A_3802 : vector<1x16xf32> to vector<16xf32>
      %add3A_3804 = arith.addf %add3A_3780, %get3A_3803 : vector<16xf32>
      %get3A_3805 = arith.constant 53 : i32
      %get3A_3806 = arith.index_cast %get3A_3805 : i32 to index
      %get3A_3807 = arith.constant 48 : index
      %get3A_3808 = tpu.vector_load %arg7[%get3A_3806, %get3A_3807] {strides = array<i32>} : memref<100x64xf32, #tpu.memory_space<vmem>>, vector<1x16xf32>,
      %get3A_3809 = vector.shape_cast %get3A_3808 : vector<1x16xf32> to vector<16xf32>
      %add3A_3810 = arith.addf %add3A_3786, %get3A_3809 : vector<16xf32>
      %get3A_3811 = arith.constant 54 : i32
      %get3A_3812 = arith.index_cast %get3A_3811 : i32 to index
      %get3A_3813 = arith.constant 0 : index
      %get3A_3814 = tpu.vector_load %arg7[%get3A_3812, %get3A_3813] {strides = array<i32>} : memref<100x64xf32, #tpu.memory_space<vmem>>, vector<1x16xf32>,
      %get3A_3815 = vector.shape_cast %get3A_3814 : vector<1x16xf32> to vector<16xf32>
      %add3A_3816 = arith.addf %add3A_3792, %get3A_3815 : vector<16xf32>
      %get3A_3817 = arith.constant 54 : i32
      %get3A_3818 = arith.index_cast %get3A_3817 : i32 to index
      %get3A_3819 = arith.constant 16 : index
      %get3A_3820 = tpu.vector_load %arg7[%get3A_3818, %get3A_3819] {strides = array<i32>} : memref<100x64xf32, #tpu.memory_space<vmem>>, vector<1x16xf32>,
      %get3A_3821 = vector.shape_cast %get3A_3820 : vector<1x16xf32> to vector<16xf32>
      %add3A_3822 = arith.addf %add3A_3798, %get3A_3821 : vector<16xf32>
      %get3A_3823 = arith.constant 54 : i32
      %get3A_3824 = arith.index_cast %get3A_3823 : i32 to index
      %get3A_3825 = arith.constant 32 : index
      %get3A_3826 = tpu.vector_load %arg7[%get3A_3824, %get3A_3825] {strides = array<i32>} : memref<100x64xf32, #tpu.memory_space<vmem>>, vector<1x16xf32>,
      %get3A_3827 = vector.shape_cast %get3A_3826 : vector<1x16xf32> to vector<16xf32>
      %add3A_3828 = arith.addf %add3A_3804, %get3A_3827 : vector<16xf32>
      %get3A_3829 = arith.constant 54 : i32
      %get3A_3830 = arith.index_cast %get3A_3829 : i32 to index
      %get3A_3831 = arith.constant 48 : index
      %get3A_3832 = tpu.vector_load %arg7[%get3A_3830, %get3A_3831] {strides = array<i32>} : memref<100x64xf32, #tpu.memory_space<vmem>>, vector<1x16xf32>,
      %get3A_3833 = vector.shape_cast %get3A_3832 : vector<1x16xf32> to vector<16xf32>
      %add3A_3834 = arith.addf %add3A_3810, %get3A_3833 : vector<16xf32>
      %get3A_3835 = arith.constant 55 : i32
      %get3A_3836 = arith.index_cast %get3A_3835 : i32 to index
      %get3A_3837 = arith.constant 0 : index
      %get3A_3838 = tpu.vector_load %arg7[%get3A_3836, %get3A_3837] {strides = array<i32>} : memref<100x64xf32, #tpu.memory_space<vmem>>, vector<1x16xf32>,
      %get3A_3839 = vector.shape_cast %get3A_3838 : vector<1x16xf32> to vector<16xf32>
      %add3A_3840 = arith.addf %add3A_3816, %get3A_3839 : vector<16xf32>
      %get3A_3841 = arith.constant 55 : i32
      %get3A_3842 = arith.index_cast %get3A_3841 : i32 to index
      %get3A_3843 = arith.constant 16 : index
      %get3A_3844 = tpu.vector_load %arg7[%get3A_3842, %get3A_3843] {strides = array<i32>} : memref<100x64xf32, #tpu.memory_space<vmem>>, vector<1x16xf32>,
      %get3A_3845 = vector.shape_cast %get3A_3844 : vector<1x16xf32> to vector<16xf32>
      %add3A_3846 = arith.addf %add3A_3822, %get3A_3845 : vector<16xf32>
      %get3A_3847 = arith.constant 55 : i32
      %get3A_3848 = arith.index_cast %get3A_3847 : i32 to index
      %get3A_3849 = arith.constant 32 : index
      %get3A_3850 = tpu.vector_load %arg7[%get3A_3848, %get3A_3849] {strides = array<i32>} : memref<100x64xf32, #tpu.memory_space<vmem>>, vector<1x16xf32>,
      %get3A_3851 = vector.shape_cast %get3A_3850 : vector<1x16xf32> to vector<16xf32>
      %add3A_3852 = arith.addf %add3A_3828, %get3A_3851 : vector<16xf32>
      %get3A_3853 = arith.constant 55 : i32
      %get3A_3854 = arith.index_cast %get3A_3853 : i32 to index
      %get3A_3855 = arith.constant 48 : index
      %get3A_3856 = tpu.vector_load %arg7[%get3A_3854, %get3A_3855] {strides = array<i32>} : memref<100x64xf32, #tpu.memory_space<vmem>>, vector<1x16xf32>,
      %get3A_3857 = vector.shape_cast %get3A_3856 : vector<1x16xf32> to vector<16xf32>
      %add3A_3858 = arith.addf %add3A_3834, %get3A_3857 : vector<16xf32>
      %get3A_3859 = arith.constant 56 : i32
      %get3A_3860 = arith.index_cast %get3A_3859 : i32 to index
      %get3A_3861 = arith.constant 0 : index
      %get3A_3862 = tpu.vector_load %arg7[%get3A_3860, %get3A_3861] {strides = array<i32>} : memref<100x64xf32, #tpu.memory_space<vmem>>, vector<1x16xf32>,
      %get3A_3863 = vector.shape_cast %get3A_3862 : vector<1x16xf32> to vector<16xf32>
      %add3A_3864 = arith.addf %add3A_3840, %get3A_3863 : vector<16xf32>
      %get3A_3865 = arith.constant 56 : i32
      %get3A_3866 = arith.index_cast %get3A_3865 : i32 to index
      %get3A_3867 = arith.constant 16 : index
      %get3A_3868 = tpu.vector_load %arg7[%get3A_3866, %get3A_3867] {strides = array<i32>} : memref<100x64xf32, #tpu.memory_space<vmem>>, vector<1x16xf32>,
      %get3A_3869 = vector.shape_cast %get3A_3868 : vector<1x16xf32> to vector<16xf32>
      %add3A_3870 = arith.addf %add3A_3846, %get3A_3869 : vector<16xf32>
      %get3A_3871 = arith.constant 56 : i32
      %get3A_3872 = arith.index_cast %get3A_3871 : i32 to index
      %get3A_3873 = arith.constant 32 : index
      %get3A_3874 = tpu.vector_load %arg7[%get3A_3872, %get3A_3873] {strides = array<i32>} : memref<100x64xf32, #tpu.memory_space<vmem>>, vector<1x16xf32>,
      %get3A_3875 = vector.shape_cast %get3A_3874 : vector<1x16xf32> to vector<16xf32>
      %add3A_3876 = arith.addf %add3A_3852, %get3A_3875 : vector<16xf32>
      %get3A_3877 = arith.constant 56 : i32
      %get3A_3878 = arith.index_cast %get3A_3877 : i32 to index
      %get3A_3879 = arith.constant 48 : index
      %get3A_3880 = tpu.vector_load %arg7[%get3A_3878, %get3A_3879] {strides = array<i32>} : memref<100x64xf32, #tpu.memory_space<vmem>>, vector<1x16xf32>,
      %get3A_3881 = vector.shape_cast %get3A_3880 : vector<1x16xf32> to vector<16xf32>
      %add3A_3882 = arith.addf %add3A_3858, %get3A_3881 : vector<16xf32>
      %get3A_3883 = arith.constant 57 : i32
      %get3A_3884 = arith.index_cast %get3A_3883 : i32 to index
      %get3A_3885 = arith.constant 0 : index
      %get3A_3886 = tpu.vector_load %arg7[%get3A_3884, %get3A_3885] {strides = array<i32>} : memref<100x64xf32, #tpu.memory_space<vmem>>, vector<1x16xf32>,
      %get3A_3887 = vector.shape_cast %get3A_3886 : vector<1x16xf32> to vector<16xf32>
      %add3A_3888 = arith.addf %add3A_3864, %get3A_3887 : vector<16xf32>
      %get3A_3889 = arith.constant 57 : i32
      %get3A_3890 = arith.index_cast %get3A_3889 : i32 to index
      %get3A_3891 = arith.constant 16 : index
      %get3A_3892 = tpu.vector_load %arg7[%get3A_3890, %get3A_3891] {strides = array<i32>} : memref<100x64xf32, #tpu.memory_space<vmem>>, vector<1x16xf32>,
      %get3A_3893 = vector.shape_cast %get3A_3892 : vector<1x16xf32> to vector<16xf32>
      %add3A_3894 = arith.addf %add3A_3870, %get3A_3893 : vector<16xf32>
      %get3A_3895 = arith.constant 57 : i32
      %get3A_3896 = arith.index_cast %get3A_3895 : i32 to index
      %get3A_3897 = arith.constant 32 : index
      %get3A_3898 = tpu.vector_load %arg7[%get3A_3896, %get3A_3897] {strides = array<i32>} : memref<100x64xf32, #tpu.memory_space<vmem>>, vector<1x16xf32>,
      %get3A_3899 = vector.shape_cast %get3A_3898 : vector<1x16xf32> to vector<16xf32>
      %add3A_3900 = arith.addf %add3A_3876, %get3A_3899 : vector<16xf32>
      %get3A_3901 = arith.constant 57 : i32
      %get3A_3902 = arith.index_cast %get3A_3901 : i32 to index
      %get3A_3903 = arith.constant 48 : index
      %get3A_3904 = tpu.vector_load %arg7[%get3A_3902, %get3A_3903] {strides = array<i32>} : memref<100x64xf32, #tpu.memory_space<vmem>>, vector<1x16xf32>,
      %get3A_3905 = vector.shape_cast %get3A_3904 : vector<1x16xf32> to vector<16xf32>
      %add3A_3906 = arith.addf %add3A_3882, %get3A_3905 : vector<16xf32>
      %get3A_3907 = arith.constant 58 : i32
      %get3A_3908 = arith.index_cast %get3A_3907 : i32 to index
      %get3A_3909 = arith.constant 0 : index
      %get3A_3910 = tpu.vector_load %arg7[%get3A_3908, %get3A_3909] {strides = array<i32>} : memref<100x64xf32, #tpu.memory_space<vmem>>, vector<1x16xf32>,
      %get3A_3911 = vector.shape_cast %get3A_3910 : vector<1x16xf32> to vector<16xf32>
      %add3A_3912 = arith.addf %add3A_3888, %get3A_3911 : vector<16xf32>
      %get3A_3913 = arith.constant 58 : i32
      %get3A_3914 = arith.index_cast %get3A_3913 : i32 to index
      %get3A_3915 = arith.constant 16 : index
      %get3A_3916 = tpu.vector_load %arg7[%get3A_3914, %get3A_3915] {strides = array<i32>} : memref<100x64xf32, #tpu.memory_space<vmem>>, vector<1x16xf32>,
      %get3A_3917 = vector.shape_cast %get3A_3916 : vector<1x16xf32> to vector<16xf32>
      %add3A_3918 = arith.addf %add3A_3894, %get3A_3917 : vector<16xf32>
      %get3A_3919 = arith.constant 58 : i32
      %get3A_3920 = arith.index_cast %get3A_3919 : i32 to index
      %get3A_3921 = arith.constant 32 : index
      %get3A_3922 = tpu.vector_load %arg7[%get3A_3920, %get3A_3921] {strides = array<i32>} : memref<100x64xf32, #tpu.memory_space<vmem>>, vector<1x16xf32>,
      %get3A_3923 = vector.shape_cast %get3A_3922 : vector<1x16xf32> to vector<16xf32>
      %add3A_3924 = arith.addf %add3A_3900, %get3A_3923 : vector<16xf32>
      %get3A_3925 = arith.constant 58 : i32
      %get3A_3926 = arith.index_cast %get3A_3925 : i32 to index
      %get3A_3927 = arith.constant 48 : index
      %get3A_3928 = tpu.vector_load %arg7[%get3A_3926, %get3A_3927] {strides = array<i32>} : memref<100x64xf32, #tpu.memory_space<vmem>>, vector<1x16xf32>,
      %get3A_3929 = vector.shape_cast %get3A_3928 : vector<1x16xf32> to vector<16xf32>
      %add3A_3930 = arith.addf %add3A_3906, %get3A_3929 : vector<16xf32>
      %get3A_3931 = arith.constant 59 : i32
      %get3A_3932 = arith.index_cast %get3A_3931 : i32 to index
      %get3A_3933 = arith.constant 0 : index
      %get3A_3934 = tpu.vector_load %arg7[%get3A_3932, %get3A_3933] {strides = array<i32>} : memref<100x64xf32, #tpu.memory_space<vmem>>, vector<1x16xf32>,
      %get3A_3935 = vector.shape_cast %get3A_3934 : vector<1x16xf32> to vector<16xf32>
      %add3A_3936 = arith.addf %add3A_3912, %get3A_3935 : vector<16xf32>
      %get3A_3937 = arith.constant 59 : i32
      %get3A_3938 = arith.index_cast %get3A_3937 : i32 to index
      %get3A_3939 = arith.constant 16 : index
      %get3A_3940 = tpu.vector_load %arg7[%get3A_3938, %get3A_3939] {strides = array<i32>} : memref<100x64xf32, #tpu.memory_space<vmem>>, vector<1x16xf32>,
      %get3A_3941 = vector.shape_cast %get3A_3940 : vector<1x16xf32> to vector<16xf32>
      %add3A_3942 = arith.addf %add3A_3918, %get3A_3941 : vector<16xf32>
      %get3A_3943 = arith.constant 59 : i32
      %get3A_3944 = arith.index_cast %get3A_3943 : i32 to index
      %get3A_3945 = arith.constant 32 : index
      %get3A_3946 = tpu.vector_load %arg7[%get3A_3944, %get3A_3945] {strides = array<i32>} : memref<100x64xf32, #tpu.memory_space<vmem>>, vector<1x16xf32>,
      %get3A_3947 = vector.shape_cast %get3A_3946 : vector<1x16xf32> to vector<16xf32>
      %add3A_3948 = arith.addf %add3A_3924, %get3A_3947 : vector<16xf32>
      %get3A_3949 = arith.constant 59 : i32
      %get3A_3950 = arith.index_cast %get3A_3949 : i32 to index
      %get3A_3951 = arith.constant 48 : index
      %get3A_3952 = tpu.vector_load %arg7[%get3A_3950, %get3A_3951] {strides = array<i32>} : memref<100x64xf32, #tpu.memory_space<vmem>>, vector<1x16xf32>,
      %get3A_3953 = vector.shape_cast %get3A_3952 : vector<1x16xf32> to vector<16xf32>
      %add3A_3954 = arith.addf %add3A_3930, %get3A_3953 : vector<16xf32>
      %get3A_3955 = arith.constant 60 : i32
      %get3A_3956 = arith.index_cast %get3A_3955 : i32 to index
      %get3A_3957 = arith.constant 0 : index
      %get3A_3958 = tpu.vector_load %arg7[%get3A_3956, %get3A_3957] {strides = array<i32>} : memref<100x64xf32, #tpu.memory_space<vmem>>, vector<1x16xf32>,
      %get3A_3959 = vector.shape_cast %get3A_3958 : vector<1x16xf32> to vector<16xf32>
      %add3A_3960 = arith.addf %add3A_3936, %get3A_3959 : vector<16xf32>
      %get3A_3961 = arith.constant 60 : i32
      %get3A_3962 = arith.index_cast %get3A_3961 : i32 to index
      %get3A_3963 = arith.constant 16 : index
      %get3A_3964 = tpu.vector_load %arg7[%get3A_3962, %get3A_3963] {strides = array<i32>} : memref<100x64xf32, #tpu.memory_space<vmem>>, vector<1x16xf32>,
      %get3A_3965 = vector.shape_cast %get3A_3964 : vector<1x16xf32> to vector<16xf32>
      %add3A_3966 = arith.addf %add3A_3942, %get3A_3965 : vector<16xf32>
      %get3A_3967 = arith.constant 60 : i32
      %get3A_3968 = arith.index_cast %get3A_3967 : i32 to index
      %get3A_3969 = arith.constant 32 : index
      %get3A_3970 = tpu.vector_load %arg7[%get3A_3968, %get3A_3969] {strides = array<i32>} : memref<100x64xf32, #tpu.memory_space<vmem>>, vector<1x16xf32>,
      %get3A_3971 = vector.shape_cast %get3A_3970 : vector<1x16xf32> to vector<16xf32>
      %add3A_3972 = arith.addf %add3A_3948, %get3A_3971 : vector<16xf32>
      %get3A_3973 = arith.constant 60 : i32
      %get3A_3974 = arith.index_cast %get3A_3973 : i32 to index
      %get3A_3975 = arith.constant 48 : index
      %get3A_3976 = tpu.vector_load %arg7[%get3A_3974, %get3A_3975] {strides = array<i32>} : memref<100x64xf32, #tpu.memory_space<vmem>>, vector<1x16xf32>,
      %get3A_3977 = vector.shape_cast %get3A_3976 : vector<1x16xf32> to vector<16xf32>
      %add3A_3978 = arith.addf %add3A_3954, %get3A_3977 : vector<16xf32>
      %get3A_3979 = arith.constant 61 : i32
      %get3A_3980 = arith.index_cast %get3A_3979 : i32 to index
      %get3A_3981 = arith.constant 0 : index
      %get3A_3982 = tpu.vector_load %arg7[%get3A_3980, %get3A_3981] {strides = array<i32>} : memref<100x64xf32, #tpu.memory_space<vmem>>, vector<1x16xf32>,
      %get3A_3983 = vector.shape_cast %get3A_3982 : vector<1x16xf32> to vector<16xf32>
      %add3A_3984 = arith.addf %add3A_3960, %get3A_3983 : vector<16xf32>
      %get3A_3985 = arith.constant 61 : i32
      %get3A_3986 = arith.index_cast %get3A_3985 : i32 to index
      %get3A_3987 = arith.constant 16 : index
      %get3A_3988 = tpu.vector_load %arg7[%get3A_3986, %get3A_3987] {strides = array<i32>} : memref<100x64xf32, #tpu.memory_space<vmem>>, vector<1x16xf32>,
      %get3A_3989 = vector.shape_cast %get3A_3988 : vector<1x16xf32> to vector<16xf32>
      %add3A_3990 = arith.addf %add3A_3966, %get3A_3989 : vector<16xf32>
      %get3A_3991 = arith.constant 61 : i32
      %get3A_3992 = arith.index_cast %get3A_3991 : i32 to index
      %get3A_3993 = arith.constant 32 : index
      %get3A_3994 = tpu.vector_load %arg7[%get3A_3992, %get3A_3993] {strides = array<i32>} : memref<100x64xf32, #tpu.memory_space<vmem>>, vector<1x16xf32>,
      %get3A_3995 = vector.shape_cast %get3A_3994 : vector<1x16xf32> to vector<16xf32>
      %add3A_3996 = arith.addf %add3A_3972, %get3A_3995 : vector<16xf32>
      %get3A_3997 = arith.constant 61 : i32
      %get3A_3998 = arith.index_cast %get3A_3997 : i32 to index
      %get3A_3999 = arith.constant 48 : index
      %get3A_4000 = tpu.vector_load %arg7[%get3A_3998, %get3A_3999] {strides = array<i32>} : memref<100x64xf32, #tpu.memory_space<vmem>>, vector<1x16xf32>,
      %get3A_4001 = vector.shape_cast %get3A_4000 : vector<1x16xf32> to vector<16xf32>
      %add3A_4002 = arith.addf %add3A_3978, %get3A_4001 : vector<16xf32>
      %get3A_4003 = arith.constant 62 : i32
      %get3A_4004 = arith.index_cast %get3A_4003 : i32 to index
      %get3A_4005 = arith.constant 0 : index
      %get3A_4006 = tpu.vector_load %arg7[%get3A_4004, %get3A_4005] {strides = array<i32>} : memref<100x64xf32, #tpu.memory_space<vmem>>, vector<1x16xf32>,
      %get3A_4007 = vector.shape_cast %get3A_4006 : vector<1x16xf32> to vector<16xf32>
      %add3A_4008 = arith.addf %add3A_3984, %get3A_4007 : vector<16xf32>
      %get3A_4009 = arith.constant 62 : i32
      %get3A_4010 = arith.index_cast %get3A_4009 : i32 to index
      %get3A_4011 = arith.constant 16 : index
      %get3A_4012 = tpu.vector_load %arg7[%get3A_4010, %get3A_4011] {strides = array<i32>} : memref<100x64xf32, #tpu.memory_space<vmem>>, vector<1x16xf32>,
      %get3A_4013 = vector.shape_cast %get3A_4012 : vector<1x16xf32> to vector<16xf32>
      %add3A_4014 = arith.addf %add3A_3990, %get3A_4013 : vector<16xf32>
      %get3A_4015 = arith.constant 62 : i32
      %get3A_4016 = arith.index_cast %get3A_4015 : i32 to index
      %get3A_4017 = arith.constant 32 : index
      %get3A_4018 = tpu.vector_load %arg7[%get3A_4016, %get3A_4017] {strides = array<i32>} : memref<100x64xf32, #tpu.memory_space<vmem>>, vector<1x16xf32>,
      %get3A_4019 = vector.shape_cast %get3A_4018 : vector<1x16xf32> to vector<16xf32>
      %add3A_4020 = arith.addf %add3A_3996, %get3A_4019 : vector<16xf32>
      %get3A_4021 = arith.constant 62 : i32
      %get3A_4022 = arith.index_cast %get3A_4021 : i32 to index
      %get3A_4023 = arith.constant 48 : index
      %get3A_4024 = tpu.vector_load %arg7[%get3A_4022, %get3A_4023] {strides = array<i32>} : memref<100x64xf32, #tpu.memory_space<vmem>>, vector<1x16xf32>,
      %get3A_4025 = vector.shape_cast %get3A_4024 : vector<1x16xf32> to vector<16xf32>
      %add3A_4026 = arith.addf %add3A_4002, %get3A_4025 : vector<16xf32>
      %get3A_4027 = arith.constant 63 : i32
      %get3A_4028 = arith.index_cast %get3A_4027 : i32 to index
      %get3A_4029 = arith.constant 0 : index
      %get3A_4030 = tpu.vector_load %arg7[%get3A_4028, %get3A_4029] {strides = array<i32>} : memref<100x64xf32, #tpu.memory_space<vmem>>, vector<1x16xf32>,
      %get3A_4031 = vector.shape_cast %get3A_4030 : vector<1x16xf32> to vector<16xf32>
      %add3A_4032 = arith.addf %add3A_4008, %get3A_4031 : vector<16xf32>
      %get3A_4033 = arith.constant 63 : i32
      %get3A_4034 = arith.index_cast %get3A_4033 : i32 to index
      %get3A_4035 = arith.constant 16 : index
      %get3A_4036 = tpu.vector_load %arg7[%get3A_4034, %get3A_4035] {strides = array<i32>} : memref<100x64xf32, #tpu.memory_space<vmem>>, vector<1x16xf32>,
      %get3A_4037 = vector.shape_cast %get3A_4036 : vector<1x16xf32> to vector<16xf32>
      %add3A_4038 = arith.addf %add3A_4014, %get3A_4037 : vector<16xf32>
      %get3A_4039 = arith.constant 63 : i32
      %get3A_4040 = arith.index_cast %get3A_4039 : i32 to index
      %get3A_4041 = arith.constant 32 : index
      %get3A_4042 = tpu.vector_load %arg7[%get3A_4040, %get3A_4041] {strides = array<i32>} : memref<100x64xf32, #tpu.memory_space<vmem>>, vector<1x16xf32>,
      %get3A_4043 = vector.shape_cast %get3A_4042 : vector<1x16xf32> to vector<16xf32>
      %add3A_4044 = arith.addf %add3A_4020, %get3A_4043 : vector<16xf32>
      %get3A_4045 = arith.constant 63 : i32
      %get3A_4046 = arith.index_cast %get3A_4045 : i32 to index
      %get3A_4047 = arith.constant 48 : index
      %get3A_4048 = tpu.vector_load %arg7[%get3A_4046, %get3A_4047] {strides = array<i32>} : memref<100x64xf32, #tpu.memory_space<vmem>>, vector<1x16xf32>,
      %get3A_4049 = vector.shape_cast %get3A_4048 : vector<1x16xf32> to vector<16xf32>
      %add3A_4050 = arith.addf %add3A_4026, %get3A_4049 : vector<16xf32>
      %get3A_4051 = arith.constant 64 : i32
      %get3A_4052 = arith.index_cast %get3A_4051 : i32 to index
      %get3A_4053 = arith.constant 0 : index
      %get3A_4054 = tpu.vector_load %arg7[%get3A_4052, %get3A_4053] {strides = array<i32>} : memref<100x64xf32, #tpu.memory_space<vmem>>, vector<1x16xf32>,
      %get3A_4055 = vector.shape_cast %get3A_4054 : vector<1x16xf32> to vector<16xf32>
      %add3A_4056 = arith.addf %add3A_4032, %get3A_4055 : vector<16xf32>
      %get3A_4057 = arith.constant 64 : i32
      %get3A_4058 = arith.index_cast %get3A_4057 : i32 to index
      %get3A_4059 = arith.constant 16 : index
      %get3A_4060 = tpu.vector_load %arg7[%get3A_4058, %get3A_4059] {strides = array<i32>} : memref<100x64xf32, #tpu.memory_space<vmem>>, vector<1x16xf32>,
      %get3A_4061 = vector.shape_cast %get3A_4060 : vector<1x16xf32> to vector<16xf32>
      %add3A_4062 = arith.addf %add3A_4038, %get3A_4061 : vector<16xf32>
      %get3A_4063 = arith.constant 64 : i32
      %get3A_4064 = arith.index_cast %get3A_4063 : i32 to index
      %get3A_4065 = arith.constant 32 : index
      %get3A_4066 = tpu.vector_load %arg7[%get3A_4064, %get3A_4065] {strides = array<i32>} : memref<100x64xf32, #tpu.memory_space<vmem>>, vector<1x16xf32>,
      %get3A_4067 = vector.shape_cast %get3A_4066 : vector<1x16xf32> to vector<16xf32>
      %add3A_4068 = arith.addf %add3A_4044, %get3A_4067 : vector<16xf32>
      %get3A_4069 = arith.constant 64 : i32
      %get3A_4070 = arith.index_cast %get3A_4069 : i32 to index
      %get3A_4071 = arith.constant 48 : index
      %get3A_4072 = tpu.vector_load %arg7[%get3A_4070, %get3A_4071] {strides = array<i32>} : memref<100x64xf32, #tpu.memory_space<vmem>>, vector<1x16xf32>,
      %get3A_4073 = vector.shape_cast %get3A_4072 : vector<1x16xf32> to vector<16xf32>
      %add3A_4074 = arith.addf %add3A_4050, %get3A_4073 : vector<16xf32>
      %get3A_4075 = arith.constant 65 : i32
      %get3A_4076 = arith.index_cast %get3A_4075 : i32 to index
      %get3A_4077 = arith.constant 0 : index
      %get3A_4078 = tpu.vector_load %arg7[%get3A_4076, %get3A_4077] {strides = array<i32>} : memref<100x64xf32, #tpu.memory_space<vmem>>, vector<1x16xf32>,
      %get3A_4079 = vector.shape_cast %get3A_4078 : vector<1x16xf32> to vector<16xf32>
      %add3A_4080 = arith.addf %add3A_4056, %get3A_4079 : vector<16xf32>
      %get3A_4081 = arith.constant 65 : i32
      %get3A_4082 = arith.index_cast %get3A_4081 : i32 to index
      %get3A_4083 = arith.constant 16 : index
      %get3A_4084 = tpu.vector_load %arg7[%get3A_4082, %get3A_4083] {strides = array<i32>} : memref<100x64xf32, #tpu.memory_space<vmem>>, vector<1x16xf32>,
      %get3A_4085 = vector.shape_cast %get3A_4084 : vector<1x16xf32> to vector<16xf32>
      %add3A_4086 = arith.addf %add3A_4062, %get3A_4085 : vector<16xf32>
      %get3A_4087 = arith.constant 65 : i32
      %get3A_4088 = arith.index_cast %get3A_4087 : i32 to index
      %get3A_4089 = arith.constant 32 : index
      %get3A_4090 = tpu.vector_load %arg7[%get3A_4088, %get3A_4089] {strides = array<i32>} : memref<100x64xf32, #tpu.memory_space<vmem>>, vector<1x16xf32>,
      %get3A_4091 = vector.shape_cast %get3A_4090 : vector<1x16xf32> to vector<16xf32>
      %add3A_4092 = arith.addf %add3A_4068, %get3A_4091 : vector<16xf32>
      %get3A_4093 = arith.constant 65 : i32
      %get3A_4094 = arith.index_cast %get3A_4093 : i32 to index
      %get3A_4095 = arith.constant 48 : index
      %get3A_4096 = tpu.vector_load %arg7[%get3A_4094, %get3A_4095] {strides = array<i32>} : memref<100x64xf32, #tpu.memory_space<vmem>>, vector<1x16xf32>,
      %get3A_4097 = vector.shape_cast %get3A_4096 : vector<1x16xf32> to vector<16xf32>
      %add3A_4098 = arith.addf %add3A_4074, %get3A_4097 : vector<16xf32>
      %get3A_4099 = arith.constant 66 : i32
      %get3A_4100 = arith.index_cast %get3A_4099 : i32 to index
      %get3A_4101 = arith.constant 0 : index
      %get3A_4102 = tpu.vector_load %arg7[%get3A_4100, %get3A_4101] {strides = array<i32>} : memref<100x64xf32, #tpu.memory_space<vmem>>, vector<1x16xf32>,
      %get3A_4103 = vector.shape_cast %get3A_4102 : vector<1x16xf32> to vector<16xf32>
      %add3A_4104 = arith.addf %add3A_4080, %get3A_4103 : vector<16xf32>
      %get3A_4105 = arith.constant 66 : i32
      %get3A_4106 = arith.index_cast %get3A_4105 : i32 to index
      %get3A_4107 = arith.constant 16 : index
      %get3A_4108 = tpu.vector_load %arg7[%get3A_4106, %get3A_4107] {strides = array<i32>} : memref<100x64xf32, #tpu.memory_space<vmem>>, vector<1x16xf32>,
      %get3A_4109 = vector.shape_cast %get3A_4108 : vector<1x16xf32> to vector<16xf32>
      %add3A_4110 = arith.addf %add3A_4086, %get3A_4109 : vector<16xf32>
      %get3A_4111 = arith.constant 66 : i32
      %get3A_4112 = arith.index_cast %get3A_4111 : i32 to index
      %get3A_4113 = arith.constant 32 : index
      %get3A_4114 = tpu.vector_load %arg7[%get3A_4112, %get3A_4113] {strides = array<i32>} : memref<100x64xf32, #tpu.memory_space<vmem>>, vector<1x16xf32>,
      %get3A_4115 = vector.shape_cast %get3A_4114 : vector<1x16xf32> to vector<16xf32>
      %add3A_4116 = arith.addf %add3A_4092, %get3A_4115 : vector<16xf32>
      %get3A_4117 = arith.constant 66 : i32
      %get3A_4118 = arith.index_cast %get3A_4117 : i32 to index
      %get3A_4119 = arith.constant 48 : index
      %get3A_4120 = tpu.vector_load %arg7[%get3A_4118, %get3A_4119] {strides = array<i32>} : memref<100x64xf32, #tpu.memory_space<vmem>>, vector<1x16xf32>,
      %get3A_4121 = vector.shape_cast %get3A_4120 : vector<1x16xf32> to vector<16xf32>
      %add3A_4122 = arith.addf %add3A_4098, %get3A_4121 : vector<16xf32>
      %get3A_4123 = arith.constant 67 : i32
      %get3A_4124 = arith.index_cast %get3A_4123 : i32 to index
      %get3A_4125 = arith.constant 0 : index
      %get3A_4126 = tpu.vector_load %arg7[%get3A_4124, %get3A_4125] {strides = array<i32>} : memref<100x64xf32, #tpu.memory_space<vmem>>, vector<1x16xf32>,
      %get3A_4127 = vector.shape_cast %get3A_4126 : vector<1x16xf32> to vector<16xf32>
      %add3A_4128 = arith.addf %add3A_4104, %get3A_4127 : vector<16xf32>
      %get3A_4129 = arith.constant 67 : i32
      %get3A_4130 = arith.index_cast %get3A_4129 : i32 to index
      %get3A_4131 = arith.constant 16 : index
      %get3A_4132 = tpu.vector_load %arg7[%get3A_4130, %get3A_4131] {strides = array<i32>} : memref<100x64xf32, #tpu.memory_space<vmem>>, vector<1x16xf32>,
      %get3A_4133 = vector.shape_cast %get3A_4132 : vector<1x16xf32> to vector<16xf32>
      %add3A_4134 = arith.addf %add3A_4110, %get3A_4133 : vector<16xf32>
      %get3A_4135 = arith.constant 67 : i32
      %get3A_4136 = arith.index_cast %get3A_4135 : i32 to index
      %get3A_4137 = arith.constant 32 : index
      %get3A_4138 = tpu.vector_load %arg7[%get3A_4136, %get3A_4137] {strides = array<i32>} : memref<100x64xf32, #tpu.memory_space<vmem>>, vector<1x16xf32>,
      %get3A_4139 = vector.shape_cast %get3A_4138 : vector<1x16xf32> to vector<16xf32>
      %add3A_4140 = arith.addf %add3A_4116, %get3A_4139 : vector<16xf32>
      %get3A_4141 = arith.constant 67 : i32
      %get3A_4142 = arith.index_cast %get3A_4141 : i32 to index
      %get3A_4143 = arith.constant 48 : index
      %get3A_4144 = tpu.vector_load %arg7[%get3A_4142, %get3A_4143] {strides = array<i32>} : memref<100x64xf32, #tpu.memory_space<vmem>>, vector<1x16xf32>,
      %get3A_4145 = vector.shape_cast %get3A_4144 : vector<1x16xf32> to vector<16xf32>
      %add3A_4146 = arith.addf %add3A_4122, %get3A_4145 : vector<16xf32>
      %get3A_4147 = arith.constant 68 : i32
      %get3A_4148 = arith.index_cast %get3A_4147 : i32 to index
      %get3A_4149 = arith.constant 0 : index
      %get3A_4150 = tpu.vector_load %arg7[%get3A_4148, %get3A_4149] {strides = array<i32>} : memref<100x64xf32, #tpu.memory_space<vmem>>, vector<1x16xf32>,
      %get3A_4151 = vector.shape_cast %get3A_4150 : vector<1x16xf32> to vector<16xf32>
      %add3A_4152 = arith.addf %add3A_4128, %get3A_4151 : vector<16xf32>
      %get3A_4153 = arith.constant 68 : i32
      %get3A_4154 = arith.index_cast %get3A_4153 : i32 to index
      %get3A_4155 = arith.constant 16 : index
      %get3A_4156 = tpu.vector_load %arg7[%get3A_4154, %get3A_4155] {strides = array<i32>} : memref<100x64xf32, #tpu.memory_space<vmem>>, vector<1x16xf32>,
      %get3A_4157 = vector.shape_cast %get3A_4156 : vector<1x16xf32> to vector<16xf32>
      %add3A_4158 = arith.addf %add3A_4134, %get3A_4157 : vector<16xf32>
      %get3A_4159 = arith.constant 68 : i32
      %get3A_4160 = arith.index_cast %get3A_4159 : i32 to index
      %get3A_4161 = arith.constant 32 : index
      %get3A_4162 = tpu.vector_load %arg7[%get3A_4160, %get3A_4161] {strides = array<i32>} : memref<100x64xf32, #tpu.memory_space<vmem>>, vector<1x16xf32>,
      %get3A_4163 = vector.shape_cast %get3A_4162 : vector<1x16xf32> to vector<16xf32>
      %add3A_4164 = arith.addf %add3A_4140, %get3A_4163 : vector<16xf32>
      %get3A_4165 = arith.constant 68 : i32
      %get3A_4166 = arith.index_cast %get3A_4165 : i32 to index
      %get3A_4167 = arith.constant 48 : index
      %get3A_4168 = tpu.vector_load %arg7[%get3A_4166, %get3A_4167] {strides = array<i32>} : memref<100x64xf32, #tpu.memory_space<vmem>>, vector<1x16xf32>,
      %get3A_4169 = vector.shape_cast %get3A_4168 : vector<1x16xf32> to vector<16xf32>
      %add3A_4170 = arith.addf %add3A_4146, %get3A_4169 : vector<16xf32>
      %get3A_4171 = arith.constant 69 : i32
      %get3A_4172 = arith.index_cast %get3A_4171 : i32 to index
      %get3A_4173 = arith.constant 0 : index
      %get3A_4174 = tpu.vector_load %arg7[%get3A_4172, %get3A_4173] {strides = array<i32>} : memref<100x64xf32, #tpu.memory_space<vmem>>, vector<1x16xf32>,
      %get3A_4175 = vector.shape_cast %get3A_4174 : vector<1x16xf32> to vector<16xf32>
      %add3A_4176 = arith.addf %add3A_4152, %get3A_4175 : vector<16xf32>
      %get3A_4177 = arith.constant 69 : i32
      %get3A_4178 = arith.index_cast %get3A_4177 : i32 to index
      %get3A_4179 = arith.constant 16 : index
      %get3A_4180 = tpu.vector_load %arg7[%get3A_4178, %get3A_4179] {strides = array<i32>} : memref<100x64xf32, #tpu.memory_space<vmem>>, vector<1x16xf32>,
      %get3A_4181 = vector.shape_cast %get3A_4180 : vector<1x16xf32> to vector<16xf32>
      %add3A_4182 = arith.addf %add3A_4158, %get3A_4181 : vector<16xf32>
      %get3A_4183 = arith.constant 69 : i32
      %get3A_4184 = arith.index_cast %get3A_4183 : i32 to index
      %get3A_4185 = arith.constant 32 : index
      %get3A_4186 = tpu.vector_load %arg7[%get3A_4184, %get3A_4185] {strides = array<i32>} : memref<100x64xf32, #tpu.memory_space<vmem>>, vector<1x16xf32>,
      %get3A_4187 = vector.shape_cast %get3A_4186 : vector<1x16xf32> to vector<16xf32>
      %add3A_4188 = arith.addf %add3A_4164, %get3A_4187 : vector<16xf32>
      %get3A_4189 = arith.constant 69 : i32
      %get3A_4190 = arith.index_cast %get3A_4189 : i32 to index
      %get3A_4191 = arith.constant 48 : index
      %get3A_4192 = tpu.vector_load %arg7[%get3A_4190, %get3A_4191] {strides = array<i32>} : memref<100x64xf32, #tpu.memory_space<vmem>>, vector<1x16xf32>,
      %get3A_4193 = vector.shape_cast %get3A_4192 : vector<1x16xf32> to vector<16xf32>
      %add3A_4194 = arith.addf %add3A_4170, %get3A_4193 : vector<16xf32>
      %get3A_4195 = arith.constant 70 : i32
      %get3A_4196 = arith.index_cast %get3A_4195 : i32 to index
      %get3A_4197 = arith.constant 0 : index
      %get3A_4198 = tpu.vector_load %arg7[%get3A_4196, %get3A_4197] {strides = array<i32>} : memref<100x64xf32, #tpu.memory_space<vmem>>, vector<1x16xf32>,
      %get3A_4199 = vector.shape_cast %get3A_4198 : vector<1x16xf32> to vector<16xf32>
      %add3A_4200 = arith.addf %add3A_4176, %get3A_4199 : vector<16xf32>
      %get3A_4201 = arith.constant 70 : i32
      %get3A_4202 = arith.index_cast %get3A_4201 : i32 to index
      %get3A_4203 = arith.constant 16 : index
      %get3A_4204 = tpu.vector_load %arg7[%get3A_4202, %get3A_4203] {strides = array<i32>} : memref<100x64xf32, #tpu.memory_space<vmem>>, vector<1x16xf32>,
      %get3A_4205 = vector.shape_cast %get3A_4204 : vector<1x16xf32> to vector<16xf32>
      %add3A_4206 = arith.addf %add3A_4182, %get3A_4205 : vector<16xf32>
      %get3A_4207 = arith.constant 70 : i32
      %get3A_4208 = arith.index_cast %get3A_4207 : i32 to index
      %get3A_4209 = arith.constant 32 : index
      %get3A_4210 = tpu.vector_load %arg7[%get3A_4208, %get3A_4209] {strides = array<i32>} : memref<100x64xf32, #tpu.memory_space<vmem>>, vector<1x16xf32>,
      %get3A_4211 = vector.shape_cast %get3A_4210 : vector<1x16xf32> to vector<16xf32>
      %add3A_4212 = arith.addf %add3A_4188, %get3A_4211 : vector<16xf32>
      %get3A_4213 = arith.constant 70 : i32
      %get3A_4214 = arith.index_cast %get3A_4213 : i32 to index
      %get3A_4215 = arith.constant 48 : index
      %get3A_4216 = tpu.vector_load %arg7[%get3A_4214, %get3A_4215] {strides = array<i32>} : memref<100x64xf32, #tpu.memory_space<vmem>>, vector<1x16xf32>,
      %get3A_4217 = vector.shape_cast %get3A_4216 : vector<1x16xf32> to vector<16xf32>
      %add3A_4218 = arith.addf %add3A_4194, %get3A_4217 : vector<16xf32>
      %get3A_4219 = arith.constant 71 : i32
      %get3A_4220 = arith.index_cast %get3A_4219 : i32 to index
      %get3A_4221 = arith.constant 0 : index
      %get3A_4222 = tpu.vector_load %arg7[%get3A_4220, %get3A_4221] {strides = array<i32>} : memref<100x64xf32, #tpu.memory_space<vmem>>, vector<1x16xf32>,
      %get3A_4223 = vector.shape_cast %get3A_4222 : vector<1x16xf32> to vector<16xf32>
      %add3A_4224 = arith.addf %add3A_4200, %get3A_4223 : vector<16xf32>
      %get3A_4225 = arith.constant 71 : i32
      %get3A_4226 = arith.index_cast %get3A_4225 : i32 to index
      %get3A_4227 = arith.constant 16 : index
      %get3A_4228 = tpu.vector_load %arg7[%get3A_4226, %get3A_4227] {strides = array<i32>} : memref<100x64xf32, #tpu.memory_space<vmem>>, vector<1x16xf32>,
      %get3A_4229 = vector.shape_cast %get3A_4228 : vector<1x16xf32> to vector<16xf32>
      %add3A_4230 = arith.addf %add3A_4206, %get3A_4229 : vector<16xf32>
      %get3A_4231 = arith.constant 71 : i32
      %get3A_4232 = arith.index_cast %get3A_4231 : i32 to index
      %get3A_4233 = arith.constant 32 : index
      %get3A_4234 = tpu.vector_load %arg7[%get3A_4232, %get3A_4233] {strides = array<i32>} : memref<100x64xf32, #tpu.memory_space<vmem>>, vector<1x16xf32>,
      %get3A_4235 = vector.shape_cast %get3A_4234 : vector<1x16xf32> to vector<16xf32>
      %add3A_4236 = arith.addf %add3A_4212, %get3A_4235 : vector<16xf32>
      %get3A_4237 = arith.constant 71 : i32
      %get3A_4238 = arith.index_cast %get3A_4237 : i32 to index
      %get3A_4239 = arith.constant 48 : index
      %get3A_4240 = tpu.vector_load %arg7[%get3A_4238, %get3A_4239] {strides = array<i32>} : memref<100x64xf32, #tpu.memory_space<vmem>>, vector<1x16xf32>,
      %get3A_4241 = vector.shape_cast %get3A_4240 : vector<1x16xf32> to vector<16xf32>
      %add3A_4242 = arith.addf %add3A_4218, %get3A_4241 : vector<16xf32>
      %get3A_4243 = arith.constant 72 : i32
      %get3A_4244 = arith.index_cast %get3A_4243 : i32 to index
      %get3A_4245 = arith.constant 0 : index
      %get3A_4246 = tpu.vector_load %arg7[%get3A_4244, %get3A_4245] {strides = array<i32>} : memref<100x64xf32, #tpu.memory_space<vmem>>, vector<1x16xf32>,
      %get3A_4247 = vector.shape_cast %get3A_4246 : vector<1x16xf32> to vector<16xf32>
      %add3A_4248 = arith.addf %add3A_4224, %get3A_4247 : vector<16xf32>
      %get3A_4249 = arith.constant 72 : i32
      %get3A_4250 = arith.index_cast %get3A_4249 : i32 to index
      %get3A_4251 = arith.constant 16 : index
      %get3A_4252 = tpu.vector_load %arg7[%get3A_4250, %get3A_4251] {strides = array<i32>} : memref<100x64xf32, #tpu.memory_space<vmem>>, vector<1x16xf32>,
      %get3A_4253 = vector.shape_cast %get3A_4252 : vector<1x16xf32> to vector<16xf32>
      %add3A_4254 = arith.addf %add3A_4230, %get3A_4253 : vector<16xf32>
      %get3A_4255 = arith.constant 72 : i32
      %get3A_4256 = arith.index_cast %get3A_4255 : i32 to index
      %get3A_4257 = arith.constant 32 : index
      %get3A_4258 = tpu.vector_load %arg7[%get3A_4256, %get3A_4257] {strides = array<i32>} : memref<100x64xf32, #tpu.memory_space<vmem>>, vector<1x16xf32>,
      %get3A_4259 = vector.shape_cast %get3A_4258 : vector<1x16xf32> to vector<16xf32>
      %add3A_4260 = arith.addf %add3A_4236, %get3A_4259 : vector<16xf32>
      %get3A_4261 = arith.constant 72 : i32
      %get3A_4262 = arith.index_cast %get3A_4261 : i32 to index
      %get3A_4263 = arith.constant 48 : index
      %get3A_4264 = tpu.vector_load %arg7[%get3A_4262, %get3A_4263] {strides = array<i32>} : memref<100x64xf32, #tpu.memory_space<vmem>>, vector<1x16xf32>,
      %get3A_4265 = vector.shape_cast %get3A_4264 : vector<1x16xf32> to vector<16xf32>
      %add3A_4266 = arith.addf %add3A_4242, %get3A_4265 : vector<16xf32>
      %get3A_4267 = arith.constant 73 : i32
      %get3A_4268 = arith.index_cast %get3A_4267 : i32 to index
      %get3A_4269 = arith.constant 0 : index
      %get3A_4270 = tpu.vector_load %arg7[%get3A_4268, %get3A_4269] {strides = array<i32>} : memref<100x64xf32, #tpu.memory_space<vmem>>, vector<1x16xf32>,
      %get3A_4271 = vector.shape_cast %get3A_4270 : vector<1x16xf32> to vector<16xf32>
      %add3A_4272 = arith.addf %add3A_4248, %get3A_4271 : vector<16xf32>
      %get3A_4273 = arith.constant 73 : i32
      %get3A_4274 = arith.index_cast %get3A_4273 : i32 to index
      %get3A_4275 = arith.constant 16 : index
      %get3A_4276 = tpu.vector_load %arg7[%get3A_4274, %get3A_4275] {strides = array<i32>} : memref<100x64xf32, #tpu.memory_space<vmem>>, vector<1x16xf32>,
      %get3A_4277 = vector.shape_cast %get3A_4276 : vector<1x16xf32> to vector<16xf32>
      %add3A_4278 = arith.addf %add3A_4254, %get3A_4277 : vector<16xf32>
      %get3A_4279 = arith.constant 73 : i32
      %get3A_4280 = arith.index_cast %get3A_4279 : i32 to index
      %get3A_4281 = arith.constant 32 : index
      %get3A_4282 = tpu.vector_load %arg7[%get3A_4280, %get3A_4281] {strides = array<i32>} : memref<100x64xf32, #tpu.memory_space<vmem>>, vector<1x16xf32>,
      %get3A_4283 = vector.shape_cast %get3A_4282 : vector<1x16xf32> to vector<16xf32>
      %add3A_4284 = arith.addf %add3A_4260, %get3A_4283 : vector<16xf32>
      %get3A_4285 = arith.constant 73 : i32
      %get3A_4286 = arith.index_cast %get3A_4285 : i32 to index
      %get3A_4287 = arith.constant 48 : index
      %get3A_4288 = tpu.vector_load %arg7[%get3A_4286, %get3A_4287] {strides = array<i32>} : memref<100x64xf32, #tpu.memory_space<vmem>>, vector<1x16xf32>,
      %get3A_4289 = vector.shape_cast %get3A_4288 : vector<1x16xf32> to vector<16xf32>
      %add3A_4290 = arith.addf %add3A_4266, %get3A_4289 : vector<16xf32>
      %get3A_4291 = arith.constant 74 : i32
      %get3A_4292 = arith.index_cast %get3A_4291 : i32 to index
      %get3A_4293 = arith.constant 0 : index
      %get3A_4294 = tpu.vector_load %arg7[%get3A_4292, %get3A_4293] {strides = array<i32>} : memref<100x64xf32, #tpu.memory_space<vmem>>, vector<1x16xf32>,
      %get3A_4295 = vector.shape_cast %get3A_4294 : vector<1x16xf32> to vector<16xf32>
      %add3A_4296 = arith.addf %add3A_4272, %get3A_4295 : vector<16xf32>
      %get3A_4297 = arith.constant 74 : i32
      %get3A_4298 = arith.index_cast %get3A_4297 : i32 to index
      %get3A_4299 = arith.constant 16 : index
      %get3A_4300 = tpu.vector_load %arg7[%get3A_4298, %get3A_4299] {strides = array<i32>} : memref<100x64xf32, #tpu.memory_space<vmem>>, vector<1x16xf32>,
      %get3A_4301 = vector.shape_cast %get3A_4300 : vector<1x16xf32> to vector<16xf32>
      %add3A_4302 = arith.addf %add3A_4278, %get3A_4301 : vector<16xf32>
      %get3A_4303 = arith.constant 74 : i32
      %get3A_4304 = arith.index_cast %get3A_4303 : i32 to index
      %get3A_4305 = arith.constant 32 : index
      %get3A_4306 = tpu.vector_load %arg7[%get3A_4304, %get3A_4305] {strides = array<i32>} : memref<100x64xf32, #tpu.memory_space<vmem>>, vector<1x16xf32>,
      %get3A_4307 = vector.shape_cast %get3A_4306 : vector<1x16xf32> to vector<16xf32>
      %add3A_4308 = arith.addf %add3A_4284, %get3A_4307 : vector<16xf32>
      %get3A_4309 = arith.constant 74 : i32
      %get3A_4310 = arith.index_cast %get3A_4309 : i32 to index
      %get3A_4311 = arith.constant 48 : index
      %get3A_4312 = tpu.vector_load %arg7[%get3A_4310, %get3A_4311] {strides = array<i32>} : memref<100x64xf32, #tpu.memory_space<vmem>>, vector<1x16xf32>,
      %get3A_4313 = vector.shape_cast %get3A_4312 : vector<1x16xf32> to vector<16xf32>
      %add3A_4314 = arith.addf %add3A_4290, %get3A_4313 : vector<16xf32>
      %get3A_4315 = arith.constant 75 : i32
      %get3A_4316 = arith.index_cast %get3A_4315 : i32 to index
      %get3A_4317 = arith.constant 0 : index
      %get3A_4318 = tpu.vector_load %arg7[%get3A_4316, %get3A_4317] {strides = array<i32>} : memref<100x64xf32, #tpu.memory_space<vmem>>, vector<1x16xf32>,
      %get3A_4319 = vector.shape_cast %get3A_4318 : vector<1x16xf32> to vector<16xf32>
      %add3A_4320 = arith.addf %add3A_4296, %get3A_4319 : vector<16xf32>
      %get3A_4321 = arith.constant 75 : i32
      %get3A_4322 = arith.index_cast %get3A_4321 : i32 to index
      %get3A_4323 = arith.constant 16 : index
      %get3A_4324 = tpu.vector_load %arg7[%get3A_4322, %get3A_4323] {strides = array<i32>} : memref<100x64xf32, #tpu.memory_space<vmem>>, vector<1x16xf32>,
      %get3A_4325 = vector.shape_cast %get3A_4324 : vector<1x16xf32> to vector<16xf32>
      %add3A_4326 = arith.addf %add3A_4302, %get3A_4325 : vector<16xf32>
      %get3A_4327 = arith.constant 75 : i32
      %get3A_4328 = arith.index_cast %get3A_4327 : i32 to index
      %get3A_4329 = arith.constant 32 : index
      %get3A_4330 = tpu.vector_load %arg7[%get3A_4328, %get3A_4329] {strides = array<i32>} : memref<100x64xf32, #tpu.memory_space<vmem>>, vector<1x16xf32>,
      %get3A_4331 = vector.shape_cast %get3A_4330 : vector<1x16xf32> to vector<16xf32>
      %add3A_4332 = arith.addf %add3A_4308, %get3A_4331 : vector<16xf32>
      %get3A_4333 = arith.constant 75 : i32
      %get3A_4334 = arith.index_cast %get3A_4333 : i32 to index
      %get3A_4335 = arith.constant 48 : index
      %get3A_4336 = tpu.vector_load %arg7[%get3A_4334, %get3A_4335] {strides = array<i32>} : memref<100x64xf32, #tpu.memory_space<vmem>>, vector<1x16xf32>,
      %get3A_4337 = vector.shape_cast %get3A_4336 : vector<1x16xf32> to vector<16xf32>
      %add3A_4338 = arith.addf %add3A_4314, %get3A_4337 : vector<16xf32>
      %get3A_4339 = arith.constant 76 : i32
      %get3A_4340 = arith.index_cast %get3A_4339 : i32 to index
      %get3A_4341 = arith.constant 0 : index
      %get3A_4342 = tpu.vector_load %arg7[%get3A_4340, %get3A_4341] {strides = array<i32>} : memref<100x64xf32, #tpu.memory_space<vmem>>, vector<1x16xf32>,
      %get3A_4343 = vector.shape_cast %get3A_4342 : vector<1x16xf32> to vector<16xf32>
      %add3A_4344 = arith.addf %add3A_4320, %get3A_4343 : vector<16xf32>
      %get3A_4345 = arith.constant 76 : i32
      %get3A_4346 = arith.index_cast %get3A_4345 : i32 to index
      %get3A_4347 = arith.constant 16 : index
      %get3A_4348 = tpu.vector_load %arg7[%get3A_4346, %get3A_4347] {strides = array<i32>} : memref<100x64xf32, #tpu.memory_space<vmem>>, vector<1x16xf32>,
      %get3A_4349 = vector.shape_cast %get3A_4348 : vector<1x16xf32> to vector<16xf32>
      %add3A_4350 = arith.addf %add3A_4326, %get3A_4349 : vector<16xf32>
      %get3A_4351 = arith.constant 76 : i32
      %get3A_4352 = arith.index_cast %get3A_4351 : i32 to index
      %get3A_4353 = arith.constant 32 : index
      %get3A_4354 = tpu.vector_load %arg7[%get3A_4352, %get3A_4353] {strides = array<i32>} : memref<100x64xf32, #tpu.memory_space<vmem>>, vector<1x16xf32>,
      %get3A_4355 = vector.shape_cast %get3A_4354 : vector<1x16xf32> to vector<16xf32>
      %add3A_4356 = arith.addf %add3A_4332, %get3A_4355 : vector<16xf32>
      %get3A_4357 = arith.constant 76 : i32
      %get3A_4358 = arith.index_cast %get3A_4357 : i32 to index
      %get3A_4359 = arith.constant 48 : index
      %get3A_4360 = tpu.vector_load %arg7[%get3A_4358, %get3A_4359] {strides = array<i32>} : memref<100x64xf32, #tpu.memory_space<vmem>>, vector<1x16xf32>,
      %get3A_4361 = vector.shape_cast %get3A_4360 : vector<1x16xf32> to vector<16xf32>
      %add3A_4362 = arith.addf %add3A_4338, %get3A_4361 : vector<16xf32>
      %get3A_4363 = arith.constant 77 : i32
      %get3A_4364 = arith.index_cast %get3A_4363 : i32 to index
      %get3A_4365 = arith.constant 0 : index
      %get3A_4366 = tpu.vector_load %arg7[%get3A_4364, %get3A_4365] {strides = array<i32>} : memref<100x64xf32, #tpu.memory_space<vmem>>, vector<1x16xf32>,
      %get3A_4367 = vector.shape_cast %get3A_4366 : vector<1x16xf32> to vector<16xf32>
      %add3A_4368 = arith.addf %add3A_4344, %get3A_4367 : vector<16xf32>
      %get3A_4369 = arith.constant 77 : i32
      %get3A_4370 = arith.index_cast %get3A_4369 : i32 to index
      %get3A_4371 = arith.constant 16 : index
      %get3A_4372 = tpu.vector_load %arg7[%get3A_4370, %get3A_4371] {strides = array<i32>} : memref<100x64xf32, #tpu.memory_space<vmem>>, vector<1x16xf32>,
      %get3A_4373 = vector.shape_cast %get3A_4372 : vector<1x16xf32> to vector<16xf32>
      %add3A_4374 = arith.addf %add3A_4350, %get3A_4373 : vector<16xf32>
      %get3A_4375 = arith.constant 77 : i32
      %get3A_4376 = arith.index_cast %get3A_4375 : i32 to index
      %get3A_4377 = arith.constant 32 : index
      %get3A_4378 = tpu.vector_load %arg7[%get3A_4376, %get3A_4377] {strides = array<i32>} : memref<100x64xf32, #tpu.memory_space<vmem>>, vector<1x16xf32>,
      %get3A_4379 = vector.shape_cast %get3A_4378 : vector<1x16xf32> to vector<16xf32>
      %add3A_4380 = arith.addf %add3A_4356, %get3A_4379 : vector<16xf32>
      %get3A_4381 = arith.constant 77 : i32
      %get3A_4382 = arith.index_cast %get3A_4381 : i32 to index
      %get3A_4383 = arith.constant 48 : index
      %get3A_4384 = tpu.vector_load %arg7[%get3A_4382, %get3A_4383] {strides = array<i32>} : memref<100x64xf32, #tpu.memory_space<vmem>>, vector<1x16xf32>,
      %get3A_4385 = vector.shape_cast %get3A_4384 : vector<1x16xf32> to vector<16xf32>
      %add3A_4386 = arith.addf %add3A_4362, %get3A_4385 : vector<16xf32>
      %get3A_4387 = arith.constant 78 : i32
      %get3A_4388 = arith.index_cast %get3A_4387 : i32 to index
      %get3A_4389 = arith.constant 0 : index
      %get3A_4390 = tpu.vector_load %arg7[%get3A_4388, %get3A_4389] {strides = array<i32>} : memref<100x64xf32, #tpu.memory_space<vmem>>, vector<1x16xf32>,
      %get3A_4391 = vector.shape_cast %get3A_4390 : vector<1x16xf32> to vector<16xf32>
      %add3A_4392 = arith.addf %add3A_4368, %get3A_4391 : vector<16xf32>
      %get3A_4393 = arith.constant 78 : i32
      %get3A_4394 = arith.index_cast %get3A_4393 : i32 to index
      %get3A_4395 = arith.constant 16 : index
      %get3A_4396 = tpu.vector_load %arg7[%get3A_4394, %get3A_4395] {strides = array<i32>} : memref<100x64xf32, #tpu.memory_space<vmem>>, vector<1x16xf32>,
      %get3A_4397 = vector.shape_cast %get3A_4396 : vector<1x16xf32> to vector<16xf32>
      %add3A_4398 = arith.addf %add3A_4374, %get3A_4397 : vector<16xf32>
      %get3A_4399 = arith.constant 78 : i32
      %get3A_4400 = arith.index_cast %get3A_4399 : i32 to index
      %get3A_4401 = arith.constant 32 : index
      %get3A_4402 = tpu.vector_load %arg7[%get3A_4400, %get3A_4401] {strides = array<i32>} : memref<100x64xf32, #tpu.memory_space<vmem>>, vector<1x16xf32>,
      %get3A_4403 = vector.shape_cast %get3A_4402 : vector<1x16xf32> to vector<16xf32>
      %add3A_4404 = arith.addf %add3A_4380, %get3A_4403 : vector<16xf32>
      %get3A_4405 = arith.constant 78 : i32
      %get3A_4406 = arith.index_cast %get3A_4405 : i32 to index
      %get3A_4407 = arith.constant 48 : index
      %get3A_4408 = tpu.vector_load %arg7[%get3A_4406, %get3A_4407] {strides = array<i32>} : memref<100x64xf32, #tpu.memory_space<vmem>>, vector<1x16xf32>,
      %get3A_4409 = vector.shape_cast %get3A_4408 : vector<1x16xf32> to vector<16xf32>
      %add3A_4410 = arith.addf %add3A_4386, %get3A_4409 : vector<16xf32>
      %get3A_4411 = arith.constant 79 : i32
      %get3A_4412 = arith.index_cast %get3A_4411 : i32 to index
      %get3A_4413 = arith.constant 0 : index
      %get3A_4414 = tpu.vector_load %arg7[%get3A_4412, %get3A_4413] {strides = array<i32>} : memref<100x64xf32, #tpu.memory_space<vmem>>, vector<1x16xf32>,
      %get3A_4415 = vector.shape_cast %get3A_4414 : vector<1x16xf32> to vector<16xf32>
      %add3A_4416 = arith.addf %add3A_4392, %get3A_4415 : vector<16xf32>
      %get3A_4417 = arith.constant 79 : i32
      %get3A_4418 = arith.index_cast %get3A_4417 : i32 to index
      %get3A_4419 = arith.constant 16 : index
      %get3A_4420 = tpu.vector_load %arg7[%get3A_4418, %get3A_4419] {strides = array<i32>} : memref<100x64xf32, #tpu.memory_space<vmem>>, vector<1x16xf32>,
      %get3A_4421 = vector.shape_cast %get3A_4420 : vector<1x16xf32> to vector<16xf32>
      %add3A_4422 = arith.addf %add3A_4398, %get3A_4421 : vector<16xf32>
      %get3A_4423 = arith.constant 79 : i32
      %get3A_4424 = arith.index_cast %get3A_4423 : i32 to index
      %get3A_4425 = arith.constant 32 : index
      %get3A_4426 = tpu.vector_load %arg7[%get3A_4424, %get3A_4425] {strides = array<i32>} : memref<100x64xf32, #tpu.memory_space<vmem>>, vector<1x16xf32>,
      %get3A_4427 = vector.shape_cast %get3A_4426 : vector<1x16xf32> to vector<16xf32>
      %add3A_4428 = arith.addf %add3A_4404, %get3A_4427 : vector<16xf32>
      %get3A_4429 = arith.constant 79 : i32
      %get3A_4430 = arith.index_cast %get3A_4429 : i32 to index
      %get3A_4431 = arith.constant 48 : index
      %get3A_4432 = tpu.vector_load %arg7[%get3A_4430, %get3A_4431] {strides = array<i32>} : memref<100x64xf32, #tpu.memory_space<vmem>>, vector<1x16xf32>,
      %get3A_4433 = vector.shape_cast %get3A_4432 : vector<1x16xf32> to vector<16xf32>
      %add3A_4434 = arith.addf %add3A_4410, %get3A_4433 : vector<16xf32>
      %get3A_4435 = arith.constant 80 : i32
      %get3A_4436 = arith.index_cast %get3A_4435 : i32 to index
      %get3A_4437 = arith.constant 0 : index
      %get3A_4438 = tpu.vector_load %arg7[%get3A_4436, %get3A_4437] {strides = array<i32>} : memref<100x64xf32, #tpu.memory_space<vmem>>, vector<1x16xf32>,
      %get3A_4439 = vector.shape_cast %get3A_4438 : vector<1x16xf32> to vector<16xf32>
      %add3A_4440 = arith.addf %add3A_4416, %get3A_4439 : vector<16xf32>
      %get3A_4441 = arith.constant 80 : i32
      %get3A_4442 = arith.index_cast %get3A_4441 : i32 to index
      %get3A_4443 = arith.constant 16 : index
      %get3A_4444 = tpu.vector_load %arg7[%get3A_4442, %get3A_4443] {strides = array<i32>} : memref<100x64xf32, #tpu.memory_space<vmem>>, vector<1x16xf32>,
      %get3A_4445 = vector.shape_cast %get3A_4444 : vector<1x16xf32> to vector<16xf32>
      %add3A_4446 = arith.addf %add3A_4422, %get3A_4445 : vector<16xf32>
      %get3A_4447 = arith.constant 80 : i32
      %get3A_4448 = arith.index_cast %get3A_4447 : i32 to index
      %get3A_4449 = arith.constant 32 : index
      %get3A_4450 = tpu.vector_load %arg7[%get3A_4448, %get3A_4449] {strides = array<i32>} : memref<100x64xf32, #tpu.memory_space<vmem>>, vector<1x16xf32>,
      %get3A_4451 = vector.shape_cast %get3A_4450 : vector<1x16xf32> to vector<16xf32>
      %add3A_4452 = arith.addf %add3A_4428, %get3A_4451 : vector<16xf32>
      %get3A_4453 = arith.constant 80 : i32
      %get3A_4454 = arith.index_cast %get3A_4453 : i32 to index
      %get3A_4455 = arith.constant 48 : index
      %get3A_4456 = tpu.vector_load %arg7[%get3A_4454, %get3A_4455] {strides = array<i32>} : memref<100x64xf32, #tpu.memory_space<vmem>>, vector<1x16xf32>,
      %get3A_4457 = vector.shape_cast %get3A_4456 : vector<1x16xf32> to vector<16xf32>
      %add3A_4458 = arith.addf %add3A_4434, %get3A_4457 : vector<16xf32>
      %get3A_4459 = arith.constant 81 : i32
      %get3A_4460 = arith.index_cast %get3A_4459 : i32 to index
      %get3A_4461 = arith.constant 0 : index
      %get3A_4462 = tpu.vector_load %arg7[%get3A_4460, %get3A_4461] {strides = array<i32>} : memref<100x64xf32, #tpu.memory_space<vmem>>, vector<1x16xf32>,
      %get3A_4463 = vector.shape_cast %get3A_4462 : vector<1x16xf32> to vector<16xf32>
      %add3A_4464 = arith.addf %add3A_4440, %get3A_4463 : vector<16xf32>
      %get3A_4465 = arith.constant 81 : i32
      %get3A_4466 = arith.index_cast %get3A_4465 : i32 to index
      %get3A_4467 = arith.constant 16 : index
      %get3A_4468 = tpu.vector_load %arg7[%get3A_4466, %get3A_4467] {strides = array<i32>} : memref<100x64xf32, #tpu.memory_space<vmem>>, vector<1x16xf32>,
      %get3A_4469 = vector.shape_cast %get3A_4468 : vector<1x16xf32> to vector<16xf32>
      %add3A_4470 = arith.addf %add3A_4446, %get3A_4469 : vector<16xf32>
      %get3A_4471 = arith.constant 81 : i32
      %get3A_4472 = arith.index_cast %get3A_4471 : i32 to index
      %get3A_4473 = arith.constant 32 : index
      %get3A_4474 = tpu.vector_load %arg7[%get3A_4472, %get3A_4473] {strides = array<i32>} : memref<100x64xf32, #tpu.memory_space<vmem>>, vector<1x16xf32>,
      %get3A_4475 = vector.shape_cast %get3A_4474 : vector<1x16xf32> to vector<16xf32>
      %add3A_4476 = arith.addf %add3A_4452, %get3A_4475 : vector<16xf32>
      %get3A_4477 = arith.constant 81 : i32
      %get3A_4478 = arith.index_cast %get3A_4477 : i32 to index
      %get3A_4479 = arith.constant 48 : index
      %get3A_4480 = tpu.vector_load %arg7[%get3A_4478, %get3A_4479] {strides = array<i32>} : memref<100x64xf32, #tpu.memory_space<vmem>>, vector<1x16xf32>,
      %get3A_4481 = vector.shape_cast %get3A_4480 : vector<1x16xf32> to vector<16xf32>
      %add3A_4482 = arith.addf %add3A_4458, %get3A_4481 : vector<16xf32>
      %get3A_4483 = arith.constant 82 : i32
      %get3A_4484 = arith.index_cast %get3A_4483 : i32 to index
      %get3A_4485 = arith.constant 0 : index
      %get3A_4486 = tpu.vector_load %arg7[%get3A_4484, %get3A_4485] {strides = array<i32>} : memref<100x64xf32, #tpu.memory_space<vmem>>, vector<1x16xf32>,
      %get3A_4487 = vector.shape_cast %get3A_4486 : vector<1x16xf32> to vector<16xf32>
      %add3A_4488 = arith.addf %add3A_4464, %get3A_4487 : vector<16xf32>
      %get3A_4489 = arith.constant 82 : i32
      %get3A_4490 = arith.index_cast %get3A_4489 : i32 to index
      %get3A_4491 = arith.constant 16 : index
      %get3A_4492 = tpu.vector_load %arg7[%get3A_4490, %get3A_4491] {strides = array<i32>} : memref<100x64xf32, #tpu.memory_space<vmem>>, vector<1x16xf32>,
      %get3A_4493 = vector.shape_cast %get3A_4492 : vector<1x16xf32> to vector<16xf32>
      %add3A_4494 = arith.addf %add3A_4470, %get3A_4493 : vector<16xf32>
      %get3A_4495 = arith.constant 82 : i32
      %get3A_4496 = arith.index_cast %get3A_4495 : i32 to index
      %get3A_4497 = arith.constant 32 : index
      %get3A_4498 = tpu.vector_load %arg7[%get3A_4496, %get3A_4497] {strides = array<i32>} : memref<100x64xf32, #tpu.memory_space<vmem>>, vector<1x16xf32>,
      %get3A_4499 = vector.shape_cast %get3A_4498 : vector<1x16xf32> to vector<16xf32>
      %add3A_4500 = arith.addf %add3A_4476, %get3A_4499 : vector<16xf32>
      %get3A_4501 = arith.constant 82 : i32
      %get3A_4502 = arith.index_cast %get3A_4501 : i32 to index
      %get3A_4503 = arith.constant 48 : index
      %get3A_4504 = tpu.vector_load %arg7[%get3A_4502, %get3A_4503] {strides = array<i32>} : memref<100x64xf32, #tpu.memory_space<vmem>>, vector<1x16xf32>,
      %get3A_4505 = vector.shape_cast %get3A_4504 : vector<1x16xf32> to vector<16xf32>
      %add3A_4506 = arith.addf %add3A_4482, %get3A_4505 : vector<16xf32>
      %get3A_4507 = arith.constant 83 : i32
      %get3A_4508 = arith.index_cast %get3A_4507 : i32 to index
      %get3A_4509 = arith.constant 0 : index
      %get3A_4510 = tpu.vector_load %arg7[%get3A_4508, %get3A_4509] {strides = array<i32>} : memref<100x64xf32, #tpu.memory_space<vmem>>, vector<1x16xf32>,
      %get3A_4511 = vector.shape_cast %get3A_4510 : vector<1x16xf32> to vector<16xf32>
      %add3A_4512 = arith.addf %add3A_4488, %get3A_4511 : vector<16xf32>
      %get3A_4513 = arith.constant 83 : i32
      %get3A_4514 = arith.index_cast %get3A_4513 : i32 to index
      %get3A_4515 = arith.constant 16 : index
      %get3A_4516 = tpu.vector_load %arg7[%get3A_4514, %get3A_4515] {strides = array<i32>} : memref<100x64xf32, #tpu.memory_space<vmem>>, vector<1x16xf32>,
      %get3A_4517 = vector.shape_cast %get3A_4516 : vector<1x16xf32> to vector<16xf32>
      %add3A_4518 = arith.addf %add3A_4494, %get3A_4517 : vector<16xf32>
      %get3A_4519 = arith.constant 83 : i32
      %get3A_4520 = arith.index_cast %get3A_4519 : i32 to index
      %get3A_4521 = arith.constant 32 : index
      %get3A_4522 = tpu.vector_load %arg7[%get3A_4520, %get3A_4521] {strides = array<i32>} : memref<100x64xf32, #tpu.memory_space<vmem>>, vector<1x16xf32>,
      %get3A_4523 = vector.shape_cast %get3A_4522 : vector<1x16xf32> to vector<16xf32>
      %add3A_4524 = arith.addf %add3A_4500, %get3A_4523 : vector<16xf32>
      %get3A_4525 = arith.constant 83 : i32
      %get3A_4526 = arith.index_cast %get3A_4525 : i32 to index
      %get3A_4527 = arith.constant 48 : index
      %get3A_4528 = tpu.vector_load %arg7[%get3A_4526, %get3A_4527] {strides = array<i32>} : memref<100x64xf32, #tpu.memory_space<vmem>>, vector<1x16xf32>,
      %get3A_4529 = vector.shape_cast %get3A_4528 : vector<1x16xf32> to vector<16xf32>
      %add3A_4530 = arith.addf %add3A_4506, %get3A_4529 : vector<16xf32>
      %get3A_4531 = arith.constant 84 : i32
      %get3A_4532 = arith.index_cast %get3A_4531 : i32 to index
      %get3A_4533 = arith.constant 0 : index
      %get3A_4534 = tpu.vector_load %arg7[%get3A_4532, %get3A_4533] {strides = array<i32>} : memref<100x64xf32, #tpu.memory_space<vmem>>, vector<1x16xf32>,
      %get3A_4535 = vector.shape_cast %get3A_4534 : vector<1x16xf32> to vector<16xf32>
      %add3A_4536 = arith.addf %add3A_4512, %get3A_4535 : vector<16xf32>
      %get3A_4537 = arith.constant 84 : i32
      %get3A_4538 = arith.index_cast %get3A_4537 : i32 to index
      %get3A_4539 = arith.constant 16 : index
      %get3A_4540 = tpu.vector_load %arg7[%get3A_4538, %get3A_4539] {strides = array<i32>} : memref<100x64xf32, #tpu.memory_space<vmem>>, vector<1x16xf32>,
      %get3A_4541 = vector.shape_cast %get3A_4540 : vector<1x16xf32> to vector<16xf32>
      %add3A_4542 = arith.addf %add3A_4518, %get3A_4541 : vector<16xf32>
      %get3A_4543 = arith.constant 84 : i32
      %get3A_4544 = arith.index_cast %get3A_4543 : i32 to index
      %get3A_4545 = arith.constant 32 : index
      %get3A_4546 = tpu.vector_load %arg7[%get3A_4544, %get3A_4545] {strides = array<i32>} : memref<100x64xf32, #tpu.memory_space<vmem>>, vector<1x16xf32>,
      %get3A_4547 = vector.shape_cast %get3A_4546 : vector<1x16xf32> to vector<16xf32>
      %add3A_4548 = arith.addf %add3A_4524, %get3A_4547 : vector<16xf32>
      %get3A_4549 = arith.constant 84 : i32
      %get3A_4550 = arith.index_cast %get3A_4549 : i32 to index
      %get3A_4551 = arith.constant 48 : index
      %get3A_4552 = tpu.vector_load %arg7[%get3A_4550, %get3A_4551] {strides = array<i32>} : memref<100x64xf32, #tpu.memory_space<vmem>>, vector<1x16xf32>,
      %get3A_4553 = vector.shape_cast %get3A_4552 : vector<1x16xf32> to vector<16xf32>
      %add3A_4554 = arith.addf %add3A_4530, %get3A_4553 : vector<16xf32>
      %get3A_4555 = arith.constant 85 : i32
      %get3A_4556 = arith.index_cast %get3A_4555 : i32 to index
      %get3A_4557 = arith.constant 0 : index
      %get3A_4558 = tpu.vector_load %arg7[%get3A_4556, %get3A_4557] {strides = array<i32>} : memref<100x64xf32, #tpu.memory_space<vmem>>, vector<1x16xf32>,
      %get3A_4559 = vector.shape_cast %get3A_4558 : vector<1x16xf32> to vector<16xf32>
      %add3A_4560 = arith.addf %add3A_4536, %get3A_4559 : vector<16xf32>
      %get3A_4561 = arith.constant 85 : i32
      %get3A_4562 = arith.index_cast %get3A_4561 : i32 to index
      %get3A_4563 = arith.constant 16 : index
      %get3A_4564 = tpu.vector_load %arg7[%get3A_4562, %get3A_4563] {strides = array<i32>} : memref<100x64xf32, #tpu.memory_space<vmem>>, vector<1x16xf32>,
      %get3A_4565 = vector.shape_cast %get3A_4564 : vector<1x16xf32> to vector<16xf32>
      %add3A_4566 = arith.addf %add3A_4542, %get3A_4565 : vector<16xf32>
      %get3A_4567 = arith.constant 85 : i32
      %get3A_4568 = arith.index_cast %get3A_4567 : i32 to index
      %get3A_4569 = arith.constant 32 : index
      %get3A_4570 = tpu.vector_load %arg7[%get3A_4568, %get3A_4569] {strides = array<i32>} : memref<100x64xf32, #tpu.memory_space<vmem>>, vector<1x16xf32>,
      %get3A_4571 = vector.shape_cast %get3A_4570 : vector<1x16xf32> to vector<16xf32>
      %add3A_4572 = arith.addf %add3A_4548, %get3A_4571 : vector<16xf32>
      %get3A_4573 = arith.constant 85 : i32
      %get3A_4574 = arith.index_cast %get3A_4573 : i32 to index
      %get3A_4575 = arith.constant 48 : index
      %get3A_4576 = tpu.vector_load %arg7[%get3A_4574, %get3A_4575] {strides = array<i32>} : memref<100x64xf32, #tpu.memory_space<vmem>>, vector<1x16xf32>,
      %get3A_4577 = vector.shape_cast %get3A_4576 : vector<1x16xf32> to vector<16xf32>
      %add3A_4578 = arith.addf %add3A_4554, %get3A_4577 : vector<16xf32>
      %get3A_4579 = arith.constant 86 : i32
      %get3A_4580 = arith.index_cast %get3A_4579 : i32 to index
      %get3A_4581 = arith.constant 0 : index
      %get3A_4582 = tpu.vector_load %arg7[%get3A_4580, %get3A_4581] {strides = array<i32>} : memref<100x64xf32, #tpu.memory_space<vmem>>, vector<1x16xf32>,
      %get3A_4583 = vector.shape_cast %get3A_4582 : vector<1x16xf32> to vector<16xf32>
      %add3A_4584 = arith.addf %add3A_4560, %get3A_4583 : vector<16xf32>
      %get3A_4585 = arith.constant 86 : i32
      %get3A_4586 = arith.index_cast %get3A_4585 : i32 to index
      %get3A_4587 = arith.constant 16 : index
      %get3A_4588 = tpu.vector_load %arg7[%get3A_4586, %get3A_4587] {strides = array<i32>} : memref<100x64xf32, #tpu.memory_space<vmem>>, vector<1x16xf32>,
      %get3A_4589 = vector.shape_cast %get3A_4588 : vector<1x16xf32> to vector<16xf32>
      %add3A_4590 = arith.addf %add3A_4566, %get3A_4589 : vector<16xf32>
      %get3A_4591 = arith.constant 86 : i32
      %get3A_4592 = arith.index_cast %get3A_4591 : i32 to index
      %get3A_4593 = arith.constant 32 : index
      %get3A_4594 = tpu.vector_load %arg7[%get3A_4592, %get3A_4593] {strides = array<i32>} : memref<100x64xf32, #tpu.memory_space<vmem>>, vector<1x16xf32>,
      %get3A_4595 = vector.shape_cast %get3A_4594 : vector<1x16xf32> to vector<16xf32>
      %add3A_4596 = arith.addf %add3A_4572, %get3A_4595 : vector<16xf32>
      %get3A_4597 = arith.constant 86 : i32
      %get3A_4598 = arith.index_cast %get3A_4597 : i32 to index
      %get3A_4599 = arith.constant 48 : index
      %get3A_4600 = tpu.vector_load %arg7[%get3A_4598, %get3A_4599] {strides = array<i32>} : memref<100x64xf32, #tpu.memory_space<vmem>>, vector<1x16xf32>,
      %get3A_4601 = vector.shape_cast %get3A_4600 : vector<1x16xf32> to vector<16xf32>
      %add3A_4602 = arith.addf %add3A_4578, %get3A_4601 : vector<16xf32>
      %get3A_4603 = arith.constant 87 : i32
      %get3A_4604 = arith.index_cast %get3A_4603 : i32 to index
      %get3A_4605 = arith.constant 0 : index
      %get3A_4606 = tpu.vector_load %arg7[%get3A_4604, %get3A_4605] {strides = array<i32>} : memref<100x64xf32, #tpu.memory_space<vmem>>, vector<1x16xf32>,
      %get3A_4607 = vector.shape_cast %get3A_4606 : vector<1x16xf32> to vector<16xf32>
      %add3A_4608 = arith.addf %add3A_4584, %get3A_4607 : vector<16xf32>
      %get3A_4609 = arith.constant 87 : i32
      %get3A_4610 = arith.index_cast %get3A_4609 : i32 to index
      %get3A_4611 = arith.constant 16 : index
      %get3A_4612 = tpu.vector_load %arg7[%get3A_4610, %get3A_4611] {strides = array<i32>} : memref<100x64xf32, #tpu.memory_space<vmem>>, vector<1x16xf32>,
      %get3A_4613 = vector.shape_cast %get3A_4612 : vector<1x16xf32> to vector<16xf32>
      %add3A_4614 = arith.addf %add3A_4590, %get3A_4613 : vector<16xf32>
      %get3A_4615 = arith.constant 87 : i32
      %get3A_4616 = arith.index_cast %get3A_4615 : i32 to index
      %get3A_4617 = arith.constant 32 : index
      %get3A_4618 = tpu.vector_load %arg7[%get3A_4616, %get3A_4617] {strides = array<i32>} : memref<100x64xf32, #tpu.memory_space<vmem>>, vector<1x16xf32>,
      %get3A_4619 = vector.shape_cast %get3A_4618 : vector<1x16xf32> to vector<16xf32>
      %add3A_4620 = arith.addf %add3A_4596, %get3A_4619 : vector<16xf32>
      %get3A_4621 = arith.constant 87 : i32
      %get3A_4622 = arith.index_cast %get3A_4621 : i32 to index
      %get3A_4623 = arith.constant 48 : index
      %get3A_4624 = tpu.vector_load %arg7[%get3A_4622, %get3A_4623] {strides = array<i32>} : memref<100x64xf32, #tpu.memory_space<vmem>>, vector<1x16xf32>,
      %get3A_4625 = vector.shape_cast %get3A_4624 : vector<1x16xf32> to vector<16xf32>
      %add3A_4626 = arith.addf %add3A_4602, %get3A_4625 : vector<16xf32>
      %get3A_4627 = arith.constant 88 : i32
      %get3A_4628 = arith.index_cast %get3A_4627 : i32 to index
      %get3A_4629 = arith.constant 0 : index
      %get3A_4630 = tpu.vector_load %arg7[%get3A_4628, %get3A_4629] {strides = array<i32>} : memref<100x64xf32, #tpu.memory_space<vmem>>, vector<1x16xf32>,
      %get3A_4631 = vector.shape_cast %get3A_4630 : vector<1x16xf32> to vector<16xf32>
      %add3A_4632 = arith.addf %add3A_4608, %get3A_4631 : vector<16xf32>
      %get3A_4633 = arith.constant 88 : i32
      %get3A_4634 = arith.index_cast %get3A_4633 : i32 to index
      %get3A_4635 = arith.constant 16 : index
      %get3A_4636 = tpu.vector_load %arg7[%get3A_4634, %get3A_4635] {strides = array<i32>} : memref<100x64xf32, #tpu.memory_space<vmem>>, vector<1x16xf32>,
      %get3A_4637 = vector.shape_cast %get3A_4636 : vector<1x16xf32> to vector<16xf32>
      %add3A_4638 = arith.addf %add3A_4614, %get3A_4637 : vector<16xf32>
      %get3A_4639 = arith.constant 88 : i32
      %get3A_4640 = arith.index_cast %get3A_4639 : i32 to index
      %get3A_4641 = arith.constant 32 : index
      %get3A_4642 = tpu.vector_load %arg7[%get3A_4640, %get3A_4641] {strides = array<i32>} : memref<100x64xf32, #tpu.memory_space<vmem>>, vector<1x16xf32>,
      %get3A_4643 = vector.shape_cast %get3A_4642 : vector<1x16xf32> to vector<16xf32>
      %add3A_4644 = arith.addf %add3A_4620, %get3A_4643 : vector<16xf32>
      %get3A_4645 = arith.constant 88 : i32
      %get3A_4646 = arith.index_cast %get3A_4645 : i32 to index
      %get3A_4647 = arith.constant 48 : index
      %get3A_4648 = tpu.vector_load %arg7[%get3A_4646, %get3A_4647] {strides = array<i32>} : memref<100x64xf32, #tpu.memory_space<vmem>>, vector<1x16xf32>,
      %get3A_4649 = vector.shape_cast %get3A_4648 : vector<1x16xf32> to vector<16xf32>
      %add3A_4650 = arith.addf %add3A_4626, %get3A_4649 : vector<16xf32>
      %get3A_4651 = arith.constant 89 : i32
      %get3A_4652 = arith.index_cast %get3A_4651 : i32 to index
      %get3A_4653 = arith.constant 0 : index
      %get3A_4654 = tpu.vector_load %arg7[%get3A_4652, %get3A_4653] {strides = array<i32>} : memref<100x64xf32, #tpu.memory_space<vmem>>, vector<1x16xf32>,
      %get3A_4655 = vector.shape_cast %get3A_4654 : vector<1x16xf32> to vector<16xf32>
      %add3A_4656 = arith.addf %add3A_4632, %get3A_4655 : vector<16xf32>
      %get3A_4657 = arith.constant 89 : i32
      %get3A_4658 = arith.index_cast %get3A_4657 : i32 to index
      %get3A_4659 = arith.constant 16 : index
      %get3A_4660 = tpu.vector_load %arg7[%get3A_4658, %get3A_4659] {strides = array<i32>} : memref<100x64xf32, #tpu.memory_space<vmem>>, vector<1x16xf32>,
      %get3A_4661 = vector.shape_cast %get3A_4660 : vector<1x16xf32> to vector<16xf32>
      %add3A_4662 = arith.addf %add3A_4638, %get3A_4661 : vector<16xf32>
      %get3A_4663 = arith.constant 89 : i32
      %get3A_4664 = arith.index_cast %get3A_4663 : i32 to index
      %get3A_4665 = arith.constant 32 : index
      %get3A_4666 = tpu.vector_load %arg7[%get3A_4664, %get3A_4665] {strides = array<i32>} : memref<100x64xf32, #tpu.memory_space<vmem>>, vector<1x16xf32>,
      %get3A_4667 = vector.shape_cast %get3A_4666 : vector<1x16xf32> to vector<16xf32>
      %add3A_4668 = arith.addf %add3A_4644, %get3A_4667 : vector<16xf32>
      %get3A_4669 = arith.constant 89 : i32
      %get3A_4670 = arith.index_cast %get3A_4669 : i32 to index
      %get3A_4671 = arith.constant 48 : index
      %get3A_4672 = tpu.vector_load %arg7[%get3A_4670, %get3A_4671] {strides = array<i32>} : memref<100x64xf32, #tpu.memory_space<vmem>>, vector<1x16xf32>,
      %get3A_4673 = vector.shape_cast %get3A_4672 : vector<1x16xf32> to vector<16xf32>
      %add3A_4674 = arith.addf %add3A_4650, %get3A_4673 : vector<16xf32>
      %get3A_4675 = arith.constant 90 : i32
      %get3A_4676 = arith.index_cast %get3A_4675 : i32 to index
      %get3A_4677 = arith.constant 0 : index
      %get3A_4678 = tpu.vector_load %arg7[%get3A_4676, %get3A_4677] {strides = array<i32>} : memref<100x64xf32, #tpu.memory_space<vmem>>, vector<1x16xf32>,
      %get3A_4679 = vector.shape_cast %get3A_4678 : vector<1x16xf32> to vector<16xf32>
      %add3A_4680 = arith.addf %add3A_4656, %get3A_4679 : vector<16xf32>
      %get3A_4681 = arith.constant 90 : i32
      %get3A_4682 = arith.index_cast %get3A_4681 : i32 to index
      %get3A_4683 = arith.constant 16 : index
      %get3A_4684 = tpu.vector_load %arg7[%get3A_4682, %get3A_4683] {strides = array<i32>} : memref<100x64xf32, #tpu.memory_space<vmem>>, vector<1x16xf32>,
      %get3A_4685 = vector.shape_cast %get3A_4684 : vector<1x16xf32> to vector<16xf32>
      %add3A_4686 = arith.addf %add3A_4662, %get3A_4685 : vector<16xf32>
      %get3A_4687 = arith.constant 90 : i32
      %get3A_4688 = arith.index_cast %get3A_4687 : i32 to index
      %get3A_4689 = arith.constant 32 : index
      %get3A_4690 = tpu.vector_load %arg7[%get3A_4688, %get3A_4689] {strides = array<i32>} : memref<100x64xf32, #tpu.memory_space<vmem>>, vector<1x16xf32>,
      %get3A_4691 = vector.shape_cast %get3A_4690 : vector<1x16xf32> to vector<16xf32>
      %add3A_4692 = arith.addf %add3A_4668, %get3A_4691 : vector<16xf32>
      %get3A_4693 = arith.constant 90 : i32
      %get3A_4694 = arith.index_cast %get3A_4693 : i32 to index
      %get3A_4695 = arith.constant 48 : index
      %get3A_4696 = tpu.vector_load %arg7[%get3A_4694, %get3A_4695] {strides = array<i32>} : memref<100x64xf32, #tpu.memory_space<vmem>>, vector<1x16xf32>,
      %get3A_4697 = vector.shape_cast %get3A_4696 : vector<1x16xf32> to vector<16xf32>
      %add3A_4698 = arith.addf %add3A_4674, %get3A_4697 : vector<16xf32>
      %get3A_4699 = arith.constant 91 : i32
      %get3A_4700 = arith.index_cast %get3A_4699 : i32 to index
      %get3A_4701 = arith.constant 0 : index
      %get3A_4702 = tpu.vector_load %arg7[%get3A_4700, %get3A_4701] {strides = array<i32>} : memref<100x64xf32, #tpu.memory_space<vmem>>, vector<1x16xf32>,
      %get3A_4703 = vector.shape_cast %get3A_4702 : vector<1x16xf32> to vector<16xf32>
      %add3A_4704 = arith.addf %add3A_4680, %get3A_4703 : vector<16xf32>
      %get3A_4705 = arith.constant 91 : i32
      %get3A_4706 = arith.index_cast %get3A_4705 : i32 to index
      %get3A_4707 = arith.constant 16 : index
      %get3A_4708 = tpu.vector_load %arg7[%get3A_4706, %get3A_4707] {strides = array<i32>} : memref<100x64xf32, #tpu.memory_space<vmem>>, vector<1x16xf32>,
      %get3A_4709 = vector.shape_cast %get3A_4708 : vector<1x16xf32> to vector<16xf32>
      %add3A_4710 = arith.addf %add3A_4686, %get3A_4709 : vector<16xf32>
      %get3A_4711 = arith.constant 91 : i32
      %get3A_4712 = arith.index_cast %get3A_4711 : i32 to index
      %get3A_4713 = arith.constant 32 : index
      %get3A_4714 = tpu.vector_load %arg7[%get3A_4712, %get3A_4713] {strides = array<i32>} : memref<100x64xf32, #tpu.memory_space<vmem>>, vector<1x16xf32>,
      %get3A_4715 = vector.shape_cast %get3A_4714 : vector<1x16xf32> to vector<16xf32>
      %add3A_4716 = arith.addf %add3A_4692, %get3A_4715 : vector<16xf32>
      %get3A_4717 = arith.constant 91 : i32
      %get3A_4718 = arith.index_cast %get3A_4717 : i32 to index
      %get3A_4719 = arith.constant 48 : index
      %get3A_4720 = tpu.vector_load %arg7[%get3A_4718, %get3A_4719] {strides = array<i32>} : memref<100x64xf32, #tpu.memory_space<vmem>>, vector<1x16xf32>,
      %get3A_4721 = vector.shape_cast %get3A_4720 : vector<1x16xf32> to vector<16xf32>
      %add3A_4722 = arith.addf %add3A_4698, %get3A_4721 : vector<16xf32>
      %get3A_4723 = arith.constant 92 : i32
      %get3A_4724 = arith.index_cast %get3A_4723 : i32 to index
      %get3A_4725 = arith.constant 0 : index
      %get3A_4726 = tpu.vector_load %arg7[%get3A_4724, %get3A_4725] {strides = array<i32>} : memref<100x64xf32, #tpu.memory_space<vmem>>, vector<1x16xf32>,
      %get3A_4727 = vector.shape_cast %get3A_4726 : vector<1x16xf32> to vector<16xf32>
      %add3A_4728 = arith.addf %add3A_4704, %get3A_4727 : vector<16xf32>
      %get3A_4729 = arith.constant 92 : i32
      %get3A_4730 = arith.index_cast %get3A_4729 : i32 to index
      %get3A_4731 = arith.constant 16 : index
      %get3A_4732 = tpu.vector_load %arg7[%get3A_4730, %get3A_4731] {strides = array<i32>} : memref<100x64xf32, #tpu.memory_space<vmem>>, vector<1x16xf32>,
      %get3A_4733 = vector.shape_cast %get3A_4732 : vector<1x16xf32> to vector<16xf32>
      %add3A_4734 = arith.addf %add3A_4710, %get3A_4733 : vector<16xf32>
      %get3A_4735 = arith.constant 92 : i32
      %get3A_4736 = arith.index_cast %get3A_4735 : i32 to index
      %get3A_4737 = arith.constant 32 : index
      %get3A_4738 = tpu.vector_load %arg7[%get3A_4736, %get3A_4737] {strides = array<i32>} : memref<100x64xf32, #tpu.memory_space<vmem>>, vector<1x16xf32>,
      %get3A_4739 = vector.shape_cast %get3A_4738 : vector<1x16xf32> to vector<16xf32>
      %add3A_4740 = arith.addf %add3A_4716, %get3A_4739 : vector<16xf32>
      %get3A_4741 = arith.constant 92 : i32
      %get3A_4742 = arith.index_cast %get3A_4741 : i32 to index
      %get3A_4743 = arith.constant 48 : index
      %get3A_4744 = tpu.vector_load %arg7[%get3A_4742, %get3A_4743] {strides = array<i32>} : memref<100x64xf32, #tpu.memory_space<vmem>>, vector<1x16xf32>,
      %get3A_4745 = vector.shape_cast %get3A_4744 : vector<1x16xf32> to vector<16xf32>
      %add3A_4746 = arith.addf %add3A_4722, %get3A_4745 : vector<16xf32>
      %get3A_4747 = arith.constant 93 : i32
      %get3A_4748 = arith.index_cast %get3A_4747 : i32 to index
      %get3A_4749 = arith.constant 0 : index
      %get3A_4750 = tpu.vector_load %arg7[%get3A_4748, %get3A_4749] {strides = array<i32>} : memref<100x64xf32, #tpu.memory_space<vmem>>, vector<1x16xf32>,
      %get3A_4751 = vector.shape_cast %get3A_4750 : vector<1x16xf32> to vector<16xf32>
      %add3A_4752 = arith.addf %add3A_4728, %get3A_4751 : vector<16xf32>
      %get3A_4753 = arith.constant 93 : i32
      %get3A_4754 = arith.index_cast %get3A_4753 : i32 to index
      %get3A_4755 = arith.constant 16 : index
      %get3A_4756 = tpu.vector_load %arg7[%get3A_4754, %get3A_4755] {strides = array<i32>} : memref<100x64xf32, #tpu.memory_space<vmem>>, vector<1x16xf32>,
      %get3A_4757 = vector.shape_cast %get3A_4756 : vector<1x16xf32> to vector<16xf32>
      %add3A_4758 = arith.addf %add3A_4734, %get3A_4757 : vector<16xf32>
      %get3A_4759 = arith.constant 93 : i32
      %get3A_4760 = arith.index_cast %get3A_4759 : i32 to index
      %get3A_4761 = arith.constant 32 : index
      %get3A_4762 = tpu.vector_load %arg7[%get3A_4760, %get3A_4761] {strides = array<i32>} : memref<100x64xf32, #tpu.memory_space<vmem>>, vector<1x16xf32>,
      %get3A_4763 = vector.shape_cast %get3A_4762 : vector<1x16xf32> to vector<16xf32>
      %add3A_4764 = arith.addf %add3A_4740, %get3A_4763 : vector<16xf32>
      %get3A_4765 = arith.constant 93 : i32
      %get3A_4766 = arith.index_cast %get3A_4765 : i32 to index
      %get3A_4767 = arith.constant 48 : index
      %get3A_4768 = tpu.vector_load %arg7[%get3A_4766, %get3A_4767] {strides = array<i32>} : memref<100x64xf32, #tpu.memory_space<vmem>>, vector<1x16xf32>,
      %get3A_4769 = vector.shape_cast %get3A_4768 : vector<1x16xf32> to vector<16xf32>
      %add3A_4770 = arith.addf %add3A_4746, %get3A_4769 : vector<16xf32>
      %get3A_4771 = arith.constant 94 : i32
      %get3A_4772 = arith.index_cast %get3A_4771 : i32 to index
      %get3A_4773 = arith.constant 0 : index
      %get3A_4774 = tpu.vector_load %arg7[%get3A_4772, %get3A_4773] {strides = array<i32>} : memref<100x64xf32, #tpu.memory_space<vmem>>, vector<1x16xf32>,
      %get3A_4775 = vector.shape_cast %get3A_4774 : vector<1x16xf32> to vector<16xf32>
      %add3A_4776 = arith.addf %add3A_4752, %get3A_4775 : vector<16xf32>
      %get3A_4777 = arith.constant 94 : i32
      %get3A_4778 = arith.index_cast %get3A_4777 : i32 to index
      %get3A_4779 = arith.constant 16 : index
      %get3A_4780 = tpu.vector_load %arg7[%get3A_4778, %get3A_4779] {strides = array<i32>} : memref<100x64xf32, #tpu.memory_space<vmem>>, vector<1x16xf32>,
      %get3A_4781 = vector.shape_cast %get3A_4780 : vector<1x16xf32> to vector<16xf32>
      %add3A_4782 = arith.addf %add3A_4758, %get3A_4781 : vector<16xf32>
      %get3A_4783 = arith.constant 94 : i32
      %get3A_4784 = arith.index_cast %get3A_4783 : i32 to index
      %get3A_4785 = arith.constant 32 : index
      %get3A_4786 = tpu.vector_load %arg7[%get3A_4784, %get3A_4785] {strides = array<i32>} : memref<100x64xf32, #tpu.memory_space<vmem>>, vector<1x16xf32>,
      %get3A_4787 = vector.shape_cast %get3A_4786 : vector<1x16xf32> to vector<16xf32>
      %add3A_4788 = arith.addf %add3A_4764, %get3A_4787 : vector<16xf32>
      %get3A_4789 = arith.constant 94 : i32
      %get3A_4790 = arith.index_cast %get3A_4789 : i32 to index
      %get3A_4791 = arith.constant 48 : index
      %get3A_4792 = tpu.vector_load %arg7[%get3A_4790, %get3A_4791] {strides = array<i32>} : memref<100x64xf32, #tpu.memory_space<vmem>>, vector<1x16xf32>,
      %get3A_4793 = vector.shape_cast %get3A_4792 : vector<1x16xf32> to vector<16xf32>
      %add3A_4794 = arith.addf %add3A_4770, %get3A_4793 : vector<16xf32>
      %get3A_4795 = arith.constant 95 : i32
      %get3A_4796 = arith.index_cast %get3A_4795 : i32 to index
      %get3A_4797 = arith.constant 0 : index
      %get3A_4798 = tpu.vector_load %arg7[%get3A_4796, %get3A_4797] {strides = array<i32>} : memref<100x64xf32, #tpu.memory_space<vmem>>, vector<1x16xf32>,
      %get3A_4799 = vector.shape_cast %get3A_4798 : vector<1x16xf32> to vector<16xf32>
      %add3A_4800 = arith.addf %add3A_4776, %get3A_4799 : vector<16xf32>
      %get3A_4801 = arith.constant 95 : i32
      %get3A_4802 = arith.index_cast %get3A_4801 : i32 to index
      %get3A_4803 = arith.constant 16 : index
      %get3A_4804 = tpu.vector_load %arg7[%get3A_4802, %get3A_4803] {strides = array<i32>} : memref<100x64xf32, #tpu.memory_space<vmem>>, vector<1x16xf32>,
      %get3A_4805 = vector.shape_cast %get3A_4804 : vector<1x16xf32> to vector<16xf32>
      %add3A_4806 = arith.addf %add3A_4782, %get3A_4805 : vector<16xf32>
      %get3A_4807 = arith.constant 95 : i32
      %get3A_4808 = arith.index_cast %get3A_4807 : i32 to index
      %get3A_4809 = arith.constant 32 : index
      %get3A_4810 = tpu.vector_load %arg7[%get3A_4808, %get3A_4809] {strides = array<i32>} : memref<100x64xf32, #tpu.memory_space<vmem>>, vector<1x16xf32>,
      %get3A_4811 = vector.shape_cast %get3A_4810 : vector<1x16xf32> to vector<16xf32>
      %add3A_4812 = arith.addf %add3A_4788, %get3A_4811 : vector<16xf32>
      %get3A_4813 = arith.constant 95 : i32
      %get3A_4814 = arith.index_cast %get3A_4813 : i32 to index
      %get3A_4815 = arith.constant 48 : index
      %get3A_4816 = tpu.vector_load %arg7[%get3A_4814, %get3A_4815] {strides = array<i32>} : memref<100x64xf32, #tpu.memory_space<vmem>>, vector<1x16xf32>,
      %get3A_4817 = vector.shape_cast %get3A_4816 : vector<1x16xf32> to vector<16xf32>
      %add3A_4818 = arith.addf %add3A_4794, %get3A_4817 : vector<16xf32>
      %get3A_4819 = arith.constant 96 : i32
      %get3A_4820 = arith.index_cast %get3A_4819 : i32 to index
      %get3A_4821 = arith.constant 0 : index
      %get3A_4822 = tpu.vector_load %arg7[%get3A_4820, %get3A_4821] {strides = array<i32>} : memref<100x64xf32, #tpu.memory_space<vmem>>, vector<1x16xf32>,
      %get3A_4823 = vector.shape_cast %get3A_4822 : vector<1x16xf32> to vector<16xf32>
      %add3A_4824 = arith.addf %add3A_4800, %get3A_4823 : vector<16xf32>
      %get3A_4825 = arith.constant 96 : i32
      %get3A_4826 = arith.index_cast %get3A_4825 : i32 to index
      %get3A_4827 = arith.constant 16 : index
      %get3A_4828 = tpu.vector_load %arg7[%get3A_4826, %get3A_4827] {strides = array<i32>} : memref<100x64xf32, #tpu.memory_space<vmem>>, vector<1x16xf32>,
      %get3A_4829 = vector.shape_cast %get3A_4828 : vector<1x16xf32> to vector<16xf32>
      %add3A_4830 = arith.addf %add3A_4806, %get3A_4829 : vector<16xf32>
      %get3A_4831 = arith.constant 96 : i32
      %get3A_4832 = arith.index_cast %get3A_4831 : i32 to index
      %get3A_4833 = arith.constant 32 : index
      %get3A_4834 = tpu.vector_load %arg7[%get3A_4832, %get3A_4833] {strides = array<i32>} : memref<100x64xf32, #tpu.memory_space<vmem>>, vector<1x16xf32>,
      %get3A_4835 = vector.shape_cast %get3A_4834 : vector<1x16xf32> to vector<16xf32>
      %add3A_4836 = arith.addf %add3A_4812, %get3A_4835 : vector<16xf32>
      %get3A_4837 = arith.constant 96 : i32
      %get3A_4838 = arith.index_cast %get3A_4837 : i32 to index
      %get3A_4839 = arith.constant 48 : index
      %get3A_4840 = tpu.vector_load %arg7[%get3A_4838, %get3A_4839] {strides = array<i32>} : memref<100x64xf32, #tpu.memory_space<vmem>>, vector<1x16xf32>,
      %get3A_4841 = vector.shape_cast %get3A_4840 : vector<1x16xf32> to vector<16xf32>
      %add3A_4842 = arith.addf %add3A_4818, %get3A_4841 : vector<16xf32>
      %get3A_4843 = arith.constant 97 : i32
      %get3A_4844 = arith.index_cast %get3A_4843 : i32 to index
      %get3A_4845 = arith.constant 0 : index
      %get3A_4846 = tpu.vector_load %arg7[%get3A_4844, %get3A_4845] {strides = array<i32>} : memref<100x64xf32, #tpu.memory_space<vmem>>, vector<1x16xf32>,
      %get3A_4847 = vector.shape_cast %get3A_4846 : vector<1x16xf32> to vector<16xf32>
      %add3A_4848 = arith.addf %add3A_4824, %get3A_4847 : vector<16xf32>
      %get3A_4849 = arith.constant 97 : i32
      %get3A_4850 = arith.index_cast %get3A_4849 : i32 to index
      %get3A_4851 = arith.constant 16 : index
      %get3A_4852 = tpu.vector_load %arg7[%get3A_4850, %get3A_4851] {strides = array<i32>} : memref<100x64xf32, #tpu.memory_space<vmem>>, vector<1x16xf32>,
      %get3A_4853 = vector.shape_cast %get3A_4852 : vector<1x16xf32> to vector<16xf32>
      %add3A_4854 = arith.addf %add3A_4830, %get3A_4853 : vector<16xf32>
      %get3A_4855 = arith.constant 97 : i32
      %get3A_4856 = arith.index_cast %get3A_4855 : i32 to index
      %get3A_4857 = arith.constant 32 : index
      %get3A_4858 = tpu.vector_load %arg7[%get3A_4856, %get3A_4857] {strides = array<i32>} : memref<100x64xf32, #tpu.memory_space<vmem>>, vector<1x16xf32>,
      %get3A_4859 = vector.shape_cast %get3A_4858 : vector<1x16xf32> to vector<16xf32>
      %add3A_4860 = arith.addf %add3A_4836, %get3A_4859 : vector<16xf32>
      %get3A_4861 = arith.constant 97 : i32
      %get3A_4862 = arith.index_cast %get3A_4861 : i32 to index
      %get3A_4863 = arith.constant 48 : index
      %get3A_4864 = tpu.vector_load %arg7[%get3A_4862, %get3A_4863] {strides = array<i32>} : memref<100x64xf32, #tpu.memory_space<vmem>>, vector<1x16xf32>,
      %get3A_4865 = vector.shape_cast %get3A_4864 : vector<1x16xf32> to vector<16xf32>
      %add3A_4866 = arith.addf %add3A_4842, %get3A_4865 : vector<16xf32>
      %get3A_4867 = arith.constant 98 : i32
      %get3A_4868 = arith.index_cast %get3A_4867 : i32 to index
      %get3A_4869 = arith.constant 0 : index
      %get3A_4870 = tpu.vector_load %arg7[%get3A_4868, %get3A_4869] {strides = array<i32>} : memref<100x64xf32, #tpu.memory_space<vmem>>, vector<1x16xf32>,
      %get3A_4871 = vector.shape_cast %get3A_4870 : vector<1x16xf32> to vector<16xf32>
      %add3A_4872 = arith.addf %add3A_4848, %get3A_4871 : vector<16xf32>
      %get3A_4873 = arith.constant 98 : i32
      %get3A_4874 = arith.index_cast %get3A_4873 : i32 to index
      %get3A_4875 = arith.constant 16 : index
      %get3A_4876 = tpu.vector_load %arg7[%get3A_4874, %get3A_4875] {strides = array<i32>} : memref<100x64xf32, #tpu.memory_space<vmem>>, vector<1x16xf32>,
      %get3A_4877 = vector.shape_cast %get3A_4876 : vector<1x16xf32> to vector<16xf32>
      %add3A_4878 = arith.addf %add3A_4854, %get3A_4877 : vector<16xf32>
      %get3A_4879 = arith.constant 98 : i32
      %get3A_4880 = arith.index_cast %get3A_4879 : i32 to index
      %get3A_4881 = arith.constant 32 : index
      %get3A_4882 = tpu.vector_load %arg7[%get3A_4880, %get3A_4881] {strides = array<i32>} : memref<100x64xf32, #tpu.memory_space<vmem>>, vector<1x16xf32>,
      %get3A_4883 = vector.shape_cast %get3A_4882 : vector<1x16xf32> to vector<16xf32>
      %add3A_4884 = arith.addf %add3A_4860, %get3A_4883 : vector<16xf32>
      %get3A_4885 = arith.constant 98 : i32
      %get3A_4886 = arith.index_cast %get3A_4885 : i32 to index
      %get3A_4887 = arith.constant 48 : index
      %get3A_4888 = tpu.vector_load %arg7[%get3A_4886, %get3A_4887] {strides = array<i32>} : memref<100x64xf32, #tpu.memory_space<vmem>>, vector<1x16xf32>,
      %get3A_4889 = vector.shape_cast %get3A_4888 : vector<1x16xf32> to vector<16xf32>
      %add3A_4890 = arith.addf %add3A_4866, %get3A_4889 : vector<16xf32>
      %get3A_4891 = arith.constant 99 : i32
      %get3A_4892 = arith.index_cast %get3A_4891 : i32 to index
      %get3A_4893 = arith.constant 0 : index
      %get3A_4894 = tpu.vector_load %arg7[%get3A_4892, %get3A_4893] {strides = array<i32>} : memref<100x64xf32, #tpu.memory_space<vmem>>, vector<1x16xf32>,
      %get3A_4895 = vector.shape_cast %get3A_4894 : vector<1x16xf32> to vector<16xf32>
      %add3A_4896 = arith.addf %add3A_4872, %get3A_4895 : vector<16xf32>
      %get3A_4897 = arith.constant 99 : i32
      %get3A_4898 = arith.index_cast %get3A_4897 : i32 to index
      %get3A_4899 = arith.constant 16 : index
      %get3A_4900 = tpu.vector_load %arg7[%get3A_4898, %get3A_4899] {strides = array<i32>} : memref<100x64xf32, #tpu.memory_space<vmem>>, vector<1x16xf32>,
      %get3A_4901 = vector.shape_cast %get3A_4900 : vector<1x16xf32> to vector<16xf32>
      %add3A_4902 = arith.addf %add3A_4878, %get3A_4901 : vector<16xf32>
      %get3A_4903 = arith.constant 99 : i32
      %get3A_4904 = arith.index_cast %get3A_4903 : i32 to index
      %get3A_4905 = arith.constant 32 : index
      %get3A_4906 = tpu.vector_load %arg7[%get3A_4904, %get3A_4905] {strides = array<i32>} : memref<100x64xf32, #tpu.memory_space<vmem>>, vector<1x16xf32>,
      %get3A_4907 = vector.shape_cast %get3A_4906 : vector<1x16xf32> to vector<16xf32>
      %add3A_4908 = arith.addf %add3A_4884, %get3A_4907 : vector<16xf32>
      %get3A_4909 = arith.constant 99 : i32
      %get3A_4910 = arith.index_cast %get3A_4909 : i32 to index
      %get3A_4911 = arith.constant 48 : index
      %get3A_4912 = tpu.vector_load %arg7[%get3A_4910, %get3A_4911] {strides = array<i32>} : memref<100x64xf32, #tpu.memory_space<vmem>>, vector<1x16xf32>,
      %get3A_4913 = vector.shape_cast %get3A_4912 : vector<1x16xf32> to vector<16xf32>
      %add3A_4914 = arith.addf %add3A_4890, %get3A_4913 : vector<16xf32>
      %add3A_4915 = arith.constant 1 : i32
      %add3A_4916 = arith.addi %add3A_2494, %add3A_4915 : i32
      %swap3A_4917 = arith.index_cast %add3A_4916 : i32 to index
      %swap3A_4918 = arith.constant 0 : index
      %swap3A_4919 = tpu.vector_load %arg8[%swap3A_4917, %swap3A_4918] {strides = array<i32>} : memref<128x64xf32, #tpu.memory_space<vmem>>, vector<1x16xf32>,
      %swap3A_4920 = vector.shape_cast %swap3A_4919 : vector<1x16xf32> to vector<16xf32>
      %swap3A_4921 = vector.shape_cast %add3A_4896 : vector<16xf32> to vector<1x16xf32>
      tpu.vector_store %arg8[%swap3A_4917, %swap3A_4918], %swap3A_4921 {strides = array<i32>} : memref<128x64xf32, #tpu.memory_space<vmem>>, vector<1x16xf32>,
      %add3A_4922 = arith.constant 1 : i32
      %add3A_4923 = arith.addi %add3A_2494, %add3A_4922 : i32
      %swap3A_4924 = arith.index_cast %add3A_4923 : i32 to index
      %swap3A_4925 = arith.constant 16 : index
      %swap3A_4926 = tpu.vector_load %arg8[%swap3A_4924, %swap3A_4925] {strides = array<i32>} : memref<128x64xf32, #tpu.memory_space<vmem>>, vector<1x16xf32>,
      %swap3A_4927 = vector.shape_cast %swap3A_4926 : vector<1x16xf32> to vector<16xf32>
      %swap3A_4928 = vector.shape_cast %add3A_4902 : vector<16xf32> to vector<1x16xf32>
      tpu.vector_store %arg8[%swap3A_4924, %swap3A_4925], %swap3A_4928 {strides = array<i32>} : memref<128x64xf32, #tpu.memory_space<vmem>>, vector<1x16xf32>,
      %add3A_4929 = arith.constant 1 : i32
      %add3A_4930 = arith.addi %add3A_2494, %add3A_4929 : i32
      %swap3A_4931 = arith.index_cast %add3A_4930 : i32 to index
      %swap3A_4932 = arith.constant 32 : index
      %swap3A_4933 = tpu.vector_load %arg8[%swap3A_4931, %swap3A_4932] {strides = array<i32>} : memref<128x64xf32, #tpu.memory_space<vmem>>, vector<1x16xf32>,
      %swap3A_4934 = vector.shape_cast %swap3A_4933 : vector<1x16xf32> to vector<16xf32>
      %swap3A_4935 = vector.shape_cast %add3A_4908 : vector<16xf32> to vector<1x16xf32>
      tpu.vector_store %arg8[%swap3A_4931, %swap3A_4932], %swap3A_4935 {strides = array<i32>} : memref<128x64xf32, #tpu.memory_space<vmem>>, vector<1x16xf32>,
      %add3A_4936 = arith.constant 1 : i32
      %add3A_4937 = arith.addi %add3A_2494, %add3A_4936 : i32
      %swap3A_4938 = arith.index_cast %add3A_4937 : i32 to index
      %swap3A_4939 = arith.constant 48 : index
      %swap3A_4940 = tpu.vector_load %arg8[%swap3A_4938, %swap3A_4939] {strides = array<i32>} : memref<128x64xf32, #tpu.memory_space<vmem>>, vector<1x16xf32>,
      %swap3A_4941 = vector.shape_cast %swap3A_4940 : vector<1x16xf32> to vector<16xf32>
      %swap3A_4942 = vector.shape_cast %add3A_4914 : vector<16xf32> to vector<1x16xf32>
      tpu.vector_store %arg8[%swap3A_4938, %swap3A_4939], %swap3A_4942 {strides = array<i32>} : memref<128x64xf32, #tpu.memory_space<vmem>>, vector<1x16xf32>,
      %lt3A_4943 = arith.constant 31 : i32
      %lt3A_4944 = arith.cmpi slt, %scan3A_23, %lt3A_4943 : i32
      %convert_element_type3A_4945 = arith.extui %lt3A_4944 : i1 to i32
      %cond3A_4946 = arith.constant 0 : i32
      %cond3A_4947 = arith.cmpi ne, %convert_element_type3A_4945, %cond3A_4946 : i32
      scf.if %cond3A_4947 {
        %mul3A_4948 = arith.constant 2 : i32
        %mul3A_4949 = arith.muli %mul3A_4948, %scan3A_23 : i32
        %add3A_4950 = arith.constant 3 : i32
        %add3A_4951 = arith.addi %mul3A_4949, %add3A_4950 : i32
        %dma_start3A_4952 = arith.constant 0 : i32
        %dma_start3A_4953 = tpu.memref_slice %arg5[%add3A_4951, %dma_start3A_4952] : memref<64x100xi32, #tpu.memory_space<vmem>> -> memref<1x100xi32, #tpu.memory_space<vmem>>
        %dma_start3A_4954 = tpu.memref_squeeze %dma_start3A_4953 : memref<1x100xi32, #tpu.memory_space<vmem>> -> memref<100xi32, #tpu.memory_space<vmem>>
        %dma_start3A_4955 = arith.constant 0 : i32
        %dma_start3A_4956 = arith.constant 0 : i32
        %dma_start3A_4957 = tpu.memref_slice %arg3[%dma_start3A_4955, %dma_start3A_4956] : memref<1000000x64xf32, #tpu.memory_space<hbm>> -> memref<1000000x64xf32, #tpu.memory_space<hbm>>
        tpu.enqueue_indirect_dma source(%dma_start3A_4957 : memref<1000000x64xf32, #tpu.memory_space<hbm>>) target(%arg7 : memref<100x64xf32, #tpu.memory_space<vmem>>) offsets(%dma_start3A_4954 : memref<100xi32, #tpu.memory_space<vmem>>) semaphore(%arg10 : memref<!tpu.dma_semaphore, #tpu.memory_space<semaphore_mem>>)
      } else {
      }
    }
    %scan3A_20 = arith.constant 32 : i32
    %mul3A_21 = arith.constant 128 : i32
    %mul3A_22 = arith.muli %add3A, %mul3A_21 : i32
    "tpu.region"() ({
      %run_scoped3A = tpu.sem_alloc : memref<!tpu.dma_semaphore, #tpu.memory_space<semaphore_mem>>
      %dma_start3A_23 = arith.constant 0 : i32
      %dma_start3A_24 = tpu.memref_slice %arg4[%mul3A_22, %dma_start3A_23] : memref<4096x64xf32, #tpu.memory_space<hbm>> -> memref<128x64xf32, #tpu.memory_space<hbm>>
      %dma_start3A_25 = arith.constant 0 : i32
      %dma_start3A_26 = tpu.memref_slice %arg4[%mul3A_22, %dma_start3A_25] : memref<4096x64xf32, #tpu.memory_space<hbm>> -> memref<128x64xf32, #tpu.memory_space<hbm>>
      tpu.enqueue_dma source(%arg8 : memref<128x64xf32, #tpu.memory_space<vmem>>) target(%dma_start3A_26 : memref<128x64xf32, #tpu.memory_space<hbm>>) target_semaphore(%run_scoped3A : memref<!tpu.dma_semaphore, #tpu.memory_space<semaphore_mem>>)
      %dma_wait3A = arith.constant 0 : i32
      %dma_wait3A_27 = tpu.memref_slice %arg4[%mul3A_22, %dma_wait3A] : memref<4096x64xf32, #tpu.memory_space<hbm>> -> memref<128x64xf32, #tpu.memory_space<hbm>>
      %dma_wait3A_28 = arith.constant 0 : i32
      %dma_wait3A_29 = tpu.memref_slice %arg4[%mul3A_22, %dma_wait3A_28] : memref<4096x64xf32, #tpu.memory_space<hbm>> -> memref<128x64xf32, #tpu.memory_space<hbm>>
      tpu.wait_dma2 semaphore(%run_scoped3A : memref<!tpu.dma_semaphore, #tpu.memory_space<semaphore_mem>>) src(%arg8 : memref<128x64xf32, #tpu.memory_space<vmem>>) dst(%dma_wait3A_29 : memref<128x64xf32, #tpu.memory_space<hbm>>)
      tpu.yield
    }) : () -> ()
    return
  }
}

module attributes {stable_mosaic.version = 14 : i64} {
  func.func @_mm_body(%arg0: i32, %arg1: memref<512x64xf32, #tpu.memory_space<vmem>>, %arg2: memref<128x64xf32, #tpu.memory_space<vmem>>, %arg3: memref<1x128xf32, #tpu.memory_space<vmem>>, %arg4: memref<512x128xf32, #tpu.memory_space<vmem>>) attributes {dimension_semantics = [#tpu.dimension_semantics<arbitrary>], iteration_bounds = array<i64: 8>, scalar_prefetch = 0 : i64, scratch_operands = 0 : i64, tpu.core_type = #tpu.core_type<tc>, window_params = [{transform_indices = @transform_0, window_bounds = array<i64: 512, 64>}, {pipeline_mode = #tpu.pipeline_mode<synchronous>, transform_indices = @transform_1, window_bounds = array<i64: 128, 64>}, {pipeline_mode = #tpu.pipeline_mode<synchronous>, transform_indices = @transform_2, window_bounds = array<i64: 1, 128>}, {transform_indices = @transform_3, window_bounds = array<i64: 512, 128>}]} {
    %get3A = arith.constant 0 : index
    %get3A_0 = arith.constant 0 : index
    %get3A_1 = vector.load %arg1[%get3A, %get3A_0] : memref<512x64xf32, #tpu.memory_space<vmem>>, vector<512x64xf32>
    %get3A_2 = arith.constant 0 : index
    %get3A_3 = arith.constant 0 : index
    %get3A_4 = vector.load %arg2[%get3A_2, %get3A_3] : memref<128x64xf32, #tpu.memory_space<vmem>>, vector<128x64xf32>
    %dot_general3A = arith.constant dense<0.000000e+00> : vector<512x128xf32>
    %dot_general3A_5 = tpu.matmul %get3A_1, %get3A_4, %dot_general3A {dimension_numbers = #tpu.dot_dimension_numbers<[1], [1], [0], [0], [0, 0, 1, 0], [], []>, transpose_lhs_hint = false} : vector<512x64xf32>, vector<128x64xf32>, vector<512x128xf32> -> vector<512x128xf32>
    %get3A_6 = arith.constant 0 : index
    %get3A_7 = arith.constant 0 : index
    %get3A_8 = vector.load %arg3[%get3A_6, %get3A_7] : memref<1x128xf32, #tpu.memory_space<vmem>>, vector<1x128xf32>
    %add3A = vector.broadcast %get3A_8 : vector<1x128xf32> to vector<512x128xf32>
    %add3A_9 = arith.addf %dot_general3A_5, %add3A : vector<512x128xf32>
    %swap3A = arith.constant 0 : index
    %swap3A_10 = arith.constant 0 : index
    %swap3A_11 = vector.load %arg4[%swap3A, %swap3A_10] : memref<512x128xf32, #tpu.memory_space<vmem>>, vector<512x128xf32>
    tpu.vector_store %arg4[%swap3A, %swap3A_10], %add3A_9 {strides = array<i32>} : memref<512x128xf32, #tpu.memory_space<vmem>>, vector<512x128xf32>,
    return
  }
  func.func @transform_0(%arg0: i32) -> (i32, i32) {
    %c0_i32 = arith.constant 0 : i32
    %c0_i32_0 = arith.constant 0 : i32
    return %arg0, %c0_i32 : i32, i32
  }
  func.func @transform_1(%arg0: i32) -> (i32, i32) {
    %c0_i32 = arith.constant 0 : i32
    %c0_i32_0 = arith.constant 0 : i32
    %c0_i32_1 = arith.constant 0 : i32
    return %c0_i32, %c0_i32_0 : i32, i32
  }
  func.func @transform_2(%arg0: i32) -> (i32, i32) {
    %c0_i32 = arith.constant 0 : i32
    %c0_i32_0 = arith.constant 0 : i32
    %c0_i32_1 = arith.constant 0 : i32
    return %c0_i32, %c0_i32_0 : i32, i32
  }
  func.func @transform_3(%arg0: i32) -> (i32, i32) {
    %c0_i32 = arith.constant 0 : i32
    %c0_i32_0 = arith.constant 0 : i32
    return %arg0, %c0_i32 : i32, i32
  }
}

</mosaic_0001>

<sc_bundles>
// kernel: kernel.4.cloned.1.call-start
scs
__scs_entry_jumppad:
0x0: {  	(pc) =	sbr.rel $0x88, $3  }
0x1: {  	(tag) =	ssettag $0x0;
	lr =	simm.s32 $0x1  }
0x2: {  	[smem:$0x3F9D] =	sst lr;
	_ =	strace $0xD0000000  }
0x3: {  	_ = 	snop  }
0x4: {  	_ = 	snop  }
0x5: {  	_ = 	snop  }
0x6: {  	_ = 	snop  }
0x7: {  	_ = 	snop  }
__scs_overlays_trampoline_lowered:
0x8: {  	[smem:$0x3FAC] =	sst s0  }
0x9: {  	[smem:$0x3FAD] =	sst s1  }
0xa: {  	[smem:$0x3FAE] =	sst s2  }
0xb: {  	[smem:$0x3FAF] =	sst s3  }
0xc: {  	[smem:$0x3FB0] =	sst s4  }
0xd: {  	[smem:$0x3FB1] =	sst s5  }
0xe: {  	[smem:$0x3FB2] =	sst s6  }
0xf: {  	[smem:$0x3FB3] =	sst s7  }
0x10: {  	[smem:$0x3FB4] =	sst s8  }
0x11: {  	[smem:$0x3FB5] =	sst s9;
	s0 =	simm.s32 @!p0 $0x0  }
0x12: {  	s1 =	sld [smem:$0x3F9B];
	s0 =	simm.s32 @p0 $0x1  }
0x13: {  	[smem:$0x3FB6] =	sst s0;
	s0 =	simm.s32 @!p1 $0x0  }
0x14: {  	s2 =	sld [smem:$0x3F9A];
	s0 =	simm.s32 @p1 $0x1  }
0x15: {  	[smem:$0x3FB7] =	sst s0;
	s0 =	simm.s32 @!p2 $0x0  }
0x16: {  	s3 =	sld [smem:$0x3FDB];
	s0 =	simm.s32 @p2 $0x1  }
0x17: {  	s4 =	simm.s32 $0x1BF5;
	[smem:$0x3FB9] =	sst s0  }
0x18: {  	s0 =	sld [smem:$0x3F9C];
	_ =	swait.ge [sflag:s4], $0x0  }
0x19: {  	s7 =	sld [smem:$0x3F9D]  }
0x1a: {  	s8 =	sadd.s32 $0xFFFFE003, lr  }
0x1b: {  	s9 =	sadd.s32 $0xFFFFFEF7, lr;
	s5 =	simm.s32 $0xFFFFFFFF;
	p2 =	slt.u32 s8, $0xFFFFF086  }
0x1c: {  	p1 =	slt.u32 s9, $0xF7A;
	s5 =	simm.s32 @!p2 $0x0  }
0x1d: {  	s5 =	simm.s32 @p1 $0x1;
	p0 =	seq.s32 s7, s2  }
0x1e: {  	s7 =	smul.u32 @!p0 $0xF7A, s2;
	p2 =	seq.s32 @!p0 s5, $0x0  }
0x1f: {  	s9 =	smul.u32 $0xF7A, s1;
	s8 =	simm.s32 @!p0 $0x1BF5;
	p2 =	por !p2, p0  }
0x20: {  	[sflag:s8] =	ssyncset.s32 @!p0 $0xFFFFF086;
	s6 =	sadd.s32 @!p0 s3, s7;
	s7 =	simm.s32 @!p0 $0x108  }
0x21: {  	s3 =	sadd.s32 s3, s9;
	s6 =	sadd.s32 @!p0 $0x88, s6;
	s7 =	simm.s32 @p2 $0x1082  }
0x22: {  	[simem:s7], [sflag:s8] =	dma.local @!p0 [hbm:s6], $0xF7A  }
0x23: {  	s9 =	sor.u32 $0xD0000000, s2;
	s6 =	simm.s32 $0x108;
	_ =	swait.ge @!p0 [sflag:s8], $0x0  }
0x24: {  	s3 =	sadd.s32 $0x88, s3;
	s6 =	simm.s32 @!p1 $0x1082;
	[sflag:s4] =	ssyncset.s32 $0xFFFFF086  }
0x25: {  	[simem:s6], [sflag:s4] =	dma.local [hbm:s3], $0xF7A  }
0x26: {  	[smem:$0x3F9D] =	sst s1;
	(tag) =	ssettag s2;
	_ =	strace s9  }
0x27: {  	s1 =	sld [smem:$0x3FAD]  }
0x28: {  	s2 =	sld [smem:$0x3FAE]  }
0x29: {  	s4 =	sld [smem:$0x3FB0]  }
0x2a: {  	p0 =	seq.s32 s5, $0x0;
	s5 =	sld [smem:$0x3FB1]  }
0x2b: {  	s6 =	sld [smem:$0x3FB2]  }
0x2c: {  	s7 =	sld [smem:$0x3FB3]  }
0x2d: {  	s3 =	simm.s32 $0x108;
	s8 =	sld [smem:$0x3FB4]  }
0x2e: {  	s3 =	simm.s32 @!p0 $0x1082;
	s9 =	sld [smem:$0x3FB5]  }
0x2f: {  	lr =	sadd.s32 s0, s3;
	s0 =	sld [smem:$0x3FAC]  }
0x30: {  	s3 =	sld [smem:$0x3FAF]  }
0x31: {  	[smem:$0x3FB8] =	sst s10  }
0x32: {  	s10 =	sld [smem:$0x3FB6];
	_ =	sdelay $0x3  }
0x33: {  	p0 =	seq.s32 s10, $0x1;
	s10 =	sld [smem:$0x3FB8];
	_ =	sdelay $0x3  }
0x34: {  	[smem:$0x3FB8] =	sst s10  }
0x35: {  	s10 =	sld [smem:$0x3FB7];
	_ =	sdelay $0x3  }
0x36: {  	p1 =	seq.s32 s10, $0x1;
	s10 =	sld [smem:$0x3FB8];
	_ =	sdelay $0x3  }
0x37: {  	[smem:$0x3FB8] =	sst s10  }
0x38: {  	s10 =	sld [smem:$0x3FB9]  }
0x39: {  	_ = 	snop;
	(pc) =	sbr.ind lr, $3  }
0x3a: {  	_ = 	snop  }
0x3b: {  	_ = 	snop  }
0x3c: {  	p2 =	seq.s32 s10, $0x1;
	s10 =	sld [smem:$0x3FB8]  }
0x3d: {  	_ =	shalt  }
0x3e: {  	_ =	shalt  }
0x3f: {  	_ =	shalt  }
0x40: {  	_ =	shalt  }
0x41: {  	_ =	shalt  }
0x42: {  	_ =	shalt  }
0x43: {  	_ =	shalt  }
0x44: {  	_ =	shalt  }
0x45: {  	_ =	shalt  }
0x46: {  	_ =	shalt  }
0x47: {  	_ =	shalt  }
0x48: {  	_ =	shalt  }
0x49: {  	_ =	shalt  }
0x4a: {  	_ =	shalt  }
0x4b: {  	_ =	shalt  }
0x4c: {  	_ =	shalt  }
0x4d: {  	_ =	shalt  }
0x4e: {  	_ =	shalt  }
0x4f: {  	_ =	shalt  }
0x50: {  	_ =	shalt  }
0x51: {  	_ =	shalt  }
0x52: {  	_ =	shalt  }
0x53: {  	_ =	shalt  }
0x54: {  	_ =	shalt  }
0x55: {  	_ =	shalt  }
0x56: {  	_ =	shalt  }
0x57: {  	_ =	shalt  }
0x58: {  	_ =	shalt  }
0x59: {  	_ =	shalt  }
0x5a: {  	_ =	shalt  }
0x5b: {  	_ =	shalt  }
0x5c: {  	_ =	shalt  }
0x5d: {  	_ =	shalt  }
0x5e: {  	_ =	shalt  }
0x5f: {  	_ =	shalt  }
0x60: {  	_ =	shalt  }
0x61: {  	_ =	shalt  }
0x62: {  	_ =	shalt  }
0x63: {  	_ =	shalt  }
0x64: {  	_ =	shalt  }
0x65: {  	_ =	shalt  }
0x66: {  	_ =	shalt  }
0x67: {  	_ =	shalt  }
0x68: {  	_ =	shalt  }
0x69: {  	_ =	shalt  }
0x6a: {  	_ =	shalt  }
0x6b: {  	_ =	shalt  }
0x6c: {  	_ =	shalt  }
0x6d: {  	_ =	shalt  }
0x6e: {  	_ =	shalt  }
0x6f: {  	_ =	shalt  }
0x70: {  	_ =	shalt  }
0x71: {  	_ =	shalt  }
0x72: {  	_ =	shalt  }
0x73: {  	_ =	shalt  }
0x74: {  	_ =	shalt  }
0x75: {  	_ =	shalt  }
0x76: {  	_ =	shalt  }
0x77: {  	_ =	shalt  }
0x78: {  	_ =	shalt  }
0x79: {  	_ =	shalt  }
0x7a: {  	_ =	shalt  }
0x7b: {  	_ =	shalt  }
0x7c: {  	_ =	shalt  }
0x7d: {  	_ =	shalt  }
0x7e: {  	_ =	shalt  }
0x7f: {  	_ =	shalt  }
0x80: {  	_ =	shalt  }
0x81: {  	_ =	shalt  }
0x82: {  	_ =	shalt  }
0x83: {  	_ =	shalt  }
0x84: {  	_ =	shalt  }
0x85: {  	_ =	shalt  }
0x86: {  	_ =	shalt  }
0x87: {  	_ =	shalt  }
.Lfunc_end0:
.L_simem_size_0:
called_computation_lowered:
.L_overlay_start_0:
0x88: {  	s2 =	sld [smem:$0x3FD9]  }
0x89: {  	s3 =	sld [smem:$0x3FFE];
	_ =	sdelay $0x1  }
0x8a: {  	s1 =	srdreg.scid  }
0x8b: {  	s0 =	sand.u32 $0x1, s1  }
0x8c: {  	s17 =	sshll.u32 s0, $0xA;
	s2 =	sadd.s32 s3, s2  }
0x8d: {  	s2 =	sadd.s32 s2, s17  }
0x8e: {  	[smem:$0x3FC4] =	sst s2  }
0x8f: {  	_ = 	snop  }
0x90: {  	s2 =	sld [smem:$0x3FD0];
	(tm) =	ssettm $0x1  }
0x91: {  	s18 =	sld [smem:$0x3FFB];
	_ =	sdelay $0x3  }
0x92: {  	_ =	strace s18  }
0x93: {  	s3 =	sld [smem:$0x3FFC];
	_ =	sdelay $0x3  }
0x94: {  	_ =	strace s3  }
0x95: {  	s3 =	sld [smem:$0x3FFD];
	_ =	sdelay $0x3  }
0x96: {  	_ =	strace s3  }
0x97: {  	_ =	strace $0x8FFFFFFF  }
0x98: {  	s19 =	sld [smem:$0x3FDB];
	_ =	sdelay $0x1  }
0x99: {  	s4 =	simm.s32 $_scs_section_size  }
0x9a: {  	s5 =	simm.s32 $_size__tile_overlayer_lowered;
	s6 =	simm.s32 $_tile_overlayer_lowered  }
0x9b: {  	s22 =	simm.s32 $0x1BFF;
	s21 =	sshll.u32 s6, $0x1;
	s3 =	sadd.s32 s4, s19  }
0x9c: {  	s7 =	simm.s32 $0x0;
	s20 =	sshll.u32 s5, $0x1;
	s5 =	sadd.s32 s21, s3  }
0x9d: {  	[timem:s7], [sflag:s22] =	dma.local [hbm:s5], s20  }
0x9e: {  	_ =	swait.ge [sflag:s22], s20  }
0x9f: {  	s4 =	ssub.s32 $0x0, s20;
	[sflag:s22] =	ssyncset.done $0x0  }
0xa0: {  	[sflag:s22] =	ssyncadd.s32 s4;
	_ =	sdelay $0x1  }
0xa1: {  	s23 =	simm.s32 $0x1B8B  }
0xa2: {  	_ =	swait.ge [sflag:s23], $0x1  }
0xa3: {  	[sflag:s23] =	ssyncset.done $0x0  }
0xa4: {  	s25 =	simm.s32 $0x1B8E;
	s24 =	sld [smem:$0x3FFE];
	[sflag:s23] =	ssyncadd.s32 $0xFFFFFFFF  }
0xa5: {  	s26 =	simm.s32 $execute0_lowered;
	[smem:$0x3FD2] =	sst s25  }
0xa6: {  	s5 =	sshll.u32 s26, $0x1;
	_ =	strace $0x80000046;
	[dreg:$0x1] =	wrdreg $0xFFFFFFFF  }
0xa7: {  	s28 =	simm.s32 $_size_execute0_lowered;
	s3 =	sadd.s32 s3, s5;
	[dreg:$0x0] =	wrdreg $0x0  }
0xa8: {  	s5 =	sshll.u32 s28, $0x1;
	[dreg:$0x2] =	wrdreg s3  }
0xa9: {  	[dreg:$0x3] =	wrdreg s5  }
0xaa: {  	[dreg:$0x4] =	wrdreg $0xC0  }
0xab: {  	_ =	task [dreg:s7], $0x5FFFF  }
0xac: {  	[dreg:$0x1] =	wrdreg $0xFFFFFFFF  }
0xad: {  	[dreg:$0x0] =	wrdreg $0x60  }
0xae: {  	[dreg:$0x2] =	wrdreg s24  }
0xaf: {  	[dreg:$0x3] =	wrdreg s2  }
0xb0: {  	[dreg:$0x4] =	wrdreg $0x9  }
0xb1: {  	_ =	task.clear_ibuf [dreg:s7], $0x5FFFF;
	_ =	strace $0x90000046  }
0xb2: {  	s29 =	simm.s32 $0x9;
	_ =	strace $0x80000048  }
0xb3: {  	_ =	swait.ge [sflag:s29], $0x1  }
0xb4: {  	[sflag:s29] =	ssyncadd.s32 $0xFFFFFFFF  }
0xb5: {  	_ =	strace $0x90000048  }
0xb6: {  	_ =	sfence  }
0xb7: {  	s30 =	sld [smem:$0x0];
	_ =	sdelay $0x2  }
0xb8: {  	s31 =	sshll.u32 s1, $0xD;
	s1 =	sshrl.u32 s1, $0x2  }
0xb9: {  	s3 =	sand.u32 $0x4000, s31;
	s1 =	sadd.s32 s1, s30  }
0xba: {  	s0 =	sor.u32 s3, s0;
	s1 =	sshll.u32 s1, $0x11  }
0xbb: {  	s0 =	sor.u32 s1, s0  }
0xbc: {  	s0 =	sadd.s32 $0x8F2B, s0  }
0xbd: {  	[sflag:s0] =	ssyncadd.remote.s32 $0x1  }
0xbe: {  	_ =	sfence.sel $0xFFFF  }
0xbf: {  	[dreg:$0x0] =	wrdreg $0xFFFFFFFF;
	(pc) =	sbr.abs _section_cstart, $3  }
0xc0: {  	[dreg:$0x1] =	wrdreg $0xFFFFFFFF  }
0xc1: {  	_ =	task.clear_ibuf [dreg:s7], $0x2FFFF;
	_ =	strace $0x9FFFFFFF  }
0xc2: {  	(tm) =	ssettm $0x7FFFFFFF  }
0xc3: {  	_ =	shalt  }
tec
execute0_lowered:
.L_overlay_start_1:
0x0: {  	(tag) =	ssettag $0x1  }
0x1: {  	s1 =	srdreg.scid;
	s3 =	rddreg [dreg:$0x0]  }
0x2: {  	s0 =	stileid.u32;
	s5 =	rddreg [dreg:$0x1]  }
0x3: {  	s2 =	simm.s32 $0x0;
	s9 =	simm.s32 $0x1A00;
	s10 =	simm.s32 $0x68  }
0x4: {  	s11 =	simm.s32 $0x3300;
	s12 =	simm.s32 $0x1;
	s13 =	simm.s32 $0x2  }
0x5: {  	s14 =	simm.s32 $0x4C00;
	s4 =	sand.u32 $0x1, s1;
	s1 =	rddreg [dreg:$0x2]  }
0x6: {  	s15 =	simm.s32 $0x0;
	s31 =	sshll.u32 s0, $0x1;
	[smem:$0x7FF] =	sst s2  }
.Ltmp0:
0x7: {  	s6 =	sor.u32 s4, s31;
	s4 =	ssub.s32 $0x2, s4;
	(pc) =	sbr.rel .LBB2_1-.Ltmp0, $4  }
0x8: {  	s7 =	smul.u32 $0x340, s6;
	s8 =	sshrl.u32 s4, $0x1;
	s6 =	sshll.u32 s6, $0xA  }
0x9: {  	_ =	strace $0x80000047;
	s8 =	ssub.s32 s4, s8;
	s5 =	sadd.s32 s5, s6  }
0xa: {  	s7 =	sadd.s32 s7, s3;
	s3 =	sadd.s32 $0xF42E00, s3;
	s6 =	smax.u32 s8, $0x1  }
0xb: {  	s8 =	simm.s32 $0x64;
	s4 =	sadd.s32 $0xA00, s7;
	s7 =	simm.s32 $0x3  }
.LBB2_4:
0xc: {  	s15 =	sadd.s32 $0x1, s15  }
0xd: {  	p0 =	sne.s32 s15, s6  }
.Ltmp1:
0xe: {  	_ = 	snop;
	(pc) =	sbr.rel @!p0 .LBB2_5-.Ltmp1, $4  }
0xf: {  	[hbm4b:s5+s2] =	stream.linear.scatter [tilespmem:s14], [sflag:$0x3], $0x2000, $0x38;
	[tilespmem:$0x6C00] =	vst v63  }
0x10: {  	_ =	swait.ge [sflag:s7], $0x2000  }
0x11: {  	[sflag:s7] =	ssyncset.done $0x0  }
0x12: {  	[sflag:s7] =	ssyncadd.s32 $0xFFFFE000  }
.LBB2_1:
0x13: {  	[tilespmem:s2], [sflag:$0x3] =	stream.linear.gather [hbm4b:s4+s2], $0x1A00, $0x38;
	[tilespmem:$0x6C00] =	vst v63  }
0x14: {  	_ =	swait.ge [sflag:s7], $0x1A00  }
0x15: {  	[sflag:s7] =	ssyncset.done $0x0  }
0x16: {  	[sflag:s7] =	ssyncadd.s32 $0xFFFFE600  }
0x17: {  	[tilespmem:s9], [sflag:$0x1] =	stream.indirect.gather [hbm4b:s3+s8], $0x40, s2, s8, $0xb8;
	[tilespmem:$0x6C00] =	vst v63  }
0x18: {  	s16 =	simm.s32 $0xFFFF9B40;
	s17 =	simm.s32 $0x4C80  }
0x19: {  	[tilespmem:s11], [sflag:$0x2] =	stream.indirect.gather [hbm4b:s3+s8], $0x40, s10, s8, $0xb8;
	[tilespmem:$0x6C00] =	vst v63  }
.LBB2_2:
0x1a: {  	_ =	swait.ge [sflag:s12], $0x1900  }
0x1b: {  	[sflag:s12] =	ssyncset.done $0x0  }
0x1c: {  	[sflag:s12] =	ssyncadd.s32 $0xFFFFE700  }
0x1d: {  	v56 =	vld [tilespmem:$0x1DF0];
	_ =	sdelay $0x4  }
0x1e: {  	[tilespmem:$0x1F5D0] =	vst v56;
	v56 =	vld [tilespmem:$0x1E10];
	_ =	sdelay $0x4  }
0x1f: {  	[tilespmem:$0x1F5E0] =	vst v56;
	v56 =	vld [tilespmem:$0x1E20];
	_ =	sdelay $0x4  }
0x20: {  	[tilespmem:$0x1F5F0] =	vst v56;
	v56 =	vld [tilespmem:$0x1E30];
	_ =	sdelay $0x4  }
0x21: {  	[tilespmem:$0x1F610] =	vst v56;
	v56 =	vld [tilespmem:$0x1E40];
	_ =	sdelay $0x4  }
0x22: {  	[tilespmem:$0x1F600] =	vst v56;
	v56 =	vld [tilespmem:$0x1E50];
	_ =	sdelay $0x4  }
0x23: {  	[tilespmem:$0x1F620] =	vst v56;
	v56 =	vld [tilespmem:$0x1E60];
	_ =	sdelay $0x4  }
0x24: {  	[tilespmem:$0x1F630] =	vst v56;
	v56 =	vld [tilespmem:$0x1E70];
	_ =	sdelay $0x4  }
0x25: {  	[tilespmem:$0x1F650] =	vst v56;
	v56 =	vld [tilespmem:$0x1E80];
	_ =	sdelay $0x4  }
0x26: {  	[tilespmem:$0x1F640] =	vst v56;
	v56 =	vld [tilespmem:$0x1E90];
	_ =	sdelay $0x4  }
0x27: {  	[tilespmem:$0x1F660] =	vst v56;
	v56 =	vld [tilespmem:$0x1EA0];
	_ =	sdelay $0x4  }
0x28: {  	[tilespmem:$0x1F670] =	vst v56;
	v56 =	vld [tilespmem:$0x1EB0];
	_ =	sdelay $0x4  }
0x29: {  	[tilespmem:$0x1F690] =	vst v56;
	v56 =	vld [tilespmem:$0x1EC0];
	_ =	sdelay $0x4  }
0x2a: {  	[tilespmem:$0x1F680] =	vst v56;
	v56 =	vld [tilespmem:$0x1ED0];
	_ =	sdelay $0x4  }
0x2b: {  	[tilespmem:$0x1F6A0] =	vst v56;
	v56 =	vld [tilespmem:$0x1EE0];
	_ =	sdelay $0x4  }
0x2c: {  	[tilespmem:$0x1F6B0] =	vst v56;
	v56 =	vld [tilespmem:$0x1EF0];
	_ =	sdelay $0x4  }
0x2d: {  	[tilespmem:$0x1F6D0] =	vst v56;
	v56 =	vld [tilespmem:$0x1F00];
	_ =	sdelay $0x4  }
0x2e: {  	[tilespmem:$0x1F6C0] =	vst v56;
	v56 =	vld [tilespmem:$0x1F10];
	_ =	sdelay $0x4  }
0x2f: {  	[tilespmem:$0x1F6E0] =	vst v56;
	v56 =	vld [tilespmem:$0x1F20];
	_ =	sdelay $0x4  }
0x30: {  	[tilespmem:$0x1F6F0] =	vst v56;
	v56 =	vld [tilespmem:$0x1F30];
	_ =	sdelay $0x4  }
0x31: {  	[tilespmem:$0x1F710] =	vst v56;
	v56 =	vld [tilespmem:$0x1F40];
	_ =	sdelay $0x4  }
0x32: {  	[tilespmem:$0x1F700] =	vst v56;
	v56 =	vld [tilespmem:$0x1F50];
	_ =	sdelay $0x4  }
0x33: {  	[tilespmem:$0x1F720] =	vst v56;
	v56 =	vld [tilespmem:$0x1F60];
	_ =	sdelay $0x4  }
0x34: {  	[tilespmem:$0x1F730] =	vst v56;
	v56 =	vld [tilespmem:$0x1F70];
	_ =	sdelay $0x3  }
0x35: {  	v3 =	vld [tilespmem:$0x1A00]  }
0x36: {  	[tilespmem:$0x1F750] =	vst v56;
	v56 =	vld [tilespmem:$0x1F80]  }
0x37: {  	v4 =	vld [tilespmem:$0x1A10]  }
0x38: {  	v5 =	vld [tilespmem:$0x1A20]  }
0x39: {  	v16 =	vld [tilespmem:$0x1A30]  }
0x3a: {  	v17 =	vld [tilespmem:$0x1A40]  }
0x3b: {  	[tilespmem:$0x1F740] =	vst v56;
	v56 =	vld [tilespmem:$0x1F90]  }
0x3c: {  	v20 =	vld [tilespmem:$0x1A50]  }
0x3d: {  	v21 =	vld [tilespmem:$0x1A60]  }
0x3e: {  	v32 =	vld [tilespmem:$0x1A70]  }
0x3f: {  	v33 =	vld [tilespmem:$0x1A80]  }
0x40: {  	[tilespmem:$0x1F760] =	vst v56;
	v56 =	vld [tilespmem:$0x1FA0]  }
0x41: {  	v36 =	vld [tilespmem:$0x1A90]  }
0x42: {  	v37 =	vld [tilespmem:$0x1AA0]  }
0x43: {  	v48 =	vld [tilespmem:$0x1AB0]  }
0x44: {  	v49 =	vld [tilespmem:$0x1AC0]  }
0x45: {  	[tilespmem:$0x1F770] =	vst v56;
	v56 =	vld [tilespmem:$0x1FB0]  }
0x46: {  	v52 =	vld [tilespmem:$0x1AD0]  }
0x47: {  	v53 =	vld [tilespmem:$0x1AE0]  }
0x48: {  	v62 =	vld [tilespmem:$0x1AF0]  }
0x49: {  	v63 =	vld [tilespmem:$0x1B00]  }
0x4a: {  	[tilespmem:$0x1F790] =	vst v56;
	v56 =	vld [tilespmem:$0x1FC0]  }
0x4b: {  	v0 =	vld [tilespmem:$0x1B10]  }
0x4c: {  	v2 =	vld [tilespmem:$0x1B20]  }
0x4d: {  	v9 =	vld [tilespmem:$0x1B30]  }
0x4e: {  	v1 =	vld [tilespmem:$0x1B40]  }
0x4f: {  	[tilespmem:$0x1F780] =	vst v56;
	v56 =	vld [tilespmem:$0x1FD0]  }
0x50: {  	v6 =	vld [tilespmem:$0x1B50]  }
0x51: {  	v8 =	vld [tilespmem:$0x1B60]  }
0x52: {  	v13 =	vld [tilespmem:$0x1B70]  }
0x53: {  	v7 =	vld [tilespmem:$0x1B80]  }
0x54: {  	[tilespmem:$0x1F7A0] =	vst v56;
	v56 =	vld [tilespmem:$0x1FE0]  }
0x55: {  	v10 =	vld [tilespmem:$0x1B90]  }
0x56: {  	v12 =	vld [tilespmem:$0x1BA0]  }
0x57: {  	v19 =	vld [tilespmem:$0x1BB0]  }
0x58: {  	v11 =	vld [tilespmem:$0x1BC0]  }
0x59: {  	[tilespmem:$0x1F7B0] =	vst v56;
	v56 =	vld [tilespmem:$0x1FF0]  }
0x5a: {  	v14 =	vld [tilespmem:$0x1BD0]  }
0x5b: {  	v18 =	vld [tilespmem:$0x1BE0]  }
0x5c: {  	v25 =	vld [tilespmem:$0x1BF0]  }
0x5d: {  	v15 =	vld [tilespmem:$0x1C00]  }
0x5e: {  	[tilespmem:$0x1F7D0] =	vst v56;
	v56 =	vld [tilespmem:$0x2000]  }
0x5f: {  	v22 =	vld [tilespmem:$0x1C10]  }
0x60: {  	v24 =	vld [tilespmem:$0x1C20]  }
0x61: {  	v29 =	vld [tilespmem:$0x1C30]  }
0x62: {  	v23 =	vld [tilespmem:$0x1C40]  }
0x63: {  	[tilespmem:$0x1F7C0] =	vst v56;
	v56 =	vld [tilespmem:$0x2010]  }
0x64: {  	v26 =	vld [tilespmem:$0x1C50]  }
0x65: {  	v28 =	vld [tilespmem:$0x1C60]  }
0x66: {  	v35 =	vld [tilespmem:$0x1C70]  }
0x67: {  	v27 =	vld [tilespmem:$0x1C80]  }
0x68: {  	[tilespmem:$0x1F7E0] =	vst v56;
	v56 =	vld [tilespmem:$0x2020]  }
0x69: {  	v30 =	vld [tilespmem:$0x1C90]  }
0x6a: {  	v34 =	vld [tilespmem:$0x1CA0]  }
0x6b: {  	v41 =	vld [tilespmem:$0x1CB0]  }
0x6c: {  	v31 =	vld [tilespmem:$0x1CC0]  }
0x6d: {  	[tilespmem:$0x1F7F0] =	vst v56;
	v56 =	vld [tilespmem:$0x2030]  }
0x6e: {  	v38 =	vld [tilespmem:$0x1CD0]  }
0x6f: {  	v40 =	vld [tilespmem:$0x1CE0]  }
0x70: {  	v45 =	vld [tilespmem:$0x1CF0]  }
0x71: {  	v39 =	vld [tilespmem:$0x1D00]  }
0x72: {  	[tilespmem:$0x1F810] =	vst v56;
	v56 =	vld [tilespmem:$0x2040]  }
0x73: {  	v42 =	vld [tilespmem:$0x1D10]  }
0x74: {  	v44 =	vld [tilespmem:$0x1D20]  }
0x75: {  	v51 =	vld [tilespmem:$0x1D30]  }
0x76: {  	v43 =	vld [tilespmem:$0x1D40]  }
0x77: {  	[tilespmem:$0x1F800] =	vst v56;
	v56 =	vld [tilespmem:$0x2050]  }
0x78: {  	v46 =	vld [tilespmem:$0x1D50]  }
0x79: {  	v50 =	vld [tilespmem:$0x1D60]  }
0x7a: {  	v60 =	vld [tilespmem:$0x1D70]  }
0x7b: {  	v47 =	vld [tilespmem:$0x1D80]  }
0x7c: {  	[tilespmem:$0x1F820] =	vst v56;
	v56 =	vld [tilespmem:$0x2060]  }
0x7d: {  	v54 =	vld [tilespmem:$0x1D90]  }
0x7e: {  	v61 =	vld [tilespmem:$0x1DA0]  }
0x7f: {  	v55 =	vld [tilespmem:$0x1DB0]  }
0x80: {  	v58 =	vld [tilespmem:$0x1DD0]  }
0x81: {  	[tilespmem:$0x1F830] =	vst v56;
	v56 =	vld [tilespmem:$0x2070]  }
0x82: {  	v57 =	vld [tilespmem:$0x1DE0]  }
0x83: {  	v59 =	vld [tilespmem:$0x1E00]  }
0x84: {  	[tilespmem:$0x1F5C0] =	vst v55;
	v55 =	vld [tilespmem:$0x1DC0]  }
0x85: {  	v17 =	vadd.f32 v17, v3;
	v3 =	vld [tilespmem:$0x2090]  }
0x86: {  	[tilespmem:$0x1F840] =	vst v56;
	v56 =	vld [tilespmem:$0x2080]  }
0x87: {  	v20 =	vadd.f32 v20, v4;
	v4 =	vld [tilespmem:$0x20A0]  }
0x88: {  	v21 =	vadd.f32 v21, v5;
	v17 =	vadd.f32 v33, v17;
	v5 =	vld [tilespmem:$0x20B0]  }
0x89: {  	v32 =	vadd.f32 v32, v16;
	v20 =	vadd.f32 v36, v20;
	v16 =	vld [tilespmem:$0x20C0]  }
0x8a: {  	v21 =	vadd.f32 v37, v21;
	v33 =	vadd.f32 v49, v17;
	v17 =	vld [tilespmem:$0x20D0]  }
0x8b: {  	v32 =	vadd.f32 v48, v32;
	v36 =	vadd.f32 v52, v20;
	v20 =	vld [tilespmem:$0x20E0]  }
0x8c: {  	v37 =	vadd.f32 v53, v21;
	v33 =	vadd.f32 v63, v33;
	v21 =	vld [tilespmem:$0x20F0]  }
0x8d: {  	v48 =	vadd.f32 v62, v32;
	v32 =	vld [tilespmem:$0x2100]  }
0x8e: {  	v1 =	vadd.f32 v1, v33;
	v33 =	vld [tilespmem:$0x2110]  }
0x8f: {  	v0 =	vadd.f32 v0, v36;
	v36 =	vld [tilespmem:$0x2120]  }
0x90: {  	v2 =	vadd.f32 v2, v37;
	v9 =	vadd.f32 v9, v48;
	v37 =	vld [tilespmem:$0x2130]  }
0x91: {  	v1 =	vadd.f32 v7, v1;
	v48 =	vld [tilespmem:$0x2140]  }
0x92: {  	v0 =	vadd.f32 v6, v0;
	v53 =	vadd.f32 v13, v9;
	v49 =	vld [tilespmem:$0x2150]  }
0x93: {  	v1 =	vadd.f32 v11, v1;
	v52 =	vld [tilespmem:$0x2160]  }
0x94: {  	v0 =	vadd.f32 v10, v0;
	v6 =	vadd.f32 v19, v53;
	v53 =	vld [tilespmem:$0x2170]  }
0x95: {  	v1 =	vadd.f32 v15, v1;
	v7 =	vld [tilespmem:$0x2180]  }
0x96: {  	v2 =	vadd.f32 v8, v2;
	v0 =	vadd.f32 v14, v0;
	v8 =	vld [tilespmem:$0x2190]  }
0x97: {  	v1 =	vadd.f32 v23, v1;
	v9 =	vld [tilespmem:$0x21A0]  }
0x98: {  	v0 =	vadd.f32 v22, v0;
	v10 =	vld [tilespmem:$0x21B0]  }
0x99: {  	v1 =	vadd.f32 v27, v1;
	v11 =	vld [tilespmem:$0x21C0]  }
0x9a: {  	v2 =	vadd.f32 v12, v2;
	v0 =	vadd.f32 v26, v0;
	v12 =	vld [tilespmem:$0x21D0]  }
0x9b: {  	v1 =	vadd.f32 v31, v1;
	v13 =	vld [tilespmem:$0x21E0]  }
0x9c: {  	v2 =	vadd.f32 v18, v2;
	v0 =	vadd.f32 v30, v0;
	v14 =	vld [tilespmem:$0x21F0]  }
0x9d: {  	v6 =	vadd.f32 v25, v6;
	v1 =	vadd.f32 v39, v1;
	v15 =	vld [tilespmem:$0x2200]  }
0x9e: {  	v2 =	vadd.f32 v24, v2;
	v0 =	vadd.f32 v38, v0;
	v18 =	vld [tilespmem:$0x2210]  }
0x9f: {  	v6 =	vadd.f32 v29, v6;
	v1 =	vadd.f32 v43, v1;
	v19 =	vld [tilespmem:$0x2220]  }
0xa0: {  	v2 =	vadd.f32 v28, v2;
	v0 =	vadd.f32 v42, v0;
	v22 =	vld [tilespmem:$0x2230]  }
0xa1: {  	v6 =	vadd.f32 v35, v6;
	v1 =	vadd.f32 v47, v1;
	v23 =	vld [tilespmem:$0x2240]  }
0xa2: {  	v2 =	vadd.f32 v34, v2;
	v0 =	vadd.f32 v46, v0;
	v24 =	vld [tilespmem:$0x2250]  }
0xa3: {  	v6 =	vadd.f32 v41, v6;
	v1 =	vadd.f32 v55, v1;
	v55 =	vld [tilespmem:$0x1F5C0]  }
0xa4: {  	v2 =	vadd.f32 v40, v2;
	v0 =	vadd.f32 v54, v0;
	v25 =	vld [tilespmem:$0x2260]  }
0xa5: {  	v6 =	vadd.f32 v45, v6;
	v26 =	vld [tilespmem:$0x2270]  }
0xa6: {  	v2 =	vadd.f32 v44, v2;
	v0 =	vadd.f32 v58, v0;
	v58 =	vld [tilespmem:$0x1F5D0]  }
0xa7: {  	v6 =	vadd.f32 v51, v6;
	v1 =	vadd.f32 v59, v1;
	v59 =	vld [tilespmem:$0x1F5E0]  }
0xa8: {  	v2 =	vadd.f32 v50, v2;
	v27 =	vld [tilespmem:$0x2280]  }
0xa9: {  	v6 =	vadd.f32 v60, v6;
	v60 =	vld [tilespmem:$0x1F5F0]  }
0xaa: {  	v2 =	vadd.f32 v61, v2;
	v61 =	vld [tilespmem:$0x1F600]  }
0xab: {  	v28 =	vld [tilespmem:$0x2290]  }
0xac: {  	v62 =	vld [tilespmem:$0x1F610]  }
0xad: {  	v63 =	vld [tilespmem:$0x1F620]  }
0xae: {  	v29 =	vld [tilespmem:$0x22A0]  }
0xaf: {  	v34 =	vld [tilespmem:$0x1F630]  }
0xb0: {  	v35 =	vld [tilespmem:$0x1F640]  }
0xb1: {  	v30 =	vld [tilespmem:$0x22B0]  }
0xb2: {  	v38 =	vld [tilespmem:$0x1F650]  }
0xb3: {  	v39 =	vld [tilespmem:$0x1F660]  }
0xb4: {  	v31 =	vld [tilespmem:$0x22C0]  }
0xb5: {  	v40 =	vld [tilespmem:$0x1F670]  }
0xb6: {  	v41 =	vld [tilespmem:$0x1F680]  }
0xb7: {  	v42 =	vld [tilespmem:$0x1F690]  }
0xb8: {  	v43 =	vld [tilespmem:$0x1F6A0]  }
0xb9: {  	v44 =	vld [tilespmem:$0x1F6B0]  }
0xba: {  	v45 =	vld [tilespmem:$0x1F6C0]  }
0xbb: {  	v46 =	vld [tilespmem:$0x1F6D0]  }
0xbc: {  	v47 =	vld [tilespmem:$0x1F6E0]  }
0xbd: {  	v50 =	vld [tilespmem:$0x1F6F0]  }
0xbe: {  	v51 =	vld [tilespmem:$0x1F700]  }
0xbf: {  	v54 =	vld [tilespmem:$0x1F710]  }
0xc0: {  	v2 =	vadd.f32 v57, v2;
	v57 =	vld [tilespmem:$0x1F730]  }
0xc1: {  	v6 =	vadd.f32 v55, v6;
	v55 =	vld [tilespmem:$0x1F720]  }
0xc2: {  	v0 =	vadd.f32 v59, v0;
	v59 =	vld [tilespmem:$0x1F750]  }
0xc3: {  	v2 =	vadd.f32 v60, v2;
	v60 =	vld [tilespmem:$0x1F760]  }
0xc4: {  	v1 =	vadd.f32 v61, v1;
	v61 =	vld [tilespmem:$0x1F770]  }
0xc5: {  	v2 =	vadd.f32 v34, v2;
	v34 =	vld [tilespmem:$0x22D0]  }
0xc6: {  	v1 =	vadd.f32 v35, v1;
	v35 =	vld [tilespmem:$0x22E0]  }
0xc7: {  	v6 =	vadd.f32 v58, v6;
	v0 =	vadd.f32 v63, v0;
	v58 =	vld [tilespmem:$0x1F740]  }
0xc8: {  	v63 =	vld [tilespmem:$0x1F790]  }
0xc9: {  	v0 =	vadd.f32 v39, v0;
	v39 =	vld [tilespmem:$0x2300]  }
0xca: {  	v2 =	vadd.f32 v40, v2;
	v40 =	vld [tilespmem:$0x2310]  }
0xcb: {  	v6 =	vadd.f32 v62, v6;
	v1 =	vadd.f32 v41, v1;
	v41 =	vld [tilespmem:$0x2320]  }
0xcc: {  	v62 =	vld [tilespmem:$0x1F780]  }
0xcd: {  	v6 =	vadd.f32 v38, v6;
	v38 =	vld [tilespmem:$0x22F0]  }
0xce: {  	v0 =	vadd.f32 v43, v0;
	v43 =	vld [tilespmem:$0x2340]  }
0xcf: {  	v2 =	vadd.f32 v44, v2;
	v44 =	vld [tilespmem:$0x2350]  }
0xd0: {  	v1 =	vadd.f32 v45, v1;
	v45 =	vld [tilespmem:$0x2360]  }
0xd1: {  	v6 =	vadd.f32 v42, v6;
	v42 =	vld [tilespmem:$0x2330]  }
0xd2: {  	v2 =	vadd.f32 v50, v2;
	v50 =	vld [tilespmem:$0x1F7A0]  }
0xd3: {  	v0 =	vadd.f32 v47, v0;
	v1 =	vadd.f32 v51, v1;
	v51 =	vld [tilespmem:$0x1F7B0]  }
0xd4: {  	v47 =	vld [tilespmem:$0x2380]  }
0xd5: {  	v0 =	vadd.f32 v55, v0;
	v55 =	vld [tilespmem:$0x1F7D0]  }
0xd6: {  	v6 =	vadd.f32 v46, v6;
	v2 =	vadd.f32 v57, v2;
	v57 =	vld [tilespmem:$0x1F7E0]  }
0xd7: {  	v1 =	vadd.f32 v58, v1;
	v58 =	vld [tilespmem:$0x1F7F0]  }
0xd8: {  	v6 =	vadd.f32 v54, v6;
	v54 =	vld [tilespmem:$0x1F7C0]  }
0xd9: {  	v0 =	vadd.f32 v60, v0;
	v60 =	vld [tilespmem:$0x1F810]  }
0xda: {  	v2 =	vadd.f32 v61, v2;
	v61 =	vld [tilespmem:$0x1F820];
	v6 =	vadd.f32 v59, v6  }
0xdb: {  	v1 =	vadd.f32 v62, v1;
	v62 =	vld [tilespmem:$0x1F830];
	v0 =	vadd.f32 v50, v0  }
0xdc: {  	v2 =	vadd.f32 v51, v2;
	v59 =	vld [tilespmem:$0x1F800];
	v6 =	vadd.f32 v63, v6  }
0xdd: {  	v0 =	vadd.f32 v57, v0;
	v63 =	vld [tilespmem:$0x1F840]  }
0xde: {  	v46 =	vld [tilespmem:$0x2370];
	v2 =	vadd.f32 v58, v2;
	v6 =	vadd.f32 v55, v6  }
0xdf: {  	v50 =	vld [tilespmem:$0x2390];
	v1 =	vadd.f32 v54, v1;
	v0 =	vadd.f32 v61, v0  }
0xe0: {  	v51 =	vld [tilespmem:$0x23A0];
	v2 =	vadd.f32 v62, v2;
	v6 =	vadd.f32 v60, v6  }
0xe1: {  	v57 =	vld [tilespmem:$0x2480];
	v1 =	vadd.f32 v59, v1;
	v0 =	vadd.f32 v3, v0  }
0xe2: {  	v58 =	vld [tilespmem:$0x2490];
	v2 =	vadd.f32 v4, v2;
	v6 =	vadd.f32 v63, v6  }
0xe3: {  	v54 =	vld [tilespmem:$0x23B0];
	v1 =	vadd.f32 v56, v1;
	v0 =	vadd.f32 v17, v0  }
0xe4: {  	v55 =	vld [tilespmem:$0x2460];
	v2 =	vadd.f32 v20, v2;
	v5 =	vadd.f32 v5, v6  }
0xe5: {  	v61 =	vld [tilespmem:$0x24C0];
	v1 =	vadd.f32 v16, v1;
	v0 =	vadd.f32 v33, v0  }
0xe6: {  	v62 =	vld [tilespmem:$0x24D0];
	v2 =	vadd.f32 v36, v2;
	v5 =	vadd.f32 v21, v5  }
0xe7: {  	v59 =	vld [tilespmem:$0x24A0];
	v1 =	vadd.f32 v32, v1;
	v0 =	vadd.f32 v49, v0  }
0xe8: {  	v3 =	vld [tilespmem:$0x23C0];
	v2 =	vadd.f32 v52, v2;
	v5 =	vadd.f32 v37, v5  }
0xe9: {  	v4 =	vld [tilespmem:$0x23D0];
	v1 =	vadd.f32 v48, v1;
	v0 =	vadd.f32 v8, v0  }
0xea: {  	v60 =	vld [tilespmem:$0x24B0];
	v2 =	vadd.f32 v9, v2;
	v5 =	vadd.f32 v53, v5  }
0xeb: {  	v56 =	vld [tilespmem:$0x2470];
	v1 =	vadd.f32 v7, v1;
	v0 =	vadd.f32 v12, v0  }
0xec: {  	v17 =	vld [tilespmem:$0x2400];
	v2 =	vadd.f32 v13, v2;
	v5 =	vadd.f32 v10, v5  }
0xed: {  	v20 =	vld [tilespmem:$0x2410];
	v1 =	vadd.f32 v11, v1;
	v0 =	vadd.f32 v18, v0  }
0xee: {  	v63 =	vld [tilespmem:$0x24E0];
	v2 =	vadd.f32 v19, v2;
	v5 =	vadd.f32 v14, v5  }
0xef: {  	v16 =	vld [tilespmem:$0x23F0];
	v1 =	vadd.f32 v15, v1;
	v0 =	vadd.f32 v24, v0  }
0xf0: {  	v6 =	vld [tilespmem:$0x23E0];
	v2 =	vadd.f32 v25, v2;
	v5 =	vadd.f32 v22, v5  }
0xf1: {  	v33 =	vld [tilespmem:$0x2500];
	v1 =	vadd.f32 v23, v1;
	v0 =	vadd.f32 v28, v0  }
0xf2: {  	v36 =	vld [tilespmem:$0x2530];
	v2 =	vadd.f32 v29, v2;
	v5 =	vadd.f32 v26, v5  }
0xf3: {  	v32 =	vld [tilespmem:$0x24F0];
	v1 =	vadd.f32 v27, v1;
	v0 =	vadd.f32 v34, v0  }
0xf4: {  	v49 =	vld [tilespmem:$0x2430];
	v2 =	vadd.f32 v35, v2;
	v5 =	vadd.f32 v30, v5  }
0xf5: {  	v52 =	vld [tilespmem:$0x2440];
	v1 =	vadd.f32 v31, v1;
	v0 =	vadd.f32 v40, v0  }
0xf6: {  	v48 =	vld [tilespmem:$0x2420];
	v2 =	vadd.f32 v41, v2;
	v5 =	vadd.f32 v38, v5  }
0xf7: {  	v37 =	vld [tilespmem:$0x2540];
	v1 =	vadd.f32 v39, v1;
	v0 =	vadd.f32 v44, v0  }
0xf8: {  	v53 =	vld [tilespmem:$0x2450];
	v2 =	vadd.f32 v45, v2;
	v5 =	vadd.f32 v42, v5  }
0xf9: {  	v34 =	vld [tilespmem:$0x2510];
	v1 =	vadd.f32 v43, v1;
	v0 =	vadd.f32 v50, v0  }
0xfa: {  	v35 =	vld [tilespmem:$0x2520];
	v2 =	vadd.f32 v51, v2;
	v5 =	vadd.f32 v46, v5  }
0xfb: {  	v40 =	vld [tilespmem:$0x2570];
	v1 =	vadd.f32 v47, v1;
	v0 =	vadd.f32 v4, v0  }
0xfc: {  	v41 =	vld [tilespmem:$0x2580];
	v2 =	vadd.f32 v6, v2;
	v5 =	vadd.f32 v54, v5  }
0xfd: {  	v39 =	vld [tilespmem:$0x2560];
	v1 =	vadd.f32 v3, v1;
	v0 =	vadd.f32 v20, v0  }
0xfe: {  	v38 =	vld [tilespmem:$0x2550];
	v2 =	vadd.f32 v48, v2;
	v5 =	vadd.f32 v16, v5  }
0xff: {  	v44 =	vld [tilespmem:$0x25B0];
	v1 =	vadd.f32 v17, v1;
	v0 =	vadd.f32 v53, v0  }
0x100: {  	v45 =	vld [tilespmem:$0x25C0];
	v2 =	vadd.f32 v55, v2;
	v5 =	vadd.f32 v49, v5  }
0x101: {  	v43 =	vld [tilespmem:$0x25A0];
	v1 =	vadd.f32 v52, v1;
	v0 =	vadd.f32 v58, v0  }
0x102: {  	v42 =	vld [tilespmem:$0x2590];
	v2 =	vadd.f32 v59, v2;
	v5 =	vadd.f32 v56, v5  }
0x103: {  	v50 =	vld [tilespmem:$0x2610];
	v1 =	vadd.f32 v57, v1;
	v0 =	vadd.f32 v62, v0  }
0x104: {  	v51 =	vld [tilespmem:$0x2620];
	v2 =	vadd.f32 v63, v2;
	v5 =	vadd.f32 v60, v5  }
0x105: {  	v47 =	vld [tilespmem:$0x25E0];
	v1 =	vadd.f32 v61, v1;
	v0 =	vadd.f32 v34, v0  }
0x106: {  	v46 =	vld [tilespmem:$0x25D0];
	v2 =	vadd.f32 v35, v2;
	v5 =	vadd.f32 v32, v5  }
0x107: {  	v48 =	vld [tilespmem:$0x25F0];
	v1 =	vadd.f32 v33, v1;
	v0 =	vadd.f32 v38, v0  }
0x108: {  	v54 =	vld [tilespmem:$0x2650];
	v2 =	vadd.f32 v39, v2;
	v5 =	vadd.f32 v36, v5  }
0x109: {  	v55 =	vld [tilespmem:$0x2660];
	v1 =	vadd.f32 v37, v1;
	v0 =	vadd.f32 v42, v0  }
0x10a: {  	v49 =	vld [tilespmem:$0x2600];
	v2 =	vadd.f32 v43, v2;
	v5 =	vadd.f32 v40, v5  }
0x10b: {  	v52 =	vld [tilespmem:$0x2630];
	v1 =	vadd.f32 v41, v1;
	v0 =	vadd.f32 v46, v0  }
0x10c: {  	v53 =	vld [tilespmem:$0x2640];
	v2 =	vadd.f32 v47, v2;
	v5 =	vadd.f32 v44, v5  }
0x10d: {  	v56 =	vld [tilespmem:$0x2670];
	v1 =	vadd.f32 v45, v1;
	v0 =	vadd.f32 v50, v0  }
0x10e: {  	v2 =	vadd.f32 v51, v2;
	v5 =	vadd.f32 v48, v5  }
0x10f: {  	v1 =	vadd.f32 v49, v1;
	v0 =	vadd.f32 v54, v0  }
0x110: {  	v2 =	vadd.f32 v55, v2;
	v57 =	vadd.f32 v52, v5  }
0x111: {  	v1 =	vadd.f32 v53, v1;
	[tilespmem:s17+$0xFFFFFF90] =	vst v0  }
0x112: {  	[tilespmem:s17+$0xFFFFFFA0] =	vst v2;
	v58 =	vadd.f32 v56, v57  }
0x113: {  	[tilespmem:s17+$0xFFFFFF80] =	vst v1  }
0x114: {  	[tilespmem:s17+$0xFFFFFFB0] =	vst v58  }
0x115: {  	v56 =	vld [tilespmem:$0x2A70];
	_ =	sdelay $0x4  }
0x116: {  	[tilespmem:$0x1F860] =	vst v56;
	v56 =	vld [tilespmem:$0x2A90];
	_ =	sdelay $0x4  }
0x117: {  	[tilespmem:$0x1F870] =	vst v56;
	v56 =	vld [tilespmem:$0x2AA0];
	_ =	sdelay $0x1  }
0x118: {  	v3 =	vld [tilespmem:$0x2680]  }
0x119: {  	v4 =	vld [tilespmem:$0x2690]  }
0x11a: {  	v5 =	vld [tilespmem:$0x26A0]  }
0x11b: {  	[tilespmem:$0x1F880] =	vst v56;
	v56 =	vld [tilespmem:$0x2AB0]  }
0x11c: {  	v16 =	vld [tilespmem:$0x26B0]  }
0x11d: {  	v17 =	vld [tilespmem:$0x26C0]  }
0x11e: {  	v20 =	vld [tilespmem:$0x26D0]  }
0x11f: {  	v21 =	vld [tilespmem:$0x26E0]  }
0x120: {  	[tilespmem:$0x1F8A0] =	vst v56;
	v56 =	vld [tilespmem:$0x2AC0]  }
0x121: {  	v32 =	vld [tilespmem:$0x26F0]  }
0x122: {  	v33 =	vld [tilespmem:$0x2700]  }
0x123: {  	v36 =	vld [tilespmem:$0x2710]  }
0x124: {  	v37 =	vld [tilespmem:$0x2720]  }
0x125: {  	[tilespmem:$0x1F890] =	vst v56;
	v56 =	vld [tilespmem:$0x2AD0]  }
0x126: {  	v48 =	vld [tilespmem:$0x2730]  }
0x127: {  	v49 =	vld [tilespmem:$0x2740]  }
0x128: {  	v52 =	vld [tilespmem:$0x2750]  }
0x129: {  	v53 =	vld [tilespmem:$0x2760]  }
0x12a: {  	[tilespmem:$0x1F8B0] =	vst v56;
	v56 =	vld [tilespmem:$0x2AE0]  }
0x12b: {  	v62 =	vld [tilespmem:$0x2770]  }
0x12c: {  	v63 =	vld [tilespmem:$0x2780]  }
0x12d: {  	v0 =	vld [tilespmem:$0x2790]  }
0x12e: {  	v2 =	vld [tilespmem:$0x27A0]  }
0x12f: {  	[tilespmem:$0x1F8C0] =	vst v56;
	v56 =	vld [tilespmem:$0x2AF0]  }
0x130: {  	v9 =	vld [tilespmem:$0x27B0]  }
0x131: {  	v1 =	vld [tilespmem:$0x27C0]  }
0x132: {  	v6 =	vld [tilespmem:$0x27D0]  }
0x133: {  	v8 =	vld [tilespmem:$0x27E0]  }
0x134: {  	[tilespmem:$0x1F8E0] =	vst v56;
	v56 =	vld [tilespmem:$0x2B00]  }
0x135: {  	v13 =	vld [tilespmem:$0x27F0]  }
0x136: {  	v7 =	vld [tilespmem:$0x2800]  }
0x137: {  	v10 =	vld [tilespmem:$0x2810]  }
0x138: {  	v12 =	vld [tilespmem:$0x2820]  }
0x139: {  	[tilespmem:$0x1F8D0] =	vst v56;
	v56 =	vld [tilespmem:$0x2B10]  }
0x13a: {  	v19 =	vld [tilespmem:$0x2830]  }
0x13b: {  	v11 =	vld [tilespmem:$0x2840]  }
0x13c: {  	v14 =	vld [tilespmem:$0x2850]  }
0x13d: {  	v18 =	vld [tilespmem:$0x2860]  }
0x13e: {  	[tilespmem:$0x1F8F0] =	vst v56;
	v56 =	vld [tilespmem:$0x2B20]  }
0x13f: {  	v25 =	vld [tilespmem:$0x2870]  }
0x140: {  	v15 =	vld [tilespmem:$0x2880]  }
0x141: {  	v22 =	vld [tilespmem:$0x2890]  }
0x142: {  	v24 =	vld [tilespmem:$0x28A0]  }
0x143: {  	[tilespmem:$0x1F900] =	vst v56;
	v56 =	vld [tilespmem:$0x2B30]  }
0x144: {  	v29 =	vld [tilespmem:$0x28B0]  }
0x145: {  	v23 =	vld [tilespmem:$0x28C0]  }
0x146: {  	v26 =	vld [tilespmem:$0x28D0]  }
0x147: {  	v28 =	vld [tilespmem:$0x28E0]  }
0x148: {  	[tilespmem:$0x1F920] =	vst v56;
	v56 =	vld [tilespmem:$0x2B40]  }
0x149: {  	v35 =	vld [tilespmem:$0x28F0]  }
0x14a: {  	v27 =	vld [tilespmem:$0x2900]  }
0x14b: {  	v30 =	vld [tilespmem:$0x2910]  }
0x14c: {  	v34 =	vld [tilespmem:$0x2920]  }
0x14d: {  	[tilespmem:$0x1F910] =	vst v56;
	v56 =	vld [tilespmem:$0x2B50]  }
0x14e: {  	v41 =	vld [tilespmem:$0x2930]  }
0x14f: {  	v31 =	vld [tilespmem:$0x2940]  }
0x150: {  	v38 =	vld [tilespmem:$0x2950]  }
0x151: {  	v40 =	vld [tilespmem:$0x2960]  }
0x152: {  	[tilespmem:$0x1F930] =	vst v56;
	v56 =	vld [tilespmem:$0x2B60]  }
0x153: {  	v45 =	vld [tilespmem:$0x2970]  }
0x154: {  	v39 =	vld [tilespmem:$0x2980]  }
0x155: {  	v42 =	vld [tilespmem:$0x2990]  }
0x156: {  	v44 =	vld [tilespmem:$0x29A0]  }
0x157: {  	[tilespmem:$0x1F940] =	vst v56;
	v56 =	vld [tilespmem:$0x2B70]  }
0x158: {  	v51 =	vld [tilespmem:$0x29B0]  }
0x159: {  	v43 =	vld [tilespmem:$0x29C0]  }
0x15a: {  	v46 =	vld [tilespmem:$0x29D0]  }
0x15b: {  	v50 =	vld [tilespmem:$0x29E0]  }
0x15c: {  	[tilespmem:$0x1F960] =	vst v56;
	v56 =	vld [tilespmem:$0x2B80]  }
0x15d: {  	v60 =	vld [tilespmem:$0x29F0]  }
0x15e: {  	v47 =	vld [tilespmem:$0x2A00]  }
0x15f: {  	v54 =	vld [tilespmem:$0x2A10]  }
0x160: {  	v61 =	vld [tilespmem:$0x2A20]  }
0x161: {  	[tilespmem:$0x1F950] =	vst v56;
	v56 =	vld [tilespmem:$0x2B90]  }
0x162: {  	v59 =	vld [tilespmem:$0x2A30]  }
0x163: {  	v55 =	vld [tilespmem:$0x2A40]  }
0x164: {  	v58 =	vld [tilespmem:$0x2A50]  }
0x165: {  	v57 =	vld [tilespmem:$0x2A60]  }
0x166: {  	[tilespmem:$0x1F970] =	vst v56;
	v56 =	vld [tilespmem:$0x2BA0]  }
0x167: {  	[tilespmem:$0x1F850] =	vst v59;
	v59 =	vld [tilespmem:$0x2A80]  }
0x168: {  	v17 =	vadd.f32 v17, v3;
	v3 =	vld [tilespmem:$0x2D10]  }
0x169: {  	v20 =	vadd.f32 v20, v4;
	v4 =	vld [tilespmem:$0x2D20]  }
0x16a: {  	v21 =	vadd.f32 v21, v5;
	v5 =	vld [tilespmem:$0x2D30]  }
0x16b: {  	v17 =	vadd.f32 v33, v17;
	[tilespmem:$0x1F980] =	vst v56;
	v56 =	vld [tilespmem:$0x2BB0]  }
0x16c: {  	v32 =	vadd.f32 v32, v16;
	v16 =	vld [tilespmem:$0x2D40];
	v20 =	vadd.f32 v36, v20  }
0x16d: {  	v21 =	vadd.f32 v37, v21;
	v33 =	vadd.f32 v49, v17;
	v17 =	vld [tilespmem:$0x2D50]  }
0x16e: {  	v36 =	vadd.f32 v52, v20;
	v20 =	vld [tilespmem:$0x2D60]  }
0x16f: {  	v32 =	vadd.f32 v48, v32;
	v37 =	vadd.f32 v53, v21;
	v21 =	vld [tilespmem:$0x2D70]  }
0x170: {  	[tilespmem:$0x1F9A0] =	vst v56;
	v56 =	vld [tilespmem:$0x2BC0]  }
0x171: {  	v48 =	vadd.f32 v62, v32;
	v32 =	vld [tilespmem:$0x2D80]  }
0x172: {  	v49 =	vld [tilespmem:$0x2DD0]  }
0x173: {  	v52 =	vld [tilespmem:$0x2DE0]  }
0x174: {  	v0 =	vadd.f32 v0, v36;
	v36 =	vld [tilespmem:$0x2DA0]  }
0x175: {  	[tilespmem:$0x1F990] =	vst v56;
	v56 =	vld [tilespmem:$0x2BD0]  }
0x176: {  	v33 =	vadd.f32 v63, v33;
	v2 =	vadd.f32 v2, v37;
	v37 =	vld [tilespmem:$0x2DB0]  }
0x177: {  	v9 =	vadd.f32 v9, v48;
	v48 =	vld [tilespmem:$0x2DC0]  }
0x178: {  	v1 =	vadd.f32 v1, v33;
	v33 =	vld [tilespmem:$0x2D90]  }
0x179: {  	v2 =	vadd.f32 v8, v2;
	v8 =	vld [tilespmem:$0x2E10]  }
0x17a: {  	[tilespmem:$0x1F9B0] =	vst v56;
	v56 =	vld [tilespmem:$0x2BE0]  }
0x17b: {  	v53 =	vadd.f32 v13, v9;
	v9 =	vld [tilespmem:$0x2E20]  }
0x17c: {  	v13 =	vld [tilespmem:$0x2E60]  }
0x17d: {  	v0 =	vadd.f32 v6, v0;
	v6 =	vadd.f32 v19, v53;
	v53 =	vld [tilespmem:$0x2DF0]  }
0x17e: {  	v1 =	vadd.f32 v7, v1;
	v7 =	vld [tilespmem:$0x2E00]  }
0x17f: {  	[tilespmem:$0x1F9C0] =	vst v56;
	v56 =	vld [tilespmem:$0x2BF0]  }
0x180: {  	v0 =	vadd.f32 v10, v0;
	v10 =	vld [tilespmem:$0x2E30]  }
0x181: {  	v2 =	vadd.f32 v12, v2;
	v12 =	vld [tilespmem:$0x2E50]  }
0x182: {  	v19 =	vld [tilespmem:$0x2EA0]  }
0x183: {  	v1 =	vadd.f32 v11, v1;
	v11 =	vld [tilespmem:$0x2E40]  }
0x184: {  	[tilespmem:$0x1F9E0] =	vst v56;
	v56 =	vld [tilespmem:$0x2C00]  }
0x185: {  	v0 =	vadd.f32 v14, v0;
	v14 =	vld [tilespmem:$0x2E70]  }
0x186: {  	v2 =	vadd.f32 v18, v2;
	v18 =	vld [tilespmem:$0x2E90]  }
0x187: {  	v6 =	vadd.f32 v25, v6;
	v25 =	vld [tilespmem:$0x2EE0]  }
0x188: {  	v1 =	vadd.f32 v15, v1;
	v15 =	vld [tilespmem:$0x2E80]  }
0x189: {  	[tilespmem:$0x1F9D0] =	vst v56;
	v56 =	vld [tilespmem:$0x2C10]  }
0x18a: {  	v0 =	vadd.f32 v22, v0;
	v22 =	vld [tilespmem:$0x2EB0]  }
0x18b: {  	v2 =	vadd.f32 v24, v2;
	v24 =	vld [tilespmem:$0x2ED0]  }
0x18c: {  	v6 =	vadd.f32 v29, v6;
	v29 =	vld [tilespmem:$0x2F20]  }
0x18d: {  	v1 =	vadd.f32 v23, v1;
	v2 =	vadd.f32 v28, v2;
	v23 =	vld [tilespmem:$0x2EC0]  }
0x18e: {  	v0 =	vadd.f32 v26, v0;
	v6 =	vadd.f32 v35, v6;
	[tilespmem:$0x1F9F0] =	vst v56;
	v56 =	vld [tilespmem:$0x2C20]  }
0x18f: {  	v26 =	vld [tilespmem:$0x2EF0];
	v1 =	vadd.f32 v27, v1;
	v2 =	vadd.f32 v34, v2  }
0x190: {  	v28 =	vld [tilespmem:$0x2F10];
	v0 =	vadd.f32 v30, v0;
	v6 =	vadd.f32 v41, v6  }
0x191: {  	v62 =	vld [tilespmem:$0x1F8A0];
	v1 =	vadd.f32 v31, v1;
	v2 =	vadd.f32 v40, v2  }
0x192: {  	v27 =	vld [tilespmem:$0x2F00];
	v0 =	vadd.f32 v38, v0;
	v6 =	vadd.f32 v45, v6  }
0x193: {  	v1 =	vadd.f32 v39, v1;
	v2 =	vadd.f32 v44, v2;
	[tilespmem:$0x1FA00] =	vst v56;
	v56 =	vld [tilespmem:$0x2C30]  }
0x194: {  	v30 =	vld [tilespmem:$0x2F30];
	v0 =	vadd.f32 v42, v0;
	v6 =	vadd.f32 v51, v6  }
0x195: {  	v31 =	vld [tilespmem:$0x2F40];
	v1 =	vadd.f32 v43, v1;
	v2 =	vadd.f32 v50, v2  }
0x196: {  	v0 =	vadd.f32 v46, v0;
	v6 =	vadd.f32 v60, v6;
	v60 =	vld [tilespmem:$0x1F880]  }
0x197: {  	v1 =	vadd.f32 v47, v1;
	v2 =	vadd.f32 v61, v2;
	v61 =	vld [tilespmem:$0x1F890]  }
0x198: {  	[tilespmem:$0x1FA20] =	vst v56;
	v56 =	vld [tilespmem:$0x2C40]  }
0x199: {  	v0 =	vadd.f32 v54, v0;
	v1 =	vadd.f32 v55, v1;
	v55 =	vld [tilespmem:$0x1F850]  }
0x19a: {  	v63 =	vld [tilespmem:$0x1F8B0]  }
0x19b: {  	v0 =	vadd.f32 v58, v0;
	v58 =	vld [tilespmem:$0x1F860]  }
0x19c: {  	v34 =	vld [tilespmem:$0x1F8C0]  }
0x19d: {  	v2 =	vadd.f32 v57, v2;
	[tilespmem:$0x1FA10] =	vst v56;
	v56 =	vld [tilespmem:$0x2C50]  }
0x19e: {  	v1 =	vadd.f32 v59, v1;
	v59 =	vld [tilespmem:$0x1F870];
	v6 =	vadd.f32 v55, v6  }
0x19f: {  	v2 =	vadd.f32 v60, v2;
	v38 =	vld [tilespmem:$0x1F8E0]  }
0x1a0: {  	v6 =	vadd.f32 v58, v6;
	v35 =	vld [tilespmem:$0x1F8D0]  }
0x1a1: {  	v2 =	vadd.f32 v34, v2;
	v34 =	vld [tilespmem:$0x2F50]  }
0x1a2: {  	v6 =	vadd.f32 v62, v6;
	[tilespmem:$0x1FA30] =	vst v56;
	v56 =	vld [tilespmem:$0x2C60]  }
0x1a3: {  	v1 =	vadd.f32 v61, v1;
	v39 =	vld [tilespmem:$0x1F8F0]  }
0x1a4: {  	v0 =	vadd.f32 v59, v0;
	v6 =	vadd.f32 v38, v6;
	v38 =	vld [tilespmem:$0x2F70]  }
0x1a5: {  	v1 =	vadd.f32 v35, v1;
	v35 =	vld [tilespmem:$0x2F60]  }
0x1a6: {  	v0 =	vadd.f32 v63, v0;
	v40 =	vld [tilespmem:$0x1F900]  }
0x1a7: {  	[tilespmem:$0x1FA40] =	vst v56;
	v56 =	vld [tilespmem:$0x2C70]  }
0x1a8: {  	v0 =	vadd.f32 v39, v0;
	v39 =	vld [tilespmem:$0x2F80]  }
0x1a9: {  	v42 =	vld [tilespmem:$0x1F920]  }
0x1aa: {  	v41 =	vld [tilespmem:$0x1F910]  }
0x1ab: {  	v2 =	vadd.f32 v40, v2;
	v40 =	vld [tilespmem:$0x2F90]  }
0x1ac: {  	[tilespmem:$0x1FA60] =	vst v56;
	v56 =	vld [tilespmem:$0x2C80]  }
0x1ad: {  	v43 =	vld [tilespmem:$0x1F930]  }
0x1ae: {  	v6 =	vadd.f32 v42, v6;
	v42 =	vld [tilespmem:$0x2FB0]  }
0x1af: {  	v1 =	vadd.f32 v41, v1;
	v41 =	vld [tilespmem:$0x2FA0]  }
0x1b0: {  	v44 =	vld [tilespmem:$0x1F940]  }
0x1b1: {  	[tilespmem:$0x1FA50] =	vst v56;
	v56 =	vld [tilespmem:$0x2C90]  }
0x1b2: {  	v0 =	vadd.f32 v43, v0;
	v43 =	vld [tilespmem:$0x2FC0]  }
0x1b3: {  	v46 =	vld [tilespmem:$0x1F960]  }
0x1b4: {  	v45 =	vld [tilespmem:$0x1F950]  }
0x1b5: {  	v2 =	vadd.f32 v44, v2;
	v44 =	vld [tilespmem:$0x2FD0]  }
0x1b6: {  	[tilespmem:$0x1FA70] =	vst v56;
	v56 =	vld [tilespmem:$0x2CA0]  }
0x1b7: {  	v47 =	vld [tilespmem:$0x1F970]  }
0x1b8: {  	v6 =	vadd.f32 v46, v6;
	v46 =	vld [tilespmem:$0x2FF0]  }
0x1b9: {  	v1 =	vadd.f32 v45, v1;
	v45 =	vld [tilespmem:$0x2FE0]  }
0x1ba: {  	v50 =	vld [tilespmem:$0x1F980]  }
0x1bb: {  	[tilespmem:$0x1FA80] =	vst v56;
	v56 =	vld [tilespmem:$0x2CB0]  }
0x1bc: {  	v0 =	vadd.f32 v47, v0;
	v47 =	vld [tilespmem:$0x3000]  }
0x1bd: {  	v54 =	vld [tilespmem:$0x1F9A0]  }
0x1be: {  	v51 =	vld [tilespmem:$0x1F990]  }
0x1bf: {  	v55 =	vld [tilespmem:$0x1F9B0]  }
0x1c0: {  	[tilespmem:$0x1FAA0] =	vst v56;
	v56 =	vld [tilespmem:$0x2CC0]  }
0x1c1: {  	v57 =	vld [tilespmem:$0x1F9C0]  }
0x1c2: {  	v59 =	vld [tilespmem:$0x1F9E0]  }
0x1c3: {  	v58 =	vld [tilespmem:$0x1F9D0]  }
0x1c4: {  	v60 =	vld [tilespmem:$0x1F9F0]  }
0x1c5: {  	[tilespmem:$0x1FA90] =	vst v56;
	v56 =	vld [tilespmem:$0x2CD0]  }
0x1c6: {  	v61 =	vld [tilespmem:$0x1FA00]  }
0x1c7: {  	v63 =	vld [tilespmem:$0x1FA20]  }
0x1c8: {  	v62 =	vld [tilespmem:$0x1FA10]  }
0x1c9: {  	v2 =	vadd.f32 v50, v2;
	v50 =	vld [tilespmem:$0x1FA30]  }
0x1ca: {  	[tilespmem:$0x1FAB0] =	vst v56;
	v56 =	vld [tilespmem:$0x2CE0]  }
0x1cb: {  	v1 =	vadd.f32 v51, v1;
	v51 =	vld [tilespmem:$0x1FA40]  }
0x1cc: {  	v0 =	vadd.f32 v55, v0;
	v55 =	vld [tilespmem:$0x1FA60]  }
0x1cd: {  	v6 =	vadd.f32 v54, v6;
	v54 =	vld [tilespmem:$0x1FA50]  }
0x1ce: {  	v2 =	vadd.f32 v57, v2;
	v57 =	vld [tilespmem:$0x1FA70]  }
0x1cf: {  	[tilespmem:$0x1FAC0] =	vst v56;
	v56 =	vld [tilespmem:$0x2CF0]  }
0x1d0: {  	v1 =	vadd.f32 v58, v1;
	v58 =	vld [tilespmem:$0x1FA80]  }
0x1d1: {  	v0 =	vadd.f32 v60, v0;
	v60 =	vld [tilespmem:$0x1FAA0]  }
0x1d2: {  	v6 =	vadd.f32 v59, v6;
	v2 =	vadd.f32 v61, v2;
	v61 =	vld [tilespmem:$0x1FAB0]  }
0x1d3: {  	v1 =	vadd.f32 v62, v1;
	v0 =	vadd.f32 v50, v0;
	v62 =	vld [tilespmem:$0x1FAC0]  }
0x1d4: {  	v6 =	vadd.f32 v63, v6;
	v2 =	vadd.f32 v51, v2;
	v59 =	vld [tilespmem:$0x1FA90];
	[tilespmem:$0x1FAD0] =	vst v56  }
0x1d5: {  	v0 =	vadd.f32 v57, v0;
	v63 =	vld [tilespmem:$0x1FAD0]  }
0x1d6: {  	v6 =	vadd.f32 v55, v6;
	v2 =	vadd.f32 v58, v2;
	v56 =	vld [tilespmem:$0x2D00]  }
0x1d7: {  	v50 =	vld [tilespmem:$0x3010];
	v1 =	vadd.f32 v54, v1;
	v0 =	vadd.f32 v61, v0  }
0x1d8: {  	v51 =	vld [tilespmem:$0x3020];
	v6 =	vadd.f32 v60, v6;
	v2 =	vadd.f32 v62, v2  }
0x1d9: {  	v55 =	vld [tilespmem:$0x30E0];
	v1 =	vadd.f32 v59, v1;
	v0 =	vadd.f32 v3, v0  }
0x1da: {  	v54 =	vld [tilespmem:$0x3030];
	v2 =	vadd.f32 v4, v2;
	v6 =	vadd.f32 v63, v6  }
0x1db: {  	v57 =	vld [tilespmem:$0x3100];
	v0 =	vadd.f32 v17, v0;
	v1 =	vadd.f32 v56, v1  }
0x1dc: {  	v58 =	vld [tilespmem:$0x3110];
	v2 =	vadd.f32 v20, v2;
	v5 =	vadd.f32 v5, v6  }
0x1dd: {  	v60 =	vld [tilespmem:$0x3130];
	v0 =	vadd.f32 v33, v0;
	v1 =	vadd.f32 v16, v1  }
0x1de: {  	v59 =	vld [tilespmem:$0x3120];
	v2 =	vadd.f32 v36, v2;
	v5 =	vadd.f32 v21, v5  }
0x1df: {  	v61 =	vld [tilespmem:$0x3140];
	v0 =	vadd.f32 v49, v0;
	v1 =	vadd.f32 v32, v1  }
0x1e0: {  	v3 =	vld [tilespmem:$0x3040];
	v2 =	vadd.f32 v52, v2;
	v5 =	vadd.f32 v37, v5  }
0x1e1: {  	v17 =	vld [tilespmem:$0x3080];
	v0 =	vadd.f32 v8, v0;
	v1 =	vadd.f32 v48, v1  }
0x1e2: {  	v62 =	vld [tilespmem:$0x3150];
	v2 =	vadd.f32 v9, v2;
	v5 =	vadd.f32 v53, v5  }
0x1e3: {  	v33 =	vld [tilespmem:$0x3180];
	v0 =	vadd.f32 v12, v0;
	v1 =	vadd.f32 v7, v1  }
0x1e4: {  	v4 =	vld [tilespmem:$0x3050];
	v2 =	vadd.f32 v13, v2;
	v5 =	vadd.f32 v10, v5  }
0x1e5: {  	v49 =	vld [tilespmem:$0x30B0];
	v0 =	vadd.f32 v18, v0;
	v1 =	vadd.f32 v11, v1  }
0x1e6: {  	v20 =	vld [tilespmem:$0x3090];
	v2 =	vadd.f32 v19, v2;
	v5 =	vadd.f32 v14, v5  }
0x1e7: {  	v56 =	vld [tilespmem:$0x30F0];
	v0 =	vadd.f32 v24, v0;
	v1 =	vadd.f32 v15, v1  }
0x1e8: {  	v63 =	vld [tilespmem:$0x3160];
	v2 =	vadd.f32 v25, v2;
	v5 =	vadd.f32 v22, v5  }
0x1e9: {  	v16 =	vld [tilespmem:$0x3070];
	v0 =	vadd.f32 v28, v0;
	v1 =	vadd.f32 v23, v1  }
0x1ea: {  	v36 =	vld [tilespmem:$0x31B0];
	v2 =	vadd.f32 v29, v2;
	v5 =	vadd.f32 v26, v5  }
0x1eb: {  	v6 =	vld [tilespmem:$0x3060];
	v0 =	vadd.f32 v34, v0;
	v1 =	vadd.f32 v27, v1  }
0x1ec: {  	v52 =	vld [tilespmem:$0x30C0];
	v2 =	vadd.f32 v35, v2;
	v5 =	vadd.f32 v30, v5  }
0x1ed: {  	v32 =	vld [tilespmem:$0x3170];
	v0 =	vadd.f32 v40, v0;
	v1 =	vadd.f32 v31, v1  }
0x1ee: {  	v48 =	vld [tilespmem:$0x30A0];
	v2 =	vadd.f32 v41, v2;
	v5 =	vadd.f32 v38, v5  }
0x1ef: {  	v37 =	vld [tilespmem:$0x31C0];
	v0 =	vadd.f32 v44, v0;
	v1 =	vadd.f32 v39, v1  }
0x1f0: {  	v53 =	vld [tilespmem:$0x30D0];
	v2 =	vadd.f32 v45, v2;
	v5 =	vadd.f32 v42, v5  }
0x1f1: {  	v34 =	vld [tilespmem:$0x3190];
	v0 =	vadd.f32 v50, v0;
	v1 =	vadd.f32 v43, v1  }
0x1f2: {  	v40 =	vld [tilespmem:$0x31F0];
	v2 =	vadd.f32 v51, v2;
	v5 =	vadd.f32 v46, v5  }
0x1f3: {  	v44 =	vld [tilespmem:$0x3230];
	v0 =	vadd.f32 v4, v0;
	v1 =	vadd.f32 v47, v1  }
0x1f4: {  	v35 =	vld [tilespmem:$0x31A0];
	v2 =	vadd.f32 v6, v2;
	v5 =	vadd.f32 v54, v5  }
0x1f5: {  	v50 =	vld [tilespmem:$0x3290];
	v0 =	vadd.f32 v20, v0;
	v1 =	vadd.f32 v3, v1  }
0x1f6: {  	v41 =	vld [tilespmem:$0x3200];
	v2 =	vadd.f32 v48, v2;
	v5 =	vadd.f32 v16, v5  }
0x1f7: {  	v39 =	vld [tilespmem:$0x31E0];
	v0 =	vadd.f32 v53, v0;
	v1 =	vadd.f32 v17, v1  }
0x1f8: {  	v45 =	vld [tilespmem:$0x3240];
	v2 =	vadd.f32 v55, v2;
	v5 =	vadd.f32 v49, v5  }
0x1f9: {  	v38 =	vld [tilespmem:$0x31D0];
	v0 =	vadd.f32 v58, v0;
	v1 =	vadd.f32 v52, v1  }
0x1fa: {  	v43 =	vld [tilespmem:$0x3220];
	v2 =	vadd.f32 v59, v2;
	v5 =	vadd.f32 v56, v5  }
0x1fb: {  	v51 =	vld [tilespmem:$0x32A0];
	v0 =	vadd.f32 v62, v0;
	v1 =	vadd.f32 v57, v1  }
0x1fc: {  	v42 =	vld [tilespmem:$0x3210];
	v2 =	vadd.f32 v63, v2;
	v5 =	vadd.f32 v60, v5  }
0x1fd: {  	v47 =	vld [tilespmem:$0x3260];
	v0 =	vadd.f32 v34, v0;
	v1 =	vadd.f32 v61, v1  }
0x1fe: {  	v46 =	vld [tilespmem:$0x3250];
	v2 =	vadd.f32 v35, v2;
	v5 =	vadd.f32 v32, v5  }
0x1ff: {  	v48 =	vld [tilespmem:$0x3270];
	v0 =	vadd.f32 v38, v0;
	v1 =	vadd.f32 v33, v1  }
0x200: {  	v54 =	vld [tilespmem:$0x32D0];
	v2 =	vadd.f32 v39, v2;
	v5 =	vadd.f32 v36, v5  }
0x201: {  	v55 =	vld [tilespmem:$0x32E0];
	v0 =	vadd.f32 v42, v0;
	v1 =	vadd.f32 v37, v1  }
0x202: {  	v49 =	vld [tilespmem:$0x3280];
	v2 =	vadd.f32 v43, v2;
	v5 =	vadd.f32 v40, v5  }
0x203: {  	v52 =	vld [tilespmem:$0x32B0];
	v0 =	vadd.f32 v46, v0;
	v1 =	vadd.f32 v41, v1  }
0x204: {  	v53 =	vld [tilespmem:$0x32C0];
	v2 =	vadd.f32 v47, v2;
	v5 =	vadd.f32 v44, v5  }
0x205: {  	v56 =	vld [tilespmem:$0x32F0];
	v0 =	vadd.f32 v50, v0;
	v1 =	vadd.f32 v45, v1  }
0x206: {  	v2 =	vadd.f32 v51, v2;
	v5 =	vadd.f32 v48, v5  }
0x207: {  	v0 =	vadd.f32 v54, v0;
	v1 =	vadd.f32 v49, v1  }
0x208: {  	v2 =	vadd.f32 v55, v2;
	v57 =	vadd.f32 v52, v5  }
0x209: {  	[tilespmem:s17+$0xFFFFFFD0] =	vst v0;
	v1 =	vadd.f32 v53, v1  }
0x20a: {  	p0 =	seq.s32 s16, $0x0;
	[tilespmem:s17+$0xFFFFFFE0] =	vst v2;
	v58 =	vadd.f32 v56, v57  }
0x20b: {  	s18 =	sshra.s32 @!p0 s16, $0x2;
	[tilespmem:s17+$0xFFFFFFC0] =	vst v1  }
0x20c: {  	s19 =	simm.s32 @!p0 $0x64;
	s20 =	simm.s32 @!p0 $0x1A00;
	s18 =	sadd.s32 @!p0 $0x1A00, s18;
	[tilespmem:s17+$0xFFFFFFF0] =	vst v58  }
0x20d: {  	[tilespmem:s20], [sflag:$0x1] =	stream.indirect.gather @!p0 [hbm4b:s3+s19], $0x40, s18, s19, $0xb8;
	[tilespmem:$0x6C00] =	vst v63  }
0x20e: {  	_ =	swait.ge [sflag:s13], $0x1900  }
0x20f: {  	[sflag:s13] =	ssyncset.done $0x0  }
0x210: {  	[sflag:s13] =	ssyncadd.s32 $0xFFFFE700  }
0x211: {  	v3 =	vld [tilespmem:$0x3300]  }
0x212: {  	v4 =	vld [tilespmem:$0x3310]  }
0x213: {  	v5 =	vld [tilespmem:$0x3320]  }
0x214: {  	v16 =	vld [tilespmem:$0x3330]  }
0x215: {  	v17 =	vld [tilespmem:$0x3340]  }
0x216: {  	v20 =	vld [tilespmem:$0x3350]  }
0x217: {  	v21 =	vld [tilespmem:$0x3360]  }
0x218: {  	v32 =	vld [tilespmem:$0x3370]  }
0x219: {  	v33 =	vld [tilespmem:$0x3380]  }
0x21a: {  	v36 =	vld [tilespmem:$0x3390]  }
0x21b: {  	v37 =	vld [tilespmem:$0x33A0]  }
0x21c: {  	v48 =	vld [tilespmem:$0x33B0]  }
0x21d: {  	v49 =	vld [tilespmem:$0x33C0]  }
0x21e: {  	v52 =	vld [tilespmem:$0x33D0]  }
0x21f: {  	v53 =	vld [tilespmem:$0x33E0]  }
0x220: {  	v62 =	vld [tilespmem:$0x33F0]  }
0x221: {  	v63 =	vld [tilespmem:$0x3400]  }
0x222: {  	v0 =	vld [tilespmem:$0x3410]  }
0x223: {  	v2 =	vld [tilespmem:$0x3420]  }
0x224: {  	v9 =	vld [tilespmem:$0x3430]  }
0x225: {  	v1 =	vld [tilespmem:$0x3440]  }
0x226: {  	v6 =	vld [tilespmem:$0x3450]  }
0x227: {  	v8 =	vld [tilespmem:$0x3460]  }
0x228: {  	v13 =	vld [tilespmem:$0x3470]  }
0x229: {  	v7 =	vld [tilespmem:$0x3480]  }
0x22a: {  	v10 =	vld [tilespmem:$0x3490]  }
0x22b: {  	v12 =	vld [tilespmem:$0x34A0]  }
0x22c: {  	v19 =	vld [tilespmem:$0x34B0]  }
0x22d: {  	v11 =	vld [tilespmem:$0x34C0]  }
0x22e: {  	v14 =	vld [tilespmem:$0x34D0]  }
0x22f: {  	v18 =	vld [tilespmem:$0x34E0]  }
0x230: {  	v25 =	vld [tilespmem:$0x34F0]  }
0x231: {  	v15 =	vld [tilespmem:$0x3500]  }
0x232: {  	v22 =	vld [tilespmem:$0x3510]  }
0x233: {  	v24 =	vld [tilespmem:$0x3520]  }
0x234: {  	v29 =	vld [tilespmem:$0x3530]  }
0x235: {  	v23 =	vld [tilespmem:$0x3540]  }
0x236: {  	v26 =	vld [tilespmem:$0x3550]  }
0x237: {  	v28 =	vld [tilespmem:$0x3560]  }
0x238: {  	v35 =	vld [tilespmem:$0x3570]  }
0x239: {  	v27 =	vld [tilespmem:$0x3580]  }
0x23a: {  	v30 =	vld [tilespmem:$0x3590]  }
0x23b: {  	v34 =	vld [tilespmem:$0x35A0]  }
0x23c: {  	v41 =	vld [tilespmem:$0x35B0]  }
0x23d: {  	v31 =	vld [tilespmem:$0x35C0]  }
0x23e: {  	v38 =	vld [tilespmem:$0x35D0]  }
0x23f: {  	v40 =	vld [tilespmem:$0x35E0]  }
0x240: {  	v56 =	vld [tilespmem:$0x36F0]  }
0x241: {  	v45 =	vld [tilespmem:$0x35F0]  }
0x242: {  	v39 =	vld [tilespmem:$0x3600]  }
0x243: {  	v42 =	vld [tilespmem:$0x3610]  }
0x244: {  	v44 =	vld [tilespmem:$0x3620]  }
0x245: {  	[tilespmem:$0x1FAF0] =	vst v56;
	v56 =	vld [tilespmem:$0x3710]  }
0x246: {  	v51 =	vld [tilespmem:$0x3630]  }
0x247: {  	v43 =	vld [tilespmem:$0x3640]  }
0x248: {  	v46 =	vld [tilespmem:$0x3650]  }
0x249: {  	v50 =	vld [tilespmem:$0x3660]  }
0x24a: {  	[tilespmem:$0x1FB00] =	vst v56;
	v56 =	vld [tilespmem:$0x3720]  }
0x24b: {  	v60 =	vld [tilespmem:$0x3670]  }
0x24c: {  	v47 =	vld [tilespmem:$0x3680]  }
0x24d: {  	v54 =	vld [tilespmem:$0x3690]  }
0x24e: {  	v59 =	vld [tilespmem:$0x36B0]  }
0x24f: {  	[tilespmem:$0x1FB10] =	vst v56;
	v56 =	vld [tilespmem:$0x3730]  }
0x250: {  	v61 =	vld [tilespmem:$0x36A0]  }
0x251: {  	v55 =	vld [tilespmem:$0x36C0]  }
0x252: {  	v58 =	vld [tilespmem:$0x36D0]  }
0x253: {  	v57 =	vld [tilespmem:$0x36E0];
	[tilespmem:$0x1FAE0] =	vst v59  }
0x254: {  	v59 =	vld [tilespmem:$0x3700];
	[tilespmem:$0x1FB30] =	vst v56  }
0x255: {  	v56 =	vld [tilespmem:$0x3740];
	_ =	sdelay $0x4  }
0x256: {  	[tilespmem:$0x1FB20] =	vst v56;
	v56 =	vld [tilespmem:$0x3750];
	_ =	sdelay $0x4  }
0x257: {  	[tilespmem:$0x1FB40] =	vst v56;
	v56 =	vld [tilespmem:$0x3760];
	_ =	sdelay $0x4  }
0x258: {  	[tilespmem:$0x1FB50] =	vst v56;
	v56 =	vld [tilespmem:$0x3770];
	_ =	sdelay $0x4  }
0x259: {  	[tilespmem:$0x1FB70] =	vst v56;
	v56 =	vld [tilespmem:$0x3780];
	_ =	sdelay $0x4  }
0x25a: {  	[tilespmem:$0x1FB60] =	vst v56;
	v56 =	vld [tilespmem:$0x3790];
	_ =	sdelay $0x4  }
0x25b: {  	[tilespmem:$0x1FB80] =	vst v56;
	v56 =	vld [tilespmem:$0x37A0];
	_ =	sdelay $0x4  }
0x25c: {  	[tilespmem:$0x1FB90] =	vst v56;
	v56 =	vld [tilespmem:$0x37B0];
	_ =	sdelay $0x4  }
0x25d: {  	[tilespmem:$0x1FBB0] =	vst v56;
	v56 =	vld [tilespmem:$0x37C0];
	_ =	sdelay $0x4  }
0x25e: {  	[tilespmem:$0x1FBA0] =	vst v56;
	v56 =	vld [tilespmem:$0x37D0];
	_ =	sdelay $0x4  }
0x25f: {  	[tilespmem:$0x1FBC0] =	vst v56;
	v56 =	vld [tilespmem:$0x37E0];
	_ =	sdelay $0x4  }
0x260: {  	[tilespmem:$0x1FBD0] =	vst v56;
	v56 =	vld [tilespmem:$0x37F0];
	_ =	sdelay $0x4  }
0x261: {  	[tilespmem:$0x1FBF0] =	vst v56;
	v56 =	vld [tilespmem:$0x3800];
	_ =	sdelay $0x4  }
0x262: {  	[tilespmem:$0x1FBE0] =	vst v56;
	v56 =	vld [tilespmem:$0x3810];
	_ =	sdelay $0x4  }
0x263: {  	[tilespmem:$0x1FC00] =	vst v56;
	v56 =	vld [tilespmem:$0x3820];
	_ =	sdelay $0x1  }
0x264: {  	v17 =	vadd.f32 v17, v3;
	v3 =	vld [tilespmem:$0x3990]  }
0x265: {  	v20 =	vadd.f32 v20, v4;
	v4 =	vld [tilespmem:$0x39A0]  }
0x266: {  	v21 =	vadd.f32 v21, v5;
	v5 =	vld [tilespmem:$0x39B0]  }
0x267: {  	v17 =	vadd.f32 v33, v17;
	[tilespmem:$0x1FC10] =	vst v56;
	v56 =	vld [tilespmem:$0x3830]  }
0x268: {  	v32 =	vadd.f32 v32, v16;
	v20 =	vadd.f32 v36, v20;
	v16 =	vld [tilespmem:$0x39C0]  }
0x269: {  	v21 =	vadd.f32 v37, v21;
	v33 =	vadd.f32 v49, v17;
	v17 =	vld [tilespmem:$0x39D0]  }
0x26a: {  	v36 =	vadd.f32 v52, v20;
	v20 =	vld [tilespmem:$0x39E0]  }
0x26b: {  	v32 =	vadd.f32 v48, v32;
	v37 =	vadd.f32 v53, v21;
	v21 =	vld [tilespmem:$0x39F0]  }
0x26c: {  	v33 =	vadd.f32 v63, v33;
	[tilespmem:$0x1FC30] =	vst v56;
	v56 =	vld [tilespmem:$0x3840]  }
0x26d: {  	v48 =	vadd.f32 v62, v32;
	v32 =	vld [tilespmem:$0x3A00]  }
0x26e: {  	v1 =	vadd.f32 v1, v33;
	v33 =	vld [tilespmem:$0x3A10]  }
0x26f: {  	v0 =	vadd.f32 v0, v36;
	v36 =	vld [tilespmem:$0x3A20]  }
0x270: {  	v2 =	vadd.f32 v2, v37;
	v37 =	vld [tilespmem:$0x3A30]  }
0x271: {  	v9 =	vadd.f32 v9, v48;
	[tilespmem:$0x1FC20] =	vst v56;
	v56 =	vld [tilespmem:$0x3850]  }
0x272: {  	v48 =	vld [tilespmem:$0x3A40]  }
0x273: {  	v53 =	vadd.f32 v13, v9;
	v49 =	vld [tilespmem:$0x3A50]  }
0x274: {  	v52 =	vld [tilespmem:$0x3A60]  }
0x275: {  	v0 =	vadd.f32 v6, v0;
	v6 =	vadd.f32 v19, v53;
	v53 =	vld [tilespmem:$0x3A70]  }
0x276: {  	[tilespmem:$0x1FC40] =	vst v56;
	v56 =	vld [tilespmem:$0x3860]  }
0x277: {  	v1 =	vadd.f32 v7, v1;
	v7 =	vld [tilespmem:$0x3A80]  }
0x278: {  	v2 =	vadd.f32 v8, v2;
	v8 =	vld [tilespmem:$0x3A90]  }
0x279: {  	v9 =	vld [tilespmem:$0x3AA0]  }
0x27a: {  	v0 =	vadd.f32 v10, v0;
	v10 =	vld [tilespmem:$0x3AB0]  }
0x27b: {  	[tilespmem:$0x1FC50] =	vst v56;
	v56 =	vld [tilespmem:$0x3870]  }
0x27c: {  	v1 =	vadd.f32 v11, v1;
	v11 =	vld [tilespmem:$0x3AC0]  }
0x27d: {  	v2 =	vadd.f32 v12, v2;
	v12 =	vld [tilespmem:$0x3AD0]  }
0x27e: {  	v13 =	vld [tilespmem:$0x3AE0]  }
0x27f: {  	v0 =	vadd.f32 v14, v0;
	v14 =	vld [tilespmem:$0x3AF0]  }
0x280: {  	[tilespmem:$0x1FC70] =	vst v56;
	v56 =	vld [tilespmem:$0x3880]  }
0x281: {  	v1 =	vadd.f32 v15, v1;
	v15 =	vld [tilespmem:$0x3B00]  }
0x282: {  	v2 =	vadd.f32 v18, v2;
	v18 =	vld [tilespmem:$0x3B10]  }
0x283: {  	v19 =	vld [tilespmem:$0x3B20]  }
0x284: {  	v0 =	vadd.f32 v22, v0;
	v22 =	vld [tilespmem:$0x3B30]  }
0x285: {  	[tilespmem:$0x1FC60] =	vst v56;
	v56 =	vld [tilespmem:$0x3890]  }
0x286: {  	v6 =	vadd.f32 v25, v6;
	v1 =	vadd.f32 v23, v1;
	v23 =	vld [tilespmem:$0x3B40]  }
0x287: {  	v2 =	vadd.f32 v24, v2;
	v24 =	vld [tilespmem:$0x3B50]  }
0x288: {  	v6 =	vadd.f32 v29, v6;
	v25 =	vld [tilespmem:$0x3B60]  }
0x289: {  	v0 =	vadd.f32 v26, v0;
	v2 =	vadd.f32 v28, v2;
	v26 =	vld [tilespmem:$0x3B70]  }
0x28a: {  	v6 =	vadd.f32 v35, v6;
	[tilespmem:$0x1FC80] =	vst v56;
	v56 =	vld [tilespmem:$0x38A0]  }
0x28b: {  	v28 =	vld [tilespmem:$0x3B90];
	v1 =	vadd.f32 v27, v1;
	v2 =	vadd.f32 v34, v2  }
0x28c: {  	v62 =	vld [tilespmem:$0x1FB30];
	v0 =	vadd.f32 v30, v0;
	v6 =	vadd.f32 v41, v6  }
0x28d: {  	v29 =	vld [tilespmem:$0x3BA0];
	v1 =	vadd.f32 v31, v1;
	v2 =	vadd.f32 v40, v2  }
0x28e: {  	v27 =	vld [tilespmem:$0x3B80];
	v0 =	vadd.f32 v38, v0;
	v6 =	vadd.f32 v45, v6  }
0x28f: {  	v1 =	vadd.f32 v39, v1;
	v2 =	vadd.f32 v44, v2;
	[tilespmem:$0x1FC90] =	vst v56;
	v56 =	vld [tilespmem:$0x38B0]  }
0x290: {  	v30 =	vld [tilespmem:$0x3BB0];
	v0 =	vadd.f32 v42, v0;
	v6 =	vadd.f32 v51, v6  }
0x291: {  	v31 =	vld [tilespmem:$0x3BC0];
	v1 =	vadd.f32 v43, v1;
	v2 =	vadd.f32 v50, v2  }
0x292: {  	v0 =	vadd.f32 v46, v0;
	v6 =	vadd.f32 v60, v6;
	v60 =	vld [tilespmem:$0x1FB10]  }
0x293: {  	v1 =	vadd.f32 v47, v1;
	v2 =	vadd.f32 v61, v2;
	v61 =	vld [tilespmem:$0x1FB20]  }
0x294: {  	[tilespmem:$0x1FCB0] =	vst v56;
	v56 =	vld [tilespmem:$0x38C0]  }
0x295: {  	v0 =	vadd.f32 v54, v0;
	v1 =	vadd.f32 v55, v1;
	v55 =	vld [tilespmem:$0x1FAE0]  }
0x296: {  	v63 =	vld [tilespmem:$0x1FB40]  }
0x297: {  	v0 =	vadd.f32 v58, v0;
	v58 =	vld [tilespmem:$0x1FAF0]  }
0x298: {  	v34 =	vld [tilespmem:$0x1FB50]  }
0x299: {  	v2 =	vadd.f32 v57, v2;
	[tilespmem:$0x1FCA0] =	vst v56;
	v56 =	vld [tilespmem:$0x38D0]  }
0x29a: {  	v1 =	vadd.f32 v59, v1;
	v59 =	vld [tilespmem:$0x1FB00];
	v6 =	vadd.f32 v55, v6  }
0x29b: {  	v2 =	vadd.f32 v60, v2;
	v38 =	vld [tilespmem:$0x1FB70]  }
0x29c: {  	v6 =	vadd.f32 v58, v6;
	v35 =	vld [tilespmem:$0x1FB60]  }
0x29d: {  	v2 =	vadd.f32 v34, v2;
	v34 =	vld [tilespmem:$0x3BD0]  }
0x29e: {  	v6 =	vadd.f32 v62, v6;
	[tilespmem:$0x1FCC0] =	vst v56;
	v56 =	vld [tilespmem:$0x38E0]  }
0x29f: {  	v1 =	vadd.f32 v61, v1;
	v39 =	vld [tilespmem:$0x1FB80]  }
0x2a0: {  	v0 =	vadd.f32 v59, v0;
	v6 =	vadd.f32 v38, v6;
	v38 =	vld [tilespmem:$0x3BF0]  }
0x2a1: {  	v1 =	vadd.f32 v35, v1;
	v35 =	vld [tilespmem:$0x3BE0]  }
0x2a2: {  	v0 =	vadd.f32 v63, v0;
	v40 =	vld [tilespmem:$0x1FB90]  }
0x2a3: {  	[tilespmem:$0x1FCD0] =	vst v56;
	v56 =	vld [tilespmem:$0x38F0]  }
0x2a4: {  	v0 =	vadd.f32 v39, v0;
	v39 =	vld [tilespmem:$0x3C00]  }
0x2a5: {  	v42 =	vld [tilespmem:$0x1FBB0]  }
0x2a6: {  	v41 =	vld [tilespmem:$0x1FBA0]  }
0x2a7: {  	v2 =	vadd.f32 v40, v2;
	v40 =	vld [tilespmem:$0x3C10]  }
0x2a8: {  	[tilespmem:$0x1FCF0] =	vst v56;
	v56 =	vld [tilespmem:$0x3900]  }
0x2a9: {  	v43 =	vld [tilespmem:$0x1FBC0]  }
0x2aa: {  	v6 =	vadd.f32 v42, v6;
	v42 =	vld [tilespmem:$0x3C30]  }
0x2ab: {  	v1 =	vadd.f32 v41, v1;
	v41 =	vld [tilespmem:$0x3C20]  }
0x2ac: {  	v44 =	vld [tilespmem:$0x1FBD0]  }
0x2ad: {  	[tilespmem:$0x1FCE0] =	vst v56;
	v56 =	vld [tilespmem:$0x3910]  }
0x2ae: {  	v0 =	vadd.f32 v43, v0;
	v43 =	vld [tilespmem:$0x3C40]  }
0x2af: {  	v46 =	vld [tilespmem:$0x1FBF0]  }
0x2b0: {  	v45 =	vld [tilespmem:$0x1FBE0]  }
0x2b1: {  	v2 =	vadd.f32 v44, v2;
	v44 =	vld [tilespmem:$0x3C50]  }
0x2b2: {  	[tilespmem:$0x1FD00] =	vst v56;
	v56 =	vld [tilespmem:$0x3920]  }
0x2b3: {  	v47 =	vld [tilespmem:$0x1FC00]  }
0x2b4: {  	v6 =	vadd.f32 v46, v6;
	v46 =	vld [tilespmem:$0x3C70]  }
0x2b5: {  	v1 =	vadd.f32 v45, v1;
	v45 =	vld [tilespmem:$0x3C60]  }
0x2b6: {  	v50 =	vld [tilespmem:$0x1FC10]  }
0x2b7: {  	[tilespmem:$0x1FD10] =	vst v56;
	v56 =	vld [tilespmem:$0x3930]  }
0x2b8: {  	v0 =	vadd.f32 v47, v0;
	v47 =	vld [tilespmem:$0x3C80]  }
0x2b9: {  	v54 =	vld [tilespmem:$0x1FC30]  }
0x2ba: {  	v51 =	vld [tilespmem:$0x1FC20]  }
0x2bb: {  	v55 =	vld [tilespmem:$0x1FC40]  }
0x2bc: {  	[tilespmem:$0x1FD30] =	vst v56;
	v56 =	vld [tilespmem:$0x3940]  }
0x2bd: {  	v57 =	vld [tilespmem:$0x1FC50]  }
0x2be: {  	v59 =	vld [tilespmem:$0x1FC70]  }
0x2bf: {  	v58 =	vld [tilespmem:$0x1FC60]  }
0x2c0: {  	v60 =	vld [tilespmem:$0x1FC80]  }
0x2c1: {  	[tilespmem:$0x1FD20] =	vst v56;
	v56 =	vld [tilespmem:$0x3950]  }
0x2c2: {  	v61 =	vld [tilespmem:$0x1FC90]  }
0x2c3: {  	v63 =	vld [tilespmem:$0x1FCB0]  }
0x2c4: {  	v62 =	vld [tilespmem:$0x1FCA0]  }
0x2c5: {  	v2 =	vadd.f32 v50, v2;
	v50 =	vld [tilespmem:$0x1FCC0]  }
0x2c6: {  	[tilespmem:$0x1FD40] =	vst v56;
	v56 =	vld [tilespmem:$0x3960]  }
0x2c7: {  	v1 =	vadd.f32 v51, v1;
	v51 =	vld [tilespmem:$0x1FCD0]  }
0x2c8: {  	v0 =	vadd.f32 v55, v0;
	v55 =	vld [tilespmem:$0x1FCF0]  }
0x2c9: {  	v6 =	vadd.f32 v54, v6;
	v54 =	vld [tilespmem:$0x1FCE0]  }
0x2ca: {  	v2 =	vadd.f32 v57, v2;
	v57 =	vld [tilespmem:$0x1FD00]  }
0x2cb: {  	[tilespmem:$0x1FD50] =	vst v56;
	v56 =	vld [tilespmem:$0x3970]  }
0x2cc: {  	v1 =	vadd.f32 v58, v1;
	v58 =	vld [tilespmem:$0x1FD10]  }
0x2cd: {  	v0 =	vadd.f32 v60, v0;
	v60 =	vld [tilespmem:$0x1FD30]  }
0x2ce: {  	v6 =	vadd.f32 v59, v6;
	v2 =	vadd.f32 v61, v2;
	v61 =	vld [tilespmem:$0x1FD40]  }
0x2cf: {  	v1 =	vadd.f32 v62, v1;
	v0 =	vadd.f32 v50, v0;
	v62 =	vld [tilespmem:$0x1FD50]  }
0x2d0: {  	v6 =	vadd.f32 v63, v6;
	v2 =	vadd.f32 v51, v2;
	v59 =	vld [tilespmem:$0x1FD20];
	[tilespmem:$0x1FD60] =	vst v56  }
0x2d1: {  	v0 =	vadd.f32 v57, v0;
	v63 =	vld [tilespmem:$0x1FD60]  }
0x2d2: {  	v6 =	vadd.f32 v55, v6;
	v2 =	vadd.f32 v58, v2;
	v56 =	vld [tilespmem:$0x3980]  }
0x2d3: {  	v50 =	vld [tilespmem:$0x3C90];
	v1 =	vadd.f32 v54, v1;
	v0 =	vadd.f32 v61, v0  }
0x2d4: {  	v51 =	vld [tilespmem:$0x3CA0];
	v6 =	vadd.f32 v60, v6;
	v2 =	vadd.f32 v62, v2  }
0x2d5: {  	v55 =	vld [tilespmem:$0x3D60];
	v1 =	vadd.f32 v59, v1;
	v0 =	vadd.f32 v3, v0  }
0x2d6: {  	v54 =	vld [tilespmem:$0x3CB0];
	v2 =	vadd.f32 v4, v2;
	v6 =	vadd.f32 v63, v6  }
0x2d7: {  	v57 =	vld [tilespmem:$0x3D80];
	v0 =	vadd.f32 v17, v0;
	v1 =	vadd.f32 v56, v1  }
0x2d8: {  	v58 =	vld [tilespmem:$0x3D90];
	v2 =	vadd.f32 v20, v2;
	v5 =	vadd.f32 v5, v6  }
0x2d9: {  	v60 =	vld [tilespmem:$0x3DB0];
	v0 =	vadd.f32 v33, v0;
	v1 =	vadd.f32 v16, v1  }
0x2da: {  	v59 =	vld [tilespmem:$0x3DA0];
	v2 =	vadd.f32 v36, v2;
	v5 =	vadd.f32 v21, v5  }
0x2db: {  	v61 =	vld [tilespmem:$0x3DC0];
	v0 =	vadd.f32 v49, v0;
	v1 =	vadd.f32 v32, v1  }
0x2dc: {  	v3 =	vld [tilespmem:$0x3CC0];
	v2 =	vadd.f32 v52, v2;
	v5 =	vadd.f32 v37, v5  }
0x2dd: {  	v17 =	vld [tilespmem:$0x3D00];
	v0 =	vadd.f32 v8, v0;
	v1 =	vadd.f32 v48, v1  }
0x2de: {  	v62 =	vld [tilespmem:$0x3DD0];
	v2 =	vadd.f32 v9, v2;
	v5 =	vadd.f32 v53, v5  }
0x2df: {  	v33 =	vld [tilespmem:$0x3E00];
	v0 =	vadd.f32 v12, v0;
	v1 =	vadd.f32 v7, v1  }
0x2e0: {  	v4 =	vld [tilespmem:$0x3CD0];
	v2 =	vadd.f32 v13, v2;
	v5 =	vadd.f32 v10, v5  }
0x2e1: {  	v49 =	vld [tilespmem:$0x3D30];
	v0 =	vadd.f32 v18, v0;
	v1 =	vadd.f32 v11, v1  }
0x2e2: {  	v20 =	vld [tilespmem:$0x3D10];
	v2 =	vadd.f32 v19, v2;
	v5 =	vadd.f32 v14, v5  }
0x2e3: {  	v56 =	vld [tilespmem:$0x3D70];
	v0 =	vadd.f32 v24, v0;
	v1 =	vadd.f32 v15, v1  }
0x2e4: {  	v63 =	vld [tilespmem:$0x3DE0];
	v2 =	vadd.f32 v25, v2;
	v5 =	vadd.f32 v22, v5  }
0x2e5: {  	v16 =	vld [tilespmem:$0x3CF0];
	v0 =	vadd.f32 v28, v0;
	v1 =	vadd.f32 v23, v1  }
0x2e6: {  	v36 =	vld [tilespmem:$0x3E30];
	v2 =	vadd.f32 v29, v2;
	v5 =	vadd.f32 v26, v5  }
0x2e7: {  	v6 =	vld [tilespmem:$0x3CE0];
	v0 =	vadd.f32 v34, v0;
	v1 =	vadd.f32 v27, v1  }
0x2e8: {  	v52 =	vld [tilespmem:$0x3D40];
	v2 =	vadd.f32 v35, v2;
	v5 =	vadd.f32 v30, v5  }
0x2e9: {  	v32 =	vld [tilespmem:$0x3DF0];
	v0 =	vadd.f32 v40, v0;
	v1 =	vadd.f32 v31, v1  }
0x2ea: {  	v48 =	vld [tilespmem:$0x3D20];
	v2 =	vadd.f32 v41, v2;
	v5 =	vadd.f32 v38, v5  }
0x2eb: {  	v37 =	vld [tilespmem:$0x3E40];
	v0 =	vadd.f32 v44, v0;
	v1 =	vadd.f32 v39, v1  }
0x2ec: {  	v53 =	vld [tilespmem:$0x3D50];
	v2 =	vadd.f32 v45, v2;
	v5 =	vadd.f32 v42, v5  }
0x2ed: {  	v34 =	vld [tilespmem:$0x3E10];
	v0 =	vadd.f32 v50, v0;
	v1 =	vadd.f32 v43, v1  }
0x2ee: {  	v40 =	vld [tilespmem:$0x3E70];
	v2 =	vadd.f32 v51, v2;
	v5 =	vadd.f32 v46, v5  }
0x2ef: {  	v44 =	vld [tilespmem:$0x3EB0];
	v0 =	vadd.f32 v4, v0;
	v1 =	vadd.f32 v47, v1  }
0x2f0: {  	v35 =	vld [tilespmem:$0x3E20];
	v2 =	vadd.f32 v6, v2;
	v5 =	vadd.f32 v54, v5  }
0x2f1: {  	v50 =	vld [tilespmem:$0x3F10];
	v0 =	vadd.f32 v20, v0;
	v1 =	vadd.f32 v3, v1  }
0x2f2: {  	v41 =	vld [tilespmem:$0x3E80];
	v2 =	vadd.f32 v48, v2;
	v5 =	vadd.f32 v16, v5  }
0x2f3: {  	v39 =	vld [tilespmem:$0x3E60];
	v0 =	vadd.f32 v53, v0;
	v1 =	vadd.f32 v17, v1  }
0x2f4: {  	v45 =	vld [tilespmem:$0x3EC0];
	v2 =	vadd.f32 v55, v2;
	v5 =	vadd.f32 v49, v5  }
0x2f5: {  	v38 =	vld [tilespmem:$0x3E50];
	v0 =	vadd.f32 v58, v0;
	v1 =	vadd.f32 v52, v1  }
0x2f6: {  	v43 =	vld [tilespmem:$0x3EA0];
	v2 =	vadd.f32 v59, v2;
	v5 =	vadd.f32 v56, v5  }
0x2f7: {  	v51 =	vld [tilespmem:$0x3F20];
	v0 =	vadd.f32 v62, v0;
	v1 =	vadd.f32 v57, v1  }
0x2f8: {  	v42 =	vld [tilespmem:$0x3E90];
	v2 =	vadd.f32 v63, v2;
	v5 =	vadd.f32 v60, v5  }
0x2f9: {  	v47 =	vld [tilespmem:$0x3EE0];
	v0 =	vadd.f32 v34, v0;
	v1 =	vadd.f32 v61, v1  }
0x2fa: {  	v46 =	vld [tilespmem:$0x3ED0];
	v2 =	vadd.f32 v35, v2;
	v5 =	vadd.f32 v32, v5  }
0x2fb: {  	v48 =	vld [tilespmem:$0x3EF0];
	v0 =	vadd.f32 v38, v0;
	v1 =	vadd.f32 v33, v1  }
0x2fc: {  	v54 =	vld [tilespmem:$0x3F50];
	v2 =	vadd.f32 v39, v2;
	v5 =	vadd.f32 v36, v5  }
0x2fd: {  	v55 =	vld [tilespmem:$0x3F60];
	v0 =	vadd.f32 v42, v0;
	v1 =	vadd.f32 v37, v1  }
0x2fe: {  	v49 =	vld [tilespmem:$0x3F00];
	v2 =	vadd.f32 v43, v2;
	v5 =	vadd.f32 v40, v5  }
0x2ff: {  	v52 =	vld [tilespmem:$0x3F30];
	v0 =	vadd.f32 v46, v0;
	v1 =	vadd.f32 v41, v1  }
0x300: {  	v53 =	vld [tilespmem:$0x3F40];
	v2 =	vadd.f32 v47, v2;
	v5 =	vadd.f32 v44, v5  }
0x301: {  	v56 =	vld [tilespmem:$0x3F70];
	v0 =	vadd.f32 v50, v0;
	v1 =	vadd.f32 v45, v1  }
0x302: {  	v2 =	vadd.f32 v51, v2;
	v5 =	vadd.f32 v48, v5  }
0x303: {  	v0 =	vadd.f32 v54, v0;
	v1 =	vadd.f32 v49, v1  }
0x304: {  	v2 =	vadd.f32 v55, v2;
	v57 =	vadd.f32 v52, v5  }
0x305: {  	[tilespmem:s17+$0x10] =	vst v0;
	v1 =	vadd.f32 v53, v1  }
0x306: {  	[tilespmem:s17+$0x20] =	vst v2;
	v58 =	vadd.f32 v56, v57  }
0x307: {  	[tilespmem:s17+$0x0] =	vst v1  }
0x308: {  	[tilespmem:s17+$0x30] =	vst v58  }
0x309: {  	v56 =	vld [tilespmem:$0x4370];
	_ =	sdelay $0x4  }
0x30a: {  	[tilespmem:$0x1FD80] =	vst v56;
	v56 =	vld [tilespmem:$0x4390];
	_ =	sdelay $0x4  }
0x30b: {  	[tilespmem:$0x1FD90] =	vst v56;
	v56 =	vld [tilespmem:$0x43A0];
	_ =	sdelay $0x1  }
0x30c: {  	v3 =	vld [tilespmem:$0x3F80]  }
0x30d: {  	v4 =	vld [tilespmem:$0x3F90]  }
0x30e: {  	v5 =	vld [tilespmem:$0x3FA0]  }
0x30f: {  	[tilespmem:$0x1FDA0] =	vst v56;
	v56 =	vld [tilespmem:$0x43B0]  }
0x310: {  	v16 =	vld [tilespmem:$0x3FB0]  }
0x311: {  	v17 =	vld [tilespmem:$0x3FC0]  }
0x312: {  	v20 =	vld [tilespmem:$0x3FD0]  }
0x313: {  	v21 =	vld [tilespmem:$0x3FE0]  }
0x314: {  	[tilespmem:$0x1FDC0] =	vst v56;
	v56 =	vld [tilespmem:$0x43C0]  }
0x315: {  	v32 =	vld [tilespmem:$0x3FF0]  }
0x316: {  	v33 =	vld [tilespmem:$0x4000]  }
0x317: {  	v36 =	vld [tilespmem:$0x4010]  }
0x318: {  	v37 =	vld [tilespmem:$0x4020]  }
0x319: {  	[tilespmem:$0x1FDB0] =	vst v56;
	v56 =	vld [tilespmem:$0x43D0]  }
0x31a: {  	v48 =	vld [tilespmem:$0x4030]  }
0x31b: {  	v49 =	vld [tilespmem:$0x4040]  }
0x31c: {  	v52 =	vld [tilespmem:$0x4050]  }
0x31d: {  	v53 =	vld [tilespmem:$0x4060]  }
0x31e: {  	[tilespmem:$0x1FDD0] =	vst v56;
	v56 =	vld [tilespmem:$0x43E0]  }
0x31f: {  	v62 =	vld [tilespmem:$0x4070]  }
0x320: {  	v63 =	vld [tilespmem:$0x4080]  }
0x321: {  	v0 =	vld [tilespmem:$0x4090]  }
0x322: {  	v2 =	vld [tilespmem:$0x40A0]  }
0x323: {  	[tilespmem:$0x1FDE0] =	vst v56;
	v56 =	vld [tilespmem:$0x43F0]  }
0x324: {  	v9 =	vld [tilespmem:$0x40B0]  }
0x325: {  	v1 =	vld [tilespmem:$0x40C0]  }
0x326: {  	v6 =	vld [tilespmem:$0x40D0]  }
0x327: {  	v8 =	vld [tilespmem:$0x40E0]  }
0x328: {  	[tilespmem:$0x1FE00] =	vst v56;
	v56 =	vld [tilespmem:$0x4400]  }
0x329: {  	v13 =	vld [tilespmem:$0x40F0]  }
0x32a: {  	v7 =	vld [tilespmem:$0x4100]  }
0x32b: {  	v10 =	vld [tilespmem:$0x4110]  }
0x32c: {  	v12 =	vld [tilespmem:$0x4120]  }
0x32d: {  	[tilespmem:$0x1FDF0] =	vst v56;
	v56 =	vld [tilespmem:$0x4410]  }
0x32e: {  	v19 =	vld [tilespmem:$0x4130]  }
0x32f: {  	v11 =	vld [tilespmem:$0x4140]  }
0x330: {  	v14 =	vld [tilespmem:$0x4150]  }
0x331: {  	v18 =	vld [tilespmem:$0x4160]  }
0x332: {  	[tilespmem:$0x1FE10] =	vst v56;
	v56 =	vld [tilespmem:$0x4420]  }
0x333: {  	v25 =	vld [tilespmem:$0x4170]  }
0x334: {  	v15 =	vld [tilespmem:$0x4180]  }
0x335: {  	v22 =	vld [tilespmem:$0x4190]  }
0x336: {  	v24 =	vld [tilespmem:$0x41A0]  }
0x337: {  	[tilespmem:$0x1FE20] =	vst v56;
	v56 =	vld [tilespmem:$0x4430]  }
0x338: {  	v29 =	vld [tilespmem:$0x41B0]  }
0x339: {  	v23 =	vld [tilespmem:$0x41C0]  }
0x33a: {  	v26 =	vld [tilespmem:$0x41D0]  }
0x33b: {  	v28 =	vld [tilespmem:$0x41E0]  }
0x33c: {  	[tilespmem:$0x1FE40] =	vst v56;
	v56 =	vld [tilespmem:$0x4440]  }
0x33d: {  	v35 =	vld [tilespmem:$0x41F0]  }
0x33e: {  	v27 =	vld [tilespmem:$0x4200]  }
0x33f: {  	v30 =	vld [tilespmem:$0x4210]  }
0x340: {  	v34 =	vld [tilespmem:$0x4220]  }
0x341: {  	[tilespmem:$0x1FE30] =	vst v56;
	v56 =	vld [tilespmem:$0x4450]  }
0x342: {  	v41 =	vld [tilespmem:$0x4230]  }
0x343: {  	v31 =	vld [tilespmem:$0x4240]  }
0x344: {  	v38 =	vld [tilespmem:$0x4250]  }
0x345: {  	v40 =	vld [tilespmem:$0x4260]  }
0x346: {  	[tilespmem:$0x1FE50] =	vst v56;
	v56 =	vld [tilespmem:$0x4460]  }
0x347: {  	v45 =	vld [tilespmem:$0x4270]  }
0x348: {  	v39 =	vld [tilespmem:$0x4280]  }
0x349: {  	v42 =	vld [tilespmem:$0x4290]  }
0x34a: {  	v44 =	vld [tilespmem:$0x42A0]  }
0x34b: {  	[tilespmem:$0x1FE60] =	vst v56;
	v56 =	vld [tilespmem:$0x4470]  }
0x34c: {  	v51 =	vld [tilespmem:$0x42B0]  }
0x34d: {  	v43 =	vld [tilespmem:$0x42C0]  }
0x34e: {  	v46 =	vld [tilespmem:$0x42D0]  }
0x34f: {  	v50 =	vld [tilespmem:$0x42E0]  }
0x350: {  	[tilespmem:$0x1FE80] =	vst v56;
	v56 =	vld [tilespmem:$0x4480]  }
0x351: {  	v60 =	vld [tilespmem:$0x42F0]  }
0x352: {  	v47 =	vld [tilespmem:$0x4300]  }
0x353: {  	v54 =	vld [tilespmem:$0x4310]  }
0x354: {  	v61 =	vld [tilespmem:$0x4320]  }
0x355: {  	[tilespmem:$0x1FE70] =	vst v56;
	v56 =	vld [tilespmem:$0x4490]  }
0x356: {  	v59 =	vld [tilespmem:$0x4330]  }
0x357: {  	v55 =	vld [tilespmem:$0x4340]  }
0x358: {  	v58 =	vld [tilespmem:$0x4350]  }
0x359: {  	v57 =	vld [tilespmem:$0x4360]  }
0x35a: {  	[tilespmem:$0x1FE90] =	vst v56;
	v56 =	vld [tilespmem:$0x44A0]  }
0x35b: {  	[tilespmem:$0x1FD70] =	vst v59;
	v59 =	vld [tilespmem:$0x4380]  }
0x35c: {  	v17 =	vadd.f32 v17, v3;
	v3 =	vld [tilespmem:$0x4610]  }
0x35d: {  	v20 =	vadd.f32 v20, v4;
	v4 =	vld [tilespmem:$0x4620]  }
0x35e: {  	v21 =	vadd.f32 v21, v5;
	v5 =	vld [tilespmem:$0x4630]  }
0x35f: {  	v17 =	vadd.f32 v33, v17;
	[tilespmem:$0x1FEA0] =	vst v56;
	v56 =	vld [tilespmem:$0x44B0]  }
0x360: {  	v32 =	vadd.f32 v32, v16;
	v16 =	vld [tilespmem:$0x4640];
	v20 =	vadd.f32 v36, v20  }
0x361: {  	v21 =	vadd.f32 v37, v21;
	v33 =	vadd.f32 v49, v17;
	v17 =	vld [tilespmem:$0x4650]  }
0x362: {  	v36 =	vadd.f32 v52, v20;
	v20 =	vld [tilespmem:$0x4660]  }
0x363: {  	v32 =	vadd.f32 v48, v32;
	v37 =	vadd.f32 v53, v21;
	v21 =	vld [tilespmem:$0x4670]  }
0x364: {  	[tilespmem:$0x1FEC0] =	vst v56;
	v56 =	vld [tilespmem:$0x44C0]  }
0x365: {  	v48 =	vadd.f32 v62, v32;
	v32 =	vld [tilespmem:$0x4680]  }
0x366: {  	v49 =	vld [tilespmem:$0x46D0]  }
0x367: {  	v52 =	vld [tilespmem:$0x46E0]  }
0x368: {  	v0 =	vadd.f32 v0, v36;
	v36 =	vld [tilespmem:$0x46A0]  }
0x369: {  	[tilespmem:$0x1FEB0] =	vst v56;
	v56 =	vld [tilespmem:$0x44D0]  }
0x36a: {  	v33 =	vadd.f32 v63, v33;
	v2 =	vadd.f32 v2, v37;
	v37 =	vld [tilespmem:$0x46B0]  }
0x36b: {  	v9 =	vadd.f32 v9, v48;
	v48 =	vld [tilespmem:$0x46C0]  }
0x36c: {  	v1 =	vadd.f32 v1, v33;
	v33 =	vld [tilespmem:$0x4690]  }
0x36d: {  	v2 =	vadd.f32 v8, v2;
	v8 =	vld [tilespmem:$0x4710]  }
0x36e: {  	[tilespmem:$0x1FED0] =	vst v56;
	v56 =	vld [tilespmem:$0x44E0]  }
0x36f: {  	v53 =	vadd.f32 v13, v9;
	v9 =	vld [tilespmem:$0x4720]  }
0x370: {  	v13 =	vld [tilespmem:$0x4760]  }
0x371: {  	v0 =	vadd.f32 v6, v0;
	v6 =	vadd.f32 v19, v53;
	v53 =	vld [tilespmem:$0x46F0]  }
0x372: {  	v1 =	vadd.f32 v7, v1;
	v7 =	vld [tilespmem:$0x4700]  }
0x373: {  	[tilespmem:$0x1FEE0] =	vst v56;
	v56 =	vld [tilespmem:$0x44F0]  }
0x374: {  	v0 =	vadd.f32 v10, v0;
	v10 =	vld [tilespmem:$0x4730]  }
0x375: {  	v2 =	vadd.f32 v12, v2;
	v12 =	vld [tilespmem:$0x4750]  }
0x376: {  	v19 =	vld [tilespmem:$0x47A0]  }
0x377: {  	v1 =	vadd.f32 v11, v1;
	v11 =	vld [tilespmem:$0x4740]  }
0x378: {  	[tilespmem:$0x1FF00] =	vst v56;
	v56 =	vld [tilespmem:$0x4500]  }
0x379: {  	v0 =	vadd.f32 v14, v0;
	v14 =	vld [tilespmem:$0x4770]  }
0x37a: {  	v2 =	vadd.f32 v18, v2;
	v18 =	vld [tilespmem:$0x4790]  }
0x37b: {  	v6 =	vadd.f32 v25, v6;
	v25 =	vld [tilespmem:$0x47E0]  }
0x37c: {  	v1 =	vadd.f32 v15, v1;
	v15 =	vld [tilespmem:$0x4780]  }
0x37d: {  	[tilespmem:$0x1FEF0] =	vst v56;
	v56 =	vld [tilespmem:$0x4510]  }
0x37e: {  	v0 =	vadd.f32 v22, v0;
	v22 =	vld [tilespmem:$0x47B0]  }
0x37f: {  	v2 =	vadd.f32 v24, v2;
	v24 =	vld [tilespmem:$0x47D0]  }
0x380: {  	v6 =	vadd.f32 v29, v6;
	v29 =	vld [tilespmem:$0x4820]  }
0x381: {  	v1 =	vadd.f32 v23, v1;
	v2 =	vadd.f32 v28, v2;
	v23 =	vld [tilespmem:$0x47C0]  }
0x382: {  	v0 =	vadd.f32 v26, v0;
	v6 =	vadd.f32 v35, v6;
	[tilespmem:$0x1FF10] =	vst v56;
	v56 =	vld [tilespmem:$0x4520]  }
0x383: {  	v26 =	vld [tilespmem:$0x47F0];
	v1 =	vadd.f32 v27, v1;
	v2 =	vadd.f32 v34, v2  }
0x384: {  	v28 =	vld [tilespmem:$0x4810];
	v0 =	vadd.f32 v30, v0;
	v6 =	vadd.f32 v41, v6  }
0x385: {  	v62 =	vld [tilespmem:$0x1FDC0];
	v1 =	vadd.f32 v31, v1;
	v2 =	vadd.f32 v40, v2  }
0x386: {  	v27 =	vld [tilespmem:$0x4800];
	v0 =	vadd.f32 v38, v0;
	v6 =	vadd.f32 v45, v6  }
0x387: {  	v1 =	vadd.f32 v39, v1;
	v2 =	vadd.f32 v44, v2;
	[tilespmem:$0x1FF20] =	vst v56;
	v56 =	vld [tilespmem:$0x4530]  }
0x388: {  	v30 =	vld [tilespmem:$0x4830];
	v0 =	vadd.f32 v42, v0;
	v6 =	vadd.f32 v51, v6  }
0x389: {  	v31 =	vld [tilespmem:$0x4840];
	v1 =	vadd.f32 v43, v1;
	v2 =	vadd.f32 v50, v2  }
0x38a: {  	v0 =	vadd.f32 v46, v0;
	v6 =	vadd.f32 v60, v6;
	v60 =	vld [tilespmem:$0x1FDA0]  }
0x38b: {  	v1 =	vadd.f32 v47, v1;
	v2 =	vadd.f32 v61, v2;
	v61 =	vld [tilespmem:$0x1FDB0]  }
0x38c: {  	[tilespmem:$0x1FF40] =	vst v56;
	v56 =	vld [tilespmem:$0x4540]  }
0x38d: {  	v0 =	vadd.f32 v54, v0;
	v1 =	vadd.f32 v55, v1;
	v55 =	vld [tilespmem:$0x1FD70]  }
0x38e: {  	v63 =	vld [tilespmem:$0x1FDD0]  }
0x38f: {  	v0 =	vadd.f32 v58, v0;
	v58 =	vld [tilespmem:$0x1FD80]  }
0x390: {  	v34 =	vld [tilespmem:$0x1FDE0]  }
0x391: {  	v2 =	vadd.f32 v57, v2;
	[tilespmem:$0x1FF30] =	vst v56;
	v56 =	vld [tilespmem:$0x4550]  }
0x392: {  	v1 =	vadd.f32 v59, v1;
	v59 =	vld [tilespmem:$0x1FD90];
	v6 =	vadd.f32 v55, v6  }
0x393: {  	v2 =	vadd.f32 v60, v2;
	v38 =	vld [tilespmem:$0x1FE00]  }
0x394: {  	v6 =	vadd.f32 v58, v6;
	v35 =	vld [tilespmem:$0x1FDF0]  }
0x395: {  	v2 =	vadd.f32 v34, v2;
	v34 =	vld [tilespmem:$0x4850]  }
0x396: {  	v6 =	vadd.f32 v62, v6;
	[tilespmem:$0x1FF50] =	vst v56;
	v56 =	vld [tilespmem:$0x4560]  }
0x397: {  	v1 =	vadd.f32 v61, v1;
	v39 =	vld [tilespmem:$0x1FE10]  }
0x398: {  	v0 =	vadd.f32 v59, v0;
	v6 =	vadd.f32 v38, v6;
	v38 =	vld [tilespmem:$0x4870]  }
0x399: {  	v1 =	vadd.f32 v35, v1;
	v35 =	vld [tilespmem:$0x4860]  }
0x39a: {  	v0 =	vadd.f32 v63, v0;
	v40 =	vld [tilespmem:$0x1FE20]  }
0x39b: {  	[tilespmem:$0x1FF60] =	vst v56;
	v56 =	vld [tilespmem:$0x4570]  }
0x39c: {  	v0 =	vadd.f32 v39, v0;
	v39 =	vld [tilespmem:$0x4880]  }
0x39d: {  	v42 =	vld [tilespmem:$0x1FE40]  }
0x39e: {  	v41 =	vld [tilespmem:$0x1FE30]  }
0x39f: {  	v2 =	vadd.f32 v40, v2;
	v40 =	vld [tilespmem:$0x4890]  }
0x3a0: {  	[tilespmem:$0x1FF80] =	vst v56;
	v56 =	vld [tilespmem:$0x4580]  }
0x3a1: {  	v43 =	vld [tilespmem:$0x1FE50]  }
0x3a2: {  	v6 =	vadd.f32 v42, v6;
	v42 =	vld [tilespmem:$0x48B0]  }
0x3a3: {  	v1 =	vadd.f32 v41, v1;
	v41 =	vld [tilespmem:$0x48A0]  }
0x3a4: {  	v44 =	vld [tilespmem:$0x1FE60]  }
0x3a5: {  	[tilespmem:$0x1FF70] =	vst v56;
	v56 =	vld [tilespmem:$0x4590]  }
0x3a6: {  	v0 =	vadd.f32 v43, v0;
	v43 =	vld [tilespmem:$0x48C0]  }
0x3a7: {  	v46 =	vld [tilespmem:$0x1FE80]  }
0x3a8: {  	v45 =	vld [tilespmem:$0x1FE70]  }
0x3a9: {  	v2 =	vadd.f32 v44, v2;
	v44 =	vld [tilespmem:$0x48D0]  }
0x3aa: {  	[tilespmem:$0x1FF90] =	vst v56;
	v56 =	vld [tilespmem:$0x45A0]  }
0x3ab: {  	v47 =	vld [tilespmem:$0x1FE90]  }
0x3ac: {  	v6 =	vadd.f32 v46, v6;
	v46 =	vld [tilespmem:$0x48F0]  }
0x3ad: {  	v1 =	vadd.f32 v45, v1;
	v45 =	vld [tilespmem:$0x48E0]  }
0x3ae: {  	v50 =	vld [tilespmem:$0x1FEA0]  }
0x3af: {  	[tilespmem:$0x1FFA0] =	vst v56;
	v56 =	vld [tilespmem:$0x45B0]  }
0x3b0: {  	v0 =	vadd.f32 v47, v0;
	v47 =	vld [tilespmem:$0x4900]  }
0x3b1: {  	v54 =	vld [tilespmem:$0x1FEC0]  }
0x3b2: {  	v51 =	vld [tilespmem:$0x1FEB0]  }
0x3b3: {  	v55 =	vld [tilespmem:$0x1FED0]  }
0x3b4: {  	[tilespmem:$0x1FFC0] =	vst v56;
	v56 =	vld [tilespmem:$0x45C0]  }
0x3b5: {  	v57 =	vld [tilespmem:$0x1FEE0]  }
0x3b6: {  	v59 =	vld [tilespmem:$0x1FF00]  }
0x3b7: {  	v58 =	vld [tilespmem:$0x1FEF0]  }
0x3b8: {  	v60 =	vld [tilespmem:$0x1FF10]  }
0x3b9: {  	[tilespmem:$0x1FFB0] =	vst v56;
	v56 =	vld [tilespmem:$0x45D0]  }
0x3ba: {  	v61 =	vld [tilespmem:$0x1FF20]  }
0x3bb: {  	v63 =	vld [tilespmem:$0x1FF40]  }
0x3bc: {  	v62 =	vld [tilespmem:$0x1FF30]  }
0x3bd: {  	v2 =	vadd.f32 v50, v2;
	v50 =	vld [tilespmem:$0x1FF50]  }
0x3be: {  	[tilespmem:$0x1FFD0] =	vst v56;
	v56 =	vld [tilespmem:$0x45E0]  }
0x3bf: {  	v1 =	vadd.f32 v51, v1;
	v51 =	vld [tilespmem:$0x1FF60]  }
0x3c0: {  	v0 =	vadd.f32 v55, v0;
	v55 =	vld [tilespmem:$0x1FF80]  }
0x3c1: {  	v6 =	vadd.f32 v54, v6;
	v54 =	vld [tilespmem:$0x1FF70]  }
0x3c2: {  	v2 =	vadd.f32 v57, v2;
	v57 =	vld [tilespmem:$0x1FF90]  }
0x3c3: {  	[tilespmem:$0x1FFE0] =	vst v56;
	v56 =	vld [tilespmem:$0x45F0]  }
0x3c4: {  	v1 =	vadd.f32 v58, v1;
	v58 =	vld [tilespmem:$0x1FFA0]  }
0x3c5: {  	v0 =	vadd.f32 v60, v0;
	v60 =	vld [tilespmem:$0x1FFC0]  }
0x3c6: {  	v6 =	vadd.f32 v59, v6;
	v2 =	vadd.f32 v61, v2;
	v61 =	vld [tilespmem:$0x1FFD0]  }
0x3c7: {  	v1 =	vadd.f32 v62, v1;
	v0 =	vadd.f32 v50, v0;
	v62 =	vld [tilespmem:$0x1FFE0]  }
0x3c8: {  	v6 =	vadd.f32 v63, v6;
	v2 =	vadd.f32 v51, v2;
	v59 =	vld [tilespmem:$0x1FFB0];
	[tilespmem:$0x1FFF0] =	vst v56  }
0x3c9: {  	v0 =	vadd.f32 v57, v0;
	v63 =	vld [tilespmem:$0x1FFF0]  }
0x3ca: {  	v6 =	vadd.f32 v55, v6;
	v2 =	vadd.f32 v58, v2;
	v56 =	vld [tilespmem:$0x4600]  }
0x3cb: {  	v50 =	vld [tilespmem:$0x4910];
	v1 =	vadd.f32 v54, v1;
	v0 =	vadd.f32 v61, v0  }
0x3cc: {  	v51 =	vld [tilespmem:$0x4920];
	v6 =	vadd.f32 v60, v6;
	v2 =	vadd.f32 v62, v2  }
0x3cd: {  	v55 =	vld [tilespmem:$0x49B0];
	v1 =	vadd.f32 v59, v1;
	v0 =	vadd.f32 v3, v0  }
0x3ce: {  	v54 =	vld [tilespmem:$0x4930];
	v2 =	vadd.f32 v4, v2;
	v6 =	vadd.f32 v63, v6  }
0x3cf: {  	v57 =	vld [tilespmem:$0x49D0];
	v0 =	vadd.f32 v17, v0;
	v1 =	vadd.f32 v56, v1  }
0x3d0: {  	v58 =	vld [tilespmem:$0x49E0];
	v2 =	vadd.f32 v20, v2;
	v5 =	vadd.f32 v5, v6  }
0x3d1: {  	v60 =	vld [tilespmem:$0x4A00];
	v0 =	vadd.f32 v33, v0;
	v1 =	vadd.f32 v16, v1  }
0x3d2: {  	v59 =	vld [tilespmem:$0x49F0];
	v2 =	vadd.f32 v36, v2;
	v5 =	vadd.f32 v21, v5  }
0x3d3: {  	v61 =	vld [tilespmem:$0x4A10];
	v0 =	vadd.f32 v49, v0;
	v1 =	vadd.f32 v32, v1  }
0x3d4: {  	v3 =	vld [tilespmem:$0x4940];
	v2 =	vadd.f32 v52, v2;
	v5 =	vadd.f32 v37, v5  }
0x3d5: {  	v17 =	vld [tilespmem:$0x4980];
	v0 =	vadd.f32 v8, v0;
	v1 =	vadd.f32 v48, v1  }
0x3d6: {  	v62 =	vld [tilespmem:$0x4A20];
	v2 =	vadd.f32 v9, v2;
	v5 =	vadd.f32 v53, v5  }
0x3d7: {  	v33 =	vld [tilespmem:$0x4A50];
	v0 =	vadd.f32 v12, v0;
	v1 =	vadd.f32 v7, v1  }
0x3d8: {  	v4 =	vld [tilespmem:$0x4950];
	v2 =	vadd.f32 v13, v2;
	v5 =	vadd.f32 v10, v5  }
0x3d9: {  	v49 =	vld [tilespmem:$0x49A0];
	v0 =	vadd.f32 v18, v0;
	v1 =	vadd.f32 v11, v1  }
0x3da: {  	v56 =	vld [tilespmem:$0x49C0];
	v2 =	vadd.f32 v19, v2;
	v5 =	vadd.f32 v14, v5  }
0x3db: {  	v63 =	vld [tilespmem:$0x4A30];
	v0 =	vadd.f32 v24, v0;
	v1 =	vadd.f32 v15, v1  }
0x3dc: {  	v16 =	vld [tilespmem:$0x4970];
	v2 =	vadd.f32 v25, v2;
	v5 =	vadd.f32 v22, v5  }
0x3dd: {  	v36 =	vld [tilespmem:$0x4A60];
	v0 =	vadd.f32 v28, v0;
	v1 =	vadd.f32 v23, v1  }
0x3de: {  	v6 =	vld [tilespmem:$0x4960];
	v2 =	vadd.f32 v29, v2;
	v5 =	vadd.f32 v26, v5  }
0x3df: {  	v32 =	vld [tilespmem:$0x4A40];
	v0 =	vadd.f32 v34, v0;
	v1 =	vadd.f32 v27, v1  }
0x3e0: {  	v52 =	vld [tilespmem:$0x4B60];
	v2 =	vadd.f32 v35, v2;
	v5 =	vadd.f32 v30, v5  }
0x3e1: {  	v48 =	vld [tilespmem:$0x4990];
	v0 =	vadd.f32 v40, v0;
	v1 =	vadd.f32 v31, v1  }
0x3e2: {  	v37 =	vld [tilespmem:$0x4A70];
	v2 =	vadd.f32 v41, v2;
	v5 =	vadd.f32 v38, v5  }
0x3e3: {  	v53 =	vld [tilespmem:$0x4B70];
	v0 =	vadd.f32 v44, v0;
	v1 =	vadd.f32 v39, v1  }
0x3e4: {  	v40 =	vld [tilespmem:$0x4AA0];
	v2 =	vadd.f32 v45, v2;
	v5 =	vadd.f32 v42, v5  }
0x3e5: {  	v44 =	vld [tilespmem:$0x4AE0];
	v0 =	vadd.f32 v50, v0;
	v1 =	vadd.f32 v43, v1  }
0x3e6: {  	v50 =	vld [tilespmem:$0x4B40];
	v2 =	vadd.f32 v51, v2;
	v5 =	vadd.f32 v46, v5  }
0x3e7: {  	v41 =	vld [tilespmem:$0x4AB0];
	v0 =	vadd.f32 v4, v0;
	v1 =	vadd.f32 v47, v1  }
0x3e8: {  	v39 =	vld [tilespmem:$0x4A90];
	v2 =	vadd.f32 v6, v2;
	v5 =	vadd.f32 v54, v5  }
0x3e9: {  	v45 =	vld [tilespmem:$0x4AF0];
	v0 =	vadd.f32 v48, v0;
	v1 =	vadd.f32 v3, v1  }
0x3ea: {  	v38 =	vld [tilespmem:$0x4A80];
	v2 =	vadd.f32 v49, v2;
	v5 =	vadd.f32 v16, v5  }
0x3eb: {  	v48 =	vld [tilespmem:$0x4B20];
	v0 =	vadd.f32 v57, v0;
	v1 =	vadd.f32 v17, v1  }
0x3ec: {  	v43 =	vld [tilespmem:$0x4AD0];
	v2 =	vadd.f32 v58, v2;
	v5 =	vadd.f32 v55, v5  }
0x3ed: {  	v51 =	vld [tilespmem:$0x4B50];
	v0 =	vadd.f32 v61, v0;
	v1 =	vadd.f32 v56, v1  }
0x3ee: {  	v42 =	vld [tilespmem:$0x4AC0];
	v2 =	vadd.f32 v62, v2;
	v5 =	vadd.f32 v59, v5  }
0x3ef: {  	v57 =	vld [tilespmem:$0x4BB0];
	v0 =	vadd.f32 v33, v0;
	v1 =	vadd.f32 v60, v1  }
0x3f0: {  	v47 =	vld [tilespmem:$0x4B10];
	v2 =	vadd.f32 v36, v2;
	v5 =	vadd.f32 v63, v5  }
0x3f1: {  	v46 =	vld [tilespmem:$0x4B00];
	v0 =	vadd.f32 v39, v0;
	v1 =	vadd.f32 v32, v1  }
0x3f2: {  	v49 =	vld [tilespmem:$0x4B30];
	v2 =	vadd.f32 v40, v2;
	v5 =	vadd.f32 v37, v5  }
0x3f3: {  	v54 =	vld [tilespmem:$0x4B80];
	v0 =	vadd.f32 v43, v0;
	v1 =	vadd.f32 v38, v1  }
0x3f4: {  	v55 =	vld [tilespmem:$0x4B90];
	v2 =	vadd.f32 v44, v2;
	v5 =	vadd.f32 v41, v5  }
0x3f5: {  	v56 =	vld [tilespmem:$0x4BA0];
	v0 =	vadd.f32 v47, v0;
	v1 =	vadd.f32 v42, v1  }
0x3f6: {  	v59 =	vld [tilespmem:$0x4BD0];
	v2 =	vadd.f32 v48, v2;
	v5 =	vadd.f32 v45, v5  }
0x3f7: {  	v60 =	vld [tilespmem:$0x4BE0];
	v0 =	vadd.f32 v51, v0;
	v1 =	vadd.f32 v46, v1  }
0x3f8: {  	v58 =	vld [tilespmem:$0x4BC0];
	v2 =	vadd.f32 v52, v2;
	v5 =	vadd.f32 v49, v5  }
0x3f9: {  	v61 =	vld [tilespmem:$0x4BF0];
	v0 =	vadd.f32 v55, v0;
	v1 =	vadd.f32 v50, v1  }
0x3fa: {  	v2 =	vadd.f32 v56, v2;
	v5 =	vadd.f32 v53, v5  }
0x3fb: {  	v0 =	vadd.f32 v59, v0;
	v1 =	vadd.f32 v54, v1  }
.Ltmp2:
0x3fc: {  	v2 =	vadd.f32 v60, v2;
	v62 =	vadd.f32 v57, v5;
	(pc) =	sbr.rel @p0 .LBB2_4-.Ltmp2, $4  }
0x3fd: {  	[tilespmem:s17+$0x50] =	vst v0;
	v1 =	vadd.f32 v58, v1  }
0x3fe: {  	[tilespmem:s17+$0x60] =	vst v2;
	v63 =	vadd.f32 v61, v62  }
0x3ff: {  	[tilespmem:s17+$0x40] =	vst v1  }
0x400: {  	[tilespmem:s17+$0x70] =	vst v63  }
.Ltmp3:
0x401: {  	(pc) =	sbr.rel .LBB2_2-.Ltmp3, $4  }
0x402: {  	_ = 	snop  }
0x403: {  	s18 =	sshra.s32 s16, $0x2  }
0x404: {  	s16 =	sadd.s32 $0x340, s16;
	s17 =	sadd.s32 $0x100, s17;
	s18 =	sadd.s32 $0x1A68, s18  }
0x405: {  	[tilespmem:s11], [sflag:$0x2] =	stream.indirect.gather [hbm4b:s3+s8], $0x40, s18, s8, $0xb8;
	[tilespmem:$0x6C00] =	vst v63  }
.LBB2_5:
0x406: {  	_ =	sfence.sel $0x180000  }
0x407: {  	[bflag:$0x0] =	sbarrier.arrive $0xFFFF  }
0x408: {  	p0 =	sne.s32 s0, $0x0;
	_ =	strace $0x90000047  }
0x409: {  	s0 =	sadd.s32 @!p0 $0x100000, s1;
	[bflag:$0x2] =	sbarrier.arrive $0xFFFF  }
0x40a: {  	[sflag:s0] =	ssyncadd.tile.s32 @!p0 $0x1;
	_ =	shalt  }
.Lfunc_end2:
_tile_overlayer_lowered:
.L_overlay_start_2:
0x40b: {  	(tag) =	ssettag $0x2  }
0x40c: {  	s0 =	rddreg [dreg:$0x0];
	s2 =	stileid.u32  }
0x40d: {  	s1 =	rddreg [dreg:$0x1];
	p0 =	sne.s32 s2, $0x0  }
0x40e: {  	s3 =	rddreg [dreg:$0x2];
	[bflag:$0x3] =	sbarrier.arrive $0xFFFF;
	s2 =	simm.s32 @!p0 $0x1C03  }
0x40f: {  	[timem:s3], [sflag:s2] =	dma.local @!p0 [hbm:s0], s1  }
0x410: {  	s0 =	simm.s32 @!p0 $0x3  }
0x411: {  	_ =	swait.ge @!p0 [sflag:s0], s1  }
0x412: {  	s1 =	ssub.s32 @!p0 $0x0, s1;
	[sflag:s0] =	ssyncset.done @!p0 $0x0  }
0x413: {  	[sflag:s0] =	ssyncadd.s32 @!p0 s1  }
0x414: {  	[bflag:$0x3] =	sbarrier.arrive $0xFFFF  }
0x415: {  	_ =	shalt  }

</sc_bundles>
